<compile_context>
chip_gen: v7x
topology: tpu7x:2x2x1
jax: 0.10.2.dev20260603
libtpu: 0.0.44.dev20260713+nightly
codegen_flags: <defaults>
</compile_context>

<pallas_src>
import functools

import jax
import jax.numpy as jnp
from jax import lax
from jax.experimental import pallas as pl
from jax.experimental.pallas import tpu as pltpu
from jax.experimental.pallas import tpu_sc as plsc

N = 10000
E = 160000
D = 100
NUM_REL = 16
NB = 4

DP = 128
CNT_COL = 100
NW = 32
EPW = 5120
EP = NW * EPW
CHUNK = 256
NCHUNK = EPW // CHUNK
NP = 10240
ROWS_PER_TILE = NP // 16
ZROWS = 16


def _y_body(x_ref, bf_ref, att_ref, y_ref):
    xb = jnp.dot(x_ref[...], bf_ref[...], preferred_element_type=jnp.float32)
    for r in range(NUM_REL):
        acc = att_ref[r, 0] * xb[:, 0:DP]
        for b in range(1, NB):
            acc = acc + att_ref[r, b] * xb[:, b * DP:(b + 1) * DP]
        y_ref[:, r * DP:(r + 1) * DP] = acc


def _y_matmul(xp, basisflat, att, blk=1000):
    grid = N // blk
    return pl.pallas_call(
        _y_body,
        grid=(grid,),
        in_specs=[
            pl.BlockSpec((blk, DP), lambda i: (i, 0)),
            pl.BlockSpec((DP, NB * DP), lambda i: (0, 0)),
            pl.BlockSpec(memory_space=pltpu.SMEM),
        ],
        out_specs=pl.BlockSpec((blk, NUM_REL * DP), lambda i: (i, 0)),
        out_shape=jax.ShapeDtypeStruct((N, NUM_REL * DP), jnp.float32),
    )(xp, basisflat, att)


def _epi_body(a0_ref, a1_ref, x_ref, root_ref, bias_ref, o_ref, *, relu):
    s = a0_ref[...] + a1_ref[...]
    lanes = lax.broadcasted_iota(jnp.int32, s.shape, 1)
    cnt = jnp.sum(jnp.where(lanes == CNT_COL, s, 0.0), axis=1, keepdims=True)
    denom = jnp.maximum(cnt, 1.0)
    msg = jnp.where(lanes < D, s, 0.0) / denom
    out = msg + jnp.dot(x_ref[...], root_ref[...],
                        preferred_element_type=jnp.float32) + bias_ref[...]
    if relu:
        out = jnp.maximum(out, 0.0)
    o_ref[...] = out


def _epilogue(a0, a1, xp, root_p, bias_p, relu, blk=1000):
    grid = N // blk
    return pl.pallas_call(
        functools.partial(_epi_body, relu=relu),
        grid=(grid,),
        in_specs=[
            pl.BlockSpec((blk, DP), lambda i: (i, 0)),
            pl.BlockSpec((blk, DP), lambda i: (i, 0)),
            pl.BlockSpec((blk, DP), lambda i: (i, 0)),
            pl.BlockSpec((DP, DP), lambda i: (0, 0)),
            pl.BlockSpec((1, DP), lambda i: (0, 0)),
        ],
        out_specs=pl.BlockSpec((blk, DP), lambda i: (i, 0)),
        out_shape=jax.ShapeDtypeStruct((N, DP), jnp.float32),
    )(a0, a1, xp, root_p, bias_p)


def _sc_body(y_hbm, gidx_hbm, dst_hbm, nsp_hbm, out_hbm,
             gidx_v, dst_v, nsp_v, rows_v, acc_sh, sem, dsem):
    cid = lax.axis_index("c")
    sid = lax.axis_index("s")
    wid = sid * 2 + cid

    pltpu.sync_copy(gidx_hbm.at[wid], gidx_v)

    zero = jnp.zeros((16,), jnp.float32)
    for q in range(ZROWS):
        for p in range(DP // 16):
            rows_v[q, pl.ds(p * 16, 16)] = zero

    def _zero_step(z, carry):
        pltpu.sync_copy(
            rows_v.at[pl.ds(0, ZROWS)],
            acc_sh.at[pl.ds(sid * ROWS_PER_TILE + z * ZROWS, ZROWS)])
        return carry
    lax.fori_loop(0, ROWS_PER_TILE // ZROWS, _zero_step, 0)
    plsc.subcore_barrier()

    onehot = jnp.where(lax.iota(jnp.int32, 16) == (CNT_COL % 16), 1.0, 0.0)
    cnt_p = CNT_COL // 16

    def _chunk(c, carry):
        desc = pltpu.async_copy(y_hbm.at[gidx_v.at[pl.ds(c * CHUNK, CHUNK)]], rows_v, sem)
        ddesc = pltpu.async_copy(dst_hbm.at[wid, c], dst_v, dsem)
        pltpu.sync_copy(nsp_hbm.at[wid, pl.ds(c * (CHUNK // 8), CHUNK // 8)],
                        nsp_v)
        desc.wait()

        def _grp(g, carry2):
            for k in range(8):
                j = g * 8 + k
                nv = nsp_v[g, pl.ds(k * 16, 16)]
                for p in range(DP // 16):
                    r = rows_v[j, pl.ds(p * 16, 16)] * nv
                    if p == cnt_p:
                        r = r + onehot
                    rows_v[j, pl.ds(p * 16, 16)] = r
            return carry2
        lax.fori_loop(0, CHUNK // 8, _grp, 0)
        ddesc.wait()
        pltpu.sync_copy(rows_v, acc_sh.at[dst_v], add=True)
        return carry
    lax.fori_loop(0, NCHUNK, _chunk, 0)
    plsc.subcore_barrier()

    pltpu.sync_copy(acc_sh.at[pl.ds(sid * ROWS_PER_TILE, ROWS_PER_TILE)],
                    out_hbm.at[cid, pl.ds(sid * ROWS_PER_TILE, ROWS_PER_TILE)])


def _sc_scatter(y, gidx, dst, nsp):
    mesh = plsc.VectorSubcoreMesh(core_axis_name="c", subcore_axis_name="s")
    f = pl.kernel(
        _sc_body,
        out_type=jax.ShapeDtypeStruct((2, NP, DP), jnp.float32),
        mesh=mesh,
        scratch_types=[
            pltpu.VMEM((EPW,), jnp.int32),
            pltpu.VMEM((CHUNK,), jnp.int32),
            pltpu.VMEM((CHUNK // 8, DP), jnp.float32),
            pltpu.VMEM((CHUNK, DP), jnp.float32),
            pltpu.VMEM_SHARED((NP, DP), jnp.float32),
            pltpu.SemaphoreType.DMA,
            pltpu.SemaphoreType.DMA,
        ],
    )
    return f(y.reshape(N * NUM_REL, DP), gidx, dst, nsp)


def _layer(xp, gidx, dst, nsp, basisflat, att, root_p, bias_p, relu):
    y = _y_matmul(xp, basisflat, att)
    acc = _sc_scatter(y, gidx, dst, nsp)
    return _epilogue(acc[0], acc[1], xp, root_p, bias_p, relu)


def kernel(entity, edge_index, edge_attr, edge_type, edge_norm,
           basis1, att1, root1, bias1, We1, be1,
           basis2, att2, root2, bias2, We2, be2):
    del edge_attr, We1, be1, We2, be2

    src = edge_index[0]
    dst = edge_index[1]
    et = edge_type[:, 0]
    pad = EP - E
    gidx = jnp.pad((src * NUM_REL + et).astype(jnp.int32), (0, pad))
    gidx = gidx.reshape(NW, EPW)
    dst_r = jnp.pad(dst.astype(jnp.int32), (0, pad), constant_values=N)
    dst_r = dst_r.reshape(NW, NCHUNK, CHUNK)
    nsp = jnp.pad(edge_norm, (0, pad))
    nsp = jnp.broadcast_to(nsp[:, None], (EP, 16)).reshape(NW, EPW // 8, DP)

    xp = jnp.pad(entity, ((0, 0), (0, DP - D)))

    def prep(basis, root, bias):
        bf = jnp.pad(jnp.transpose(basis, (1, 0, 2)),
                     ((0, DP - D), (0, 0), (0, DP - D))).reshape(DP, NB * DP)
        rp = jnp.pad(root, ((0, DP - D), (0, DP - D)))
        bp = jnp.pad(bias, (0, DP - D)).reshape(1, DP)
        return bf, rp, bp

    bf1, rp1, bp1 = prep(basis1, root1, bias1)
    bf2, rp2, bp2 = prep(basis2, root2, bias2)

    h = _layer(xp, gidx, dst_r, nsp, bf1, att1, rp1, bp1, relu=True)
    out = _layer(h, gidx, dst_r, nsp, bf2, att2, rp2, bp2, relu=False)
    return out[:, :D]

# --- scband reference (transcript-rebuilt; emitter-appended) ---
"""Pipeline reference for scband-rgcn-39384850104534 (READ-ONLY COPY).

The authoritative reference and input builder live on the scoring server;
editing this copy changes nothing except your own understanding.
"""

import jax, jax.numpy as jnp
import numpy as np

N = 10000
E = 160000
D = 100
NUM_REL = 16  # num_relations * 2 as in the original model
NB = 4


def _make_params(key):
    bound = 1.0 / np.sqrt(NB * D)
    ks = jax.random.split(key, 12)
    def u(k, shape):
        return jax.random.uniform(k, shape, dtype=jnp.float32, minval=-bound, maxval=bound)
    return {
        'basis1': u(ks[0], (NB, D, D)), 'att1': u(ks[1], (NUM_REL, NB)), 'root1': u(ks[2], (D, D)), 'bias1': u(ks[3], (D,)), 'We1': u(ks[4], (4, D)), 'be1': u(ks[5], (D,)),
        'basis2': u(ks[6], (NB, D, D)), 'att2': u(ks[7], (NUM_REL, NB)), 'root2': u(ks[8], (D, D)), 'bias2': u(ks[9], (D,)), 'We2': u(ks[10], (4, D)), 'be2': u(ks[11], (D,)),
    }


def setup_inputs(seed: int = 0) -> dict:
    key = jax.random.key(seed)
    k1, k2, k3, k4, k5, kp = jax.random.split(key, 6)
    inp = {
        'entity': jax.random.normal(k1, (N, D), dtype=jnp.float32),
        'edge_index': jax.random.randint(k2, (2, E), 0, N, dtype=jnp.int32),
        'edge_attr': jax.random.normal(k3, (E, 4), dtype=jnp.float32),
        'edge_type': jax.random.randint(k4, (E, 1), 0, NUM_REL, dtype=jnp.int32),
        'edge_norm': jax.random.uniform(k5, (E,), dtype=jnp.float32),
    }
    inp.update(_make_params(kp))
    return inp


def _rgcn_conv(x, edge_index, edge_attr, edge_type, edge_norm, basis, att, root, bias, We, be):
    # edge encoder is invoked in the original forward, but its output is never consumed by message()
    _edge_emb = edge_attr @ We + be
    src = edge_index[0]
    dst = edge_index[1]
    x_j = jnp.take(x, src, axis=0)                # [E, D] gather of source node features
    et = edge_type[:, 0]                          # squeeze(edge_type, 1)
    a = jnp.take(att, et, axis=0)                 # [E, NB] per-edge basis coefficients
    # w[r] = sum_b att[r, b] * basis[b]; msg_e = x_j[e] @ w[edge_type[e]]
    # computed as sum_b a[e, b] * (x_j[e] @ basis[b]) -- mathematically identical to the bmm
    xb = jnp.einsum('ed,bdo->ebo', x_j, basis)    # [E, NB, D]
    msg = jnp.einsum('eb,ebo->eo', a, xb)         # [E, D]
    msg = msg * edge_norm[:, None]
    num = jax.ops.segment_sum(msg, dst, num_segments=x.shape[0])
    cnt = jax.ops.segment_sum(jnp.ones((msg.shape[0],), dtype=msg.dtype), dst, num_segments=x.shape[0])
    aggr = num / jnp.maximum(cnt, 1.0)[:, None]   # aggr='mean' (zero for isolated nodes)
    out = aggr + x @ root + bias                  # update(): root weight + bias
    return out


def reference(entity, edge_index, edge_attr, edge_type, edge_norm,
              basis1, att1, root1, bias1, We1, be1,
              basis2, att2, root2, bias2, We2, be2):
    h = _rgcn_conv(entity, edge_index, edge_attr, edge_type, edge_norm, basis1, att1, root1, bias1, We1, be1)
    h = jax.nn.relu(h)
    # dropout is identity in eval mode
    out = _rgcn_conv(h, edge_index, edge_attr, edge_type, edge_norm, basis2, att2, root2, bias2, We2, be2)
    return out

if __name__ == "__main__":
    import jax
    _d = setup_inputs()
    print(jax.jit(kernel)(*tuple(_d.values())))

</pallas_src>

<mosaic_0001>
#map = affine_map<(d0, d1) -> (0, 0)>
#map1 = affine_map<(d0, d1) -> (0, 0, 0)>
module attributes {stable_mosaic.version = 14 : i64} {
  func.func @_sc_body(%arg0: i32, %arg1: i32, %arg2: memref<160000x128xf32, #tpu.memory_space<hbm>>, %arg3: memref<32x5120xi32, #tpu.memory_space<hbm>>, %arg4: memref<32x20x256xi32, #tpu.memory_space<hbm>>, %arg5: memref<32x640x128xf32, #tpu.memory_space<hbm>>, %arg6: memref<2x10240x128xf32, #tpu.memory_space<hbm>>, %arg7: memref<5120xi32, #tpu.memory_space<vmem>>, %arg8: memref<256xi32, #tpu.memory_space<vmem>>, %arg9: memref<32x128xf32, #tpu.memory_space<vmem>>, %arg10: memref<256x128xf32, #tpu.memory_space<vmem>>, %arg11: memref<10240x128xf32, #tpu.memory_space<vmem_shared>>, %arg12: memref<!tpu.dma_semaphore, #tpu.memory_space<semaphore_mem>>, %arg13: memref<!tpu.dma_semaphore, #tpu.memory_space<semaphore_mem>>) attributes {dimension_semantics = [#tpu.dimension_semantics<core_parallel>, #tpu.dimension_semantics<subcore_parallel>], iteration_bounds = array<i64: 2, 16>, scalar_prefetch = 0 : i64, scratch_operands = 7 : i64, tpu.core_type = #tpu.core_type<sc_vector_subcore>, window_params = [{transform_indices = #map}, {transform_indices = #map}, {transform_indices = #map1}, {transform_indices = #map1}, {transform_indices = #map1}]} {
    %mul3A = arith.constant 2 : i32
    %mul3A_0 = arith.muli %arg1, %mul3A : i32
    %add3A = arith.addi %mul3A_0, %arg0 : i32
    "tpu.region"() ({
      %run_scoped3A = tpu.sem_alloc : memref<!tpu.dma_semaphore, #tpu.memory_space<semaphore_mem>>
      %dma_start3A = arith.constant 0 : i32
      %dma_start3A_790 = tpu.memref_slice %arg3[%add3A, %dma_start3A] : memref<32x5120xi32, #tpu.memory_space<hbm>> -> memref<1x5120xi32, #tpu.memory_space<hbm>>
      %dma_start3A_791 = tpu.memref_squeeze %dma_start3A_790 : memref<1x5120xi32, #tpu.memory_space<hbm>> -> memref<5120xi32, #tpu.memory_space<hbm>>
      %dma_start3A_792 = arith.constant 0 : i32
      %dma_start3A_793 = tpu.memref_slice %arg3[%add3A, %dma_start3A_792] : memref<32x5120xi32, #tpu.memory_space<hbm>> -> memref<1x5120xi32, #tpu.memory_space<hbm>>
      %dma_start3A_794 = tpu.memref_squeeze %dma_start3A_793 : memref<1x5120xi32, #tpu.memory_space<hbm>> -> memref<5120xi32, #tpu.memory_space<hbm>>
      tpu.enqueue_dma source(%dma_start3A_794 : memref<5120xi32, #tpu.memory_space<hbm>>) target(%arg7 : memref<5120xi32, #tpu.memory_space<vmem>>) target_semaphore(%run_scoped3A : memref<!tpu.dma_semaphore, #tpu.memory_space<semaphore_mem>>)
      %dma_wait3A = arith.constant 0 : i32
      %dma_wait3A_795 = tpu.memref_slice %arg3[%add3A, %dma_wait3A] : memref<32x5120xi32, #tpu.memory_space<hbm>> -> memref<1x5120xi32, #tpu.memory_space<hbm>>
      %dma_wait3A_796 = tpu.memref_squeeze %dma_wait3A_795 : memref<1x5120xi32, #tpu.memory_space<hbm>> -> memref<5120xi32, #tpu.memory_space<hbm>>
      %dma_wait3A_797 = arith.constant 0 : i32
      %dma_wait3A_798 = tpu.memref_slice %arg3[%add3A, %dma_wait3A_797] : memref<32x5120xi32, #tpu.memory_space<hbm>> -> memref<1x5120xi32, #tpu.memory_space<hbm>>
      %dma_wait3A_799 = tpu.memref_squeeze %dma_wait3A_798 : memref<1x5120xi32, #tpu.memory_space<hbm>> -> memref<5120xi32, #tpu.memory_space<hbm>>
      tpu.wait_dma2 semaphore(%run_scoped3A : memref<!tpu.dma_semaphore, #tpu.memory_space<semaphore_mem>>) src(%dma_wait3A_799 : memref<5120xi32, #tpu.memory_space<hbm>>) dst(%arg7 : memref<5120xi32, #tpu.memory_space<vmem>>)
      tpu.yield
    }) : () -> ()
    %broadcast_in_dim3A = arith.constant 0.000000e+00 : f32
    %broadcast_in_dim3A_1 = vector.broadcast %broadcast_in_dim3A : f32 to vector<16xf32>
    %swap3A = arith.constant 0 : i32
    %swap3A_2 = arith.index_cast %swap3A : i32 to index
    %swap3A_3 = arith.constant 0 : index
    %swap3A_4 = tpu.vector_load %arg10[%swap3A_2, %swap3A_3] {strides = array<i32>} : memref<256x128xf32, #tpu.memory_space<vmem>>, vector<1x16xf32>,
    %swap3A_5 = vector.shape_cast %swap3A_4 : vector<1x16xf32> to vector<16xf32>
    %swap3A_6 = vector.shape_cast %broadcast_in_dim3A_1 : vector<16xf32> to vector<1x16xf32>
    tpu.vector_store %arg10[%swap3A_2, %swap3A_3], %swap3A_6 {strides = array<i32>} : memref<256x128xf32, #tpu.memory_space<vmem>>, vector<1x16xf32>,
    %swap3A_7 = arith.constant 0 : i32
    %swap3A_8 = arith.index_cast %swap3A_7 : i32 to index
    %swap3A_9 = arith.constant 16 : index
    %swap3A_10 = tpu.vector_load %arg10[%swap3A_8, %swap3A_9] {strides = array<i32>} : memref<256x128xf32, #tpu.memory_space<vmem>>, vector<1x16xf32>,
    %swap3A_11 = vector.shape_cast %swap3A_10 : vector<1x16xf32> to vector<16xf32>
    %swap3A_12 = vector.shape_cast %broadcast_in_dim3A_1 : vector<16xf32> to vector<1x16xf32>
    tpu.vector_store %arg10[%swap3A_8, %swap3A_9], %swap3A_12 {strides = array<i32>} : memref<256x128xf32, #tpu.memory_space<vmem>>, vector<1x16xf32>,
    %swap3A_13 = arith.constant 0 : i32
    %swap3A_14 = arith.index_cast %swap3A_13 : i32 to index
    %swap3A_15 = arith.constant 32 : index
    %swap3A_16 = tpu.vector_load %arg10[%swap3A_14, %swap3A_15] {strides = array<i32>} : memref<256x128xf32, #tpu.memory_space<vmem>>, vector<1x16xf32>,
    %swap3A_17 = vector.shape_cast %swap3A_16 : vector<1x16xf32> to vector<16xf32>
    %swap3A_18 = vector.shape_cast %broadcast_in_dim3A_1 : vector<16xf32> to vector<1x16xf32>
    tpu.vector_store %arg10[%swap3A_14, %swap3A_15], %swap3A_18 {strides = array<i32>} : memref<256x128xf32, #tpu.memory_space<vmem>>, vector<1x16xf32>,
    %swap3A_19 = arith.constant 0 : i32
    %swap3A_20 = arith.index_cast %swap3A_19 : i32 to index
    %swap3A_21 = arith.constant 48 : index
    %swap3A_22 = tpu.vector_load %arg10[%swap3A_20, %swap3A_21] {strides = array<i32>} : memref<256x128xf32, #tpu.memory_space<vmem>>, vector<1x16xf32>,
    %swap3A_23 = vector.shape_cast %swap3A_22 : vector<1x16xf32> to vector<16xf32>
    %swap3A_24 = vector.shape_cast %broadcast_in_dim3A_1 : vector<16xf32> to vector<1x16xf32>
    tpu.vector_store %arg10[%swap3A_20, %swap3A_21], %swap3A_24 {strides = array<i32>} : memref<256x128xf32, #tpu.memory_space<vmem>>, vector<1x16xf32>,
    %swap3A_25 = arith.constant 0 : i32
    %swap3A_26 = arith.index_cast %swap3A_25 : i32 to index
    %swap3A_27 = arith.constant 64 : index
    %swap3A_28 = tpu.vector_load %arg10[%swap3A_26, %swap3A_27] {strides = array<i32>} : memref<256x128xf32, #tpu.memory_space<vmem>>, vector<1x16xf32>,
    %swap3A_29 = vector.shape_cast %swap3A_28 : vector<1x16xf32> to vector<16xf32>
    %swap3A_30 = vector.shape_cast %broadcast_in_dim3A_1 : vector<16xf32> to vector<1x16xf32>
    tpu.vector_store %arg10[%swap3A_26, %swap3A_27], %swap3A_30 {strides = array<i32>} : memref<256x128xf32, #tpu.memory_space<vmem>>, vector<1x16xf32>,
    %swap3A_31 = arith.constant 0 : i32
    %swap3A_32 = arith.index_cast %swap3A_31 : i32 to index
    %swap3A_33 = arith.constant 80 : index
    %swap3A_34 = tpu.vector_load %arg10[%swap3A_32, %swap3A_33] {strides = array<i32>} : memref<256x128xf32, #tpu.memory_space<vmem>>, vector<1x16xf32>,
    %swap3A_35 = vector.shape_cast %swap3A_34 : vector<1x16xf32> to vector<16xf32>
    %swap3A_36 = vector.shape_cast %broadcast_in_dim3A_1 : vector<16xf32> to vector<1x16xf32>
    tpu.vector_store %arg10[%swap3A_32, %swap3A_33], %swap3A_36 {strides = array<i32>} : memref<256x128xf32, #tpu.memory_space<vmem>>, vector<1x16xf32>,
    %swap3A_37 = arith.constant 0 : i32
    %swap3A_38 = arith.index_cast %swap3A_37 : i32 to index
    %swap3A_39 = arith.constant 96 : index
    %swap3A_40 = tpu.vector_load %arg10[%swap3A_38, %swap3A_39] {strides = array<i32>} : memref<256x128xf32, #tpu.memory_space<vmem>>, vector<1x16xf32>,
    %swap3A_41 = vector.shape_cast %swap3A_40 : vector<1x16xf32> to vector<16xf32>
    %swap3A_42 = vector.shape_cast %broadcast_in_dim3A_1 : vector<16xf32> to vector<1x16xf32>
    tpu.vector_store %arg10[%swap3A_38, %swap3A_39], %swap3A_42 {strides = array<i32>} : memref<256x128xf32, #tpu.memory_space<vmem>>, vector<1x16xf32>,
    %swap3A_43 = arith.constant 0 : i32
    %swap3A_44 = arith.index_cast %swap3A_43 : i32 to index
    %swap3A_45 = arith.constant 112 : index
    %swap3A_46 = tpu.vector_load %arg10[%swap3A_44, %swap3A_45] {strides = array<i32>} : memref<256x128xf32, #tpu.memory_space<vmem>>, vector<1x16xf32>,
    %swap3A_47 = vector.shape_cast %swap3A_46 : vector<1x16xf32> to vector<16xf32>
    %swap3A_48 = vector.shape_cast %broadcast_in_dim3A_1 : vector<16xf32> to vector<1x16xf32>
    tpu.vector_store %arg10[%swap3A_44, %swap3A_45], %swap3A_48 {strides = array<i32>} : memref<256x128xf32, #tpu.memory_space<vmem>>, vector<1x16xf32>,
    %swap3A_49 = arith.constant 1 : i32
    %swap3A_50 = arith.index_cast %swap3A_49 : i32 to index
    %swap3A_51 = arith.constant 0 : index
    %swap3A_52 = tpu.vector_load %arg10[%swap3A_50, %swap3A_51] {strides = array<i32>} : memref<256x128xf32, #tpu.memory_space<vmem>>, vector<1x16xf32>,
    %swap3A_53 = vector.shape_cast %swap3A_52 : vector<1x16xf32> to vector<16xf32>
    %swap3A_54 = vector.shape_cast %broadcast_in_dim3A_1 : vector<16xf32> to vector<1x16xf32>
    tpu.vector_store %arg10[%swap3A_50, %swap3A_51], %swap3A_54 {strides = array<i32>} : memref<256x128xf32, #tpu.memory_space<vmem>>, vector<1x16xf32>,
    %swap3A_55 = arith.constant 1 : i32
    %swap3A_56 = arith.index_cast %swap3A_55 : i32 to index
    %swap3A_57 = arith.constant 16 : index
    %swap3A_58 = tpu.vector_load %arg10[%swap3A_56, %swap3A_57] {strides = array<i32>} : memref<256x128xf32, #tpu.memory_space<vmem>>, vector<1x16xf32>,
    %swap3A_59 = vector.shape_cast %swap3A_58 : vector<1x16xf32> to vector<16xf32>
    %swap3A_60 = vector.shape_cast %broadcast_in_dim3A_1 : vector<16xf32> to vector<1x16xf32>
    tpu.vector_store %arg10[%swap3A_56, %swap3A_57], %swap3A_60 {strides = array<i32>} : memref<256x128xf32, #tpu.memory_space<vmem>>, vector<1x16xf32>,
    %swap3A_61 = arith.constant 1 : i32
    %swap3A_62 = arith.index_cast %swap3A_61 : i32 to index
    %swap3A_63 = arith.constant 32 : index
    %swap3A_64 = tpu.vector_load %arg10[%swap3A_62, %swap3A_63] {strides = array<i32>} : memref<256x128xf32, #tpu.memory_space<vmem>>, vector<1x16xf32>,
    %swap3A_65 = vector.shape_cast %swap3A_64 : vector<1x16xf32> to vector<16xf32>
    %swap3A_66 = vector.shape_cast %broadcast_in_dim3A_1 : vector<16xf32> to vector<1x16xf32>
    tpu.vector_store %arg10[%swap3A_62, %swap3A_63], %swap3A_66 {strides = array<i32>} : memref<256x128xf32, #tpu.memory_space<vmem>>, vector<1x16xf32>,
    %swap3A_67 = arith.constant 1 : i32
    %swap3A_68 = arith.index_cast %swap3A_67 : i32 to index
    %swap3A_69 = arith.constant 48 : index
    %swap3A_70 = tpu.vector_load %arg10[%swap3A_68, %swap3A_69] {strides = array<i32>} : memref<256x128xf32, #tpu.memory_space<vmem>>, vector<1x16xf32>,
    %swap3A_71 = vector.shape_cast %swap3A_70 : vector<1x16xf32> to vector<16xf32>
    %swap3A_72 = vector.shape_cast %broadcast_in_dim3A_1 : vector<16xf32> to vector<1x16xf32>
    tpu.vector_store %arg10[%swap3A_68, %swap3A_69], %swap3A_72 {strides = array<i32>} : memref<256x128xf32, #tpu.memory_space<vmem>>, vector<1x16xf32>,
    %swap3A_73 = arith.constant 1 : i32
    %swap3A_74 = arith.index_cast %swap3A_73 : i32 to index
    %swap3A_75 = arith.constant 64 : index
    %swap3A_76 = tpu.vector_load %arg10[%swap3A_74, %swap3A_75] {strides = array<i32>} : memref<256x128xf32, #tpu.memory_space<vmem>>, vector<1x16xf32>,
    %swap3A_77 = vector.shape_cast %swap3A_76 : vector<1x16xf32> to vector<16xf32>
    %swap3A_78 = vector.shape_cast %broadcast_in_dim3A_1 : vector<16xf32> to vector<1x16xf32>
    tpu.vector_store %arg10[%swap3A_74, %swap3A_75], %swap3A_78 {strides = array<i32>} : memref<256x128xf32, #tpu.memory_space<vmem>>, vector<1x16xf32>,
    %swap3A_79 = arith.constant 1 : i32
    %swap3A_80 = arith.index_cast %swap3A_79 : i32 to index
    %swap3A_81 = arith.constant 80 : index
    %swap3A_82 = tpu.vector_load %arg10[%swap3A_80, %swap3A_81] {strides = array<i32>} : memref<256x128xf32, #tpu.memory_space<vmem>>, vector<1x16xf32>,
    %swap3A_83 = vector.shape_cast %swap3A_82 : vector<1x16xf32> to vector<16xf32>
    %swap3A_84 = vector.shape_cast %broadcast_in_dim3A_1 : vector<16xf32> to vector<1x16xf32>
    tpu.vector_store %arg10[%swap3A_80, %swap3A_81], %swap3A_84 {strides = array<i32>} : memref<256x128xf32, #tpu.memory_space<vmem>>, vector<1x16xf32>,
    %swap3A_85 = arith.constant 1 : i32
    %swap3A_86 = arith.index_cast %swap3A_85 : i32 to index
    %swap3A_87 = arith.constant 96 : index
    %swap3A_88 = tpu.vector_load %arg10[%swap3A_86, %swap3A_87] {strides = array<i32>} : memref<256x128xf32, #tpu.memory_space<vmem>>, vector<1x16xf32>,
    %swap3A_89 = vector.shape_cast %swap3A_88 : vector<1x16xf32> to vector<16xf32>
    %swap3A_90 = vector.shape_cast %broadcast_in_dim3A_1 : vector<16xf32> to vector<1x16xf32>
    tpu.vector_store %arg10[%swap3A_86, %swap3A_87], %swap3A_90 {strides = array<i32>} : memref<256x128xf32, #tpu.memory_space<vmem>>, vector<1x16xf32>,
    %swap3A_91 = arith.constant 1 : i32
    %swap3A_92 = arith.index_cast %swap3A_91 : i32 to index
    %swap3A_93 = arith.constant 112 : index
    %swap3A_94 = tpu.vector_load %arg10[%swap3A_92, %swap3A_93] {strides = array<i32>} : memref<256x128xf32, #tpu.memory_space<vmem>>, vector<1x16xf32>,
    %swap3A_95 = vector.shape_cast %swap3A_94 : vector<1x16xf32> to vector<16xf32>
    %swap3A_96 = vector.shape_cast %broadcast_in_dim3A_1 : vector<16xf32> to vector<1x16xf32>
    tpu.vector_store %arg10[%swap3A_92, %swap3A_93], %swap3A_96 {strides = array<i32>} : memref<256x128xf32, #tpu.memory_space<vmem>>, vector<1x16xf32>,
    %swap3A_97 = arith.constant 2 : i32
    %swap3A_98 = arith.index_cast %swap3A_97 : i32 to index
    %swap3A_99 = arith.constant 0 : index
    %swap3A_100 = tpu.vector_load %arg10[%swap3A_98, %swap3A_99] {strides = array<i32>} : memref<256x128xf32, #tpu.memory_space<vmem>>, vector<1x16xf32>,
    %swap3A_101 = vector.shape_cast %swap3A_100 : vector<1x16xf32> to vector<16xf32>
    %swap3A_102 = vector.shape_cast %broadcast_in_dim3A_1 : vector<16xf32> to vector<1x16xf32>
    tpu.vector_store %arg10[%swap3A_98, %swap3A_99], %swap3A_102 {strides = array<i32>} : memref<256x128xf32, #tpu.memory_space<vmem>>, vector<1x16xf32>,
    %swap3A_103 = arith.constant 2 : i32
    %swap3A_104 = arith.index_cast %swap3A_103 : i32 to index
    %swap3A_105 = arith.constant 16 : index
    %swap3A_106 = tpu.vector_load %arg10[%swap3A_104, %swap3A_105] {strides = array<i32>} : memref<256x128xf32, #tpu.memory_space<vmem>>, vector<1x16xf32>,
    %swap3A_107 = vector.shape_cast %swap3A_106 : vector<1x16xf32> to vector<16xf32>
    %swap3A_108 = vector.shape_cast %broadcast_in_dim3A_1 : vector<16xf32> to vector<1x16xf32>
    tpu.vector_store %arg10[%swap3A_104, %swap3A_105], %swap3A_108 {strides = array<i32>} : memref<256x128xf32, #tpu.memory_space<vmem>>, vector<1x16xf32>,
    %swap3A_109 = arith.constant 2 : i32
    %swap3A_110 = arith.index_cast %swap3A_109 : i32 to index
    %swap3A_111 = arith.constant 32 : index
    %swap3A_112 = tpu.vector_load %arg10[%swap3A_110, %swap3A_111] {strides = array<i32>} : memref<256x128xf32, #tpu.memory_space<vmem>>, vector<1x16xf32>,
    %swap3A_113 = vector.shape_cast %swap3A_112 : vector<1x16xf32> to vector<16xf32>
    %swap3A_114 = vector.shape_cast %broadcast_in_dim3A_1 : vector<16xf32> to vector<1x16xf32>
    tpu.vector_store %arg10[%swap3A_110, %swap3A_111], %swap3A_114 {strides = array<i32>} : memref<256x128xf32, #tpu.memory_space<vmem>>, vector<1x16xf32>,
    %swap3A_115 = arith.constant 2 : i32
    %swap3A_116 = arith.index_cast %swap3A_115 : i32 to index
    %swap3A_117 = arith.constant 48 : index
    %swap3A_118 = tpu.vector_load %arg10[%swap3A_116, %swap3A_117] {strides = array<i32>} : memref<256x128xf32, #tpu.memory_space<vmem>>, vector<1x16xf32>,
    %swap3A_119 = vector.shape_cast %swap3A_118 : vector<1x16xf32> to vector<16xf32>
    %swap3A_120 = vector.shape_cast %broadcast_in_dim3A_1 : vector<16xf32> to vector<1x16xf32>
    tpu.vector_store %arg10[%swap3A_116, %swap3A_117], %swap3A_120 {strides = array<i32>} : memref<256x128xf32, #tpu.memory_space<vmem>>, vector<1x16xf32>,
    %swap3A_121 = arith.constant 2 : i32
    %swap3A_122 = arith.index_cast %swap3A_121 : i32 to index
    %swap3A_123 = arith.constant 64 : index
    %swap3A_124 = tpu.vector_load %arg10[%swap3A_122, %swap3A_123] {strides = array<i32>} : memref<256x128xf32, #tpu.memory_space<vmem>>, vector<1x16xf32>,
    %swap3A_125 = vector.shape_cast %swap3A_124 : vector<1x16xf32> to vector<16xf32>
    %swap3A_126 = vector.shape_cast %broadcast_in_dim3A_1 : vector<16xf32> to vector<1x16xf32>
    tpu.vector_store %arg10[%swap3A_122, %swap3A_123], %swap3A_126 {strides = array<i32>} : memref<256x128xf32, #tpu.memory_space<vmem>>, vector<1x16xf32>,
    %swap3A_127 = arith.constant 2 : i32
    %swap3A_128 = arith.index_cast %swap3A_127 : i32 to index
    %swap3A_129 = arith.constant 80 : index
    %swap3A_130 = tpu.vector_load %arg10[%swap3A_128, %swap3A_129] {strides = array<i32>} : memref<256x128xf32, #tpu.memory_space<vmem>>, vector<1x16xf32>,
    %swap3A_131 = vector.shape_cast %swap3A_130 : vector<1x16xf32> to vector<16xf32>
    %swap3A_132 = vector.shape_cast %broadcast_in_dim3A_1 : vector<16xf32> to vector<1x16xf32>
    tpu.vector_store %arg10[%swap3A_128, %swap3A_129], %swap3A_132 {strides = array<i32>} : memref<256x128xf32, #tpu.memory_space<vmem>>, vector<1x16xf32>,
    %swap3A_133 = arith.constant 2 : i32
    %swap3A_134 = arith.index_cast %swap3A_133 : i32 to index
    %swap3A_135 = arith.constant 96 : index
    %swap3A_136 = tpu.vector_load %arg10[%swap3A_134, %swap3A_135] {strides = array<i32>} : memref<256x128xf32, #tpu.memory_space<vmem>>, vector<1x16xf32>,
    %swap3A_137 = vector.shape_cast %swap3A_136 : vector<1x16xf32> to vector<16xf32>
    %swap3A_138 = vector.shape_cast %broadcast_in_dim3A_1 : vector<16xf32> to vector<1x16xf32>
    tpu.vector_store %arg10[%swap3A_134, %swap3A_135], %swap3A_138 {strides = array<i32>} : memref<256x128xf32, #tpu.memory_space<vmem>>, vector<1x16xf32>,
    %swap3A_139 = arith.constant 2 : i32
    %swap3A_140 = arith.index_cast %swap3A_139 : i32 to index
    %swap3A_141 = arith.constant 112 : index
    %swap3A_142 = tpu.vector_load %arg10[%swap3A_140, %swap3A_141] {strides = array<i32>} : memref<256x128xf32, #tpu.memory_space<vmem>>, vector<1x16xf32>,
    %swap3A_143 = vector.shape_cast %swap3A_142 : vector<1x16xf32> to vector<16xf32>
    %swap3A_144 = vector.shape_cast %broadcast_in_dim3A_1 : vector<16xf32> to vector<1x16xf32>
    tpu.vector_store %arg10[%swap3A_140, %swap3A_141], %swap3A_144 {strides = array<i32>} : memref<256x128xf32, #tpu.memory_space<vmem>>, vector<1x16xf32>,
    %swap3A_145 = arith.constant 3 : i32
    %swap3A_146 = arith.index_cast %swap3A_145 : i32 to index
    %swap3A_147 = arith.constant 0 : index
    %swap3A_148 = tpu.vector_load %arg10[%swap3A_146, %swap3A_147] {strides = array<i32>} : memref<256x128xf32, #tpu.memory_space<vmem>>, vector<1x16xf32>,
    %swap3A_149 = vector.shape_cast %swap3A_148 : vector<1x16xf32> to vector<16xf32>
    %swap3A_150 = vector.shape_cast %broadcast_in_dim3A_1 : vector<16xf32> to vector<1x16xf32>
    tpu.vector_store %arg10[%swap3A_146, %swap3A_147], %swap3A_150 {strides = array<i32>} : memref<256x128xf32, #tpu.memory_space<vmem>>, vector<1x16xf32>,
    %swap3A_151 = arith.constant 3 : i32
    %swap3A_152 = arith.index_cast %swap3A_151 : i32 to index
    %swap3A_153 = arith.constant 16 : index
    %swap3A_154 = tpu.vector_load %arg10[%swap3A_152, %swap3A_153] {strides = array<i32>} : memref<256x128xf32, #tpu.memory_space<vmem>>, vector<1x16xf32>,
    %swap3A_155 = vector.shape_cast %swap3A_154 : vector<1x16xf32> to vector<16xf32>
    %swap3A_156 = vector.shape_cast %broadcast_in_dim3A_1 : vector<16xf32> to vector<1x16xf32>
    tpu.vector_store %arg10[%swap3A_152, %swap3A_153], %swap3A_156 {strides = array<i32>} : memref<256x128xf32, #tpu.memory_space<vmem>>, vector<1x16xf32>,
    %swap3A_157 = arith.constant 3 : i32
    %swap3A_158 = arith.index_cast %swap3A_157 : i32 to index
    %swap3A_159 = arith.constant 32 : index
    %swap3A_160 = tpu.vector_load %arg10[%swap3A_158, %swap3A_159] {strides = array<i32>} : memref<256x128xf32, #tpu.memory_space<vmem>>, vector<1x16xf32>,
    %swap3A_161 = vector.shape_cast %swap3A_160 : vector<1x16xf32> to vector<16xf32>
    %swap3A_162 = vector.shape_cast %broadcast_in_dim3A_1 : vector<16xf32> to vector<1x16xf32>
    tpu.vector_store %arg10[%swap3A_158, %swap3A_159], %swap3A_162 {strides = array<i32>} : memref<256x128xf32, #tpu.memory_space<vmem>>, vector<1x16xf32>,
    %swap3A_163 = arith.constant 3 : i32
    %swap3A_164 = arith.index_cast %swap3A_163 : i32 to index
    %swap3A_165 = arith.constant 48 : index
    %swap3A_166 = tpu.vector_load %arg10[%swap3A_164, %swap3A_165] {strides = array<i32>} : memref<256x128xf32, #tpu.memory_space<vmem>>, vector<1x16xf32>,
    %swap3A_167 = vector.shape_cast %swap3A_166 : vector<1x16xf32> to vector<16xf32>
    %swap3A_168 = vector.shape_cast %broadcast_in_dim3A_1 : vector<16xf32> to vector<1x16xf32>
    tpu.vector_store %arg10[%swap3A_164, %swap3A_165], %swap3A_168 {strides = array<i32>} : memref<256x128xf32, #tpu.memory_space<vmem>>, vector<1x16xf32>,
    %swap3A_169 = arith.constant 3 : i32
    %swap3A_170 = arith.index_cast %swap3A_169 : i32 to index
    %swap3A_171 = arith.constant 64 : index
    %swap3A_172 = tpu.vector_load %arg10[%swap3A_170, %swap3A_171] {strides = array<i32>} : memref<256x128xf32, #tpu.memory_space<vmem>>, vector<1x16xf32>,
    %swap3A_173 = vector.shape_cast %swap3A_172 : vector<1x16xf32> to vector<16xf32>
    %swap3A_174 = vector.shape_cast %broadcast_in_dim3A_1 : vector<16xf32> to vector<1x16xf32>
    tpu.vector_store %arg10[%swap3A_170, %swap3A_171], %swap3A_174 {strides = array<i32>} : memref<256x128xf32, #tpu.memory_space<vmem>>, vector<1x16xf32>,
    %swap3A_175 = arith.constant 3 : i32
    %swap3A_176 = arith.index_cast %swap3A_175 : i32 to index
    %swap3A_177 = arith.constant 80 : index
    %swap3A_178 = tpu.vector_load %arg10[%swap3A_176, %swap3A_177] {strides = array<i32>} : memref<256x128xf32, #tpu.memory_space<vmem>>, vector<1x16xf32>,
    %swap3A_179 = vector.shape_cast %swap3A_178 : vector<1x16xf32> to vector<16xf32>
    %swap3A_180 = vector.shape_cast %broadcast_in_dim3A_1 : vector<16xf32> to vector<1x16xf32>
    tpu.vector_store %arg10[%swap3A_176, %swap3A_177], %swap3A_180 {strides = array<i32>} : memref<256x128xf32, #tpu.memory_space<vmem>>, vector<1x16xf32>,
    %swap3A_181 = arith.constant 3 : i32
    %swap3A_182 = arith.index_cast %swap3A_181 : i32 to index
    %swap3A_183 = arith.constant 96 : index
    %swap3A_184 = tpu.vector_load %arg10[%swap3A_182, %swap3A_183] {strides = array<i32>} : memref<256x128xf32, #tpu.memory_space<vmem>>, vector<1x16xf32>,
    %swap3A_185 = vector.shape_cast %swap3A_184 : vector<1x16xf32> to vector<16xf32>
    %swap3A_186 = vector.shape_cast %broadcast_in_dim3A_1 : vector<16xf32> to vector<1x16xf32>
    tpu.vector_store %arg10[%swap3A_182, %swap3A_183], %swap3A_186 {strides = array<i32>} : memref<256x128xf32, #tpu.memory_space<vmem>>, vector<1x16xf32>,
    %swap3A_187 = arith.constant 3 : i32
    %swap3A_188 = arith.index_cast %swap3A_187 : i32 to index
    %swap3A_189 = arith.constant 112 : index
    %swap3A_190 = tpu.vector_load %arg10[%swap3A_188, %swap3A_189] {strides = array<i32>} : memref<256x128xf32, #tpu.memory_space<vmem>>, vector<1x16xf32>,
    %swap3A_191 = vector.shape_cast %swap3A_190 : vector<1x16xf32> to vector<16xf32>
    %swap3A_192 = vector.shape_cast %broadcast_in_dim3A_1 : vector<16xf32> to vector<1x16xf32>
    tpu.vector_store %arg10[%swap3A_188, %swap3A_189], %swap3A_192 {strides = array<i32>} : memref<256x128xf32, #tpu.memory_space<vmem>>, vector<1x16xf32>,
    %swap3A_193 = arith.constant 4 : i32
    %swap3A_194 = arith.index_cast %swap3A_193 : i32 to index
    %swap3A_195 = arith.constant 0 : index
    %swap3A_196 = tpu.vector_load %arg10[%swap3A_194, %swap3A_195] {strides = array<i32>} : memref<256x128xf32, #tpu.memory_space<vmem>>, vector<1x16xf32>,
    %swap3A_197 = vector.shape_cast %swap3A_196 : vector<1x16xf32> to vector<16xf32>
    %swap3A_198 = vector.shape_cast %broadcast_in_dim3A_1 : vector<16xf32> to vector<1x16xf32>
    tpu.vector_store %arg10[%swap3A_194, %swap3A_195], %swap3A_198 {strides = array<i32>} : memref<256x128xf32, #tpu.memory_space<vmem>>, vector<1x16xf32>,
    %swap3A_199 = arith.constant 4 : i32
    %swap3A_200 = arith.index_cast %swap3A_199 : i32 to index
    %swap3A_201 = arith.constant 16 : index
    %swap3A_202 = tpu.vector_load %arg10[%swap3A_200, %swap3A_201] {strides = array<i32>} : memref<256x128xf32, #tpu.memory_space<vmem>>, vector<1x16xf32>,
    %swap3A_203 = vector.shape_cast %swap3A_202 : vector<1x16xf32> to vector<16xf32>
    %swap3A_204 = vector.shape_cast %broadcast_in_dim3A_1 : vector<16xf32> to vector<1x16xf32>
    tpu.vector_store %arg10[%swap3A_200, %swap3A_201], %swap3A_204 {strides = array<i32>} : memref<256x128xf32, #tpu.memory_space<vmem>>, vector<1x16xf32>,
    %swap3A_205 = arith.constant 4 : i32
    %swap3A_206 = arith.index_cast %swap3A_205 : i32 to index
    %swap3A_207 = arith.constant 32 : index
    %swap3A_208 = tpu.vector_load %arg10[%swap3A_206, %swap3A_207] {strides = array<i32>} : memref<256x128xf32, #tpu.memory_space<vmem>>, vector<1x16xf32>,
    %swap3A_209 = vector.shape_cast %swap3A_208 : vector<1x16xf32> to vector<16xf32>
    %swap3A_210 = vector.shape_cast %broadcast_in_dim3A_1 : vector<16xf32> to vector<1x16xf32>
    tpu.vector_store %arg10[%swap3A_206, %swap3A_207], %swap3A_210 {strides = array<i32>} : memref<256x128xf32, #tpu.memory_space<vmem>>, vector<1x16xf32>,
    %swap3A_211 = arith.constant 4 : i32
    %swap3A_212 = arith.index_cast %swap3A_211 : i32 to index
    %swap3A_213 = arith.constant 48 : index
    %swap3A_214 = tpu.vector_load %arg10[%swap3A_212, %swap3A_213] {strides = array<i32>} : memref<256x128xf32, #tpu.memory_space<vmem>>, vector<1x16xf32>,
    %swap3A_215 = vector.shape_cast %swap3A_214 : vector<1x16xf32> to vector<16xf32>
    %swap3A_216 = vector.shape_cast %broadcast_in_dim3A_1 : vector<16xf32> to vector<1x16xf32>
    tpu.vector_store %arg10[%swap3A_212, %swap3A_213], %swap3A_216 {strides = array<i32>} : memref<256x128xf32, #tpu.memory_space<vmem>>, vector<1x16xf32>,
    %swap3A_217 = arith.constant 4 : i32
    %swap3A_218 = arith.index_cast %swap3A_217 : i32 to index
    %swap3A_219 = arith.constant 64 : index
    %swap3A_220 = tpu.vector_load %arg10[%swap3A_218, %swap3A_219] {strides = array<i32>} : memref<256x128xf32, #tpu.memory_space<vmem>>, vector<1x16xf32>,
    %swap3A_221 = vector.shape_cast %swap3A_220 : vector<1x16xf32> to vector<16xf32>
    %swap3A_222 = vector.shape_cast %broadcast_in_dim3A_1 : vector<16xf32> to vector<1x16xf32>
    tpu.vector_store %arg10[%swap3A_218, %swap3A_219], %swap3A_222 {strides = array<i32>} : memref<256x128xf32, #tpu.memory_space<vmem>>, vector<1x16xf32>,
    %swap3A_223 = arith.constant 4 : i32
    %swap3A_224 = arith.index_cast %swap3A_223 : i32 to index
    %swap3A_225 = arith.constant 80 : index
    %swap3A_226 = tpu.vector_load %arg10[%swap3A_224, %swap3A_225] {strides = array<i32>} : memref<256x128xf32, #tpu.memory_space<vmem>>, vector<1x16xf32>,
    %swap3A_227 = vector.shape_cast %swap3A_226 : vector<1x16xf32> to vector<16xf32>
    %swap3A_228 = vector.shape_cast %broadcast_in_dim3A_1 : vector<16xf32> to vector<1x16xf32>
    tpu.vector_store %arg10[%swap3A_224, %swap3A_225], %swap3A_228 {strides = array<i32>} : memref<256x128xf32, #tpu.memory_space<vmem>>, vector<1x16xf32>,
    %swap3A_229 = arith.constant 4 : i32
    %swap3A_230 = arith.index_cast %swap3A_229 : i32 to index
    %swap3A_231 = arith.constant 96 : index
    %swap3A_232 = tpu.vector_load %arg10[%swap3A_230, %swap3A_231] {strides = array<i32>} : memref<256x128xf32, #tpu.memory_space<vmem>>, vector<1x16xf32>,
    %swap3A_233 = vector.shape_cast %swap3A_232 : vector<1x16xf32> to vector<16xf32>
    %swap3A_234 = vector.shape_cast %broadcast_in_dim3A_1 : vector<16xf32> to vector<1x16xf32>
    tpu.vector_store %arg10[%swap3A_230, %swap3A_231], %swap3A_234 {strides = array<i32>} : memref<256x128xf32, #tpu.memory_space<vmem>>, vector<1x16xf32>,
    %swap3A_235 = arith.constant 4 : i32
    %swap3A_236 = arith.index_cast %swap3A_235 : i32 to index
    %swap3A_237 = arith.constant 112 : index
    %swap3A_238 = tpu.vector_load %arg10[%swap3A_236, %swap3A_237] {strides = array<i32>} : memref<256x128xf32, #tpu.memory_space<vmem>>, vector<1x16xf32>,
    %swap3A_239 = vector.shape_cast %swap3A_238 : vector<1x16xf32> to vector<16xf32>
    %swap3A_240 = vector.shape_cast %broadcast_in_dim3A_1 : vector<16xf32> to vector<1x16xf32>
    tpu.vector_store %arg10[%swap3A_236, %swap3A_237], %swap3A_240 {strides = array<i32>} : memref<256x128xf32, #tpu.memory_space<vmem>>, vector<1x16xf32>,
    %swap3A_241 = arith.constant 5 : i32
    %swap3A_242 = arith.index_cast %swap3A_241 : i32 to index
    %swap3A_243 = arith.constant 0 : index
    %swap3A_244 = tpu.vector_load %arg10[%swap3A_242, %swap3A_243] {strides = array<i32>} : memref<256x128xf32, #tpu.memory_space<vmem>>, vector<1x16xf32>,
    %swap3A_245 = vector.shape_cast %swap3A_244 : vector<1x16xf32> to vector<16xf32>
    %swap3A_246 = vector.shape_cast %broadcast_in_dim3A_1 : vector<16xf32> to vector<1x16xf32>
    tpu.vector_store %arg10[%swap3A_242, %swap3A_243], %swap3A_246 {strides = array<i32>} : memref<256x128xf32, #tpu.memory_space<vmem>>, vector<1x16xf32>,
    %swap3A_247 = arith.constant 5 : i32
    %swap3A_248 = arith.index_cast %swap3A_247 : i32 to index
    %swap3A_249 = arith.constant 16 : index
    %swap3A_250 = tpu.vector_load %arg10[%swap3A_248, %swap3A_249] {strides = array<i32>} : memref<256x128xf32, #tpu.memory_space<vmem>>, vector<1x16xf32>,
    %swap3A_251 = vector.shape_cast %swap3A_250 : vector<1x16xf32> to vector<16xf32>
    %swap3A_252 = vector.shape_cast %broadcast_in_dim3A_1 : vector<16xf32> to vector<1x16xf32>
    tpu.vector_store %arg10[%swap3A_248, %swap3A_249], %swap3A_252 {strides = array<i32>} : memref<256x128xf32, #tpu.memory_space<vmem>>, vector<1x16xf32>,
    %swap3A_253 = arith.constant 5 : i32
    %swap3A_254 = arith.index_cast %swap3A_253 : i32 to index
    %swap3A_255 = arith.constant 32 : index
    %swap3A_256 = tpu.vector_load %arg10[%swap3A_254, %swap3A_255] {strides = array<i32>} : memref<256x128xf32, #tpu.memory_space<vmem>>, vector<1x16xf32>,
    %swap3A_257 = vector.shape_cast %swap3A_256 : vector<1x16xf32> to vector<16xf32>
    %swap3A_258 = vector.shape_cast %broadcast_in_dim3A_1 : vector<16xf32> to vector<1x16xf32>
    tpu.vector_store %arg10[%swap3A_254, %swap3A_255], %swap3A_258 {strides = array<i32>} : memref<256x128xf32, #tpu.memory_space<vmem>>, vector<1x16xf32>,
    %swap3A_259 = arith.constant 5 : i32
    %swap3A_260 = arith.index_cast %swap3A_259 : i32 to index
    %swap3A_261 = arith.constant 48 : index
    %swap3A_262 = tpu.vector_load %arg10[%swap3A_260, %swap3A_261] {strides = array<i32>} : memref<256x128xf32, #tpu.memory_space<vmem>>, vector<1x16xf32>,
    %swap3A_263 = vector.shape_cast %swap3A_262 : vector<1x16xf32> to vector<16xf32>
    %swap3A_264 = vector.shape_cast %broadcast_in_dim3A_1 : vector<16xf32> to vector<1x16xf32>
    tpu.vector_store %arg10[%swap3A_260, %swap3A_261], %swap3A_264 {strides = array<i32>} : memref<256x128xf32, #tpu.memory_space<vmem>>, vector<1x16xf32>,
    %swap3A_265 = arith.constant 5 : i32
    %swap3A_266 = arith.index_cast %swap3A_265 : i32 to index
    %swap3A_267 = arith.constant 64 : index
    %swap3A_268 = tpu.vector_load %arg10[%swap3A_266, %swap3A_267] {strides = array<i32>} : memref<256x128xf32, #tpu.memory_space<vmem>>, vector<1x16xf32>,
    %swap3A_269 = vector.shape_cast %swap3A_268 : vector<1x16xf32> to vector<16xf32>
    %swap3A_270 = vector.shape_cast %broadcast_in_dim3A_1 : vector<16xf32> to vector<1x16xf32>
    tpu.vector_store %arg10[%swap3A_266, %swap3A_267], %swap3A_270 {strides = array<i32>} : memref<256x128xf32, #tpu.memory_space<vmem>>, vector<1x16xf32>,
    %swap3A_271 = arith.constant 5 : i32
    %swap3A_272 = arith.index_cast %swap3A_271 : i32 to index
    %swap3A_273 = arith.constant 80 : index
    %swap3A_274 = tpu.vector_load %arg10[%swap3A_272, %swap3A_273] {strides = array<i32>} : memref<256x128xf32, #tpu.memory_space<vmem>>, vector<1x16xf32>,
    %swap3A_275 = vector.shape_cast %swap3A_274 : vector<1x16xf32> to vector<16xf32>
    %swap3A_276 = vector.shape_cast %broadcast_in_dim3A_1 : vector<16xf32> to vector<1x16xf32>
    tpu.vector_store %arg10[%swap3A_272, %swap3A_273], %swap3A_276 {strides = array<i32>} : memref<256x128xf32, #tpu.memory_space<vmem>>, vector<1x16xf32>,
    %swap3A_277 = arith.constant 5 : i32
    %swap3A_278 = arith.index_cast %swap3A_277 : i32 to index
    %swap3A_279 = arith.constant 96 : index
    %swap3A_280 = tpu.vector_load %arg10[%swap3A_278, %swap3A_279] {strides = array<i32>} : memref<256x128xf32, #tpu.memory_space<vmem>>, vector<1x16xf32>,
    %swap3A_281 = vector.shape_cast %swap3A_280 : vector<1x16xf32> to vector<16xf32>
    %swap3A_282 = vector.shape_cast %broadcast_in_dim3A_1 : vector<16xf32> to vector<1x16xf32>
    tpu.vector_store %arg10[%swap3A_278, %swap3A_279], %swap3A_282 {strides = array<i32>} : memref<256x128xf32, #tpu.memory_space<vmem>>, vector<1x16xf32>,
    %swap3A_283 = arith.constant 5 : i32
    %swap3A_284 = arith.index_cast %swap3A_283 : i32 to index
    %swap3A_285 = arith.constant 112 : index
    %swap3A_286 = tpu.vector_load %arg10[%swap3A_284, %swap3A_285] {strides = array<i32>} : memref<256x128xf32, #tpu.memory_space<vmem>>, vector<1x16xf32>,
    %swap3A_287 = vector.shape_cast %swap3A_286 : vector<1x16xf32> to vector<16xf32>
    %swap3A_288 = vector.shape_cast %broadcast_in_dim3A_1 : vector<16xf32> to vector<1x16xf32>
    tpu.vector_store %arg10[%swap3A_284, %swap3A_285], %swap3A_288 {strides = array<i32>} : memref<256x128xf32, #tpu.memory_space<vmem>>, vector<1x16xf32>,
    %swap3A_289 = arith.constant 6 : i32
    %swap3A_290 = arith.index_cast %swap3A_289 : i32 to index
    %swap3A_291 = arith.constant 0 : index
    %swap3A_292 = tpu.vector_load %arg10[%swap3A_290, %swap3A_291] {strides = array<i32>} : memref<256x128xf32, #tpu.memory_space<vmem>>, vector<1x16xf32>,
    %swap3A_293 = vector.shape_cast %swap3A_292 : vector<1x16xf32> to vector<16xf32>
    %swap3A_294 = vector.shape_cast %broadcast_in_dim3A_1 : vector<16xf32> to vector<1x16xf32>
    tpu.vector_store %arg10[%swap3A_290, %swap3A_291], %swap3A_294 {strides = array<i32>} : memref<256x128xf32, #tpu.memory_space<vmem>>, vector<1x16xf32>,
    %swap3A_295 = arith.constant 6 : i32
    %swap3A_296 = arith.index_cast %swap3A_295 : i32 to index
    %swap3A_297 = arith.constant 16 : index
    %swap3A_298 = tpu.vector_load %arg10[%swap3A_296, %swap3A_297] {strides = array<i32>} : memref<256x128xf32, #tpu.memory_space<vmem>>, vector<1x16xf32>,
    %swap3A_299 = vector.shape_cast %swap3A_298 : vector<1x16xf32> to vector<16xf32>
    %swap3A_300 = vector.shape_cast %broadcast_in_dim3A_1 : vector<16xf32> to vector<1x16xf32>
    tpu.vector_store %arg10[%swap3A_296, %swap3A_297], %swap3A_300 {strides = array<i32>} : memref<256x128xf32, #tpu.memory_space<vmem>>, vector<1x16xf32>,
    %swap3A_301 = arith.constant 6 : i32
    %swap3A_302 = arith.index_cast %swap3A_301 : i32 to index
    %swap3A_303 = arith.constant 32 : index
    %swap3A_304 = tpu.vector_load %arg10[%swap3A_302, %swap3A_303] {strides = array<i32>} : memref<256x128xf32, #tpu.memory_space<vmem>>, vector<1x16xf32>,
    %swap3A_305 = vector.shape_cast %swap3A_304 : vector<1x16xf32> to vector<16xf32>
    %swap3A_306 = vector.shape_cast %broadcast_in_dim3A_1 : vector<16xf32> to vector<1x16xf32>
    tpu.vector_store %arg10[%swap3A_302, %swap3A_303], %swap3A_306 {strides = array<i32>} : memref<256x128xf32, #tpu.memory_space<vmem>>, vector<1x16xf32>,
    %swap3A_307 = arith.constant 6 : i32
    %swap3A_308 = arith.index_cast %swap3A_307 : i32 to index
    %swap3A_309 = arith.constant 48 : index
    %swap3A_310 = tpu.vector_load %arg10[%swap3A_308, %swap3A_309] {strides = array<i32>} : memref<256x128xf32, #tpu.memory_space<vmem>>, vector<1x16xf32>,
    %swap3A_311 = vector.shape_cast %swap3A_310 : vector<1x16xf32> to vector<16xf32>
    %swap3A_312 = vector.shape_cast %broadcast_in_dim3A_1 : vector<16xf32> to vector<1x16xf32>
    tpu.vector_store %arg10[%swap3A_308, %swap3A_309], %swap3A_312 {strides = array<i32>} : memref<256x128xf32, #tpu.memory_space<vmem>>, vector<1x16xf32>,
    %swap3A_313 = arith.constant 6 : i32
    %swap3A_314 = arith.index_cast %swap3A_313 : i32 to index
    %swap3A_315 = arith.constant 64 : index
    %swap3A_316 = tpu.vector_load %arg10[%swap3A_314, %swap3A_315] {strides = array<i32>} : memref<256x128xf32, #tpu.memory_space<vmem>>, vector<1x16xf32>,
    %swap3A_317 = vector.shape_cast %swap3A_316 : vector<1x16xf32> to vector<16xf32>
    %swap3A_318 = vector.shape_cast %broadcast_in_dim3A_1 : vector<16xf32> to vector<1x16xf32>
    tpu.vector_store %arg10[%swap3A_314, %swap3A_315], %swap3A_318 {strides = array<i32>} : memref<256x128xf32, #tpu.memory_space<vmem>>, vector<1x16xf32>,
    %swap3A_319 = arith.constant 6 : i32
    %swap3A_320 = arith.index_cast %swap3A_319 : i32 to index
    %swap3A_321 = arith.constant 80 : index
    %swap3A_322 = tpu.vector_load %arg10[%swap3A_320, %swap3A_321] {strides = array<i32>} : memref<256x128xf32, #tpu.memory_space<vmem>>, vector<1x16xf32>,
    %swap3A_323 = vector.shape_cast %swap3A_322 : vector<1x16xf32> to vector<16xf32>
    %swap3A_324 = vector.shape_cast %broadcast_in_dim3A_1 : vector<16xf32> to vector<1x16xf32>
    tpu.vector_store %arg10[%swap3A_320, %swap3A_321], %swap3A_324 {strides = array<i32>} : memref<256x128xf32, #tpu.memory_space<vmem>>, vector<1x16xf32>,
    %swap3A_325 = arith.constant 6 : i32
    %swap3A_326 = arith.index_cast %swap3A_325 : i32 to index
    %swap3A_327 = arith.constant 96 : index
    %swap3A_328 = tpu.vector_load %arg10[%swap3A_326, %swap3A_327] {strides = array<i32>} : memref<256x128xf32, #tpu.memory_space<vmem>>, vector<1x16xf32>,
    %swap3A_329 = vector.shape_cast %swap3A_328 : vector<1x16xf32> to vector<16xf32>
    %swap3A_330 = vector.shape_cast %broadcast_in_dim3A_1 : vector<16xf32> to vector<1x16xf32>
    tpu.vector_store %arg10[%swap3A_326, %swap3A_327], %swap3A_330 {strides = array<i32>} : memref<256x128xf32, #tpu.memory_space<vmem>>, vector<1x16xf32>,
    %swap3A_331 = arith.constant 6 : i32
    %swap3A_332 = arith.index_cast %swap3A_331 : i32 to index
    %swap3A_333 = arith.constant 112 : index
    %swap3A_334 = tpu.vector_load %arg10[%swap3A_332, %swap3A_333] {strides = array<i32>} : memref<256x128xf32, #tpu.memory_space<vmem>>, vector<1x16xf32>,
    %swap3A_335 = vector.shape_cast %swap3A_334 : vector<1x16xf32> to vector<16xf32>
    %swap3A_336 = vector.shape_cast %broadcast_in_dim3A_1 : vector<16xf32> to vector<1x16xf32>
    tpu.vector_store %arg10[%swap3A_332, %swap3A_333], %swap3A_336 {strides = array<i32>} : memref<256x128xf32, #tpu.memory_space<vmem>>, vector<1x16xf32>,
    %swap3A_337 = arith.constant 7 : i32
    %swap3A_338 = arith.index_cast %swap3A_337 : i32 to index
    %swap3A_339 = arith.constant 0 : index
    %swap3A_340 = tpu.vector_load %arg10[%swap3A_338, %swap3A_339] {strides = array<i32>} : memref<256x128xf32, #tpu.memory_space<vmem>>, vector<1x16xf32>,
    %swap3A_341 = vector.shape_cast %swap3A_340 : vector<1x16xf32> to vector<16xf32>
    %swap3A_342 = vector.shape_cast %broadcast_in_dim3A_1 : vector<16xf32> to vector<1x16xf32>
    tpu.vector_store %arg10[%swap3A_338, %swap3A_339], %swap3A_342 {strides = array<i32>} : memref<256x128xf32, #tpu.memory_space<vmem>>, vector<1x16xf32>,
    %swap3A_343 = arith.constant 7 : i32
    %swap3A_344 = arith.index_cast %swap3A_343 : i32 to index
    %swap3A_345 = arith.constant 16 : index
    %swap3A_346 = tpu.vector_load %arg10[%swap3A_344, %swap3A_345] {strides = array<i32>} : memref<256x128xf32, #tpu.memory_space<vmem>>, vector<1x16xf32>,
    %swap3A_347 = vector.shape_cast %swap3A_346 : vector<1x16xf32> to vector<16xf32>
    %swap3A_348 = vector.shape_cast %broadcast_in_dim3A_1 : vector<16xf32> to vector<1x16xf32>
    tpu.vector_store %arg10[%swap3A_344, %swap3A_345], %swap3A_348 {strides = array<i32>} : memref<256x128xf32, #tpu.memory_space<vmem>>, vector<1x16xf32>,
    %swap3A_349 = arith.constant 7 : i32
    %swap3A_350 = arith.index_cast %swap3A_349 : i32 to index
    %swap3A_351 = arith.constant 32 : index
    %swap3A_352 = tpu.vector_load %arg10[%swap3A_350, %swap3A_351] {strides = array<i32>} : memref<256x128xf32, #tpu.memory_space<vmem>>, vector<1x16xf32>,
    %swap3A_353 = vector.shape_cast %swap3A_352 : vector<1x16xf32> to vector<16xf32>
    %swap3A_354 = vector.shape_cast %broadcast_in_dim3A_1 : vector<16xf32> to vector<1x16xf32>
    tpu.vector_store %arg10[%swap3A_350, %swap3A_351], %swap3A_354 {strides = array<i32>} : memref<256x128xf32, #tpu.memory_space<vmem>>, vector<1x16xf32>,
    %swap3A_355 = arith.constant 7 : i32
    %swap3A_356 = arith.index_cast %swap3A_355 : i32 to index
    %swap3A_357 = arith.constant 48 : index
    %swap3A_358 = tpu.vector_load %arg10[%swap3A_356, %swap3A_357] {strides = array<i32>} : memref<256x128xf32, #tpu.memory_space<vmem>>, vector<1x16xf32>,
    %swap3A_359 = vector.shape_cast %swap3A_358 : vector<1x16xf32> to vector<16xf32>
    %swap3A_360 = vector.shape_cast %broadcast_in_dim3A_1 : vector<16xf32> to vector<1x16xf32>
    tpu.vector_store %arg10[%swap3A_356, %swap3A_357], %swap3A_360 {strides = array<i32>} : memref<256x128xf32, #tpu.memory_space<vmem>>, vector<1x16xf32>,
    %swap3A_361 = arith.constant 7 : i32
    %swap3A_362 = arith.index_cast %swap3A_361 : i32 to index
    %swap3A_363 = arith.constant 64 : index
    %swap3A_364 = tpu.vector_load %arg10[%swap3A_362, %swap3A_363] {strides = array<i32>} : memref<256x128xf32, #tpu.memory_space<vmem>>, vector<1x16xf32>,
    %swap3A_365 = vector.shape_cast %swap3A_364 : vector<1x16xf32> to vector<16xf32>
    %swap3A_366 = vector.shape_cast %broadcast_in_dim3A_1 : vector<16xf32> to vector<1x16xf32>
    tpu.vector_store %arg10[%swap3A_362, %swap3A_363], %swap3A_366 {strides = array<i32>} : memref<256x128xf32, #tpu.memory_space<vmem>>, vector<1x16xf32>,
    %swap3A_367 = arith.constant 7 : i32
    %swap3A_368 = arith.index_cast %swap3A_367 : i32 to index
    %swap3A_369 = arith.constant 80 : index
    %swap3A_370 = tpu.vector_load %arg10[%swap3A_368, %swap3A_369] {strides = array<i32>} : memref<256x128xf32, #tpu.memory_space<vmem>>, vector<1x16xf32>,
    %swap3A_371 = vector.shape_cast %swap3A_370 : vector<1x16xf32> to vector<16xf32>
    %swap3A_372 = vector.shape_cast %broadcast_in_dim3A_1 : vector<16xf32> to vector<1x16xf32>
    tpu.vector_store %arg10[%swap3A_368, %swap3A_369], %swap3A_372 {strides = array<i32>} : memref<256x128xf32, #tpu.memory_space<vmem>>, vector<1x16xf32>,
    %swap3A_373 = arith.constant 7 : i32
    %swap3A_374 = arith.index_cast %swap3A_373 : i32 to index
    %swap3A_375 = arith.constant 96 : index
    %swap3A_376 = tpu.vector_load %arg10[%swap3A_374, %swap3A_375] {strides = array<i32>} : memref<256x128xf32, #tpu.memory_space<vmem>>, vector<1x16xf32>,
    %swap3A_377 = vector.shape_cast %swap3A_376 : vector<1x16xf32> to vector<16xf32>
    %swap3A_378 = vector.shape_cast %broadcast_in_dim3A_1 : vector<16xf32> to vector<1x16xf32>
    tpu.vector_store %arg10[%swap3A_374, %swap3A_375], %swap3A_378 {strides = array<i32>} : memref<256x128xf32, #tpu.memory_space<vmem>>, vector<1x16xf32>,
    %swap3A_379 = arith.constant 7 : i32
    %swap3A_380 = arith.index_cast %swap3A_379 : i32 to index
    %swap3A_381 = arith.constant 112 : index
    %swap3A_382 = tpu.vector_load %arg10[%swap3A_380, %swap3A_381] {strides = array<i32>} : memref<256x128xf32, #tpu.memory_space<vmem>>, vector<1x16xf32>,
    %swap3A_383 = vector.shape_cast %swap3A_382 : vector<1x16xf32> to vector<16xf32>
    %swap3A_384 = vector.shape_cast %broadcast_in_dim3A_1 : vector<16xf32> to vector<1x16xf32>
    tpu.vector_store %arg10[%swap3A_380, %swap3A_381], %swap3A_384 {strides = array<i32>} : memref<256x128xf32, #tpu.memory_space<vmem>>, vector<1x16xf32>,
    %swap3A_385 = arith.constant 8 : i32
    %swap3A_386 = arith.index_cast %swap3A_385 : i32 to index
    %swap3A_387 = arith.constant 0 : index
    %swap3A_388 = tpu.vector_load %arg10[%swap3A_386, %swap3A_387] {strides = array<i32>} : memref<256x128xf32, #tpu.memory_space<vmem>>, vector<1x16xf32>,
    %swap3A_389 = vector.shape_cast %swap3A_388 : vector<1x16xf32> to vector<16xf32>
    %swap3A_390 = vector.shape_cast %broadcast_in_dim3A_1 : vector<16xf32> to vector<1x16xf32>
    tpu.vector_store %arg10[%swap3A_386, %swap3A_387], %swap3A_390 {strides = array<i32>} : memref<256x128xf32, #tpu.memory_space<vmem>>, vector<1x16xf32>,
    %swap3A_391 = arith.constant 8 : i32
    %swap3A_392 = arith.index_cast %swap3A_391 : i32 to index
    %swap3A_393 = arith.constant 16 : index
    %swap3A_394 = tpu.vector_load %arg10[%swap3A_392, %swap3A_393] {strides = array<i32>} : memref<256x128xf32, #tpu.memory_space<vmem>>, vector<1x16xf32>,
    %swap3A_395 = vector.shape_cast %swap3A_394 : vector<1x16xf32> to vector<16xf32>
    %swap3A_396 = vector.shape_cast %broadcast_in_dim3A_1 : vector<16xf32> to vector<1x16xf32>
    tpu.vector_store %arg10[%swap3A_392, %swap3A_393], %swap3A_396 {strides = array<i32>} : memref<256x128xf32, #tpu.memory_space<vmem>>, vector<1x16xf32>,
    %swap3A_397 = arith.constant 8 : i32
    %swap3A_398 = arith.index_cast %swap3A_397 : i32 to index
    %swap3A_399 = arith.constant 32 : index
    %swap3A_400 = tpu.vector_load %arg10[%swap3A_398, %swap3A_399] {strides = array<i32>} : memref<256x128xf32, #tpu.memory_space<vmem>>, vector<1x16xf32>,
    %swap3A_401 = vector.shape_cast %swap3A_400 : vector<1x16xf32> to vector<16xf32>
    %swap3A_402 = vector.shape_cast %broadcast_in_dim3A_1 : vector<16xf32> to vector<1x16xf32>
    tpu.vector_store %arg10[%swap3A_398, %swap3A_399], %swap3A_402 {strides = array<i32>} : memref<256x128xf32, #tpu.memory_space<vmem>>, vector<1x16xf32>,
    %swap3A_403 = arith.constant 8 : i32
    %swap3A_404 = arith.index_cast %swap3A_403 : i32 to index
    %swap3A_405 = arith.constant 48 : index
    %swap3A_406 = tpu.vector_load %arg10[%swap3A_404, %swap3A_405] {strides = array<i32>} : memref<256x128xf32, #tpu.memory_space<vmem>>, vector<1x16xf32>,
    %swap3A_407 = vector.shape_cast %swap3A_406 : vector<1x16xf32> to vector<16xf32>
    %swap3A_408 = vector.shape_cast %broadcast_in_dim3A_1 : vector<16xf32> to vector<1x16xf32>
    tpu.vector_store %arg10[%swap3A_404, %swap3A_405], %swap3A_408 {strides = array<i32>} : memref<256x128xf32, #tpu.memory_space<vmem>>, vector<1x16xf32>,
    %swap3A_409 = arith.constant 8 : i32
    %swap3A_410 = arith.index_cast %swap3A_409 : i32 to index
    %swap3A_411 = arith.constant 64 : index
    %swap3A_412 = tpu.vector_load %arg10[%swap3A_410, %swap3A_411] {strides = array<i32>} : memref<256x128xf32, #tpu.memory_space<vmem>>, vector<1x16xf32>,
    %swap3A_413 = vector.shape_cast %swap3A_412 : vector<1x16xf32> to vector<16xf32>
    %swap3A_414 = vector.shape_cast %broadcast_in_dim3A_1 : vector<16xf32> to vector<1x16xf32>
    tpu.vector_store %arg10[%swap3A_410, %swap3A_411], %swap3A_414 {strides = array<i32>} : memref<256x128xf32, #tpu.memory_space<vmem>>, vector<1x16xf32>,
    %swap3A_415 = arith.constant 8 : i32
    %swap3A_416 = arith.index_cast %swap3A_415 : i32 to index
    %swap3A_417 = arith.constant 80 : index
    %swap3A_418 = tpu.vector_load %arg10[%swap3A_416, %swap3A_417] {strides = array<i32>} : memref<256x128xf32, #tpu.memory_space<vmem>>, vector<1x16xf32>,
    %swap3A_419 = vector.shape_cast %swap3A_418 : vector<1x16xf32> to vector<16xf32>
    %swap3A_420 = vector.shape_cast %broadcast_in_dim3A_1 : vector<16xf32> to vector<1x16xf32>
    tpu.vector_store %arg10[%swap3A_416, %swap3A_417], %swap3A_420 {strides = array<i32>} : memref<256x128xf32, #tpu.memory_space<vmem>>, vector<1x16xf32>,
    %swap3A_421 = arith.constant 8 : i32
    %swap3A_422 = arith.index_cast %swap3A_421 : i32 to index
    %swap3A_423 = arith.constant 96 : index
    %swap3A_424 = tpu.vector_load %arg10[%swap3A_422, %swap3A_423] {strides = array<i32>} : memref<256x128xf32, #tpu.memory_space<vmem>>, vector<1x16xf32>,
    %swap3A_425 = vector.shape_cast %swap3A_424 : vector<1x16xf32> to vector<16xf32>
    %swap3A_426 = vector.shape_cast %broadcast_in_dim3A_1 : vector<16xf32> to vector<1x16xf32>
    tpu.vector_store %arg10[%swap3A_422, %swap3A_423], %swap3A_426 {strides = array<i32>} : memref<256x128xf32, #tpu.memory_space<vmem>>, vector<1x16xf32>,
    %swap3A_427 = arith.constant 8 : i32
    %swap3A_428 = arith.index_cast %swap3A_427 : i32 to index
    %swap3A_429 = arith.constant 112 : index
    %swap3A_430 = tpu.vector_load %arg10[%swap3A_428, %swap3A_429] {strides = array<i32>} : memref<256x128xf32, #tpu.memory_space<vmem>>, vector<1x16xf32>,
    %swap3A_431 = vector.shape_cast %swap3A_430 : vector<1x16xf32> to vector<16xf32>
    %swap3A_432 = vector.shape_cast %broadcast_in_dim3A_1 : vector<16xf32> to vector<1x16xf32>
    tpu.vector_store %arg10[%swap3A_428, %swap3A_429], %swap3A_432 {strides = array<i32>} : memref<256x128xf32, #tpu.memory_space<vmem>>, vector<1x16xf32>,
    %swap3A_433 = arith.constant 9 : i32
    %swap3A_434 = arith.index_cast %swap3A_433 : i32 to index
    %swap3A_435 = arith.constant 0 : index
    %swap3A_436 = tpu.vector_load %arg10[%swap3A_434, %swap3A_435] {strides = array<i32>} : memref<256x128xf32, #tpu.memory_space<vmem>>, vector<1x16xf32>,
    %swap3A_437 = vector.shape_cast %swap3A_436 : vector<1x16xf32> to vector<16xf32>
    %swap3A_438 = vector.shape_cast %broadcast_in_dim3A_1 : vector<16xf32> to vector<1x16xf32>
    tpu.vector_store %arg10[%swap3A_434, %swap3A_435], %swap3A_438 {strides = array<i32>} : memref<256x128xf32, #tpu.memory_space<vmem>>, vector<1x16xf32>,
    %swap3A_439 = arith.constant 9 : i32
    %swap3A_440 = arith.index_cast %swap3A_439 : i32 to index
    %swap3A_441 = arith.constant 16 : index
    %swap3A_442 = tpu.vector_load %arg10[%swap3A_440, %swap3A_441] {strides = array<i32>} : memref<256x128xf32, #tpu.memory_space<vmem>>, vector<1x16xf32>,
    %swap3A_443 = vector.shape_cast %swap3A_442 : vector<1x16xf32> to vector<16xf32>
    %swap3A_444 = vector.shape_cast %broadcast_in_dim3A_1 : vector<16xf32> to vector<1x16xf32>
    tpu.vector_store %arg10[%swap3A_440, %swap3A_441], %swap3A_444 {strides = array<i32>} : memref<256x128xf32, #tpu.memory_space<vmem>>, vector<1x16xf32>,
    %swap3A_445 = arith.constant 9 : i32
    %swap3A_446 = arith.index_cast %swap3A_445 : i32 to index
    %swap3A_447 = arith.constant 32 : index
    %swap3A_448 = tpu.vector_load %arg10[%swap3A_446, %swap3A_447] {strides = array<i32>} : memref<256x128xf32, #tpu.memory_space<vmem>>, vector<1x16xf32>,
    %swap3A_449 = vector.shape_cast %swap3A_448 : vector<1x16xf32> to vector<16xf32>
    %swap3A_450 = vector.shape_cast %broadcast_in_dim3A_1 : vector<16xf32> to vector<1x16xf32>
    tpu.vector_store %arg10[%swap3A_446, %swap3A_447], %swap3A_450 {strides = array<i32>} : memref<256x128xf32, #tpu.memory_space<vmem>>, vector<1x16xf32>,
    %swap3A_451 = arith.constant 9 : i32
    %swap3A_452 = arith.index_cast %swap3A_451 : i32 to index
    %swap3A_453 = arith.constant 48 : index
    %swap3A_454 = tpu.vector_load %arg10[%swap3A_452, %swap3A_453] {strides = array<i32>} : memref<256x128xf32, #tpu.memory_space<vmem>>, vector<1x16xf32>,
    %swap3A_455 = vector.shape_cast %swap3A_454 : vector<1x16xf32> to vector<16xf32>
    %swap3A_456 = vector.shape_cast %broadcast_in_dim3A_1 : vector<16xf32> to vector<1x16xf32>
    tpu.vector_store %arg10[%swap3A_452, %swap3A_453], %swap3A_456 {strides = array<i32>} : memref<256x128xf32, #tpu.memory_space<vmem>>, vector<1x16xf32>,
    %swap3A_457 = arith.constant 9 : i32
    %swap3A_458 = arith.index_cast %swap3A_457 : i32 to index
    %swap3A_459 = arith.constant 64 : index
    %swap3A_460 = tpu.vector_load %arg10[%swap3A_458, %swap3A_459] {strides = array<i32>} : memref<256x128xf32, #tpu.memory_space<vmem>>, vector<1x16xf32>,
    %swap3A_461 = vector.shape_cast %swap3A_460 : vector<1x16xf32> to vector<16xf32>
    %swap3A_462 = vector.shape_cast %broadcast_in_dim3A_1 : vector<16xf32> to vector<1x16xf32>
    tpu.vector_store %arg10[%swap3A_458, %swap3A_459], %swap3A_462 {strides = array<i32>} : memref<256x128xf32, #tpu.memory_space<vmem>>, vector<1x16xf32>,
    %swap3A_463 = arith.constant 9 : i32
    %swap3A_464 = arith.index_cast %swap3A_463 : i32 to index
    %swap3A_465 = arith.constant 80 : index
    %swap3A_466 = tpu.vector_load %arg10[%swap3A_464, %swap3A_465] {strides = array<i32>} : memref<256x128xf32, #tpu.memory_space<vmem>>, vector<1x16xf32>,
    %swap3A_467 = vector.shape_cast %swap3A_466 : vector<1x16xf32> to vector<16xf32>
    %swap3A_468 = vector.shape_cast %broadcast_in_dim3A_1 : vector<16xf32> to vector<1x16xf32>
    tpu.vector_store %arg10[%swap3A_464, %swap3A_465], %swap3A_468 {strides = array<i32>} : memref<256x128xf32, #tpu.memory_space<vmem>>, vector<1x16xf32>,
    %swap3A_469 = arith.constant 9 : i32
    %swap3A_470 = arith.index_cast %swap3A_469 : i32 to index
    %swap3A_471 = arith.constant 96 : index
    %swap3A_472 = tpu.vector_load %arg10[%swap3A_470, %swap3A_471] {strides = array<i32>} : memref<256x128xf32, #tpu.memory_space<vmem>>, vector<1x16xf32>,
    %swap3A_473 = vector.shape_cast %swap3A_472 : vector<1x16xf32> to vector<16xf32>
    %swap3A_474 = vector.shape_cast %broadcast_in_dim3A_1 : vector<16xf32> to vector<1x16xf32>
    tpu.vector_store %arg10[%swap3A_470, %swap3A_471], %swap3A_474 {strides = array<i32>} : memref<256x128xf32, #tpu.memory_space<vmem>>, vector<1x16xf32>,
    %swap3A_475 = arith.constant 9 : i32
    %swap3A_476 = arith.index_cast %swap3A_475 : i32 to index
    %swap3A_477 = arith.constant 112 : index
    %swap3A_478 = tpu.vector_load %arg10[%swap3A_476, %swap3A_477] {strides = array<i32>} : memref<256x128xf32, #tpu.memory_space<vmem>>, vector<1x16xf32>,
    %swap3A_479 = vector.shape_cast %swap3A_478 : vector<1x16xf32> to vector<16xf32>
    %swap3A_480 = vector.shape_cast %broadcast_in_dim3A_1 : vector<16xf32> to vector<1x16xf32>
    tpu.vector_store %arg10[%swap3A_476, %swap3A_477], %swap3A_480 {strides = array<i32>} : memref<256x128xf32, #tpu.memory_space<vmem>>, vector<1x16xf32>,
    %swap3A_481 = arith.constant 10 : i32
    %swap3A_482 = arith.index_cast %swap3A_481 : i32 to index
    %swap3A_483 = arith.constant 0 : index
    %swap3A_484 = tpu.vector_load %arg10[%swap3A_482, %swap3A_483] {strides = array<i32>} : memref<256x128xf32, #tpu.memory_space<vmem>>, vector<1x16xf32>,
    %swap3A_485 = vector.shape_cast %swap3A_484 : vector<1x16xf32> to vector<16xf32>
    %swap3A_486 = vector.shape_cast %broadcast_in_dim3A_1 : vector<16xf32> to vector<1x16xf32>
    tpu.vector_store %arg10[%swap3A_482, %swap3A_483], %swap3A_486 {strides = array<i32>} : memref<256x128xf32, #tpu.memory_space<vmem>>, vector<1x16xf32>,
    %swap3A_487 = arith.constant 10 : i32
    %swap3A_488 = arith.index_cast %swap3A_487 : i32 to index
    %swap3A_489 = arith.constant 16 : index
    %swap3A_490 = tpu.vector_load %arg10[%swap3A_488, %swap3A_489] {strides = array<i32>} : memref<256x128xf32, #tpu.memory_space<vmem>>, vector<1x16xf32>,
    %swap3A_491 = vector.shape_cast %swap3A_490 : vector<1x16xf32> to vector<16xf32>
    %swap3A_492 = vector.shape_cast %broadcast_in_dim3A_1 : vector<16xf32> to vector<1x16xf32>
    tpu.vector_store %arg10[%swap3A_488, %swap3A_489], %swap3A_492 {strides = array<i32>} : memref<256x128xf32, #tpu.memory_space<vmem>>, vector<1x16xf32>,
    %swap3A_493 = arith.constant 10 : i32
    %swap3A_494 = arith.index_cast %swap3A_493 : i32 to index
    %swap3A_495 = arith.constant 32 : index
    %swap3A_496 = tpu.vector_load %arg10[%swap3A_494, %swap3A_495] {strides = array<i32>} : memref<256x128xf32, #tpu.memory_space<vmem>>, vector<1x16xf32>,
    %swap3A_497 = vector.shape_cast %swap3A_496 : vector<1x16xf32> to vector<16xf32>
    %swap3A_498 = vector.shape_cast %broadcast_in_dim3A_1 : vector<16xf32> to vector<1x16xf32>
    tpu.vector_store %arg10[%swap3A_494, %swap3A_495], %swap3A_498 {strides = array<i32>} : memref<256x128xf32, #tpu.memory_space<vmem>>, vector<1x16xf32>,
    %swap3A_499 = arith.constant 10 : i32
    %swap3A_500 = arith.index_cast %swap3A_499 : i32 to index
    %swap3A_501 = arith.constant 48 : index
    %swap3A_502 = tpu.vector_load %arg10[%swap3A_500, %swap3A_501] {strides = array<i32>} : memref<256x128xf32, #tpu.memory_space<vmem>>, vector<1x16xf32>,
    %swap3A_503 = vector.shape_cast %swap3A_502 : vector<1x16xf32> to vector<16xf32>
    %swap3A_504 = vector.shape_cast %broadcast_in_dim3A_1 : vector<16xf32> to vector<1x16xf32>
    tpu.vector_store %arg10[%swap3A_500, %swap3A_501], %swap3A_504 {strides = array<i32>} : memref<256x128xf32, #tpu.memory_space<vmem>>, vector<1x16xf32>,
    %swap3A_505 = arith.constant 10 : i32
    %swap3A_506 = arith.index_cast %swap3A_505 : i32 to index
    %swap3A_507 = arith.constant 64 : index
    %swap3A_508 = tpu.vector_load %arg10[%swap3A_506, %swap3A_507] {strides = array<i32>} : memref<256x128xf32, #tpu.memory_space<vmem>>, vector<1x16xf32>,
    %swap3A_509 = vector.shape_cast %swap3A_508 : vector<1x16xf32> to vector<16xf32>
    %swap3A_510 = vector.shape_cast %broadcast_in_dim3A_1 : vector<16xf32> to vector<1x16xf32>
    tpu.vector_store %arg10[%swap3A_506, %swap3A_507], %swap3A_510 {strides = array<i32>} : memref<256x128xf32, #tpu.memory_space<vmem>>, vector<1x16xf32>,
    %swap3A_511 = arith.constant 10 : i32
    %swap3A_512 = arith.index_cast %swap3A_511 : i32 to index
    %swap3A_513 = arith.constant 80 : index
    %swap3A_514 = tpu.vector_load %arg10[%swap3A_512, %swap3A_513] {strides = array<i32>} : memref<256x128xf32, #tpu.memory_space<vmem>>, vector<1x16xf32>,
    %swap3A_515 = vector.shape_cast %swap3A_514 : vector<1x16xf32> to vector<16xf32>
    %swap3A_516 = vector.shape_cast %broadcast_in_dim3A_1 : vector<16xf32> to vector<1x16xf32>
    tpu.vector_store %arg10[%swap3A_512, %swap3A_513], %swap3A_516 {strides = array<i32>} : memref<256x128xf32, #tpu.memory_space<vmem>>, vector<1x16xf32>,
    %swap3A_517 = arith.constant 10 : i32
    %swap3A_518 = arith.index_cast %swap3A_517 : i32 to index
    %swap3A_519 = arith.constant 96 : index
    %swap3A_520 = tpu.vector_load %arg10[%swap3A_518, %swap3A_519] {strides = array<i32>} : memref<256x128xf32, #tpu.memory_space<vmem>>, vector<1x16xf32>,
    %swap3A_521 = vector.shape_cast %swap3A_520 : vector<1x16xf32> to vector<16xf32>
    %swap3A_522 = vector.shape_cast %broadcast_in_dim3A_1 : vector<16xf32> to vector<1x16xf32>
    tpu.vector_store %arg10[%swap3A_518, %swap3A_519], %swap3A_522 {strides = array<i32>} : memref<256x128xf32, #tpu.memory_space<vmem>>, vector<1x16xf32>,
    %swap3A_523 = arith.constant 10 : i32
    %swap3A_524 = arith.index_cast %swap3A_523 : i32 to index
    %swap3A_525 = arith.constant 112 : index
    %swap3A_526 = tpu.vector_load %arg10[%swap3A_524, %swap3A_525] {strides = array<i32>} : memref<256x128xf32, #tpu.memory_space<vmem>>, vector<1x16xf32>,
    %swap3A_527 = vector.shape_cast %swap3A_526 : vector<1x16xf32> to vector<16xf32>
    %swap3A_528 = vector.shape_cast %broadcast_in_dim3A_1 : vector<16xf32> to vector<1x16xf32>
    tpu.vector_store %arg10[%swap3A_524, %swap3A_525], %swap3A_528 {strides = array<i32>} : memref<256x128xf32, #tpu.memory_space<vmem>>, vector<1x16xf32>,
    %swap3A_529 = arith.constant 11 : i32
    %swap3A_530 = arith.index_cast %swap3A_529 : i32 to index
    %swap3A_531 = arith.constant 0 : index
    %swap3A_532 = tpu.vector_load %arg10[%swap3A_530, %swap3A_531] {strides = array<i32>} : memref<256x128xf32, #tpu.memory_space<vmem>>, vector<1x16xf32>,
    %swap3A_533 = vector.shape_cast %swap3A_532 : vector<1x16xf32> to vector<16xf32>
    %swap3A_534 = vector.shape_cast %broadcast_in_dim3A_1 : vector<16xf32> to vector<1x16xf32>
    tpu.vector_store %arg10[%swap3A_530, %swap3A_531], %swap3A_534 {strides = array<i32>} : memref<256x128xf32, #tpu.memory_space<vmem>>, vector<1x16xf32>,
    %swap3A_535 = arith.constant 11 : i32
    %swap3A_536 = arith.index_cast %swap3A_535 : i32 to index
    %swap3A_537 = arith.constant 16 : index
    %swap3A_538 = tpu.vector_load %arg10[%swap3A_536, %swap3A_537] {strides = array<i32>} : memref<256x128xf32, #tpu.memory_space<vmem>>, vector<1x16xf32>,
    %swap3A_539 = vector.shape_cast %swap3A_538 : vector<1x16xf32> to vector<16xf32>
    %swap3A_540 = vector.shape_cast %broadcast_in_dim3A_1 : vector<16xf32> to vector<1x16xf32>
    tpu.vector_store %arg10[%swap3A_536, %swap3A_537], %swap3A_540 {strides = array<i32>} : memref<256x128xf32, #tpu.memory_space<vmem>>, vector<1x16xf32>,
    %swap3A_541 = arith.constant 11 : i32
    %swap3A_542 = arith.index_cast %swap3A_541 : i32 to index
    %swap3A_543 = arith.constant 32 : index
    %swap3A_544 = tpu.vector_load %arg10[%swap3A_542, %swap3A_543] {strides = array<i32>} : memref<256x128xf32, #tpu.memory_space<vmem>>, vector<1x16xf32>,
    %swap3A_545 = vector.shape_cast %swap3A_544 : vector<1x16xf32> to vector<16xf32>
    %swap3A_546 = vector.shape_cast %broadcast_in_dim3A_1 : vector<16xf32> to vector<1x16xf32>
    tpu.vector_store %arg10[%swap3A_542, %swap3A_543], %swap3A_546 {strides = array<i32>} : memref<256x128xf32, #tpu.memory_space<vmem>>, vector<1x16xf32>,
    %swap3A_547 = arith.constant 11 : i32
    %swap3A_548 = arith.index_cast %swap3A_547 : i32 to index
    %swap3A_549 = arith.constant 48 : index
    %swap3A_550 = tpu.vector_load %arg10[%swap3A_548, %swap3A_549] {strides = array<i32>} : memref<256x128xf32, #tpu.memory_space<vmem>>, vector<1x16xf32>,
    %swap3A_551 = vector.shape_cast %swap3A_550 : vector<1x16xf32> to vector<16xf32>
    %swap3A_552 = vector.shape_cast %broadcast_in_dim3A_1 : vector<16xf32> to vector<1x16xf32>
    tpu.vector_store %arg10[%swap3A_548, %swap3A_549], %swap3A_552 {strides = array<i32>} : memref<256x128xf32, #tpu.memory_space<vmem>>, vector<1x16xf32>,
    %swap3A_553 = arith.constant 11 : i32
    %swap3A_554 = arith.index_cast %swap3A_553 : i32 to index
    %swap3A_555 = arith.constant 64 : index
    %swap3A_556 = tpu.vector_load %arg10[%swap3A_554, %swap3A_555] {strides = array<i32>} : memref<256x128xf32, #tpu.memory_space<vmem>>, vector<1x16xf32>,
    %swap3A_557 = vector.shape_cast %swap3A_556 : vector<1x16xf32> to vector<16xf32>
    %swap3A_558 = vector.shape_cast %broadcast_in_dim3A_1 : vector<16xf32> to vector<1x16xf32>
    tpu.vector_store %arg10[%swap3A_554, %swap3A_555], %swap3A_558 {strides = array<i32>} : memref<256x128xf32, #tpu.memory_space<vmem>>, vector<1x16xf32>,
    %swap3A_559 = arith.constant 11 : i32
    %swap3A_560 = arith.index_cast %swap3A_559 : i32 to index
    %swap3A_561 = arith.constant 80 : index
    %swap3A_562 = tpu.vector_load %arg10[%swap3A_560, %swap3A_561] {strides = array<i32>} : memref<256x128xf32, #tpu.memory_space<vmem>>, vector<1x16xf32>,
    %swap3A_563 = vector.shape_cast %swap3A_562 : vector<1x16xf32> to vector<16xf32>
    %swap3A_564 = vector.shape_cast %broadcast_in_dim3A_1 : vector<16xf32> to vector<1x16xf32>
    tpu.vector_store %arg10[%swap3A_560, %swap3A_561], %swap3A_564 {strides = array<i32>} : memref<256x128xf32, #tpu.memory_space<vmem>>, vector<1x16xf32>,
    %swap3A_565 = arith.constant 11 : i32
    %swap3A_566 = arith.index_cast %swap3A_565 : i32 to index
    %swap3A_567 = arith.constant 96 : index
    %swap3A_568 = tpu.vector_load %arg10[%swap3A_566, %swap3A_567] {strides = array<i32>} : memref<256x128xf32, #tpu.memory_space<vmem>>, vector<1x16xf32>,
    %swap3A_569 = vector.shape_cast %swap3A_568 : vector<1x16xf32> to vector<16xf32>
    %swap3A_570 = vector.shape_cast %broadcast_in_dim3A_1 : vector<16xf32> to vector<1x16xf32>
    tpu.vector_store %arg10[%swap3A_566, %swap3A_567], %swap3A_570 {strides = array<i32>} : memref<256x128xf32, #tpu.memory_space<vmem>>, vector<1x16xf32>,
    %swap3A_571 = arith.constant 11 : i32
    %swap3A_572 = arith.index_cast %swap3A_571 : i32 to index
    %swap3A_573 = arith.constant 112 : index
    %swap3A_574 = tpu.vector_load %arg10[%swap3A_572, %swap3A_573] {strides = array<i32>} : memref<256x128xf32, #tpu.memory_space<vmem>>, vector<1x16xf32>,
    %swap3A_575 = vector.shape_cast %swap3A_574 : vector<1x16xf32> to vector<16xf32>
    %swap3A_576 = vector.shape_cast %broadcast_in_dim3A_1 : vector<16xf32> to vector<1x16xf32>
    tpu.vector_store %arg10[%swap3A_572, %swap3A_573], %swap3A_576 {strides = array<i32>} : memref<256x128xf32, #tpu.memory_space<vmem>>, vector<1x16xf32>,
    %swap3A_577 = arith.constant 12 : i32
    %swap3A_578 = arith.index_cast %swap3A_577 : i32 to index
    %swap3A_579 = arith.constant 0 : index
    %swap3A_580 = tpu.vector_load %arg10[%swap3A_578, %swap3A_579] {strides = array<i32>} : memref<256x128xf32, #tpu.memory_space<vmem>>, vector<1x16xf32>,
    %swap3A_581 = vector.shape_cast %swap3A_580 : vector<1x16xf32> to vector<16xf32>
    %swap3A_582 = vector.shape_cast %broadcast_in_dim3A_1 : vector<16xf32> to vector<1x16xf32>
    tpu.vector_store %arg10[%swap3A_578, %swap3A_579], %swap3A_582 {strides = array<i32>} : memref<256x128xf32, #tpu.memory_space<vmem>>, vector<1x16xf32>,
    %swap3A_583 = arith.constant 12 : i32
    %swap3A_584 = arith.index_cast %swap3A_583 : i32 to index
    %swap3A_585 = arith.constant 16 : index
    %swap3A_586 = tpu.vector_load %arg10[%swap3A_584, %swap3A_585] {strides = array<i32>} : memref<256x128xf32, #tpu.memory_space<vmem>>, vector<1x16xf32>,
    %swap3A_587 = vector.shape_cast %swap3A_586 : vector<1x16xf32> to vector<16xf32>
    %swap3A_588 = vector.shape_cast %broadcast_in_dim3A_1 : vector<16xf32> to vector<1x16xf32>
    tpu.vector_store %arg10[%swap3A_584, %swap3A_585], %swap3A_588 {strides = array<i32>} : memref<256x128xf32, #tpu.memory_space<vmem>>, vector<1x16xf32>,
    %swap3A_589 = arith.constant 12 : i32
    %swap3A_590 = arith.index_cast %swap3A_589 : i32 to index
    %swap3A_591 = arith.constant 32 : index
    %swap3A_592 = tpu.vector_load %arg10[%swap3A_590, %swap3A_591] {strides = array<i32>} : memref<256x128xf32, #tpu.memory_space<vmem>>, vector<1x16xf32>,
    %swap3A_593 = vector.shape_cast %swap3A_592 : vector<1x16xf32> to vector<16xf32>
    %swap3A_594 = vector.shape_cast %broadcast_in_dim3A_1 : vector<16xf32> to vector<1x16xf32>
    tpu.vector_store %arg10[%swap3A_590, %swap3A_591], %swap3A_594 {strides = array<i32>} : memref<256x128xf32, #tpu.memory_space<vmem>>, vector<1x16xf32>,
    %swap3A_595 = arith.constant 12 : i32
    %swap3A_596 = arith.index_cast %swap3A_595 : i32 to index
    %swap3A_597 = arith.constant 48 : index
    %swap3A_598 = tpu.vector_load %arg10[%swap3A_596, %swap3A_597] {strides = array<i32>} : memref<256x128xf32, #tpu.memory_space<vmem>>, vector<1x16xf32>,
    %swap3A_599 = vector.shape_cast %swap3A_598 : vector<1x16xf32> to vector<16xf32>
    %swap3A_600 = vector.shape_cast %broadcast_in_dim3A_1 : vector<16xf32> to vector<1x16xf32>
    tpu.vector_store %arg10[%swap3A_596, %swap3A_597], %swap3A_600 {strides = array<i32>} : memref<256x128xf32, #tpu.memory_space<vmem>>, vector<1x16xf32>,
    %swap3A_601 = arith.constant 12 : i32
    %swap3A_602 = arith.index_cast %swap3A_601 : i32 to index
    %swap3A_603 = arith.constant 64 : index
    %swap3A_604 = tpu.vector_load %arg10[%swap3A_602, %swap3A_603] {strides = array<i32>} : memref<256x128xf32, #tpu.memory_space<vmem>>, vector<1x16xf32>,
    %swap3A_605 = vector.shape_cast %swap3A_604 : vector<1x16xf32> to vector<16xf32>
    %swap3A_606 = vector.shape_cast %broadcast_in_dim3A_1 : vector<16xf32> to vector<1x16xf32>
    tpu.vector_store %arg10[%swap3A_602, %swap3A_603], %swap3A_606 {strides = array<i32>} : memref<256x128xf32, #tpu.memory_space<vmem>>, vector<1x16xf32>,
    %swap3A_607 = arith.constant 12 : i32
    %swap3A_608 = arith.index_cast %swap3A_607 : i32 to index
    %swap3A_609 = arith.constant 80 : index
    %swap3A_610 = tpu.vector_load %arg10[%swap3A_608, %swap3A_609] {strides = array<i32>} : memref<256x128xf32, #tpu.memory_space<vmem>>, vector<1x16xf32>,
    %swap3A_611 = vector.shape_cast %swap3A_610 : vector<1x16xf32> to vector<16xf32>
    %swap3A_612 = vector.shape_cast %broadcast_in_dim3A_1 : vector<16xf32> to vector<1x16xf32>
    tpu.vector_store %arg10[%swap3A_608, %swap3A_609], %swap3A_612 {strides = array<i32>} : memref<256x128xf32, #tpu.memory_space<vmem>>, vector<1x16xf32>,
    %swap3A_613 = arith.constant 12 : i32
    %swap3A_614 = arith.index_cast %swap3A_613 : i32 to index
    %swap3A_615 = arith.constant 96 : index
    %swap3A_616 = tpu.vector_load %arg10[%swap3A_614, %swap3A_615] {strides = array<i32>} : memref<256x128xf32, #tpu.memory_space<vmem>>, vector<1x16xf32>,
    %swap3A_617 = vector.shape_cast %swap3A_616 : vector<1x16xf32> to vector<16xf32>
    %swap3A_618 = vector.shape_cast %broadcast_in_dim3A_1 : vector<16xf32> to vector<1x16xf32>
    tpu.vector_store %arg10[%swap3A_614, %swap3A_615], %swap3A_618 {strides = array<i32>} : memref<256x128xf32, #tpu.memory_space<vmem>>, vector<1x16xf32>,
    %swap3A_619 = arith.constant 12 : i32
    %swap3A_620 = arith.index_cast %swap3A_619 : i32 to index
    %swap3A_621 = arith.constant 112 : index
    %swap3A_622 = tpu.vector_load %arg10[%swap3A_620, %swap3A_621] {strides = array<i32>} : memref<256x128xf32, #tpu.memory_space<vmem>>, vector<1x16xf32>,
    %swap3A_623 = vector.shape_cast %swap3A_622 : vector<1x16xf32> to vector<16xf32>
    %swap3A_624 = vector.shape_cast %broadcast_in_dim3A_1 : vector<16xf32> to vector<1x16xf32>
    tpu.vector_store %arg10[%swap3A_620, %swap3A_621], %swap3A_624 {strides = array<i32>} : memref<256x128xf32, #tpu.memory_space<vmem>>, vector<1x16xf32>,
    %swap3A_625 = arith.constant 13 : i32
    %swap3A_626 = arith.index_cast %swap3A_625 : i32 to index
    %swap3A_627 = arith.constant 0 : index
    %swap3A_628 = tpu.vector_load %arg10[%swap3A_626, %swap3A_627] {strides = array<i32>} : memref<256x128xf32, #tpu.memory_space<vmem>>, vector<1x16xf32>,
    %swap3A_629 = vector.shape_cast %swap3A_628 : vector<1x16xf32> to vector<16xf32>
    %swap3A_630 = vector.shape_cast %broadcast_in_dim3A_1 : vector<16xf32> to vector<1x16xf32>
    tpu.vector_store %arg10[%swap3A_626, %swap3A_627], %swap3A_630 {strides = array<i32>} : memref<256x128xf32, #tpu.memory_space<vmem>>, vector<1x16xf32>,
    %swap3A_631 = arith.constant 13 : i32
    %swap3A_632 = arith.index_cast %swap3A_631 : i32 to index
    %swap3A_633 = arith.constant 16 : index
    %swap3A_634 = tpu.vector_load %arg10[%swap3A_632, %swap3A_633] {strides = array<i32>} : memref<256x128xf32, #tpu.memory_space<vmem>>, vector<1x16xf32>,
    %swap3A_635 = vector.shape_cast %swap3A_634 : vector<1x16xf32> to vector<16xf32>
    %swap3A_636 = vector.shape_cast %broadcast_in_dim3A_1 : vector<16xf32> to vector<1x16xf32>
    tpu.vector_store %arg10[%swap3A_632, %swap3A_633], %swap3A_636 {strides = array<i32>} : memref<256x128xf32, #tpu.memory_space<vmem>>, vector<1x16xf32>,
    %swap3A_637 = arith.constant 13 : i32
    %swap3A_638 = arith.index_cast %swap3A_637 : i32 to index
    %swap3A_639 = arith.constant 32 : index
    %swap3A_640 = tpu.vector_load %arg10[%swap3A_638, %swap3A_639] {strides = array<i32>} : memref<256x128xf32, #tpu.memory_space<vmem>>, vector<1x16xf32>,
    %swap3A_641 = vector.shape_cast %swap3A_640 : vector<1x16xf32> to vector<16xf32>
    %swap3A_642 = vector.shape_cast %broadcast_in_dim3A_1 : vector<16xf32> to vector<1x16xf32>
    tpu.vector_store %arg10[%swap3A_638, %swap3A_639], %swap3A_642 {strides = array<i32>} : memref<256x128xf32, #tpu.memory_space<vmem>>, vector<1x16xf32>,
    %swap3A_643 = arith.constant 13 : i32
    %swap3A_644 = arith.index_cast %swap3A_643 : i32 to index
    %swap3A_645 = arith.constant 48 : index
    %swap3A_646 = tpu.vector_load %arg10[%swap3A_644, %swap3A_645] {strides = array<i32>} : memref<256x128xf32, #tpu.memory_space<vmem>>, vector<1x16xf32>,
    %swap3A_647 = vector.shape_cast %swap3A_646 : vector<1x16xf32> to vector<16xf32>
    %swap3A_648 = vector.shape_cast %broadcast_in_dim3A_1 : vector<16xf32> to vector<1x16xf32>
    tpu.vector_store %arg10[%swap3A_644, %swap3A_645], %swap3A_648 {strides = array<i32>} : memref<256x128xf32, #tpu.memory_space<vmem>>, vector<1x16xf32>,
    %swap3A_649 = arith.constant 13 : i32
    %swap3A_650 = arith.index_cast %swap3A_649 : i32 to index
    %swap3A_651 = arith.constant 64 : index
    %swap3A_652 = tpu.vector_load %arg10[%swap3A_650, %swap3A_651] {strides = array<i32>} : memref<256x128xf32, #tpu.memory_space<vmem>>, vector<1x16xf32>,
    %swap3A_653 = vector.shape_cast %swap3A_652 : vector<1x16xf32> to vector<16xf32>
    %swap3A_654 = vector.shape_cast %broadcast_in_dim3A_1 : vector<16xf32> to vector<1x16xf32>
    tpu.vector_store %arg10[%swap3A_650, %swap3A_651], %swap3A_654 {strides = array<i32>} : memref<256x128xf32, #tpu.memory_space<vmem>>, vector<1x16xf32>,
    %swap3A_655 = arith.constant 13 : i32
    %swap3A_656 = arith.index_cast %swap3A_655 : i32 to index
    %swap3A_657 = arith.constant 80 : index
    %swap3A_658 = tpu.vector_load %arg10[%swap3A_656, %swap3A_657] {strides = array<i32>} : memref<256x128xf32, #tpu.memory_space<vmem>>, vector<1x16xf32>,
    %swap3A_659 = vector.shape_cast %swap3A_658 : vector<1x16xf32> to vector<16xf32>
    %swap3A_660 = vector.shape_cast %broadcast_in_dim3A_1 : vector<16xf32> to vector<1x16xf32>
    tpu.vector_store %arg10[%swap3A_656, %swap3A_657], %swap3A_660 {strides = array<i32>} : memref<256x128xf32, #tpu.memory_space<vmem>>, vector<1x16xf32>,
    %swap3A_661 = arith.constant 13 : i32
    %swap3A_662 = arith.index_cast %swap3A_661 : i32 to index
    %swap3A_663 = arith.constant 96 : index
    %swap3A_664 = tpu.vector_load %arg10[%swap3A_662, %swap3A_663] {strides = array<i32>} : memref<256x128xf32, #tpu.memory_space<vmem>>, vector<1x16xf32>,
    %swap3A_665 = vector.shape_cast %swap3A_664 : vector<1x16xf32> to vector<16xf32>
    %swap3A_666 = vector.shape_cast %broadcast_in_dim3A_1 : vector<16xf32> to vector<1x16xf32>
    tpu.vector_store %arg10[%swap3A_662, %swap3A_663], %swap3A_666 {strides = array<i32>} : memref<256x128xf32, #tpu.memory_space<vmem>>, vector<1x16xf32>,
    %swap3A_667 = arith.constant 13 : i32
    %swap3A_668 = arith.index_cast %swap3A_667 : i32 to index
    %swap3A_669 = arith.constant 112 : index
    %swap3A_670 = tpu.vector_load %arg10[%swap3A_668, %swap3A_669] {strides = array<i32>} : memref<256x128xf32, #tpu.memory_space<vmem>>, vector<1x16xf32>,
    %swap3A_671 = vector.shape_cast %swap3A_670 : vector<1x16xf32> to vector<16xf32>
    %swap3A_672 = vector.shape_cast %broadcast_in_dim3A_1 : vector<16xf32> to vector<1x16xf32>
    tpu.vector_store %arg10[%swap3A_668, %swap3A_669], %swap3A_672 {strides = array<i32>} : memref<256x128xf32, #tpu.memory_space<vmem>>, vector<1x16xf32>,
    %swap3A_673 = arith.constant 14 : i32
    %swap3A_674 = arith.index_cast %swap3A_673 : i32 to index
    %swap3A_675 = arith.constant 0 : index
    %swap3A_676 = tpu.vector_load %arg10[%swap3A_674, %swap3A_675] {strides = array<i32>} : memref<256x128xf32, #tpu.memory_space<vmem>>, vector<1x16xf32>,
    %swap3A_677 = vector.shape_cast %swap3A_676 : vector<1x16xf32> to vector<16xf32>
    %swap3A_678 = vector.shape_cast %broadcast_in_dim3A_1 : vector<16xf32> to vector<1x16xf32>
    tpu.vector_store %arg10[%swap3A_674, %swap3A_675], %swap3A_678 {strides = array<i32>} : memref<256x128xf32, #tpu.memory_space<vmem>>, vector<1x16xf32>,
    %swap3A_679 = arith.constant 14 : i32
    %swap3A_680 = arith.index_cast %swap3A_679 : i32 to index
    %swap3A_681 = arith.constant 16 : index
    %swap3A_682 = tpu.vector_load %arg10[%swap3A_680, %swap3A_681] {strides = array<i32>} : memref<256x128xf32, #tpu.memory_space<vmem>>, vector<1x16xf32>,
    %swap3A_683 = vector.shape_cast %swap3A_682 : vector<1x16xf32> to vector<16xf32>
    %swap3A_684 = vector.shape_cast %broadcast_in_dim3A_1 : vector<16xf32> to vector<1x16xf32>
    tpu.vector_store %arg10[%swap3A_680, %swap3A_681], %swap3A_684 {strides = array<i32>} : memref<256x128xf32, #tpu.memory_space<vmem>>, vector<1x16xf32>,
    %swap3A_685 = arith.constant 14 : i32
    %swap3A_686 = arith.index_cast %swap3A_685 : i32 to index
    %swap3A_687 = arith.constant 32 : index
    %swap3A_688 = tpu.vector_load %arg10[%swap3A_686, %swap3A_687] {strides = array<i32>} : memref<256x128xf32, #tpu.memory_space<vmem>>, vector<1x16xf32>,
    %swap3A_689 = vector.shape_cast %swap3A_688 : vector<1x16xf32> to vector<16xf32>
    %swap3A_690 = vector.shape_cast %broadcast_in_dim3A_1 : vector<16xf32> to vector<1x16xf32>
    tpu.vector_store %arg10[%swap3A_686, %swap3A_687], %swap3A_690 {strides = array<i32>} : memref<256x128xf32, #tpu.memory_space<vmem>>, vector<1x16xf32>,
    %swap3A_691 = arith.constant 14 : i32
    %swap3A_692 = arith.index_cast %swap3A_691 : i32 to index
    %swap3A_693 = arith.constant 48 : index
    %swap3A_694 = tpu.vector_load %arg10[%swap3A_692, %swap3A_693] {strides = array<i32>} : memref<256x128xf32, #tpu.memory_space<vmem>>, vector<1x16xf32>,
    %swap3A_695 = vector.shape_cast %swap3A_694 : vector<1x16xf32> to vector<16xf32>
    %swap3A_696 = vector.shape_cast %broadcast_in_dim3A_1 : vector<16xf32> to vector<1x16xf32>
    tpu.vector_store %arg10[%swap3A_692, %swap3A_693], %swap3A_696 {strides = array<i32>} : memref<256x128xf32, #tpu.memory_space<vmem>>, vector<1x16xf32>,
    %swap3A_697 = arith.constant 14 : i32
    %swap3A_698 = arith.index_cast %swap3A_697 : i32 to index
    %swap3A_699 = arith.constant 64 : index
    %swap3A_700 = tpu.vector_load %arg10[%swap3A_698, %swap3A_699] {strides = array<i32>} : memref<256x128xf32, #tpu.memory_space<vmem>>, vector<1x16xf32>,
    %swap3A_701 = vector.shape_cast %swap3A_700 : vector<1x16xf32> to vector<16xf32>
    %swap3A_702 = vector.shape_cast %broadcast_in_dim3A_1 : vector<16xf32> to vector<1x16xf32>
    tpu.vector_store %arg10[%swap3A_698, %swap3A_699], %swap3A_702 {strides = array<i32>} : memref<256x128xf32, #tpu.memory_space<vmem>>, vector<1x16xf32>,
    %swap3A_703 = arith.constant 14 : i32
    %swap3A_704 = arith.index_cast %swap3A_703 : i32 to index
    %swap3A_705 = arith.constant 80 : index
    %swap3A_706 = tpu.vector_load %arg10[%swap3A_704, %swap3A_705] {strides = array<i32>} : memref<256x128xf32, #tpu.memory_space<vmem>>, vector<1x16xf32>,
    %swap3A_707 = vector.shape_cast %swap3A_706 : vector<1x16xf32> to vector<16xf32>
    %swap3A_708 = vector.shape_cast %broadcast_in_dim3A_1 : vector<16xf32> to vector<1x16xf32>
    tpu.vector_store %arg10[%swap3A_704, %swap3A_705], %swap3A_708 {strides = array<i32>} : memref<256x128xf32, #tpu.memory_space<vmem>>, vector<1x16xf32>,
    %swap3A_709 = arith.constant 14 : i32
    %swap3A_710 = arith.index_cast %swap3A_709 : i32 to index
    %swap3A_711 = arith.constant 96 : index
    %swap3A_712 = tpu.vector_load %arg10[%swap3A_710, %swap3A_711] {strides = array<i32>} : memref<256x128xf32, #tpu.memory_space<vmem>>, vector<1x16xf32>,
    %swap3A_713 = vector.shape_cast %swap3A_712 : vector<1x16xf32> to vector<16xf32>
    %swap3A_714 = vector.shape_cast %broadcast_in_dim3A_1 : vector<16xf32> to vector<1x16xf32>
    tpu.vector_store %arg10[%swap3A_710, %swap3A_711], %swap3A_714 {strides = array<i32>} : memref<256x128xf32, #tpu.memory_space<vmem>>, vector<1x16xf32>,
    %swap3A_715 = arith.constant 14 : i32
    %swap3A_716 = arith.index_cast %swap3A_715 : i32 to index
    %swap3A_717 = arith.constant 112 : index
    %swap3A_718 = tpu.vector_load %arg10[%swap3A_716, %swap3A_717] {strides = array<i32>} : memref<256x128xf32, #tpu.memory_space<vmem>>, vector<1x16xf32>,
    %swap3A_719 = vector.shape_cast %swap3A_718 : vector<1x16xf32> to vector<16xf32>
    %swap3A_720 = vector.shape_cast %broadcast_in_dim3A_1 : vector<16xf32> to vector<1x16xf32>
    tpu.vector_store %arg10[%swap3A_716, %swap3A_717], %swap3A_720 {strides = array<i32>} : memref<256x128xf32, #tpu.memory_space<vmem>>, vector<1x16xf32>,
    %swap3A_721 = arith.constant 15 : i32
    %swap3A_722 = arith.index_cast %swap3A_721 : i32 to index
    %swap3A_723 = arith.constant 0 : index
    %swap3A_724 = tpu.vector_load %arg10[%swap3A_722, %swap3A_723] {strides = array<i32>} : memref<256x128xf32, #tpu.memory_space<vmem>>, vector<1x16xf32>,
    %swap3A_725 = vector.shape_cast %swap3A_724 : vector<1x16xf32> to vector<16xf32>
    %swap3A_726 = vector.shape_cast %broadcast_in_dim3A_1 : vector<16xf32> to vector<1x16xf32>
    tpu.vector_store %arg10[%swap3A_722, %swap3A_723], %swap3A_726 {strides = array<i32>} : memref<256x128xf32, #tpu.memory_space<vmem>>, vector<1x16xf32>,
    %swap3A_727 = arith.constant 15 : i32
    %swap3A_728 = arith.index_cast %swap3A_727 : i32 to index
    %swap3A_729 = arith.constant 16 : index
    %swap3A_730 = tpu.vector_load %arg10[%swap3A_728, %swap3A_729] {strides = array<i32>} : memref<256x128xf32, #tpu.memory_space<vmem>>, vector<1x16xf32>,
    %swap3A_731 = vector.shape_cast %swap3A_730 : vector<1x16xf32> to vector<16xf32>
    %swap3A_732 = vector.shape_cast %broadcast_in_dim3A_1 : vector<16xf32> to vector<1x16xf32>
    tpu.vector_store %arg10[%swap3A_728, %swap3A_729], %swap3A_732 {strides = array<i32>} : memref<256x128xf32, #tpu.memory_space<vmem>>, vector<1x16xf32>,
    %swap3A_733 = arith.constant 15 : i32
    %swap3A_734 = arith.index_cast %swap3A_733 : i32 to index
    %swap3A_735 = arith.constant 32 : index
    %swap3A_736 = tpu.vector_load %arg10[%swap3A_734, %swap3A_735] {strides = array<i32>} : memref<256x128xf32, #tpu.memory_space<vmem>>, vector<1x16xf32>,
    %swap3A_737 = vector.shape_cast %swap3A_736 : vector<1x16xf32> to vector<16xf32>
    %swap3A_738 = vector.shape_cast %broadcast_in_dim3A_1 : vector<16xf32> to vector<1x16xf32>
    tpu.vector_store %arg10[%swap3A_734, %swap3A_735], %swap3A_738 {strides = array<i32>} : memref<256x128xf32, #tpu.memory_space<vmem>>, vector<1x16xf32>,
    %swap3A_739 = arith.constant 15 : i32
    %swap3A_740 = arith.index_cast %swap3A_739 : i32 to index
    %swap3A_741 = arith.constant 48 : index
    %swap3A_742 = tpu.vector_load %arg10[%swap3A_740, %swap3A_741] {strides = array<i32>} : memref<256x128xf32, #tpu.memory_space<vmem>>, vector<1x16xf32>,
    %swap3A_743 = vector.shape_cast %swap3A_742 : vector<1x16xf32> to vector<16xf32>
    %swap3A_744 = vector.shape_cast %broadcast_in_dim3A_1 : vector<16xf32> to vector<1x16xf32>
    tpu.vector_store %arg10[%swap3A_740, %swap3A_741], %swap3A_744 {strides = array<i32>} : memref<256x128xf32, #tpu.memory_space<vmem>>, vector<1x16xf32>,
    %swap3A_745 = arith.constant 15 : i32
    %swap3A_746 = arith.index_cast %swap3A_745 : i32 to index
    %swap3A_747 = arith.constant 64 : index
    %swap3A_748 = tpu.vector_load %arg10[%swap3A_746, %swap3A_747] {strides = array<i32>} : memref<256x128xf32, #tpu.memory_space<vmem>>, vector<1x16xf32>,
    %swap3A_749 = vector.shape_cast %swap3A_748 : vector<1x16xf32> to vector<16xf32>
    %swap3A_750 = vector.shape_cast %broadcast_in_dim3A_1 : vector<16xf32> to vector<1x16xf32>
    tpu.vector_store %arg10[%swap3A_746, %swap3A_747], %swap3A_750 {strides = array<i32>} : memref<256x128xf32, #tpu.memory_space<vmem>>, vector<1x16xf32>,
    %swap3A_751 = arith.constant 15 : i32
    %swap3A_752 = arith.index_cast %swap3A_751 : i32 to index
    %swap3A_753 = arith.constant 80 : index
    %swap3A_754 = tpu.vector_load %arg10[%swap3A_752, %swap3A_753] {strides = array<i32>} : memref<256x128xf32, #tpu.memory_space<vmem>>, vector<1x16xf32>,
    %swap3A_755 = vector.shape_cast %swap3A_754 : vector<1x16xf32> to vector<16xf32>
    %swap3A_756 = vector.shape_cast %broadcast_in_dim3A_1 : vector<16xf32> to vector<1x16xf32>
    tpu.vector_store %arg10[%swap3A_752, %swap3A_753], %swap3A_756 {strides = array<i32>} : memref<256x128xf32, #tpu.memory_space<vmem>>, vector<1x16xf32>,
    %swap3A_757 = arith.constant 15 : i32
    %swap3A_758 = arith.index_cast %swap3A_757 : i32 to index
    %swap3A_759 = arith.constant 96 : index
    %swap3A_760 = tpu.vector_load %arg10[%swap3A_758, %swap3A_759] {strides = array<i32>} : memref<256x128xf32, #tpu.memory_space<vmem>>, vector<1x16xf32>,
    %swap3A_761 = vector.shape_cast %swap3A_760 : vector<1x16xf32> to vector<16xf32>
    %swap3A_762 = vector.shape_cast %broadcast_in_dim3A_1 : vector<16xf32> to vector<1x16xf32>
    tpu.vector_store %arg10[%swap3A_758, %swap3A_759], %swap3A_762 {strides = array<i32>} : memref<256x128xf32, #tpu.memory_space<vmem>>, vector<1x16xf32>,
    %swap3A_763 = arith.constant 15 : i32
    %swap3A_764 = arith.index_cast %swap3A_763 : i32 to index
    %swap3A_765 = arith.constant 112 : index
    %swap3A_766 = tpu.vector_load %arg10[%swap3A_764, %swap3A_765] {strides = array<i32>} : memref<256x128xf32, #tpu.memory_space<vmem>>, vector<1x16xf32>,
    %swap3A_767 = vector.shape_cast %swap3A_766 : vector<1x16xf32> to vector<16xf32>
    %swap3A_768 = vector.shape_cast %broadcast_in_dim3A_1 : vector<16xf32> to vector<1x16xf32>
    tpu.vector_store %arg10[%swap3A_764, %swap3A_765], %swap3A_768 {strides = array<i32>} : memref<256x128xf32, #tpu.memory_space<vmem>>, vector<1x16xf32>,
    %scan3A = arith.constant 0 : i32
    %scan3A_769 = arith.constant 0 : i32
    %scan3A_770 = arith.constant 40 : i32
    %scan3A_771 = arith.addi %scan3A_769, %scan3A_770 : i32
    %scan3A_772 = arith.constant 1 : i32
    scf.for %scan3A_790 = %scan3A_769 to %scan3A_771 step %scan3A_772  : i32 {
      %mul3A_791 = arith.constant 640 : i32
      %mul3A_792 = arith.muli %arg1, %mul3A_791 : i32
      %mul3A_793 = arith.constant 16 : i32
      %mul3A_794 = arith.muli %scan3A_790, %mul3A_793 : i32
      %add3A_795 = arith.addi %mul3A_792, %mul3A_794 : i32
      "tpu.region"() ({
        %run_scoped3A = tpu.sem_alloc : memref<!tpu.dma_semaphore, #tpu.memory_space<semaphore_mem>>
        %dma_start3A = arith.constant 0 : i32
        %dma_start3A_796 = arith.constant 0 : i32
        %dma_start3A_797 = tpu.memref_slice %arg10[%dma_start3A, %dma_start3A_796] : memref<256x128xf32, #tpu.memory_space<vmem>> -> memref<16x128xf32, #tpu.memory_space<vmem>>
        %dma_start3A_798 = arith.constant 0 : i32
        %dma_start3A_799 = tpu.memref_slice %arg11[%add3A_795, %dma_start3A_798] : memref<10240x128xf32, #tpu.memory_space<vmem_shared>> -> memref<16x128xf32, #tpu.memory_space<vmem_shared>>
        %dma_start3A_800 = arith.constant 0 : i32
        %dma_start3A_801 = tpu.memref_slice %arg11[%add3A_795, %dma_start3A_800] : memref<10240x128xf32, #tpu.memory_space<vmem_shared>> -> memref<16x128xf32, #tpu.memory_space<vmem_shared>>
        %dma_start3A_802 = arith.constant 0 : i32
        %dma_start3A_803 = arith.constant 0 : i32
        %dma_start3A_804 = tpu.memref_slice %arg10[%dma_start3A_802, %dma_start3A_803] : memref<256x128xf32, #tpu.memory_space<vmem>> -> memref<16x128xf32, #tpu.memory_space<vmem>>
        tpu.enqueue_dma source(%dma_start3A_804 : memref<16x128xf32, #tpu.memory_space<vmem>>) target(%dma_start3A_801 : memref<16x128xf32, #tpu.memory_space<vmem_shared>>) target_semaphore(%run_scoped3A : memref<!tpu.dma_semaphore, #tpu.memory_space<semaphore_mem>>)
        %dma_wait3A = arith.constant 0 : i32
        %dma_wait3A_805 = arith.constant 0 : i32
        %dma_wait3A_806 = tpu.memref_slice %arg10[%dma_wait3A, %dma_wait3A_805] : memref<256x128xf32, #tpu.memory_space<vmem>> -> memref<16x128xf32, #tpu.memory_space<vmem>>
        %dma_wait3A_807 = arith.constant 0 : i32
        %dma_wait3A_808 = tpu.memref_slice %arg11[%add3A_795, %dma_wait3A_807] : memref<10240x128xf32, #tpu.memory_space<vmem_shared>> -> memref<16x128xf32, #tpu.memory_space<vmem_shared>>
        %dma_wait3A_809 = arith.constant 0 : i32
        %dma_wait3A_810 = tpu.memref_slice %arg11[%add3A_795, %dma_wait3A_809] : memref<10240x128xf32, #tpu.memory_space<vmem_shared>> -> memref<16x128xf32, #tpu.memory_space<vmem_shared>>
        %dma_wait3A_811 = arith.constant 0 : i32
        %dma_wait3A_812 = arith.constant 0 : i32
        %dma_wait3A_813 = tpu.memref_slice %arg10[%dma_wait3A_811, %dma_wait3A_812] : memref<256x128xf32, #tpu.memory_space<vmem>> -> memref<16x128xf32, #tpu.memory_space<vmem>>
        tpu.wait_dma2 semaphore(%run_scoped3A : memref<!tpu.dma_semaphore, #tpu.memory_space<semaphore_mem>>) src(%dma_wait3A_813 : memref<16x128xf32, #tpu.memory_space<vmem>>) dst(%dma_wait3A_810 : memref<16x128xf32, #tpu.memory_space<vmem_shared>>)
        tpu.yield
      }) : () -> ()
    }
    %scan3A_773 = arith.constant 40 : i32
    %barrier3A = arith.constant 0 : index
    tpu.barrier barrier_id(%barrier3A)
    %iota3A = tpu.iota {dimensions = array<i32: 0>} : vector<16xi32>
    %eq3A = arith.constant 4 : i32
    %eq3A_774 = vector.broadcast %eq3A : i32 to vector<16xi32>
    %eq3A_775 = arith.cmpi eq, %iota3A, %eq3A_774 : vector<16xi32>
    %jit3A = arith.constant 1.000000e+00 : f32
    %jit3A_776 = arith.constant 0.000000e+00 : f32
    %broadcast_in_dim3A_777 = vector.broadcast %jit3A : f32 to vector<16xf32>
    %broadcast_in_dim3A_778 = vector.broadcast %jit3A_776 : f32 to vector<16xf32>
    %select_n3A = arith.select %eq3A_775, %broadcast_in_dim3A_777, %broadcast_in_dim3A_778 : vector<16xi1>, vector<16xf32>
    %scan3A_779 = arith.constant 0 : i32
    %scan3A_780 = arith.constant 0 : i32
    %scan3A_781 = arith.constant 20 : i32
    %scan3A_782 = arith.addi %scan3A_780, %scan3A_781 : i32
    %scan3A_783 = arith.constant 1 : i32
    scf.for %scan3A_790 = %scan3A_780 to %scan3A_782 step %scan3A_783  : i32 {
      %mul3A_791 = arith.constant 256 : i32
      %mul3A_792 = arith.muli %scan3A_790, %mul3A_791 : i32
      %dma_start3A = tpu.memref_slice %arg7[%mul3A_792] : memref<5120xi32, #tpu.memory_space<vmem>> -> memref<256xi32, #tpu.memory_space<vmem>>
      %dma_start3A_793 = arith.constant 0 : i32
      %dma_start3A_794 = arith.constant 0 : i32
      %dma_start3A_795 = tpu.memref_slice %arg2[%dma_start3A_793, %dma_start3A_794] : memref<160000x128xf32, #tpu.memory_space<hbm>> -> memref<160000x128xf32, #tpu.memory_space<hbm>>
      tpu.enqueue_indirect_dma source(%dma_start3A_795 : memref<160000x128xf32, #tpu.memory_space<hbm>>) target(%arg10 : memref<256x128xf32, #tpu.memory_space<vmem>>) offsets(%dma_start3A : memref<256xi32, #tpu.memory_space<vmem>>) semaphore(%arg12 : memref<!tpu.dma_semaphore, #tpu.memory_space<semaphore_mem>>)
      %dma_start3A_796 = arith.constant 0 : i32
      %dma_start3A_797 = tpu.memref_slice %arg4[%add3A, %scan3A_790, %dma_start3A_796] : memref<32x20x256xi32, #tpu.memory_space<hbm>> -> memref<1x1x256xi32, #tpu.memory_space<hbm>>
      %dma_start3A_798 = tpu.memref_squeeze %dma_start3A_797 : memref<1x1x256xi32, #tpu.memory_space<hbm>> -> memref<256xi32, #tpu.memory_space<hbm>>
      %dma_start3A_799 = arith.constant 0 : i32
      %dma_start3A_800 = tpu.memref_slice %arg4[%add3A, %scan3A_790, %dma_start3A_799] : memref<32x20x256xi32, #tpu.memory_space<hbm>> -> memref<1x1x256xi32, #tpu.memory_space<hbm>>
      %dma_start3A_801 = tpu.memref_squeeze %dma_start3A_800 : memref<1x1x256xi32, #tpu.memory_space<hbm>> -> memref<256xi32, #tpu.memory_space<hbm>>
      tpu.enqueue_dma source(%dma_start3A_801 : memref<256xi32, #tpu.memory_space<hbm>>) target(%arg8 : memref<256xi32, #tpu.memory_space<vmem>>) target_semaphore(%arg13 : memref<!tpu.dma_semaphore, #tpu.memory_space<semaphore_mem>>)
      %mul3A_802 = arith.constant 32 : i32
      %mul3A_803 = arith.muli %scan3A_790, %mul3A_802 : i32
      "tpu.region"() ({
        %run_scoped3A = tpu.sem_alloc : memref<!tpu.dma_semaphore, #tpu.memory_space<semaphore_mem>>
        %dma_start3A_819 = arith.constant 0 : i32
        %dma_start3A_820 = tpu.memref_slice %arg5[%add3A, %mul3A_803, %dma_start3A_819] : memref<32x640x128xf32, #tpu.memory_space<hbm>> -> memref<1x32x128xf32, #tpu.memory_space<hbm>>
        %dma_start3A_821 = tpu.memref_squeeze %dma_start3A_820 : memref<1x32x128xf32, #tpu.memory_space<hbm>> -> memref<32x128xf32, #tpu.memory_space<hbm>>
        %dma_start3A_822 = arith.constant 0 : i32
        %dma_start3A_823 = tpu.memref_slice %arg5[%add3A, %mul3A_803, %dma_start3A_822] : memref<32x640x128xf32, #tpu.memory_space<hbm>> -> memref<1x32x128xf32, #tpu.memory_space<hbm>>
        %dma_start3A_824 = tpu.memref_squeeze %dma_start3A_823 : memref<1x32x128xf32, #tpu.memory_space<hbm>> -> memref<32x128xf32, #tpu.memory_space<hbm>>
        tpu.enqueue_dma source(%dma_start3A_824 : memref<32x128xf32, #tpu.memory_space<hbm>>) target(%arg9 : memref<32x128xf32, #tpu.memory_space<vmem>>) target_semaphore(%run_scoped3A : memref<!tpu.dma_semaphore, #tpu.memory_space<semaphore_mem>>)
        %dma_wait3A_825 = arith.constant 0 : i32
        %dma_wait3A_826 = tpu.memref_slice %arg5[%add3A, %mul3A_803, %dma_wait3A_825] : memref<32x640x128xf32, #tpu.memory_space<hbm>> -> memref<1x32x128xf32, #tpu.memory_space<hbm>>
        %dma_wait3A_827 = tpu.memref_squeeze %dma_wait3A_826 : memref<1x32x128xf32, #tpu.memory_space<hbm>> -> memref<32x128xf32, #tpu.memory_space<hbm>>
        %dma_wait3A_828 = arith.constant 0 : i32
        %dma_wait3A_829 = tpu.memref_slice %arg5[%add3A, %mul3A_803, %dma_wait3A_828] : memref<32x640x128xf32, #tpu.memory_space<hbm>> -> memref<1x32x128xf32, #tpu.memory_space<hbm>>
        %dma_wait3A_830 = tpu.memref_squeeze %dma_wait3A_829 : memref<1x32x128xf32, #tpu.memory_space<hbm>> -> memref<32x128xf32, #tpu.memory_space<hbm>>
        tpu.wait_dma2 semaphore(%run_scoped3A : memref<!tpu.dma_semaphore, #tpu.memory_space<semaphore_mem>>) src(%dma_wait3A_830 : memref<32x128xf32, #tpu.memory_space<hbm>>) dst(%arg9 : memref<32x128xf32, #tpu.memory_space<vmem>>)
        tpu.yield
      }) : () -> ()
      %dma_wait3A = tpu.memref_slice %arg7[%mul3A_792] : memref<5120xi32, #tpu.memory_space<vmem>> -> memref<256xi32, #tpu.memory_space<vmem>>
      %dma_wait3A_804 = arith.constant 0 : i32
      %dma_wait3A_805 = arith.constant 0 : i32
      %dma_wait3A_806 = tpu.memref_slice %arg2[%dma_wait3A_804, %dma_wait3A_805] : memref<160000x128xf32, #tpu.memory_space<hbm>> -> memref<160000x128xf32, #tpu.memory_space<hbm>>
      tpu.wait_indirect_dma semaphore(%arg12 : memref<!tpu.dma_semaphore, #tpu.memory_space<semaphore_mem>>) src(%dma_wait3A_806 : memref<160000x128xf32, #tpu.memory_space<hbm>>) dst(%arg10 : memref<256x128xf32, #tpu.memory_space<vmem>>)
      %scan3A_807 = arith.constant 0 : i32
      %scan3A_808 = arith.constant 0 : i32
      %scan3A_809 = arith.constant 32 : i32
      %scan3A_810 = arith.addi %scan3A_808, %scan3A_809 : i32
      %scan3A_811 = arith.constant 1 : i32
      scf.for %scan3A_819 = %scan3A_808 to %scan3A_810 step %scan3A_811  : i32 {
        %mul3A_820 = arith.constant 8 : i32
        %mul3A_821 = arith.muli %scan3A_819, %mul3A_820 : i32
        %add3A_822 = arith.constant 0 : i32
        %add3A_823 = arith.addi %mul3A_821, %add3A_822 : i32
        %get3A = arith.index_cast %scan3A_819 : i32 to index
        %get3A_824 = arith.constant 0 : index
        %get3A_825 = tpu.vector_load %arg9[%get3A, %get3A_824] {strides = array<i32>} : memref<32x128xf32, #tpu.memory_space<vmem>>, vector<1x16xf32>,
        %get3A_826 = vector.shape_cast %get3A_825 : vector<1x16xf32> to vector<16xf32>
        %get3A_827 = arith.index_cast %add3A_823 : i32 to index
        %get3A_828 = arith.constant 0 : index
        %get3A_829 = tpu.vector_load %arg10[%get3A_827, %get3A_828] {strides = array<i32>} : memref<256x128xf32, #tpu.memory_space<vmem>>, vector<1x16xf32>,
        %get3A_830 = vector.shape_cast %get3A_829 : vector<1x16xf32> to vector<16xf32>
        %mul3A_831 = arith.mulf %get3A_830, %get3A_826 : vector<16xf32>
        %swap3A_832 = arith.index_cast %add3A_823 : i32 to index
        %swap3A_833 = arith.constant 0 : index
        %swap3A_834 = tpu.vector_load %arg10[%swap3A_832, %swap3A_833] {strides = array<i32>} : memref<256x128xf32, #tpu.memory_space<vmem>>, vector<1x16xf32>,
        %swap3A_835 = vector.shape_cast %swap3A_834 : vector<1x16xf32> to vector<16xf32>
        %swap3A_836 = vector.shape_cast %mul3A_831 : vector<16xf32> to vector<1x16xf32>
        tpu.vector_store %arg10[%swap3A_832, %swap3A_833], %swap3A_836 {strides = array<i32>} : memref<256x128xf32, #tpu.memory_space<vmem>>, vector<1x16xf32>,
        %get3A_837 = arith.index_cast %add3A_823 : i32 to index
        %get3A_838 = arith.constant 16 : index
        %get3A_839 = tpu.vector_load %arg10[%get3A_837, %get3A_838] {strides = array<i32>} : memref<256x128xf32, #tpu.memory_space<vmem>>, vector<1x16xf32>,
        %get3A_840 = vector.shape_cast %get3A_839 : vector<1x16xf32> to vector<16xf32>
        %mul3A_841 = arith.mulf %get3A_840, %get3A_826 : vector<16xf32>
        %swap3A_842 = arith.index_cast %add3A_823 : i32 to index
        %swap3A_843 = arith.constant 16 : index
        %swap3A_844 = tpu.vector_load %arg10[%swap3A_842, %swap3A_843] {strides = array<i32>} : memref<256x128xf32, #tpu.memory_space<vmem>>, vector<1x16xf32>,
        %swap3A_845 = vector.shape_cast %swap3A_844 : vector<1x16xf32> to vector<16xf32>
        %swap3A_846 = vector.shape_cast %mul3A_841 : vector<16xf32> to vector<1x16xf32>
        tpu.vector_store %arg10[%swap3A_842, %swap3A_843], %swap3A_846 {strides = array<i32>} : memref<256x128xf32, #tpu.memory_space<vmem>>, vector<1x16xf32>,
        %get3A_847 = arith.index_cast %add3A_823 : i32 to index
        %get3A_848 = arith.constant 32 : index
        %get3A_849 = tpu.vector_load %arg10[%get3A_847, %get3A_848] {strides = array<i32>} : memref<256x128xf32, #tpu.memory_space<vmem>>, vector<1x16xf32>,
        %get3A_850 = vector.shape_cast %get3A_849 : vector<1x16xf32> to vector<16xf32>
        %mul3A_851 = arith.mulf %get3A_850, %get3A_826 : vector<16xf32>
        %swap3A_852 = arith.index_cast %add3A_823 : i32 to index
        %swap3A_853 = arith.constant 32 : index
        %swap3A_854 = tpu.vector_load %arg10[%swap3A_852, %swap3A_853] {strides = array<i32>} : memref<256x128xf32, #tpu.memory_space<vmem>>, vector<1x16xf32>,
        %swap3A_855 = vector.shape_cast %swap3A_854 : vector<1x16xf32> to vector<16xf32>
        %swap3A_856 = vector.shape_cast %mul3A_851 : vector<16xf32> to vector<1x16xf32>
        tpu.vector_store %arg10[%swap3A_852, %swap3A_853], %swap3A_856 {strides = array<i32>} : memref<256x128xf32, #tpu.memory_space<vmem>>, vector<1x16xf32>,
        %get3A_857 = arith.index_cast %add3A_823 : i32 to index
        %get3A_858 = arith.constant 48 : index
        %get3A_859 = tpu.vector_load %arg10[%get3A_857, %get3A_858] {strides = array<i32>} : memref<256x128xf32, #tpu.memory_space<vmem>>, vector<1x16xf32>,
        %get3A_860 = vector.shape_cast %get3A_859 : vector<1x16xf32> to vector<16xf32>
        %mul3A_861 = arith.mulf %get3A_860, %get3A_826 : vector<16xf32>
        %swap3A_862 = arith.index_cast %add3A_823 : i32 to index
        %swap3A_863 = arith.constant 48 : index
        %swap3A_864 = tpu.vector_load %arg10[%swap3A_862, %swap3A_863] {strides = array<i32>} : memref<256x128xf32, #tpu.memory_space<vmem>>, vector<1x16xf32>,
        %swap3A_865 = vector.shape_cast %swap3A_864 : vector<1x16xf32> to vector<16xf32>
        %swap3A_866 = vector.shape_cast %mul3A_861 : vector<16xf32> to vector<1x16xf32>
        tpu.vector_store %arg10[%swap3A_862, %swap3A_863], %swap3A_866 {strides = array<i32>} : memref<256x128xf32, #tpu.memory_space<vmem>>, vector<1x16xf32>,
        %get3A_867 = arith.index_cast %add3A_823 : i32 to index
        %get3A_868 = arith.constant 64 : index
        %get3A_869 = tpu.vector_load %arg10[%get3A_867, %get3A_868] {strides = array<i32>} : memref<256x128xf32, #tpu.memory_space<vmem>>, vector<1x16xf32>,
        %get3A_870 = vector.shape_cast %get3A_869 : vector<1x16xf32> to vector<16xf32>
        %mul3A_871 = arith.mulf %get3A_870, %get3A_826 : vector<16xf32>
        %swap3A_872 = arith.index_cast %add3A_823 : i32 to index
        %swap3A_873 = arith.constant 64 : index
        %swap3A_874 = tpu.vector_load %arg10[%swap3A_872, %swap3A_873] {strides = array<i32>} : memref<256x128xf32, #tpu.memory_space<vmem>>, vector<1x16xf32>,
        %swap3A_875 = vector.shape_cast %swap3A_874 : vector<1x16xf32> to vector<16xf32>
        %swap3A_876 = vector.shape_cast %mul3A_871 : vector<16xf32> to vector<1x16xf32>
        tpu.vector_store %arg10[%swap3A_872, %swap3A_873], %swap3A_876 {strides = array<i32>} : memref<256x128xf32, #tpu.memory_space<vmem>>, vector<1x16xf32>,
        %get3A_877 = arith.index_cast %add3A_823 : i32 to index
        %get3A_878 = arith.constant 80 : index
        %get3A_879 = tpu.vector_load %arg10[%get3A_877, %get3A_878] {strides = array<i32>} : memref<256x128xf32, #tpu.memory_space<vmem>>, vector<1x16xf32>,
        %get3A_880 = vector.shape_cast %get3A_879 : vector<1x16xf32> to vector<16xf32>
        %mul3A_881 = arith.mulf %get3A_880, %get3A_826 : vector<16xf32>
        %swap3A_882 = arith.index_cast %add3A_823 : i32 to index
        %swap3A_883 = arith.constant 80 : index
        %swap3A_884 = tpu.vector_load %arg10[%swap3A_882, %swap3A_883] {strides = array<i32>} : memref<256x128xf32, #tpu.memory_space<vmem>>, vector<1x16xf32>,
        %swap3A_885 = vector.shape_cast %swap3A_884 : vector<1x16xf32> to vector<16xf32>
        %swap3A_886 = vector.shape_cast %mul3A_881 : vector<16xf32> to vector<1x16xf32>
        tpu.vector_store %arg10[%swap3A_882, %swap3A_883], %swap3A_886 {strides = array<i32>} : memref<256x128xf32, #tpu.memory_space<vmem>>, vector<1x16xf32>,
        %get3A_887 = arith.index_cast %add3A_823 : i32 to index
        %get3A_888 = arith.constant 96 : index
        %get3A_889 = tpu.vector_load %arg10[%get3A_887, %get3A_888] {strides = array<i32>} : memref<256x128xf32, #tpu.memory_space<vmem>>, vector<1x16xf32>,
        %get3A_890 = vector.shape_cast %get3A_889 : vector<1x16xf32> to vector<16xf32>
        %mul3A_891 = arith.mulf %get3A_890, %get3A_826 : vector<16xf32>
        %add3A_892 = arith.addf %mul3A_891, %select_n3A : vector<16xf32>
        %swap3A_893 = arith.index_cast %add3A_823 : i32 to index
        %swap3A_894 = arith.constant 96 : index
        %swap3A_895 = tpu.vector_load %arg10[%swap3A_893, %swap3A_894] {strides = array<i32>} : memref<256x128xf32, #tpu.memory_space<vmem>>, vector<1x16xf32>,
        %swap3A_896 = vector.shape_cast %swap3A_895 : vector<1x16xf32> to vector<16xf32>
        %swap3A_897 = vector.shape_cast %add3A_892 : vector<16xf32> to vector<1x16xf32>
        tpu.vector_store %arg10[%swap3A_893, %swap3A_894], %swap3A_897 {strides = array<i32>} : memref<256x128xf32, #tpu.memory_space<vmem>>, vector<1x16xf32>,
        %get3A_898 = arith.index_cast %add3A_823 : i32 to index
        %get3A_899 = arith.constant 112 : index
        %get3A_900 = tpu.vector_load %arg10[%get3A_898, %get3A_899] {strides = array<i32>} : memref<256x128xf32, #tpu.memory_space<vmem>>, vector<1x16xf32>,
        %get3A_901 = vector.shape_cast %get3A_900 : vector<1x16xf32> to vector<16xf32>
        %mul3A_902 = arith.mulf %get3A_901, %get3A_826 : vector<16xf32>
        %swap3A_903 = arith.index_cast %add3A_823 : i32 to index
        %swap3A_904 = arith.constant 112 : index
        %swap3A_905 = tpu.vector_load %arg10[%swap3A_903, %swap3A_904] {strides = array<i32>} : memref<256x128xf32, #tpu.memory_space<vmem>>, vector<1x16xf32>,
        %swap3A_906 = vector.shape_cast %swap3A_905 : vector<1x16xf32> to vector<16xf32>
        %swap3A_907 = vector.shape_cast %mul3A_902 : vector<16xf32> to vector<1x16xf32>
        tpu.vector_store %arg10[%swap3A_903, %swap3A_904], %swap3A_907 {strides = array<i32>} : memref<256x128xf32, #tpu.memory_space<vmem>>, vector<1x16xf32>,
        %mul3A_908 = arith.constant 8 : i32
        %mul3A_909 = arith.muli %scan3A_819, %mul3A_908 : i32
        %add3A_910 = arith.constant 1 : i32
        %add3A_911 = arith.addi %mul3A_909, %add3A_910 : i32
        %get3A_912 = arith.index_cast %scan3A_819 : i32 to index
        %get3A_913 = arith.constant 16 : index
        %get3A_914 = tpu.vector_load %arg9[%get3A_912, %get3A_913] {strides = array<i32>} : memref<32x128xf32, #tpu.memory_space<vmem>>, vector<1x16xf32>,
        %get3A_915 = vector.shape_cast %get3A_914 : vector<1x16xf32> to vector<16xf32>
        %get3A_916 = arith.index_cast %add3A_911 : i32 to index
        %get3A_917 = arith.constant 0 : index
        %get3A_918 = tpu.vector_load %arg10[%get3A_916, %get3A_917] {strides = array<i32>} : memref<256x128xf32, #tpu.memory_space<vmem>>, vector<1x16xf32>,
        %get3A_919 = vector.shape_cast %get3A_918 : vector<1x16xf32> to vector<16xf32>
        %mul3A_920 = arith.mulf %get3A_919, %get3A_915 : vector<16xf32>
        %swap3A_921 = arith.index_cast %add3A_911 : i32 to index
        %swap3A_922 = arith.constant 0 : index
        %swap3A_923 = tpu.vector_load %arg10[%swap3A_921, %swap3A_922] {strides = array<i32>} : memref<256x128xf32, #tpu.memory_space<vmem>>, vector<1x16xf32>,
        %swap3A_924 = vector.shape_cast %swap3A_923 : vector<1x16xf32> to vector<16xf32>
        %swap3A_925 = vector.shape_cast %mul3A_920 : vector<16xf32> to vector<1x16xf32>
        tpu.vector_store %arg10[%swap3A_921, %swap3A_922], %swap3A_925 {strides = array<i32>} : memref<256x128xf32, #tpu.memory_space<vmem>>, vector<1x16xf32>,
        %get3A_926 = arith.index_cast %add3A_911 : i32 to index
        %get3A_927 = arith.constant 16 : index
        %get3A_928 = tpu.vector_load %arg10[%get3A_926, %get3A_927] {strides = array<i32>} : memref<256x128xf32, #tpu.memory_space<vmem>>, vector<1x16xf32>,
        %get3A_929 = vector.shape_cast %get3A_928 : vector<1x16xf32> to vector<16xf32>
        %mul3A_930 = arith.mulf %get3A_929, %get3A_915 : vector<16xf32>
        %swap3A_931 = arith.index_cast %add3A_911 : i32 to index
        %swap3A_932 = arith.constant 16 : index
        %swap3A_933 = tpu.vector_load %arg10[%swap3A_931, %swap3A_932] {strides = array<i32>} : memref<256x128xf32, #tpu.memory_space<vmem>>, vector<1x16xf32>,
        %swap3A_934 = vector.shape_cast %swap3A_933 : vector<1x16xf32> to vector<16xf32>
        %swap3A_935 = vector.shape_cast %mul3A_930 : vector<16xf32> to vector<1x16xf32>
        tpu.vector_store %arg10[%swap3A_931, %swap3A_932], %swap3A_935 {strides = array<i32>} : memref<256x128xf32, #tpu.memory_space<vmem>>, vector<1x16xf32>,
        %get3A_936 = arith.index_cast %add3A_911 : i32 to index
        %get3A_937 = arith.constant 32 : index
        %get3A_938 = tpu.vector_load %arg10[%get3A_936, %get3A_937] {strides = array<i32>} : memref<256x128xf32, #tpu.memory_space<vmem>>, vector<1x16xf32>,
        %get3A_939 = vector.shape_cast %get3A_938 : vector<1x16xf32> to vector<16xf32>
        %mul3A_940 = arith.mulf %get3A_939, %get3A_915 : vector<16xf32>
        %swap3A_941 = arith.index_cast %add3A_911 : i32 to index
        %swap3A_942 = arith.constant 32 : index
        %swap3A_943 = tpu.vector_load %arg10[%swap3A_941, %swap3A_942] {strides = array<i32>} : memref<256x128xf32, #tpu.memory_space<vmem>>, vector<1x16xf32>,
        %swap3A_944 = vector.shape_cast %swap3A_943 : vector<1x16xf32> to vector<16xf32>
        %swap3A_945 = vector.shape_cast %mul3A_940 : vector<16xf32> to vector<1x16xf32>
        tpu.vector_store %arg10[%swap3A_941, %swap3A_942], %swap3A_945 {strides = array<i32>} : memref<256x128xf32, #tpu.memory_space<vmem>>, vector<1x16xf32>,
        %get3A_946 = arith.index_cast %add3A_911 : i32 to index
        %get3A_947 = arith.constant 48 : index
        %get3A_948 = tpu.vector_load %arg10[%get3A_946, %get3A_947] {strides = array<i32>} : memref<256x128xf32, #tpu.memory_space<vmem>>, vector<1x16xf32>,
        %get3A_949 = vector.shape_cast %get3A_948 : vector<1x16xf32> to vector<16xf32>
        %mul3A_950 = arith.mulf %get3A_949, %get3A_915 : vector<16xf32>
        %swap3A_951 = arith.index_cast %add3A_911 : i32 to index
        %swap3A_952 = arith.constant 48 : index
        %swap3A_953 = tpu.vector_load %arg10[%swap3A_951, %swap3A_952] {strides = array<i32>} : memref<256x128xf32, #tpu.memory_space<vmem>>, vector<1x16xf32>,
        %swap3A_954 = vector.shape_cast %swap3A_953 : vector<1x16xf32> to vector<16xf32>
        %swap3A_955 = vector.shape_cast %mul3A_950 : vector<16xf32> to vector<1x16xf32>
        tpu.vector_store %arg10[%swap3A_951, %swap3A_952], %swap3A_955 {strides = array<i32>} : memref<256x128xf32, #tpu.memory_space<vmem>>, vector<1x16xf32>,
        %get3A_956 = arith.index_cast %add3A_911 : i32 to index
        %get3A_957 = arith.constant 64 : index
        %get3A_958 = tpu.vector_load %arg10[%get3A_956, %get3A_957] {strides = array<i32>} : memref<256x128xf32, #tpu.memory_space<vmem>>, vector<1x16xf32>,
        %get3A_959 = vector.shape_cast %get3A_958 : vector<1x16xf32> to vector<16xf32>
        %mul3A_960 = arith.mulf %get3A_959, %get3A_915 : vector<16xf32>
        %swap3A_961 = arith.index_cast %add3A_911 : i32 to index
        %swap3A_962 = arith.constant 64 : index
        %swap3A_963 = tpu.vector_load %arg10[%swap3A_961, %swap3A_962] {strides = array<i32>} : memref<256x128xf32, #tpu.memory_space<vmem>>, vector<1x16xf32>,
        %swap3A_964 = vector.shape_cast %swap3A_963 : vector<1x16xf32> to vector<16xf32>
        %swap3A_965 = vector.shape_cast %mul3A_960 : vector<16xf32> to vector<1x16xf32>
        tpu.vector_store %arg10[%swap3A_961, %swap3A_962], %swap3A_965 {strides = array<i32>} : memref<256x128xf32, #tpu.memory_space<vmem>>, vector<1x16xf32>,
        %get3A_966 = arith.index_cast %add3A_911 : i32 to index
        %get3A_967 = arith.constant 80 : index
        %get3A_968 = tpu.vector_load %arg10[%get3A_966, %get3A_967] {strides = array<i32>} : memref<256x128xf32, #tpu.memory_space<vmem>>, vector<1x16xf32>,
        %get3A_969 = vector.shape_cast %get3A_968 : vector<1x16xf32> to vector<16xf32>
        %mul3A_970 = arith.mulf %get3A_969, %get3A_915 : vector<16xf32>
        %swap3A_971 = arith.index_cast %add3A_911 : i32 to index
        %swap3A_972 = arith.constant 80 : index
        %swap3A_973 = tpu.vector_load %arg10[%swap3A_971, %swap3A_972] {strides = array<i32>} : memref<256x128xf32, #tpu.memory_space<vmem>>, vector<1x16xf32>,
        %swap3A_974 = vector.shape_cast %swap3A_973 : vector<1x16xf32> to vector<16xf32>
        %swap3A_975 = vector.shape_cast %mul3A_970 : vector<16xf32> to vector<1x16xf32>
        tpu.vector_store %arg10[%swap3A_971, %swap3A_972], %swap3A_975 {strides = array<i32>} : memref<256x128xf32, #tpu.memory_space<vmem>>, vector<1x16xf32>,
        %get3A_976 = arith.index_cast %add3A_911 : i32 to index
        %get3A_977 = arith.constant 96 : index
        %get3A_978 = tpu.vector_load %arg10[%get3A_976, %get3A_977] {strides = array<i32>} : memref<256x128xf32, #tpu.memory_space<vmem>>, vector<1x16xf32>,
        %get3A_979 = vector.shape_cast %get3A_978 : vector<1x16xf32> to vector<16xf32>
        %mul3A_980 = arith.mulf %get3A_979, %get3A_915 : vector<16xf32>
        %add3A_981 = arith.addf %mul3A_980, %select_n3A : vector<16xf32>
        %swap3A_982 = arith.index_cast %add3A_911 : i32 to index
        %swap3A_983 = arith.constant 96 : index
        %swap3A_984 = tpu.vector_load %arg10[%swap3A_982, %swap3A_983] {strides = array<i32>} : memref<256x128xf32, #tpu.memory_space<vmem>>, vector<1x16xf32>,
        %swap3A_985 = vector.shape_cast %swap3A_984 : vector<1x16xf32> to vector<16xf32>
        %swap3A_986 = vector.shape_cast %add3A_981 : vector<16xf32> to vector<1x16xf32>
        tpu.vector_store %arg10[%swap3A_982, %swap3A_983], %swap3A_986 {strides = array<i32>} : memref<256x128xf32, #tpu.memory_space<vmem>>, vector<1x16xf32>,
        %get3A_987 = arith.index_cast %add3A_911 : i32 to index
        %get3A_988 = arith.constant 112 : index
        %get3A_989 = tpu.vector_load %arg10[%get3A_987, %get3A_988] {strides = array<i32>} : memref<256x128xf32, #tpu.memory_space<vmem>>, vector<1x16xf32>,
        %get3A_990 = vector.shape_cast %get3A_989 : vector<1x16xf32> to vector<16xf32>
        %mul3A_991 = arith.mulf %get3A_990, %get3A_915 : vector<16xf32>
        %swap3A_992 = arith.index_cast %add3A_911 : i32 to index
        %swap3A_993 = arith.constant 112 : index
        %swap3A_994 = tpu.vector_load %arg10[%swap3A_992, %swap3A_993] {strides = array<i32>} : memref<256x128xf32, #tpu.memory_space<vmem>>, vector<1x16xf32>,
        %swap3A_995 = vector.shape_cast %swap3A_994 : vector<1x16xf32> to vector<16xf32>
        %swap3A_996 = vector.shape_cast %mul3A_991 : vector<16xf32> to vector<1x16xf32>
        tpu.vector_store %arg10[%swap3A_992, %swap3A_993], %swap3A_996 {strides = array<i32>} : memref<256x128xf32, #tpu.memory_space<vmem>>, vector<1x16xf32>,
        %mul3A_997 = arith.constant 8 : i32
        %mul3A_998 = arith.muli %scan3A_819, %mul3A_997 : i32
        %add3A_999 = arith.constant 2 : i32
        %add3A_1000 = arith.addi %mul3A_998, %add3A_999 : i32
        %get3A_1001 = arith.index_cast %scan3A_819 : i32 to index
        %get3A_1002 = arith.constant 32 : index
        %get3A_1003 = tpu.vector_load %arg9[%get3A_1001, %get3A_1002] {strides = array<i32>} : memref<32x128xf32, #tpu.memory_space<vmem>>, vector<1x16xf32>,
        %get3A_1004 = vector.shape_cast %get3A_1003 : vector<1x16xf32> to vector<16xf32>
        %get3A_1005 = arith.index_cast %add3A_1000 : i32 to index
        %get3A_1006 = arith.constant 0 : index
        %get3A_1007 = tpu.vector_load %arg10[%get3A_1005, %get3A_1006] {strides = array<i32>} : memref<256x128xf32, #tpu.memory_space<vmem>>, vector<1x16xf32>,
        %get3A_1008 = vector.shape_cast %get3A_1007 : vector<1x16xf32> to vector<16xf32>
        %mul3A_1009 = arith.mulf %get3A_1008, %get3A_1004 : vector<16xf32>
        %swap3A_1010 = arith.index_cast %add3A_1000 : i32 to index
        %swap3A_1011 = arith.constant 0 : index
        %swap3A_1012 = tpu.vector_load %arg10[%swap3A_1010, %swap3A_1011] {strides = array<i32>} : memref<256x128xf32, #tpu.memory_space<vmem>>, vector<1x16xf32>,
        %swap3A_1013 = vector.shape_cast %swap3A_1012 : vector<1x16xf32> to vector<16xf32>
        %swap3A_1014 = vector.shape_cast %mul3A_1009 : vector<16xf32> to vector<1x16xf32>
        tpu.vector_store %arg10[%swap3A_1010, %swap3A_1011], %swap3A_1014 {strides = array<i32>} : memref<256x128xf32, #tpu.memory_space<vmem>>, vector<1x16xf32>,
        %get3A_1015 = arith.index_cast %add3A_1000 : i32 to index
        %get3A_1016 = arith.constant 16 : index
        %get3A_1017 = tpu.vector_load %arg10[%get3A_1015, %get3A_1016] {strides = array<i32>} : memref<256x128xf32, #tpu.memory_space<vmem>>, vector<1x16xf32>,
        %get3A_1018 = vector.shape_cast %get3A_1017 : vector<1x16xf32> to vector<16xf32>
        %mul3A_1019 = arith.mulf %get3A_1018, %get3A_1004 : vector<16xf32>
        %swap3A_1020 = arith.index_cast %add3A_1000 : i32 to index
        %swap3A_1021 = arith.constant 16 : index
        %swap3A_1022 = tpu.vector_load %arg10[%swap3A_1020, %swap3A_1021] {strides = array<i32>} : memref<256x128xf32, #tpu.memory_space<vmem>>, vector<1x16xf32>,
        %swap3A_1023 = vector.shape_cast %swap3A_1022 : vector<1x16xf32> to vector<16xf32>
        %swap3A_1024 = vector.shape_cast %mul3A_1019 : vector<16xf32> to vector<1x16xf32>
        tpu.vector_store %arg10[%swap3A_1020, %swap3A_1021], %swap3A_1024 {strides = array<i32>} : memref<256x128xf32, #tpu.memory_space<vmem>>, vector<1x16xf32>,
        %get3A_1025 = arith.index_cast %add3A_1000 : i32 to index
        %get3A_1026 = arith.constant 32 : index
        %get3A_1027 = tpu.vector_load %arg10[%get3A_1025, %get3A_1026] {strides = array<i32>} : memref<256x128xf32, #tpu.memory_space<vmem>>, vector<1x16xf32>,
        %get3A_1028 = vector.shape_cast %get3A_1027 : vector<1x16xf32> to vector<16xf32>
        %mul3A_1029 = arith.mulf %get3A_1028, %get3A_1004 : vector<16xf32>
        %swap3A_1030 = arith.index_cast %add3A_1000 : i32 to index
        %swap3A_1031 = arith.constant 32 : index
        %swap3A_1032 = tpu.vector_load %arg10[%swap3A_1030, %swap3A_1031] {strides = array<i32>} : memref<256x128xf32, #tpu.memory_space<vmem>>, vector<1x16xf32>,
        %swap3A_1033 = vector.shape_cast %swap3A_1032 : vector<1x16xf32> to vector<16xf32>
        %swap3A_1034 = vector.shape_cast %mul3A_1029 : vector<16xf32> to vector<1x16xf32>
        tpu.vector_store %arg10[%swap3A_1030, %swap3A_1031], %swap3A_1034 {strides = array<i32>} : memref<256x128xf32, #tpu.memory_space<vmem>>, vector<1x16xf32>,
        %get3A_1035 = arith.index_cast %add3A_1000 : i32 to index
        %get3A_1036 = arith.constant 48 : index
        %get3A_1037 = tpu.vector_load %arg10[%get3A_1035, %get3A_1036] {strides = array<i32>} : memref<256x128xf32, #tpu.memory_space<vmem>>, vector<1x16xf32>,
        %get3A_1038 = vector.shape_cast %get3A_1037 : vector<1x16xf32> to vector<16xf32>
        %mul3A_1039 = arith.mulf %get3A_1038, %get3A_1004 : vector<16xf32>
        %swap3A_1040 = arith.index_cast %add3A_1000 : i32 to index
        %swap3A_1041 = arith.constant 48 : index
        %swap3A_1042 = tpu.vector_load %arg10[%swap3A_1040, %swap3A_1041] {strides = array<i32>} : memref<256x128xf32, #tpu.memory_space<vmem>>, vector<1x16xf32>,
        %swap3A_1043 = vector.shape_cast %swap3A_1042 : vector<1x16xf32> to vector<16xf32>
        %swap3A_1044 = vector.shape_cast %mul3A_1039 : vector<16xf32> to vector<1x16xf32>
        tpu.vector_store %arg10[%swap3A_1040, %swap3A_1041], %swap3A_1044 {strides = array<i32>} : memref<256x128xf32, #tpu.memory_space<vmem>>, vector<1x16xf32>,
        %get3A_1045 = arith.index_cast %add3A_1000 : i32 to index
        %get3A_1046 = arith.constant 64 : index
        %get3A_1047 = tpu.vector_load %arg10[%get3A_1045, %get3A_1046] {strides = array<i32>} : memref<256x128xf32, #tpu.memory_space<vmem>>, vector<1x16xf32>,
        %get3A_1048 = vector.shape_cast %get3A_1047 : vector<1x16xf32> to vector<16xf32>
        %mul3A_1049 = arith.mulf %get3A_1048, %get3A_1004 : vector<16xf32>
        %swap3A_1050 = arith.index_cast %add3A_1000 : i32 to index
        %swap3A_1051 = arith.constant 64 : index
        %swap3A_1052 = tpu.vector_load %arg10[%swap3A_1050, %swap3A_1051] {strides = array<i32>} : memref<256x128xf32, #tpu.memory_space<vmem>>, vector<1x16xf32>,
        %swap3A_1053 = vector.shape_cast %swap3A_1052 : vector<1x16xf32> to vector<16xf32>
        %swap3A_1054 = vector.shape_cast %mul3A_1049 : vector<16xf32> to vector<1x16xf32>
        tpu.vector_store %arg10[%swap3A_1050, %swap3A_1051], %swap3A_1054 {strides = array<i32>} : memref<256x128xf32, #tpu.memory_space<vmem>>, vector<1x16xf32>,
        %get3A_1055 = arith.index_cast %add3A_1000 : i32 to index
        %get3A_1056 = arith.constant 80 : index
        %get3A_1057 = tpu.vector_load %arg10[%get3A_1055, %get3A_1056] {strides = array<i32>} : memref<256x128xf32, #tpu.memory_space<vmem>>, vector<1x16xf32>,
        %get3A_1058 = vector.shape_cast %get3A_1057 : vector<1x16xf32> to vector<16xf32>
        %mul3A_1059 = arith.mulf %get3A_1058, %get3A_1004 : vector<16xf32>
        %swap3A_1060 = arith.index_cast %add3A_1000 : i32 to index
        %swap3A_1061 = arith.constant 80 : index
        %swap3A_1062 = tpu.vector_load %arg10[%swap3A_1060, %swap3A_1061] {strides = array<i32>} : memref<256x128xf32, #tpu.memory_space<vmem>>, vector<1x16xf32>,
        %swap3A_1063 = vector.shape_cast %swap3A_1062 : vector<1x16xf32> to vector<16xf32>
        %swap3A_1064 = vector.shape_cast %mul3A_1059 : vector<16xf32> to vector<1x16xf32>
        tpu.vector_store %arg10[%swap3A_1060, %swap3A_1061], %swap3A_1064 {strides = array<i32>} : memref<256x128xf32, #tpu.memory_space<vmem>>, vector<1x16xf32>,
        %get3A_1065 = arith.index_cast %add3A_1000 : i32 to index
        %get3A_1066 = arith.constant 96 : index
        %get3A_1067 = tpu.vector_load %arg10[%get3A_1065, %get3A_1066] {strides = array<i32>} : memref<256x128xf32, #tpu.memory_space<vmem>>, vector<1x16xf32>,
        %get3A_1068 = vector.shape_cast %get3A_1067 : vector<1x16xf32> to vector<16xf32>
        %mul3A_1069 = arith.mulf %get3A_1068, %get3A_1004 : vector<16xf32>
        %add3A_1070 = arith.addf %mul3A_1069, %select_n3A : vector<16xf32>
        %swap3A_1071 = arith.index_cast %add3A_1000 : i32 to index
        %swap3A_1072 = arith.constant 96 : index
        %swap3A_1073 = tpu.vector_load %arg10[%swap3A_1071, %swap3A_1072] {strides = array<i32>} : memref<256x128xf32, #tpu.memory_space<vmem>>, vector<1x16xf32>,
        %swap3A_1074 = vector.shape_cast %swap3A_1073 : vector<1x16xf32> to vector<16xf32>
        %swap3A_1075 = vector.shape_cast %add3A_1070 : vector<16xf32> to vector<1x16xf32>
        tpu.vector_store %arg10[%swap3A_1071, %swap3A_1072], %swap3A_1075 {strides = array<i32>} : memref<256x128xf32, #tpu.memory_space<vmem>>, vector<1x16xf32>,
        %get3A_1076 = arith.index_cast %add3A_1000 : i32 to index
        %get3A_1077 = arith.constant 112 : index
        %get3A_1078 = tpu.vector_load %arg10[%get3A_1076, %get3A_1077] {strides = array<i32>} : memref<256x128xf32, #tpu.memory_space<vmem>>, vector<1x16xf32>,
        %get3A_1079 = vector.shape_cast %get3A_1078 : vector<1x16xf32> to vector<16xf32>
        %mul3A_1080 = arith.mulf %get3A_1079, %get3A_1004 : vector<16xf32>
        %swap3A_1081 = arith.index_cast %add3A_1000 : i32 to index
        %swap3A_1082 = arith.constant 112 : index
        %swap3A_1083 = tpu.vector_load %arg10[%swap3A_1081, %swap3A_1082] {strides = array<i32>} : memref<256x128xf32, #tpu.memory_space<vmem>>, vector<1x16xf32>,
        %swap3A_1084 = vector.shape_cast %swap3A_1083 : vector<1x16xf32> to vector<16xf32>
        %swap3A_1085 = vector.shape_cast %mul3A_1080 : vector<16xf32> to vector<1x16xf32>
        tpu.vector_store %arg10[%swap3A_1081, %swap3A_1082], %swap3A_1085 {strides = array<i32>} : memref<256x128xf32, #tpu.memory_space<vmem>>, vector<1x16xf32>,
        %mul3A_1086 = arith.constant 8 : i32
        %mul3A_1087 = arith.muli %scan3A_819, %mul3A_1086 : i32
        %add3A_1088 = arith.constant 3 : i32
        %add3A_1089 = arith.addi %mul3A_1087, %add3A_1088 : i32
        %get3A_1090 = arith.index_cast %scan3A_819 : i32 to index
        %get3A_1091 = arith.constant 48 : index
        %get3A_1092 = tpu.vector_load %arg9[%get3A_1090, %get3A_1091] {strides = array<i32>} : memref<32x128xf32, #tpu.memory_space<vmem>>, vector<1x16xf32>,
        %get3A_1093 = vector.shape_cast %get3A_1092 : vector<1x16xf32> to vector<16xf32>
        %get3A_1094 = arith.index_cast %add3A_1089 : i32 to index
        %get3A_1095 = arith.constant 0 : index
        %get3A_1096 = tpu.vector_load %arg10[%get3A_1094, %get3A_1095] {strides = array<i32>} : memref<256x128xf32, #tpu.memory_space<vmem>>, vector<1x16xf32>,
        %get3A_1097 = vector.shape_cast %get3A_1096 : vector<1x16xf32> to vector<16xf32>
        %mul3A_1098 = arith.mulf %get3A_1097, %get3A_1093 : vector<16xf32>
        %swap3A_1099 = arith.index_cast %add3A_1089 : i32 to index
        %swap3A_1100 = arith.constant 0 : index
        %swap3A_1101 = tpu.vector_load %arg10[%swap3A_1099, %swap3A_1100] {strides = array<i32>} : memref<256x128xf32, #tpu.memory_space<vmem>>, vector<1x16xf32>,
        %swap3A_1102 = vector.shape_cast %swap3A_1101 : vector<1x16xf32> to vector<16xf32>
        %swap3A_1103 = vector.shape_cast %mul3A_1098 : vector<16xf32> to vector<1x16xf32>
        tpu.vector_store %arg10[%swap3A_1099, %swap3A_1100], %swap3A_1103 {strides = array<i32>} : memref<256x128xf32, #tpu.memory_space<vmem>>, vector<1x16xf32>,
        %get3A_1104 = arith.index_cast %add3A_1089 : i32 to index
        %get3A_1105 = arith.constant 16 : index
        %get3A_1106 = tpu.vector_load %arg10[%get3A_1104, %get3A_1105] {strides = array<i32>} : memref<256x128xf32, #tpu.memory_space<vmem>>, vector<1x16xf32>,
        %get3A_1107 = vector.shape_cast %get3A_1106 : vector<1x16xf32> to vector<16xf32>
        %mul3A_1108 = arith.mulf %get3A_1107, %get3A_1093 : vector<16xf32>
        %swap3A_1109 = arith.index_cast %add3A_1089 : i32 to index
        %swap3A_1110 = arith.constant 16 : index
        %swap3A_1111 = tpu.vector_load %arg10[%swap3A_1109, %swap3A_1110] {strides = array<i32>} : memref<256x128xf32, #tpu.memory_space<vmem>>, vector<1x16xf32>,
        %swap3A_1112 = vector.shape_cast %swap3A_1111 : vector<1x16xf32> to vector<16xf32>
        %swap3A_1113 = vector.shape_cast %mul3A_1108 : vector<16xf32> to vector<1x16xf32>
        tpu.vector_store %arg10[%swap3A_1109, %swap3A_1110], %swap3A_1113 {strides = array<i32>} : memref<256x128xf32, #tpu.memory_space<vmem>>, vector<1x16xf32>,
        %get3A_1114 = arith.index_cast %add3A_1089 : i32 to index
        %get3A_1115 = arith.constant 32 : index
        %get3A_1116 = tpu.vector_load %arg10[%get3A_1114, %get3A_1115] {strides = array<i32>} : memref<256x128xf32, #tpu.memory_space<vmem>>, vector<1x16xf32>,
        %get3A_1117 = vector.shape_cast %get3A_1116 : vector<1x16xf32> to vector<16xf32>
        %mul3A_1118 = arith.mulf %get3A_1117, %get3A_1093 : vector<16xf32>
        %swap3A_1119 = arith.index_cast %add3A_1089 : i32 to index
        %swap3A_1120 = arith.constant 32 : index
        %swap3A_1121 = tpu.vector_load %arg10[%swap3A_1119, %swap3A_1120] {strides = array<i32>} : memref<256x128xf32, #tpu.memory_space<vmem>>, vector<1x16xf32>,
        %swap3A_1122 = vector.shape_cast %swap3A_1121 : vector<1x16xf32> to vector<16xf32>
        %swap3A_1123 = vector.shape_cast %mul3A_1118 : vector<16xf32> to vector<1x16xf32>
        tpu.vector_store %arg10[%swap3A_1119, %swap3A_1120], %swap3A_1123 {strides = array<i32>} : memref<256x128xf32, #tpu.memory_space<vmem>>, vector<1x16xf32>,
        %get3A_1124 = arith.index_cast %add3A_1089 : i32 to index
        %get3A_1125 = arith.constant 48 : index
        %get3A_1126 = tpu.vector_load %arg10[%get3A_1124, %get3A_1125] {strides = array<i32>} : memref<256x128xf32, #tpu.memory_space<vmem>>, vector<1x16xf32>,
        %get3A_1127 = vector.shape_cast %get3A_1126 : vector<1x16xf32> to vector<16xf32>
        %mul3A_1128 = arith.mulf %get3A_1127, %get3A_1093 : vector<16xf32>
        %swap3A_1129 = arith.index_cast %add3A_1089 : i32 to index
        %swap3A_1130 = arith.constant 48 : index
        %swap3A_1131 = tpu.vector_load %arg10[%swap3A_1129, %swap3A_1130] {strides = array<i32>} : memref<256x128xf32, #tpu.memory_space<vmem>>, vector<1x16xf32>,
        %swap3A_1132 = vector.shape_cast %swap3A_1131 : vector<1x16xf32> to vector<16xf32>
        %swap3A_1133 = vector.shape_cast %mul3A_1128 : vector<16xf32> to vector<1x16xf32>
        tpu.vector_store %arg10[%swap3A_1129, %swap3A_1130], %swap3A_1133 {strides = array<i32>} : memref<256x128xf32, #tpu.memory_space<vmem>>, vector<1x16xf32>,
        %get3A_1134 = arith.index_cast %add3A_1089 : i32 to index
        %get3A_1135 = arith.constant 64 : index
        %get3A_1136 = tpu.vector_load %arg10[%get3A_1134, %get3A_1135] {strides = array<i32>} : memref<256x128xf32, #tpu.memory_space<vmem>>, vector<1x16xf32>,
        %get3A_1137 = vector.shape_cast %get3A_1136 : vector<1x16xf32> to vector<16xf32>
        %mul3A_1138 = arith.mulf %get3A_1137, %get3A_1093 : vector<16xf32>
        %swap3A_1139 = arith.index_cast %add3A_1089 : i32 to index
        %swap3A_1140 = arith.constant 64 : index
        %swap3A_1141 = tpu.vector_load %arg10[%swap3A_1139, %swap3A_1140] {strides = array<i32>} : memref<256x128xf32, #tpu.memory_space<vmem>>, vector<1x16xf32>,
        %swap3A_1142 = vector.shape_cast %swap3A_1141 : vector<1x16xf32> to vector<16xf32>
        %swap3A_1143 = vector.shape_cast %mul3A_1138 : vector<16xf32> to vector<1x16xf32>
        tpu.vector_store %arg10[%swap3A_1139, %swap3A_1140], %swap3A_1143 {strides = array<i32>} : memref<256x128xf32, #tpu.memory_space<vmem>>, vector<1x16xf32>,
        %get3A_1144 = arith.index_cast %add3A_1089 : i32 to index
        %get3A_1145 = arith.constant 80 : index
        %get3A_1146 = tpu.vector_load %arg10[%get3A_1144, %get3A_1145] {strides = array<i32>} : memref<256x128xf32, #tpu.memory_space<vmem>>, vector<1x16xf32>,
        %get3A_1147 = vector.shape_cast %get3A_1146 : vector<1x16xf32> to vector<16xf32>
        %mul3A_1148 = arith.mulf %get3A_1147, %get3A_1093 : vector<16xf32>
        %swap3A_1149 = arith.index_cast %add3A_1089 : i32 to index
        %swap3A_1150 = arith.constant 80 : index
        %swap3A_1151 = tpu.vector_load %arg10[%swap3A_1149, %swap3A_1150] {strides = array<i32>} : memref<256x128xf32, #tpu.memory_space<vmem>>, vector<1x16xf32>,
        %swap3A_1152 = vector.shape_cast %swap3A_1151 : vector<1x16xf32> to vector<16xf32>
        %swap3A_1153 = vector.shape_cast %mul3A_1148 : vector<16xf32> to vector<1x16xf32>
        tpu.vector_store %arg10[%swap3A_1149, %swap3A_1150], %swap3A_1153 {strides = array<i32>} : memref<256x128xf32, #tpu.memory_space<vmem>>, vector<1x16xf32>,
        %get3A_1154 = arith.index_cast %add3A_1089 : i32 to index
        %get3A_1155 = arith.constant 96 : index
        %get3A_1156 = tpu.vector_load %arg10[%get3A_1154, %get3A_1155] {strides = array<i32>} : memref<256x128xf32, #tpu.memory_space<vmem>>, vector<1x16xf32>,
        %get3A_1157 = vector.shape_cast %get3A_1156 : vector<1x16xf32> to vector<16xf32>
        %mul3A_1158 = arith.mulf %get3A_1157, %get3A_1093 : vector<16xf32>
        %add3A_1159 = arith.addf %mul3A_1158, %select_n3A : vector<16xf32>
        %swap3A_1160 = arith.index_cast %add3A_1089 : i32 to index
        %swap3A_1161 = arith.constant 96 : index
        %swap3A_1162 = tpu.vector_load %arg10[%swap3A_1160, %swap3A_1161] {strides = array<i32>} : memref<256x128xf32, #tpu.memory_space<vmem>>, vector<1x16xf32>,
        %swap3A_1163 = vector.shape_cast %swap3A_1162 : vector<1x16xf32> to vector<16xf32>
        %swap3A_1164 = vector.shape_cast %add3A_1159 : vector<16xf32> to vector<1x16xf32>
        tpu.vector_store %arg10[%swap3A_1160, %swap3A_1161], %swap3A_1164 {strides = array<i32>} : memref<256x128xf32, #tpu.memory_space<vmem>>, vector<1x16xf32>,
        %get3A_1165 = arith.index_cast %add3A_1089 : i32 to index
        %get3A_1166 = arith.constant 112 : index
        %get3A_1167 = tpu.vector_load %arg10[%get3A_1165, %get3A_1166] {strides = array<i32>} : memref<256x128xf32, #tpu.memory_space<vmem>>, vector<1x16xf32>,
        %get3A_1168 = vector.shape_cast %get3A_1167 : vector<1x16xf32> to vector<16xf32>
        %mul3A_1169 = arith.mulf %get3A_1168, %get3A_1093 : vector<16xf32>
        %swap3A_1170 = arith.index_cast %add3A_1089 : i32 to index
        %swap3A_1171 = arith.constant 112 : index
        %swap3A_1172 = tpu.vector_load %arg10[%swap3A_1170, %swap3A_1171] {strides = array<i32>} : memref<256x128xf32, #tpu.memory_space<vmem>>, vector<1x16xf32>,
        %swap3A_1173 = vector.shape_cast %swap3A_1172 : vector<1x16xf32> to vector<16xf32>
        %swap3A_1174 = vector.shape_cast %mul3A_1169 : vector<16xf32> to vector<1x16xf32>
        tpu.vector_store %arg10[%swap3A_1170, %swap3A_1171], %swap3A_1174 {strides = array<i32>} : memref<256x128xf32, #tpu.memory_space<vmem>>, vector<1x16xf32>,
        %mul3A_1175 = arith.constant 8 : i32
        %mul3A_1176 = arith.muli %scan3A_819, %mul3A_1175 : i32
        %add3A_1177 = arith.constant 4 : i32
        %add3A_1178 = arith.addi %mul3A_1176, %add3A_1177 : i32
        %get3A_1179 = arith.index_cast %scan3A_819 : i32 to index
        %get3A_1180 = arith.constant 64 : index
        %get3A_1181 = tpu.vector_load %arg9[%get3A_1179, %get3A_1180] {strides = array<i32>} : memref<32x128xf32, #tpu.memory_space<vmem>>, vector<1x16xf32>,
        %get3A_1182 = vector.shape_cast %get3A_1181 : vector<1x16xf32> to vector<16xf32>
        %get3A_1183 = arith.index_cast %add3A_1178 : i32 to index
        %get3A_1184 = arith.constant 0 : index
        %get3A_1185 = tpu.vector_load %arg10[%get3A_1183, %get3A_1184] {strides = array<i32>} : memref<256x128xf32, #tpu.memory_space<vmem>>, vector<1x16xf32>,
        %get3A_1186 = vector.shape_cast %get3A_1185 : vector<1x16xf32> to vector<16xf32>
        %mul3A_1187 = arith.mulf %get3A_1186, %get3A_1182 : vector<16xf32>
        %swap3A_1188 = arith.index_cast %add3A_1178 : i32 to index
        %swap3A_1189 = arith.constant 0 : index
        %swap3A_1190 = tpu.vector_load %arg10[%swap3A_1188, %swap3A_1189] {strides = array<i32>} : memref<256x128xf32, #tpu.memory_space<vmem>>, vector<1x16xf32>,
        %swap3A_1191 = vector.shape_cast %swap3A_1190 : vector<1x16xf32> to vector<16xf32>
        %swap3A_1192 = vector.shape_cast %mul3A_1187 : vector<16xf32> to vector<1x16xf32>
        tpu.vector_store %arg10[%swap3A_1188, %swap3A_1189], %swap3A_1192 {strides = array<i32>} : memref<256x128xf32, #tpu.memory_space<vmem>>, vector<1x16xf32>,
        %get3A_1193 = arith.index_cast %add3A_1178 : i32 to index
        %get3A_1194 = arith.constant 16 : index
        %get3A_1195 = tpu.vector_load %arg10[%get3A_1193, %get3A_1194] {strides = array<i32>} : memref<256x128xf32, #tpu.memory_space<vmem>>, vector<1x16xf32>,
        %get3A_1196 = vector.shape_cast %get3A_1195 : vector<1x16xf32> to vector<16xf32>
        %mul3A_1197 = arith.mulf %get3A_1196, %get3A_1182 : vector<16xf32>
        %swap3A_1198 = arith.index_cast %add3A_1178 : i32 to index
        %swap3A_1199 = arith.constant 16 : index
        %swap3A_1200 = tpu.vector_load %arg10[%swap3A_1198, %swap3A_1199] {strides = array<i32>} : memref<256x128xf32, #tpu.memory_space<vmem>>, vector<1x16xf32>,
        %swap3A_1201 = vector.shape_cast %swap3A_1200 : vector<1x16xf32> to vector<16xf32>
        %swap3A_1202 = vector.shape_cast %mul3A_1197 : vector<16xf32> to vector<1x16xf32>
        tpu.vector_store %arg10[%swap3A_1198, %swap3A_1199], %swap3A_1202 {strides = array<i32>} : memref<256x128xf32, #tpu.memory_space<vmem>>, vector<1x16xf32>,
        %get3A_1203 = arith.index_cast %add3A_1178 : i32 to index
        %get3A_1204 = arith.constant 32 : index
        %get3A_1205 = tpu.vector_load %arg10[%get3A_1203, %get3A_1204] {strides = array<i32>} : memref<256x128xf32, #tpu.memory_space<vmem>>, vector<1x16xf32>,
        %get3A_1206 = vector.shape_cast %get3A_1205 : vector<1x16xf32> to vector<16xf32>
        %mul3A_1207 = arith.mulf %get3A_1206, %get3A_1182 : vector<16xf32>
        %swap3A_1208 = arith.index_cast %add3A_1178 : i32 to index
        %swap3A_1209 = arith.constant 32 : index
        %swap3A_1210 = tpu.vector_load %arg10[%swap3A_1208, %swap3A_1209] {strides = array<i32>} : memref<256x128xf32, #tpu.memory_space<vmem>>, vector<1x16xf32>,
        %swap3A_1211 = vector.shape_cast %swap3A_1210 : vector<1x16xf32> to vector<16xf32>
        %swap3A_1212 = vector.shape_cast %mul3A_1207 : vector<16xf32> to vector<1x16xf32>
        tpu.vector_store %arg10[%swap3A_1208, %swap3A_1209], %swap3A_1212 {strides = array<i32>} : memref<256x128xf32, #tpu.memory_space<vmem>>, vector<1x16xf32>,
        %get3A_1213 = arith.index_cast %add3A_1178 : i32 to index
        %get3A_1214 = arith.constant 48 : index
        %get3A_1215 = tpu.vector_load %arg10[%get3A_1213, %get3A_1214] {strides = array<i32>} : memref<256x128xf32, #tpu.memory_space<vmem>>, vector<1x16xf32>,
        %get3A_1216 = vector.shape_cast %get3A_1215 : vector<1x16xf32> to vector<16xf32>
        %mul3A_1217 = arith.mulf %get3A_1216, %get3A_1182 : vector<16xf32>
        %swap3A_1218 = arith.index_cast %add3A_1178 : i32 to index
        %swap3A_1219 = arith.constant 48 : index
        %swap3A_1220 = tpu.vector_load %arg10[%swap3A_1218, %swap3A_1219] {strides = array<i32>} : memref<256x128xf32, #tpu.memory_space<vmem>>, vector<1x16xf32>,
        %swap3A_1221 = vector.shape_cast %swap3A_1220 : vector<1x16xf32> to vector<16xf32>
        %swap3A_1222 = vector.shape_cast %mul3A_1217 : vector<16xf32> to vector<1x16xf32>
        tpu.vector_store %arg10[%swap3A_1218, %swap3A_1219], %swap3A_1222 {strides = array<i32>} : memref<256x128xf32, #tpu.memory_space<vmem>>, vector<1x16xf32>,
        %get3A_1223 = arith.index_cast %add3A_1178 : i32 to index
        %get3A_1224 = arith.constant 64 : index
        %get3A_1225 = tpu.vector_load %arg10[%get3A_1223, %get3A_1224] {strides = array<i32>} : memref<256x128xf32, #tpu.memory_space<vmem>>, vector<1x16xf32>,
        %get3A_1226 = vector.shape_cast %get3A_1225 : vector<1x16xf32> to vector<16xf32>
        %mul3A_1227 = arith.mulf %get3A_1226, %get3A_1182 : vector<16xf32>
        %swap3A_1228 = arith.index_cast %add3A_1178 : i32 to index
        %swap3A_1229 = arith.constant 64 : index
        %swap3A_1230 = tpu.vector_load %arg10[%swap3A_1228, %swap3A_1229] {strides = array<i32>} : memref<256x128xf32, #tpu.memory_space<vmem>>, vector<1x16xf32>,
        %swap3A_1231 = vector.shape_cast %swap3A_1230 : vector<1x16xf32> to vector<16xf32>
        %swap3A_1232 = vector.shape_cast %mul3A_1227 : vector<16xf32> to vector<1x16xf32>
        tpu.vector_store %arg10[%swap3A_1228, %swap3A_1229], %swap3A_1232 {strides = array<i32>} : memref<256x128xf32, #tpu.memory_space<vmem>>, vector<1x16xf32>,
        %get3A_1233 = arith.index_cast %add3A_1178 : i32 to index
        %get3A_1234 = arith.constant 80 : index
        %get3A_1235 = tpu.vector_load %arg10[%get3A_1233, %get3A_1234] {strides = array<i32>} : memref<256x128xf32, #tpu.memory_space<vmem>>, vector<1x16xf32>,
        %get3A_1236 = vector.shape_cast %get3A_1235 : vector<1x16xf32> to vector<16xf32>
        %mul3A_1237 = arith.mulf %get3A_1236, %get3A_1182 : vector<16xf32>
        %swap3A_1238 = arith.index_cast %add3A_1178 : i32 to index
        %swap3A_1239 = arith.constant 80 : index
        %swap3A_1240 = tpu.vector_load %arg10[%swap3A_1238, %swap3A_1239] {strides = array<i32>} : memref<256x128xf32, #tpu.memory_space<vmem>>, vector<1x16xf32>,
        %swap3A_1241 = vector.shape_cast %swap3A_1240 : vector<1x16xf32> to vector<16xf32>
        %swap3A_1242 = vector.shape_cast %mul3A_1237 : vector<16xf32> to vector<1x16xf32>
        tpu.vector_store %arg10[%swap3A_1238, %swap3A_1239], %swap3A_1242 {strides = array<i32>} : memref<256x128xf32, #tpu.memory_space<vmem>>, vector<1x16xf32>,
        %get3A_1243 = arith.index_cast %add3A_1178 : i32 to index
        %get3A_1244 = arith.constant 96 : index
        %get3A_1245 = tpu.vector_load %arg10[%get3A_1243, %get3A_1244] {strides = array<i32>} : memref<256x128xf32, #tpu.memory_space<vmem>>, vector<1x16xf32>,
        %get3A_1246 = vector.shape_cast %get3A_1245 : vector<1x16xf32> to vector<16xf32>
        %mul3A_1247 = arith.mulf %get3A_1246, %get3A_1182 : vector<16xf32>
        %add3A_1248 = arith.addf %mul3A_1247, %select_n3A : vector<16xf32>
        %swap3A_1249 = arith.index_cast %add3A_1178 : i32 to index
        %swap3A_1250 = arith.constant 96 : index
        %swap3A_1251 = tpu.vector_load %arg10[%swap3A_1249, %swap3A_1250] {strides = array<i32>} : memref<256x128xf32, #tpu.memory_space<vmem>>, vector<1x16xf32>,
        %swap3A_1252 = vector.shape_cast %swap3A_1251 : vector<1x16xf32> to vector<16xf32>
        %swap3A_1253 = vector.shape_cast %add3A_1248 : vector<16xf32> to vector<1x16xf32>
        tpu.vector_store %arg10[%swap3A_1249, %swap3A_1250], %swap3A_1253 {strides = array<i32>} : memref<256x128xf32, #tpu.memory_space<vmem>>, vector<1x16xf32>,
        %get3A_1254 = arith.index_cast %add3A_1178 : i32 to index
        %get3A_1255 = arith.constant 112 : index
        %get3A_1256 = tpu.vector_load %arg10[%get3A_1254, %get3A_1255] {strides = array<i32>} : memref<256x128xf32, #tpu.memory_space<vmem>>, vector<1x16xf32>,
        %get3A_1257 = vector.shape_cast %get3A_1256 : vector<1x16xf32> to vector<16xf32>
        %mul3A_1258 = arith.mulf %get3A_1257, %get3A_1182 : vector<16xf32>
        %swap3A_1259 = arith.index_cast %add3A_1178 : i32 to index
        %swap3A_1260 = arith.constant 112 : index
        %swap3A_1261 = tpu.vector_load %arg10[%swap3A_1259, %swap3A_1260] {strides = array<i32>} : memref<256x128xf32, #tpu.memory_space<vmem>>, vector<1x16xf32>,
        %swap3A_1262 = vector.shape_cast %swap3A_1261 : vector<1x16xf32> to vector<16xf32>
        %swap3A_1263 = vector.shape_cast %mul3A_1258 : vector<16xf32> to vector<1x16xf32>
        tpu.vector_store %arg10[%swap3A_1259, %swap3A_1260], %swap3A_1263 {strides = array<i32>} : memref<256x128xf32, #tpu.memory_space<vmem>>, vector<1x16xf32>,
        %mul3A_1264 = arith.constant 8 : i32
        %mul3A_1265 = arith.muli %scan3A_819, %mul3A_1264 : i32
        %add3A_1266 = arith.constant 5 : i32
        %add3A_1267 = arith.addi %mul3A_1265, %add3A_1266 : i32
        %get3A_1268 = arith.index_cast %scan3A_819 : i32 to index
        %get3A_1269 = arith.constant 80 : index
        %get3A_1270 = tpu.vector_load %arg9[%get3A_1268, %get3A_1269] {strides = array<i32>} : memref<32x128xf32, #tpu.memory_space<vmem>>, vector<1x16xf32>,
        %get3A_1271 = vector.shape_cast %get3A_1270 : vector<1x16xf32> to vector<16xf32>
        %get3A_1272 = arith.index_cast %add3A_1267 : i32 to index
        %get3A_1273 = arith.constant 0 : index
        %get3A_1274 = tpu.vector_load %arg10[%get3A_1272, %get3A_1273] {strides = array<i32>} : memref<256x128xf32, #tpu.memory_space<vmem>>, vector<1x16xf32>,
        %get3A_1275 = vector.shape_cast %get3A_1274 : vector<1x16xf32> to vector<16xf32>
        %mul3A_1276 = arith.mulf %get3A_1275, %get3A_1271 : vector<16xf32>
        %swap3A_1277 = arith.index_cast %add3A_1267 : i32 to index
        %swap3A_1278 = arith.constant 0 : index
        %swap3A_1279 = tpu.vector_load %arg10[%swap3A_1277, %swap3A_1278] {strides = array<i32>} : memref<256x128xf32, #tpu.memory_space<vmem>>, vector<1x16xf32>,
        %swap3A_1280 = vector.shape_cast %swap3A_1279 : vector<1x16xf32> to vector<16xf32>
        %swap3A_1281 = vector.shape_cast %mul3A_1276 : vector<16xf32> to vector<1x16xf32>
        tpu.vector_store %arg10[%swap3A_1277, %swap3A_1278], %swap3A_1281 {strides = array<i32>} : memref<256x128xf32, #tpu.memory_space<vmem>>, vector<1x16xf32>,
        %get3A_1282 = arith.index_cast %add3A_1267 : i32 to index
        %get3A_1283 = arith.constant 16 : index
        %get3A_1284 = tpu.vector_load %arg10[%get3A_1282, %get3A_1283] {strides = array<i32>} : memref<256x128xf32, #tpu.memory_space<vmem>>, vector<1x16xf32>,
        %get3A_1285 = vector.shape_cast %get3A_1284 : vector<1x16xf32> to vector<16xf32>
        %mul3A_1286 = arith.mulf %get3A_1285, %get3A_1271 : vector<16xf32>
        %swap3A_1287 = arith.index_cast %add3A_1267 : i32 to index
        %swap3A_1288 = arith.constant 16 : index
        %swap3A_1289 = tpu.vector_load %arg10[%swap3A_1287, %swap3A_1288] {strides = array<i32>} : memref<256x128xf32, #tpu.memory_space<vmem>>, vector<1x16xf32>,
        %swap3A_1290 = vector.shape_cast %swap3A_1289 : vector<1x16xf32> to vector<16xf32>
        %swap3A_1291 = vector.shape_cast %mul3A_1286 : vector<16xf32> to vector<1x16xf32>
        tpu.vector_store %arg10[%swap3A_1287, %swap3A_1288], %swap3A_1291 {strides = array<i32>} : memref<256x128xf32, #tpu.memory_space<vmem>>, vector<1x16xf32>,
        %get3A_1292 = arith.index_cast %add3A_1267 : i32 to index
        %get3A_1293 = arith.constant 32 : index
        %get3A_1294 = tpu.vector_load %arg10[%get3A_1292, %get3A_1293] {strides = array<i32>} : memref<256x128xf32, #tpu.memory_space<vmem>>, vector<1x16xf32>,
        %get3A_1295 = vector.shape_cast %get3A_1294 : vector<1x16xf32> to vector<16xf32>
        %mul3A_1296 = arith.mulf %get3A_1295, %get3A_1271 : vector<16xf32>
        %swap3A_1297 = arith.index_cast %add3A_1267 : i32 to index
        %swap3A_1298 = arith.constant 32 : index
        %swap3A_1299 = tpu.vector_load %arg10[%swap3A_1297, %swap3A_1298] {strides = array<i32>} : memref<256x128xf32, #tpu.memory_space<vmem>>, vector<1x16xf32>,
        %swap3A_1300 = vector.shape_cast %swap3A_1299 : vector<1x16xf32> to vector<16xf32>
        %swap3A_1301 = vector.shape_cast %mul3A_1296 : vector<16xf32> to vector<1x16xf32>
        tpu.vector_store %arg10[%swap3A_1297, %swap3A_1298], %swap3A_1301 {strides = array<i32>} : memref<256x128xf32, #tpu.memory_space<vmem>>, vector<1x16xf32>,
        %get3A_1302 = arith.index_cast %add3A_1267 : i32 to index
        %get3A_1303 = arith.constant 48 : index
        %get3A_1304 = tpu.vector_load %arg10[%get3A_1302, %get3A_1303] {strides = array<i32>} : memref<256x128xf32, #tpu.memory_space<vmem>>, vector<1x16xf32>,
        %get3A_1305 = vector.shape_cast %get3A_1304 : vector<1x16xf32> to vector<16xf32>
        %mul3A_1306 = arith.mulf %get3A_1305, %get3A_1271 : vector<16xf32>
        %swap3A_1307 = arith.index_cast %add3A_1267 : i32 to index
        %swap3A_1308 = arith.constant 48 : index
        %swap3A_1309 = tpu.vector_load %arg10[%swap3A_1307, %swap3A_1308] {strides = array<i32>} : memref<256x128xf32, #tpu.memory_space<vmem>>, vector<1x16xf32>,
        %swap3A_1310 = vector.shape_cast %swap3A_1309 : vector<1x16xf32> to vector<16xf32>
        %swap3A_1311 = vector.shape_cast %mul3A_1306 : vector<16xf32> to vector<1x16xf32>
        tpu.vector_store %arg10[%swap3A_1307, %swap3A_1308], %swap3A_1311 {strides = array<i32>} : memref<256x128xf32, #tpu.memory_space<vmem>>, vector<1x16xf32>,
        %get3A_1312 = arith.index_cast %add3A_1267 : i32 to index
        %get3A_1313 = arith.constant 64 : index
        %get3A_1314 = tpu.vector_load %arg10[%get3A_1312, %get3A_1313] {strides = array<i32>} : memref<256x128xf32, #tpu.memory_space<vmem>>, vector<1x16xf32>,
        %get3A_1315 = vector.shape_cast %get3A_1314 : vector<1x16xf32> to vector<16xf32>
        %mul3A_1316 = arith.mulf %get3A_1315, %get3A_1271 : vector<16xf32>
        %swap3A_1317 = arith.index_cast %add3A_1267 : i32 to index
        %swap3A_1318 = arith.constant 64 : index
        %swap3A_1319 = tpu.vector_load %arg10[%swap3A_1317, %swap3A_1318] {strides = array<i32>} : memref<256x128xf32, #tpu.memory_space<vmem>>, vector<1x16xf32>,
        %swap3A_1320 = vector.shape_cast %swap3A_1319 : vector<1x16xf32> to vector<16xf32>
        %swap3A_1321 = vector.shape_cast %mul3A_1316 : vector<16xf32> to vector<1x16xf32>
        tpu.vector_store %arg10[%swap3A_1317, %swap3A_1318], %swap3A_1321 {strides = array<i32>} : memref<256x128xf32, #tpu.memory_space<vmem>>, vector<1x16xf32>,
        %get3A_1322 = arith.index_cast %add3A_1267 : i32 to index
        %get3A_1323 = arith.constant 80 : index
        %get3A_1324 = tpu.vector_load %arg10[%get3A_1322, %get3A_1323] {strides = array<i32>} : memref<256x128xf32, #tpu.memory_space<vmem>>, vector<1x16xf32>,
        %get3A_1325 = vector.shape_cast %get3A_1324 : vector<1x16xf32> to vector<16xf32>
        %mul3A_1326 = arith.mulf %get3A_1325, %get3A_1271 : vector<16xf32>
        %swap3A_1327 = arith.index_cast %add3A_1267 : i32 to index
        %swap3A_1328 = arith.constant 80 : index
        %swap3A_1329 = tpu.vector_load %arg10[%swap3A_1327, %swap3A_1328] {strides = array<i32>} : memref<256x128xf32, #tpu.memory_space<vmem>>, vector<1x16xf32>,
        %swap3A_1330 = vector.shape_cast %swap3A_1329 : vector<1x16xf32> to vector<16xf32>
        %swap3A_1331 = vector.shape_cast %mul3A_1326 : vector<16xf32> to vector<1x16xf32>
        tpu.vector_store %arg10[%swap3A_1327, %swap3A_1328], %swap3A_1331 {strides = array<i32>} : memref<256x128xf32, #tpu.memory_space<vmem>>, vector<1x16xf32>,
        %get3A_1332 = arith.index_cast %add3A_1267 : i32 to index
        %get3A_1333 = arith.constant 96 : index
        %get3A_1334 = tpu.vector_load %arg10[%get3A_1332, %get3A_1333] {strides = array<i32>} : memref<256x128xf32, #tpu.memory_space<vmem>>, vector<1x16xf32>,
        %get3A_1335 = vector.shape_cast %get3A_1334 : vector<1x16xf32> to vector<16xf32>
        %mul3A_1336 = arith.mulf %get3A_1335, %get3A_1271 : vector<16xf32>
        %add3A_1337 = arith.addf %mul3A_1336, %select_n3A : vector<16xf32>
        %swap3A_1338 = arith.index_cast %add3A_1267 : i32 to index
        %swap3A_1339 = arith.constant 96 : index
        %swap3A_1340 = tpu.vector_load %arg10[%swap3A_1338, %swap3A_1339] {strides = array<i32>} : memref<256x128xf32, #tpu.memory_space<vmem>>, vector<1x16xf32>,
        %swap3A_1341 = vector.shape_cast %swap3A_1340 : vector<1x16xf32> to vector<16xf32>
        %swap3A_1342 = vector.shape_cast %add3A_1337 : vector<16xf32> to vector<1x16xf32>
        tpu.vector_store %arg10[%swap3A_1338, %swap3A_1339], %swap3A_1342 {strides = array<i32>} : memref<256x128xf32, #tpu.memory_space<vmem>>, vector<1x16xf32>,
        %get3A_1343 = arith.index_cast %add3A_1267 : i32 to index
        %get3A_1344 = arith.constant 112 : index
        %get3A_1345 = tpu.vector_load %arg10[%get3A_1343, %get3A_1344] {strides = array<i32>} : memref<256x128xf32, #tpu.memory_space<vmem>>, vector<1x16xf32>,
        %get3A_1346 = vector.shape_cast %get3A_1345 : vector<1x16xf32> to vector<16xf32>
        %mul3A_1347 = arith.mulf %get3A_1346, %get3A_1271 : vector<16xf32>
        %swap3A_1348 = arith.index_cast %add3A_1267 : i32 to index
        %swap3A_1349 = arith.constant 112 : index
        %swap3A_1350 = tpu.vector_load %arg10[%swap3A_1348, %swap3A_1349] {strides = array<i32>} : memref<256x128xf32, #tpu.memory_space<vmem>>, vector<1x16xf32>,
        %swap3A_1351 = vector.shape_cast %swap3A_1350 : vector<1x16xf32> to vector<16xf32>
        %swap3A_1352 = vector.shape_cast %mul3A_1347 : vector<16xf32> to vector<1x16xf32>
        tpu.vector_store %arg10[%swap3A_1348, %swap3A_1349], %swap3A_1352 {strides = array<i32>} : memref<256x128xf32, #tpu.memory_space<vmem>>, vector<1x16xf32>,
        %mul3A_1353 = arith.constant 8 : i32
        %mul3A_1354 = arith.muli %scan3A_819, %mul3A_1353 : i32
        %add3A_1355 = arith.constant 6 : i32
        %add3A_1356 = arith.addi %mul3A_1354, %add3A_1355 : i32
        %get3A_1357 = arith.index_cast %scan3A_819 : i32 to index
        %get3A_1358 = arith.constant 96 : index
        %get3A_1359 = tpu.vector_load %arg9[%get3A_1357, %get3A_1358] {strides = array<i32>} : memref<32x128xf32, #tpu.memory_space<vmem>>, vector<1x16xf32>,
        %get3A_1360 = vector.shape_cast %get3A_1359 : vector<1x16xf32> to vector<16xf32>
        %get3A_1361 = arith.index_cast %add3A_1356 : i32 to index
        %get3A_1362 = arith.constant 0 : index
        %get3A_1363 = tpu.vector_load %arg10[%get3A_1361, %get3A_1362] {strides = array<i32>} : memref<256x128xf32, #tpu.memory_space<vmem>>, vector<1x16xf32>,
        %get3A_1364 = vector.shape_cast %get3A_1363 : vector<1x16xf32> to vector<16xf32>
        %mul3A_1365 = arith.mulf %get3A_1364, %get3A_1360 : vector<16xf32>
        %swap3A_1366 = arith.index_cast %add3A_1356 : i32 to index
        %swap3A_1367 = arith.constant 0 : index
        %swap3A_1368 = tpu.vector_load %arg10[%swap3A_1366, %swap3A_1367] {strides = array<i32>} : memref<256x128xf32, #tpu.memory_space<vmem>>, vector<1x16xf32>,
        %swap3A_1369 = vector.shape_cast %swap3A_1368 : vector<1x16xf32> to vector<16xf32>
        %swap3A_1370 = vector.shape_cast %mul3A_1365 : vector<16xf32> to vector<1x16xf32>
        tpu.vector_store %arg10[%swap3A_1366, %swap3A_1367], %swap3A_1370 {strides = array<i32>} : memref<256x128xf32, #tpu.memory_space<vmem>>, vector<1x16xf32>,
        %get3A_1371 = arith.index_cast %add3A_1356 : i32 to index
        %get3A_1372 = arith.constant 16 : index
        %get3A_1373 = tpu.vector_load %arg10[%get3A_1371, %get3A_1372] {strides = array<i32>} : memref<256x128xf32, #tpu.memory_space<vmem>>, vector<1x16xf32>,
        %get3A_1374 = vector.shape_cast %get3A_1373 : vector<1x16xf32> to vector<16xf32>
        %mul3A_1375 = arith.mulf %get3A_1374, %get3A_1360 : vector<16xf32>
        %swap3A_1376 = arith.index_cast %add3A_1356 : i32 to index
        %swap3A_1377 = arith.constant 16 : index
        %swap3A_1378 = tpu.vector_load %arg10[%swap3A_1376, %swap3A_1377] {strides = array<i32>} : memref<256x128xf32, #tpu.memory_space<vmem>>, vector<1x16xf32>,
        %swap3A_1379 = vector.shape_cast %swap3A_1378 : vector<1x16xf32> to vector<16xf32>
        %swap3A_1380 = vector.shape_cast %mul3A_1375 : vector<16xf32> to vector<1x16xf32>
        tpu.vector_store %arg10[%swap3A_1376, %swap3A_1377], %swap3A_1380 {strides = array<i32>} : memref<256x128xf32, #tpu.memory_space<vmem>>, vector<1x16xf32>,
        %get3A_1381 = arith.index_cast %add3A_1356 : i32 to index
        %get3A_1382 = arith.constant 32 : index
        %get3A_1383 = tpu.vector_load %arg10[%get3A_1381, %get3A_1382] {strides = array<i32>} : memref<256x128xf32, #tpu.memory_space<vmem>>, vector<1x16xf32>,
        %get3A_1384 = vector.shape_cast %get3A_1383 : vector<1x16xf32> to vector<16xf32>
        %mul3A_1385 = arith.mulf %get3A_1384, %get3A_1360 : vector<16xf32>
        %swap3A_1386 = arith.index_cast %add3A_1356 : i32 to index
        %swap3A_1387 = arith.constant 32 : index
        %swap3A_1388 = tpu.vector_load %arg10[%swap3A_1386, %swap3A_1387] {strides = array<i32>} : memref<256x128xf32, #tpu.memory_space<vmem>>, vector<1x16xf32>,
        %swap3A_1389 = vector.shape_cast %swap3A_1388 : vector<1x16xf32> to vector<16xf32>
        %swap3A_1390 = vector.shape_cast %mul3A_1385 : vector<16xf32> to vector<1x16xf32>
        tpu.vector_store %arg10[%swap3A_1386, %swap3A_1387], %swap3A_1390 {strides = array<i32>} : memref<256x128xf32, #tpu.memory_space<vmem>>, vector<1x16xf32>,
        %get3A_1391 = arith.index_cast %add3A_1356 : i32 to index
        %get3A_1392 = arith.constant 48 : index
        %get3A_1393 = tpu.vector_load %arg10[%get3A_1391, %get3A_1392] {strides = array<i32>} : memref<256x128xf32, #tpu.memory_space<vmem>>, vector<1x16xf32>,
        %get3A_1394 = vector.shape_cast %get3A_1393 : vector<1x16xf32> to vector<16xf32>
        %mul3A_1395 = arith.mulf %get3A_1394, %get3A_1360 : vector<16xf32>
        %swap3A_1396 = arith.index_cast %add3A_1356 : i32 to index
        %swap3A_1397 = arith.constant 48 : index
        %swap3A_1398 = tpu.vector_load %arg10[%swap3A_1396, %swap3A_1397] {strides = array<i32>} : memref<256x128xf32, #tpu.memory_space<vmem>>, vector<1x16xf32>,
        %swap3A_1399 = vector.shape_cast %swap3A_1398 : vector<1x16xf32> to vector<16xf32>
        %swap3A_1400 = vector.shape_cast %mul3A_1395 : vector<16xf32> to vector<1x16xf32>
        tpu.vector_store %arg10[%swap3A_1396, %swap3A_1397], %swap3A_1400 {strides = array<i32>} : memref<256x128xf32, #tpu.memory_space<vmem>>, vector<1x16xf32>,
        %get3A_1401 = arith.index_cast %add3A_1356 : i32 to index
        %get3A_1402 = arith.constant 64 : index
        %get3A_1403 = tpu.vector_load %arg10[%get3A_1401, %get3A_1402] {strides = array<i32>} : memref<256x128xf32, #tpu.memory_space<vmem>>, vector<1x16xf32>,
        %get3A_1404 = vector.shape_cast %get3A_1403 : vector<1x16xf32> to vector<16xf32>
        %mul3A_1405 = arith.mulf %get3A_1404, %get3A_1360 : vector<16xf32>
        %swap3A_1406 = arith.index_cast %add3A_1356 : i32 to index
        %swap3A_1407 = arith.constant 64 : index
        %swap3A_1408 = tpu.vector_load %arg10[%swap3A_1406, %swap3A_1407] {strides = array<i32>} : memref<256x128xf32, #tpu.memory_space<vmem>>, vector<1x16xf32>,
        %swap3A_1409 = vector.shape_cast %swap3A_1408 : vector<1x16xf32> to vector<16xf32>
        %swap3A_1410 = vector.shape_cast %mul3A_1405 : vector<16xf32> to vector<1x16xf32>
        tpu.vector_store %arg10[%swap3A_1406, %swap3A_1407], %swap3A_1410 {strides = array<i32>} : memref<256x128xf32, #tpu.memory_space<vmem>>, vector<1x16xf32>,
        %get3A_1411 = arith.index_cast %add3A_1356 : i32 to index
        %get3A_1412 = arith.constant 80 : index
        %get3A_1413 = tpu.vector_load %arg10[%get3A_1411, %get3A_1412] {strides = array<i32>} : memref<256x128xf32, #tpu.memory_space<vmem>>, vector<1x16xf32>,
        %get3A_1414 = vector.shape_cast %get3A_1413 : vector<1x16xf32> to vector<16xf32>
        %mul3A_1415 = arith.mulf %get3A_1414, %get3A_1360 : vector<16xf32>
        %swap3A_1416 = arith.index_cast %add3A_1356 : i32 to index
        %swap3A_1417 = arith.constant 80 : index
        %swap3A_1418 = tpu.vector_load %arg10[%swap3A_1416, %swap3A_1417] {strides = array<i32>} : memref<256x128xf32, #tpu.memory_space<vmem>>, vector<1x16xf32>,
        %swap3A_1419 = vector.shape_cast %swap3A_1418 : vector<1x16xf32> to vector<16xf32>
        %swap3A_1420 = vector.shape_cast %mul3A_1415 : vector<16xf32> to vector<1x16xf32>
        tpu.vector_store %arg10[%swap3A_1416, %swap3A_1417], %swap3A_1420 {strides = array<i32>} : memref<256x128xf32, #tpu.memory_space<vmem>>, vector<1x16xf32>,
        %get3A_1421 = arith.index_cast %add3A_1356 : i32 to index
        %get3A_1422 = arith.constant 96 : index
        %get3A_1423 = tpu.vector_load %arg10[%get3A_1421, %get3A_1422] {strides = array<i32>} : memref<256x128xf32, #tpu.memory_space<vmem>>, vector<1x16xf32>,
        %get3A_1424 = vector.shape_cast %get3A_1423 : vector<1x16xf32> to vector<16xf32>
        %mul3A_1425 = arith.mulf %get3A_1424, %get3A_1360 : vector<16xf32>
        %add3A_1426 = arith.addf %mul3A_1425, %select_n3A : vector<16xf32>
        %swap3A_1427 = arith.index_cast %add3A_1356 : i32 to index
        %swap3A_1428 = arith.constant 96 : index
        %swap3A_1429 = tpu.vector_load %arg10[%swap3A_1427, %swap3A_1428] {strides = array<i32>} : memref<256x128xf32, #tpu.memory_space<vmem>>, vector<1x16xf32>,
        %swap3A_1430 = vector.shape_cast %swap3A_1429 : vector<1x16xf32> to vector<16xf32>
        %swap3A_1431 = vector.shape_cast %add3A_1426 : vector<16xf32> to vector<1x16xf32>
        tpu.vector_store %arg10[%swap3A_1427, %swap3A_1428], %swap3A_1431 {strides = array<i32>} : memref<256x128xf32, #tpu.memory_space<vmem>>, vector<1x16xf32>,
        %get3A_1432 = arith.index_cast %add3A_1356 : i32 to index
        %get3A_1433 = arith.constant 112 : index
        %get3A_1434 = tpu.vector_load %arg10[%get3A_1432, %get3A_1433] {strides = array<i32>} : memref<256x128xf32, #tpu.memory_space<vmem>>, vector<1x16xf32>,
        %get3A_1435 = vector.shape_cast %get3A_1434 : vector<1x16xf32> to vector<16xf32>
        %mul3A_1436 = arith.mulf %get3A_1435, %get3A_1360 : vector<16xf32>
        %swap3A_1437 = arith.index_cast %add3A_1356 : i32 to index
        %swap3A_1438 = arith.constant 112 : index
        %swap3A_1439 = tpu.vector_load %arg10[%swap3A_1437, %swap3A_1438] {strides = array<i32>} : memref<256x128xf32, #tpu.memory_space<vmem>>, vector<1x16xf32>,
        %swap3A_1440 = vector.shape_cast %swap3A_1439 : vector<1x16xf32> to vector<16xf32>
        %swap3A_1441 = vector.shape_cast %mul3A_1436 : vector<16xf32> to vector<1x16xf32>
        tpu.vector_store %arg10[%swap3A_1437, %swap3A_1438], %swap3A_1441 {strides = array<i32>} : memref<256x128xf32, #tpu.memory_space<vmem>>, vector<1x16xf32>,
        %mul3A_1442 = arith.constant 8 : i32
        %mul3A_1443 = arith.muli %scan3A_819, %mul3A_1442 : i32
        %add3A_1444 = arith.constant 7 : i32
        %add3A_1445 = arith.addi %mul3A_1443, %add3A_1444 : i32
        %get3A_1446 = arith.index_cast %scan3A_819 : i32 to index
        %get3A_1447 = arith.constant 112 : index
        %get3A_1448 = tpu.vector_load %arg9[%get3A_1446, %get3A_1447] {strides = array<i32>} : memref<32x128xf32, #tpu.memory_space<vmem>>, vector<1x16xf32>,
        %get3A_1449 = vector.shape_cast %get3A_1448 : vector<1x16xf32> to vector<16xf32>
        %get3A_1450 = arith.index_cast %add3A_1445 : i32 to index
        %get3A_1451 = arith.constant 0 : index
        %get3A_1452 = tpu.vector_load %arg10[%get3A_1450, %get3A_1451] {strides = array<i32>} : memref<256x128xf32, #tpu.memory_space<vmem>>, vector<1x16xf32>,
        %get3A_1453 = vector.shape_cast %get3A_1452 : vector<1x16xf32> to vector<16xf32>
        %mul3A_1454 = arith.mulf %get3A_1453, %get3A_1449 : vector<16xf32>
        %swap3A_1455 = arith.index_cast %add3A_1445 : i32 to index
        %swap3A_1456 = arith.constant 0 : index
        %swap3A_1457 = tpu.vector_load %arg10[%swap3A_1455, %swap3A_1456] {strides = array<i32>} : memref<256x128xf32, #tpu.memory_space<vmem>>, vector<1x16xf32>,
        %swap3A_1458 = vector.shape_cast %swap3A_1457 : vector<1x16xf32> to vector<16xf32>
        %swap3A_1459 = vector.shape_cast %mul3A_1454 : vector<16xf32> to vector<1x16xf32>
        tpu.vector_store %arg10[%swap3A_1455, %swap3A_1456], %swap3A_1459 {strides = array<i32>} : memref<256x128xf32, #tpu.memory_space<vmem>>, vector<1x16xf32>,
        %get3A_1460 = arith.index_cast %add3A_1445 : i32 to index
        %get3A_1461 = arith.constant 16 : index
        %get3A_1462 = tpu.vector_load %arg10[%get3A_1460, %get3A_1461] {strides = array<i32>} : memref<256x128xf32, #tpu.memory_space<vmem>>, vector<1x16xf32>,
        %get3A_1463 = vector.shape_cast %get3A_1462 : vector<1x16xf32> to vector<16xf32>
        %mul3A_1464 = arith.mulf %get3A_1463, %get3A_1449 : vector<16xf32>
        %swap3A_1465 = arith.index_cast %add3A_1445 : i32 to index
        %swap3A_1466 = arith.constant 16 : index
        %swap3A_1467 = tpu.vector_load %arg10[%swap3A_1465, %swap3A_1466] {strides = array<i32>} : memref<256x128xf32, #tpu.memory_space<vmem>>, vector<1x16xf32>,
        %swap3A_1468 = vector.shape_cast %swap3A_1467 : vector<1x16xf32> to vector<16xf32>
        %swap3A_1469 = vector.shape_cast %mul3A_1464 : vector<16xf32> to vector<1x16xf32>
        tpu.vector_store %arg10[%swap3A_1465, %swap3A_1466], %swap3A_1469 {strides = array<i32>} : memref<256x128xf32, #tpu.memory_space<vmem>>, vector<1x16xf32>,
        %get3A_1470 = arith.index_cast %add3A_1445 : i32 to index
        %get3A_1471 = arith.constant 32 : index
        %get3A_1472 = tpu.vector_load %arg10[%get3A_1470, %get3A_1471] {strides = array<i32>} : memref<256x128xf32, #tpu.memory_space<vmem>>, vector<1x16xf32>,
        %get3A_1473 = vector.shape_cast %get3A_1472 : vector<1x16xf32> to vector<16xf32>
        %mul3A_1474 = arith.mulf %get3A_1473, %get3A_1449 : vector<16xf32>
        %swap3A_1475 = arith.index_cast %add3A_1445 : i32 to index
        %swap3A_1476 = arith.constant 32 : index
        %swap3A_1477 = tpu.vector_load %arg10[%swap3A_1475, %swap3A_1476] {strides = array<i32>} : memref<256x128xf32, #tpu.memory_space<vmem>>, vector<1x16xf32>,
        %swap3A_1478 = vector.shape_cast %swap3A_1477 : vector<1x16xf32> to vector<16xf32>
        %swap3A_1479 = vector.shape_cast %mul3A_1474 : vector<16xf32> to vector<1x16xf32>
        tpu.vector_store %arg10[%swap3A_1475, %swap3A_1476], %swap3A_1479 {strides = array<i32>} : memref<256x128xf32, #tpu.memory_space<vmem>>, vector<1x16xf32>,
        %get3A_1480 = arith.index_cast %add3A_1445 : i32 to index
        %get3A_1481 = arith.constant 48 : index
        %get3A_1482 = tpu.vector_load %arg10[%get3A_1480, %get3A_1481] {strides = array<i32>} : memref<256x128xf32, #tpu.memory_space<vmem>>, vector<1x16xf32>,
        %get3A_1483 = vector.shape_cast %get3A_1482 : vector<1x16xf32> to vector<16xf32>
        %mul3A_1484 = arith.mulf %get3A_1483, %get3A_1449 : vector<16xf32>
        %swap3A_1485 = arith.index_cast %add3A_1445 : i32 to index
        %swap3A_1486 = arith.constant 48 : index
        %swap3A_1487 = tpu.vector_load %arg10[%swap3A_1485, %swap3A_1486] {strides = array<i32>} : memref<256x128xf32, #tpu.memory_space<vmem>>, vector<1x16xf32>,
        %swap3A_1488 = vector.shape_cast %swap3A_1487 : vector<1x16xf32> to vector<16xf32>
        %swap3A_1489 = vector.shape_cast %mul3A_1484 : vector<16xf32> to vector<1x16xf32>
        tpu.vector_store %arg10[%swap3A_1485, %swap3A_1486], %swap3A_1489 {strides = array<i32>} : memref<256x128xf32, #tpu.memory_space<vmem>>, vector<1x16xf32>,
        %get3A_1490 = arith.index_cast %add3A_1445 : i32 to index
        %get3A_1491 = arith.constant 64 : index
        %get3A_1492 = tpu.vector_load %arg10[%get3A_1490, %get3A_1491] {strides = array<i32>} : memref<256x128xf32, #tpu.memory_space<vmem>>, vector<1x16xf32>,
        %get3A_1493 = vector.shape_cast %get3A_1492 : vector<1x16xf32> to vector<16xf32>
        %mul3A_1494 = arith.mulf %get3A_1493, %get3A_1449 : vector<16xf32>
        %swap3A_1495 = arith.index_cast %add3A_1445 : i32 to index
        %swap3A_1496 = arith.constant 64 : index
        %swap3A_1497 = tpu.vector_load %arg10[%swap3A_1495, %swap3A_1496] {strides = array<i32>} : memref<256x128xf32, #tpu.memory_space<vmem>>, vector<1x16xf32>,
        %swap3A_1498 = vector.shape_cast %swap3A_1497 : vector<1x16xf32> to vector<16xf32>
        %swap3A_1499 = vector.shape_cast %mul3A_1494 : vector<16xf32> to vector<1x16xf32>
        tpu.vector_store %arg10[%swap3A_1495, %swap3A_1496], %swap3A_1499 {strides = array<i32>} : memref<256x128xf32, #tpu.memory_space<vmem>>, vector<1x16xf32>,
        %get3A_1500 = arith.index_cast %add3A_1445 : i32 to index
        %get3A_1501 = arith.constant 80 : index
        %get3A_1502 = tpu.vector_load %arg10[%get3A_1500, %get3A_1501] {strides = array<i32>} : memref<256x128xf32, #tpu.memory_space<vmem>>, vector<1x16xf32>,
        %get3A_1503 = vector.shape_cast %get3A_1502 : vector<1x16xf32> to vector<16xf32>
        %mul3A_1504 = arith.mulf %get3A_1503, %get3A_1449 : vector<16xf32>
        %swap3A_1505 = arith.index_cast %add3A_1445 : i32 to index
        %swap3A_1506 = arith.constant 80 : index
        %swap3A_1507 = tpu.vector_load %arg10[%swap3A_1505, %swap3A_1506] {strides = array<i32>} : memref<256x128xf32, #tpu.memory_space<vmem>>, vector<1x16xf32>,
        %swap3A_1508 = vector.shape_cast %swap3A_1507 : vector<1x16xf32> to vector<16xf32>
        %swap3A_1509 = vector.shape_cast %mul3A_1504 : vector<16xf32> to vector<1x16xf32>
        tpu.vector_store %arg10[%swap3A_1505, %swap3A_1506], %swap3A_1509 {strides = array<i32>} : memref<256x128xf32, #tpu.memory_space<vmem>>, vector<1x16xf32>,
        %get3A_1510 = arith.index_cast %add3A_1445 : i32 to index
        %get3A_1511 = arith.constant 96 : index
        %get3A_1512 = tpu.vector_load %arg10[%get3A_1510, %get3A_1511] {strides = array<i32>} : memref<256x128xf32, #tpu.memory_space<vmem>>, vector<1x16xf32>,
        %get3A_1513 = vector.shape_cast %get3A_1512 : vector<1x16xf32> to vector<16xf32>
        %mul3A_1514 = arith.mulf %get3A_1513, %get3A_1449 : vector<16xf32>
        %add3A_1515 = arith.addf %mul3A_1514, %select_n3A : vector<16xf32>
        %swap3A_1516 = arith.index_cast %add3A_1445 : i32 to index
        %swap3A_1517 = arith.constant 96 : index
        %swap3A_1518 = tpu.vector_load %arg10[%swap3A_1516, %swap3A_1517] {strides = array<i32>} : memref<256x128xf32, #tpu.memory_space<vmem>>, vector<1x16xf32>,
        %swap3A_1519 = vector.shape_cast %swap3A_1518 : vector<1x16xf32> to vector<16xf32>
        %swap3A_1520 = vector.shape_cast %add3A_1515 : vector<16xf32> to vector<1x16xf32>
        tpu.vector_store %arg10[%swap3A_1516, %swap3A_1517], %swap3A_1520 {strides = array<i32>} : memref<256x128xf32, #tpu.memory_space<vmem>>, vector<1x16xf32>,
        %get3A_1521 = arith.index_cast %add3A_1445 : i32 to index
        %get3A_1522 = arith.constant 112 : index
        %get3A_1523 = tpu.vector_load %arg10[%get3A_1521, %get3A_1522] {strides = array<i32>} : memref<256x128xf32, #tpu.memory_space<vmem>>, vector<1x16xf32>,
        %get3A_1524 = vector.shape_cast %get3A_1523 : vector<1x16xf32> to vector<16xf32>
        %mul3A_1525 = arith.mulf %get3A_1524, %get3A_1449 : vector<16xf32>
        %swap3A_1526 = arith.index_cast %add3A_1445 : i32 to index
        %swap3A_1527 = arith.constant 112 : index
        %swap3A_1528 = tpu.vector_load %arg10[%swap3A_1526, %swap3A_1527] {strides = array<i32>} : memref<256x128xf32, #tpu.memory_space<vmem>>, vector<1x16xf32>,
        %swap3A_1529 = vector.shape_cast %swap3A_1528 : vector<1x16xf32> to vector<16xf32>
        %swap3A_1530 = vector.shape_cast %mul3A_1525 : vector<16xf32> to vector<1x16xf32>
        tpu.vector_store %arg10[%swap3A_1526, %swap3A_1527], %swap3A_1530 {strides = array<i32>} : memref<256x128xf32, #tpu.memory_space<vmem>>, vector<1x16xf32>,
      }
      %scan3A_812 = arith.constant 32 : i32
      %dma_wait3A_813 = arith.constant 0 : i32
      %dma_wait3A_814 = tpu.memref_slice %arg4[%add3A, %scan3A_790, %dma_wait3A_813] : memref<32x20x256xi32, #tpu.memory_space<hbm>> -> memref<1x1x256xi32, #tpu.memory_space<hbm>>
      %dma_wait3A_815 = tpu.memref_squeeze %dma_wait3A_814 : memref<1x1x256xi32, #tpu.memory_space<hbm>> -> memref<256xi32, #tpu.memory_space<hbm>>
      %dma_wait3A_816 = arith.constant 0 : i32
      %dma_wait3A_817 = tpu.memref_slice %arg4[%add3A, %scan3A_790, %dma_wait3A_816] : memref<32x20x256xi32, #tpu.memory_space<hbm>> -> memref<1x1x256xi32, #tpu.memory_space<hbm>>
      %dma_wait3A_818 = tpu.memref_squeeze %dma_wait3A_817 : memref<1x1x256xi32, #tpu.memory_space<hbm>> -> memref<256xi32, #tpu.memory_space<hbm>>
      tpu.wait_dma2 semaphore(%arg13 : memref<!tpu.dma_semaphore, #tpu.memory_space<semaphore_mem>>) src(%dma_wait3A_818 : memref<256xi32, #tpu.memory_space<hbm>>) dst(%arg8 : memref<256xi32, #tpu.memory_space<vmem>>)
      "tpu.region"() ({
        %run_scoped3A = tpu.sem_alloc : memref<!tpu.dma_semaphore, #tpu.memory_space<semaphore_mem>>
        %dma_start3A_819 = arith.constant 0 : i32
        %dma_start3A_820 = arith.constant 0 : i32
        %dma_start3A_821 = tpu.memref_slice %arg11[%dma_start3A_819, %dma_start3A_820] : memref<10240x128xf32, #tpu.memory_space<vmem_shared>> -> memref<10240x128xf32, #tpu.memory_space<vmem_shared>>
        tpu.enqueue_indirect_dma source(%arg10 : memref<256x128xf32, #tpu.memory_space<vmem>>) target(%dma_start3A_821 : memref<10240x128xf32, #tpu.memory_space<vmem_shared>>) offsets(%arg8 : memref<256xi32, #tpu.memory_space<vmem>>) semaphore(%run_scoped3A : memref<!tpu.dma_semaphore, #tpu.memory_space<semaphore_mem>>) {add = true}
        %dma_wait3A_822 = arith.constant 0 : i32
        %dma_wait3A_823 = arith.constant 0 : i32
        %dma_wait3A_824 = tpu.memref_slice %arg11[%dma_wait3A_822, %dma_wait3A_823] : memref<10240x128xf32, #tpu.memory_space<vmem_shared>> -> memref<10240x128xf32, #tpu.memory_space<vmem_shared>>
        tpu.wait_indirect_dma semaphore(%run_scoped3A : memref<!tpu.dma_semaphore, #tpu.memory_space<semaphore_mem>>) src(%arg10 : memref<256x128xf32, #tpu.memory_space<vmem>>) dst(%dma_wait3A_824 : memref<10240x128xf32, #tpu.memory_space<vmem_shared>>)
        tpu.yield
      }) : () -> ()
    }
    %scan3A_784 = arith.constant 20 : i32
    %barrier3A_785 = arith.constant 0 : index
    tpu.barrier barrier_id(%barrier3A_785)
    %mul3A_786 = arith.constant 640 : i32
    %mul3A_787 = arith.muli %arg1, %mul3A_786 : i32
    %mul3A_788 = arith.constant 640 : i32
    %mul3A_789 = arith.muli %arg1, %mul3A_788 : i32
    "tpu.region"() ({
      %run_scoped3A = tpu.sem_alloc : memref<!tpu.dma_semaphore, #tpu.memory_space<semaphore_mem>>
      %dma_start3A = arith.constant 0 : i32
      %dma_start3A_790 = tpu.memref_slice %arg6[%arg0, %mul3A_789, %dma_start3A] : memref<2x10240x128xf32, #tpu.memory_space<hbm>> -> memref<1x640x128xf32, #tpu.memory_space<hbm>>
      %dma_start3A_791 = tpu.memref_squeeze %dma_start3A_790 : memref<1x640x128xf32, #tpu.memory_space<hbm>> -> memref<640x128xf32, #tpu.memory_space<hbm>>
      %dma_start3A_792 = arith.constant 0 : i32
      %dma_start3A_793 = tpu.memref_slice %arg11[%mul3A_787, %dma_start3A_792] : memref<10240x128xf32, #tpu.memory_space<vmem_shared>> -> memref<640x128xf32, #tpu.memory_space<vmem_shared>>
      tpu.enqueue_dma source(%dma_start3A_793 : memref<640x128xf32, #tpu.memory_space<vmem_shared>>) target(%dma_start3A_791 : memref<640x128xf32, #tpu.memory_space<hbm>>) target_semaphore(%run_scoped3A : memref<!tpu.dma_semaphore, #tpu.memory_space<semaphore_mem>>)
      %dma_wait3A = arith.constant 0 : i32
      %dma_wait3A_794 = tpu.memref_slice %arg6[%arg0, %mul3A_789, %dma_wait3A] : memref<2x10240x128xf32, #tpu.memory_space<hbm>> -> memref<1x640x128xf32, #tpu.memory_space<hbm>>
      %dma_wait3A_795 = tpu.memref_squeeze %dma_wait3A_794 : memref<1x640x128xf32, #tpu.memory_space<hbm>> -> memref<640x128xf32, #tpu.memory_space<hbm>>
      %dma_wait3A_796 = arith.constant 0 : i32
      %dma_wait3A_797 = tpu.memref_slice %arg11[%mul3A_787, %dma_wait3A_796] : memref<10240x128xf32, #tpu.memory_space<vmem_shared>> -> memref<640x128xf32, #tpu.memory_space<vmem_shared>>
      tpu.wait_dma2 semaphore(%run_scoped3A : memref<!tpu.dma_semaphore, #tpu.memory_space<semaphore_mem>>) src(%dma_wait3A_797 : memref<640x128xf32, #tpu.memory_space<vmem_shared>>) dst(%dma_wait3A_795 : memref<640x128xf32, #tpu.memory_space<hbm>>)
      tpu.yield
    }) : () -> ()
    return
  }
}

#map = affine_map<(d0, d1) -> (0, 0)>
#map1 = affine_map<(d0, d1) -> (0, 0, 0)>
module attributes {stable_mosaic.version = 14 : i64} {
  func.func @_sc_body(%arg0: i32, %arg1: i32, %arg2: memref<160000x128xf32, #tpu.memory_space<hbm>>, %arg3: memref<32x5120xi32, #tpu.memory_space<hbm>>, %arg4: memref<32x20x256xi32, #tpu.memory_space<hbm>>, %arg5: memref<32x640x128xf32, #tpu.memory_space<hbm>>, %arg6: memref<2x10240x128xf32, #tpu.memory_space<hbm>>, %arg7: memref<5120xi32, #tpu.memory_space<vmem>>, %arg8: memref<256xi32, #tpu.memory_space<vmem>>, %arg9: memref<32x128xf32, #tpu.memory_space<vmem>>, %arg10: memref<256x128xf32, #tpu.memory_space<vmem>>, %arg11: memref<10240x128xf32, #tpu.memory_space<vmem_shared>>, %arg12: memref<!tpu.dma_semaphore, #tpu.memory_space<semaphore_mem>>, %arg13: memref<!tpu.dma_semaphore, #tpu.memory_space<semaphore_mem>>) attributes {dimension_semantics = [#tpu.dimension_semantics<core_parallel>, #tpu.dimension_semantics<subcore_parallel>], iteration_bounds = array<i64: 2, 16>, scalar_prefetch = 0 : i64, scratch_operands = 7 : i64, tpu.core_type = #tpu.core_type<sc_vector_subcore>, window_params = [{transform_indices = #map}, {transform_indices = #map}, {transform_indices = #map1}, {transform_indices = #map1}, {transform_indices = #map1}]} {
    %mul3A = arith.constant 2 : i32
    %mul3A_0 = arith.muli %arg1, %mul3A : i32
    %add3A = arith.addi %mul3A_0, %arg0 : i32
    "tpu.region"() ({
      %run_scoped3A = tpu.sem_alloc : memref<!tpu.dma_semaphore, #tpu.memory_space<semaphore_mem>>
      %dma_start3A = arith.constant 0 : i32
      %dma_start3A_790 = tpu.memref_slice %arg3[%add3A, %dma_start3A] : memref<32x5120xi32, #tpu.memory_space<hbm>> -> memref<1x5120xi32, #tpu.memory_space<hbm>>
      %dma_start3A_791 = tpu.memref_squeeze %dma_start3A_790 : memref<1x5120xi32, #tpu.memory_space<hbm>> -> memref<5120xi32, #tpu.memory_space<hbm>>
      %dma_start3A_792 = arith.constant 0 : i32
      %dma_start3A_793 = tpu.memref_slice %arg3[%add3A, %dma_start3A_792] : memref<32x5120xi32, #tpu.memory_space<hbm>> -> memref<1x5120xi32, #tpu.memory_space<hbm>>
      %dma_start3A_794 = tpu.memref_squeeze %dma_start3A_793 : memref<1x5120xi32, #tpu.memory_space<hbm>> -> memref<5120xi32, #tpu.memory_space<hbm>>
      tpu.enqueue_dma source(%dma_start3A_794 : memref<5120xi32, #tpu.memory_space<hbm>>) target(%arg7 : memref<5120xi32, #tpu.memory_space<vmem>>) target_semaphore(%run_scoped3A : memref<!tpu.dma_semaphore, #tpu.memory_space<semaphore_mem>>)
      %dma_wait3A = arith.constant 0 : i32
      %dma_wait3A_795 = tpu.memref_slice %arg3[%add3A, %dma_wait3A] : memref<32x5120xi32, #tpu.memory_space<hbm>> -> memref<1x5120xi32, #tpu.memory_space<hbm>>
      %dma_wait3A_796 = tpu.memref_squeeze %dma_wait3A_795 : memref<1x5120xi32, #tpu.memory_space<hbm>> -> memref<5120xi32, #tpu.memory_space<hbm>>
      %dma_wait3A_797 = arith.constant 0 : i32
      %dma_wait3A_798 = tpu.memref_slice %arg3[%add3A, %dma_wait3A_797] : memref<32x5120xi32, #tpu.memory_space<hbm>> -> memref<1x5120xi32, #tpu.memory_space<hbm>>
      %dma_wait3A_799 = tpu.memref_squeeze %dma_wait3A_798 : memref<1x5120xi32, #tpu.memory_space<hbm>> -> memref<5120xi32, #tpu.memory_space<hbm>>
      tpu.wait_dma2 semaphore(%run_scoped3A : memref<!tpu.dma_semaphore, #tpu.memory_space<semaphore_mem>>) src(%dma_wait3A_799 : memref<5120xi32, #tpu.memory_space<hbm>>) dst(%arg7 : memref<5120xi32, #tpu.memory_space<vmem>>)
      tpu.yield
    }) : () -> ()
    %broadcast_in_dim3A = arith.constant 0.000000e+00 : f32
    %broadcast_in_dim3A_1 = vector.broadcast %broadcast_in_dim3A : f32 to vector<16xf32>
    %swap3A = arith.constant 0 : i32
    %swap3A_2 = arith.index_cast %swap3A : i32 to index
    %swap3A_3 = arith.constant 0 : index
    %swap3A_4 = tpu.vector_load %arg10[%swap3A_2, %swap3A_3] {strides = array<i32>} : memref<256x128xf32, #tpu.memory_space<vmem>>, vector<1x16xf32>,
    %swap3A_5 = vector.shape_cast %swap3A_4 : vector<1x16xf32> to vector<16xf32>
    %swap3A_6 = vector.shape_cast %broadcast_in_dim3A_1 : vector<16xf32> to vector<1x16xf32>
    tpu.vector_store %arg10[%swap3A_2, %swap3A_3], %swap3A_6 {strides = array<i32>} : memref<256x128xf32, #tpu.memory_space<vmem>>, vector<1x16xf32>,
    %swap3A_7 = arith.constant 0 : i32
    %swap3A_8 = arith.index_cast %swap3A_7 : i32 to index
    %swap3A_9 = arith.constant 16 : index
    %swap3A_10 = tpu.vector_load %arg10[%swap3A_8, %swap3A_9] {strides = array<i32>} : memref<256x128xf32, #tpu.memory_space<vmem>>, vector<1x16xf32>,
    %swap3A_11 = vector.shape_cast %swap3A_10 : vector<1x16xf32> to vector<16xf32>
    %swap3A_12 = vector.shape_cast %broadcast_in_dim3A_1 : vector<16xf32> to vector<1x16xf32>
    tpu.vector_store %arg10[%swap3A_8, %swap3A_9], %swap3A_12 {strides = array<i32>} : memref<256x128xf32, #tpu.memory_space<vmem>>, vector<1x16xf32>,
    %swap3A_13 = arith.constant 0 : i32
    %swap3A_14 = arith.index_cast %swap3A_13 : i32 to index
    %swap3A_15 = arith.constant 32 : index
    %swap3A_16 = tpu.vector_load %arg10[%swap3A_14, %swap3A_15] {strides = array<i32>} : memref<256x128xf32, #tpu.memory_space<vmem>>, vector<1x16xf32>,
    %swap3A_17 = vector.shape_cast %swap3A_16 : vector<1x16xf32> to vector<16xf32>
    %swap3A_18 = vector.shape_cast %broadcast_in_dim3A_1 : vector<16xf32> to vector<1x16xf32>
    tpu.vector_store %arg10[%swap3A_14, %swap3A_15], %swap3A_18 {strides = array<i32>} : memref<256x128xf32, #tpu.memory_space<vmem>>, vector<1x16xf32>,
    %swap3A_19 = arith.constant 0 : i32
    %swap3A_20 = arith.index_cast %swap3A_19 : i32 to index
    %swap3A_21 = arith.constant 48 : index
    %swap3A_22 = tpu.vector_load %arg10[%swap3A_20, %swap3A_21] {strides = array<i32>} : memref<256x128xf32, #tpu.memory_space<vmem>>, vector<1x16xf32>,
    %swap3A_23 = vector.shape_cast %swap3A_22 : vector<1x16xf32> to vector<16xf32>
    %swap3A_24 = vector.shape_cast %broadcast_in_dim3A_1 : vector<16xf32> to vector<1x16xf32>
    tpu.vector_store %arg10[%swap3A_20, %swap3A_21], %swap3A_24 {strides = array<i32>} : memref<256x128xf32, #tpu.memory_space<vmem>>, vector<1x16xf32>,
    %swap3A_25 = arith.constant 0 : i32
    %swap3A_26 = arith.index_cast %swap3A_25 : i32 to index
    %swap3A_27 = arith.constant 64 : index
    %swap3A_28 = tpu.vector_load %arg10[%swap3A_26, %swap3A_27] {strides = array<i32>} : memref<256x128xf32, #tpu.memory_space<vmem>>, vector<1x16xf32>,
    %swap3A_29 = vector.shape_cast %swap3A_28 : vector<1x16xf32> to vector<16xf32>
    %swap3A_30 = vector.shape_cast %broadcast_in_dim3A_1 : vector<16xf32> to vector<1x16xf32>
    tpu.vector_store %arg10[%swap3A_26, %swap3A_27], %swap3A_30 {strides = array<i32>} : memref<256x128xf32, #tpu.memory_space<vmem>>, vector<1x16xf32>,
    %swap3A_31 = arith.constant 0 : i32
    %swap3A_32 = arith.index_cast %swap3A_31 : i32 to index
    %swap3A_33 = arith.constant 80 : index
    %swap3A_34 = tpu.vector_load %arg10[%swap3A_32, %swap3A_33] {strides = array<i32>} : memref<256x128xf32, #tpu.memory_space<vmem>>, vector<1x16xf32>,
    %swap3A_35 = vector.shape_cast %swap3A_34 : vector<1x16xf32> to vector<16xf32>
    %swap3A_36 = vector.shape_cast %broadcast_in_dim3A_1 : vector<16xf32> to vector<1x16xf32>
    tpu.vector_store %arg10[%swap3A_32, %swap3A_33], %swap3A_36 {strides = array<i32>} : memref<256x128xf32, #tpu.memory_space<vmem>>, vector<1x16xf32>,
    %swap3A_37 = arith.constant 0 : i32
    %swap3A_38 = arith.index_cast %swap3A_37 : i32 to index
    %swap3A_39 = arith.constant 96 : index
    %swap3A_40 = tpu.vector_load %arg10[%swap3A_38, %swap3A_39] {strides = array<i32>} : memref<256x128xf32, #tpu.memory_space<vmem>>, vector<1x16xf32>,
    %swap3A_41 = vector.shape_cast %swap3A_40 : vector<1x16xf32> to vector<16xf32>
    %swap3A_42 = vector.shape_cast %broadcast_in_dim3A_1 : vector<16xf32> to vector<1x16xf32>
    tpu.vector_store %arg10[%swap3A_38, %swap3A_39], %swap3A_42 {strides = array<i32>} : memref<256x128xf32, #tpu.memory_space<vmem>>, vector<1x16xf32>,
    %swap3A_43 = arith.constant 0 : i32
    %swap3A_44 = arith.index_cast %swap3A_43 : i32 to index
    %swap3A_45 = arith.constant 112 : index
    %swap3A_46 = tpu.vector_load %arg10[%swap3A_44, %swap3A_45] {strides = array<i32>} : memref<256x128xf32, #tpu.memory_space<vmem>>, vector<1x16xf32>,
    %swap3A_47 = vector.shape_cast %swap3A_46 : vector<1x16xf32> to vector<16xf32>
    %swap3A_48 = vector.shape_cast %broadcast_in_dim3A_1 : vector<16xf32> to vector<1x16xf32>
    tpu.vector_store %arg10[%swap3A_44, %swap3A_45], %swap3A_48 {strides = array<i32>} : memref<256x128xf32, #tpu.memory_space<vmem>>, vector<1x16xf32>,
    %swap3A_49 = arith.constant 1 : i32
    %swap3A_50 = arith.index_cast %swap3A_49 : i32 to index
    %swap3A_51 = arith.constant 0 : index
    %swap3A_52 = tpu.vector_load %arg10[%swap3A_50, %swap3A_51] {strides = array<i32>} : memref<256x128xf32, #tpu.memory_space<vmem>>, vector<1x16xf32>,
    %swap3A_53 = vector.shape_cast %swap3A_52 : vector<1x16xf32> to vector<16xf32>
    %swap3A_54 = vector.shape_cast %broadcast_in_dim3A_1 : vector<16xf32> to vector<1x16xf32>
    tpu.vector_store %arg10[%swap3A_50, %swap3A_51], %swap3A_54 {strides = array<i32>} : memref<256x128xf32, #tpu.memory_space<vmem>>, vector<1x16xf32>,
    %swap3A_55 = arith.constant 1 : i32
    %swap3A_56 = arith.index_cast %swap3A_55 : i32 to index
    %swap3A_57 = arith.constant 16 : index
    %swap3A_58 = tpu.vector_load %arg10[%swap3A_56, %swap3A_57] {strides = array<i32>} : memref<256x128xf32, #tpu.memory_space<vmem>>, vector<1x16xf32>,
    %swap3A_59 = vector.shape_cast %swap3A_58 : vector<1x16xf32> to vector<16xf32>
    %swap3A_60 = vector.shape_cast %broadcast_in_dim3A_1 : vector<16xf32> to vector<1x16xf32>
    tpu.vector_store %arg10[%swap3A_56, %swap3A_57], %swap3A_60 {strides = array<i32>} : memref<256x128xf32, #tpu.memory_space<vmem>>, vector<1x16xf32>,
    %swap3A_61 = arith.constant 1 : i32
    %swap3A_62 = arith.index_cast %swap3A_61 : i32 to index
    %swap3A_63 = arith.constant 32 : index
    %swap3A_64 = tpu.vector_load %arg10[%swap3A_62, %swap3A_63] {strides = array<i32>} : memref<256x128xf32, #tpu.memory_space<vmem>>, vector<1x16xf32>,
    %swap3A_65 = vector.shape_cast %swap3A_64 : vector<1x16xf32> to vector<16xf32>
    %swap3A_66 = vector.shape_cast %broadcast_in_dim3A_1 : vector<16xf32> to vector<1x16xf32>
    tpu.vector_store %arg10[%swap3A_62, %swap3A_63], %swap3A_66 {strides = array<i32>} : memref<256x128xf32, #tpu.memory_space<vmem>>, vector<1x16xf32>,
    %swap3A_67 = arith.constant 1 : i32
    %swap3A_68 = arith.index_cast %swap3A_67 : i32 to index
    %swap3A_69 = arith.constant 48 : index
    %swap3A_70 = tpu.vector_load %arg10[%swap3A_68, %swap3A_69] {strides = array<i32>} : memref<256x128xf32, #tpu.memory_space<vmem>>, vector<1x16xf32>,
    %swap3A_71 = vector.shape_cast %swap3A_70 : vector<1x16xf32> to vector<16xf32>
    %swap3A_72 = vector.shape_cast %broadcast_in_dim3A_1 : vector<16xf32> to vector<1x16xf32>
    tpu.vector_store %arg10[%swap3A_68, %swap3A_69], %swap3A_72 {strides = array<i32>} : memref<256x128xf32, #tpu.memory_space<vmem>>, vector<1x16xf32>,
    %swap3A_73 = arith.constant 1 : i32
    %swap3A_74 = arith.index_cast %swap3A_73 : i32 to index
    %swap3A_75 = arith.constant 64 : index
    %swap3A_76 = tpu.vector_load %arg10[%swap3A_74, %swap3A_75] {strides = array<i32>} : memref<256x128xf32, #tpu.memory_space<vmem>>, vector<1x16xf32>,
    %swap3A_77 = vector.shape_cast %swap3A_76 : vector<1x16xf32> to vector<16xf32>
    %swap3A_78 = vector.shape_cast %broadcast_in_dim3A_1 : vector<16xf32> to vector<1x16xf32>
    tpu.vector_store %arg10[%swap3A_74, %swap3A_75], %swap3A_78 {strides = array<i32>} : memref<256x128xf32, #tpu.memory_space<vmem>>, vector<1x16xf32>,
    %swap3A_79 = arith.constant 1 : i32
    %swap3A_80 = arith.index_cast %swap3A_79 : i32 to index
    %swap3A_81 = arith.constant 80 : index
    %swap3A_82 = tpu.vector_load %arg10[%swap3A_80, %swap3A_81] {strides = array<i32>} : memref<256x128xf32, #tpu.memory_space<vmem>>, vector<1x16xf32>,
    %swap3A_83 = vector.shape_cast %swap3A_82 : vector<1x16xf32> to vector<16xf32>
    %swap3A_84 = vector.shape_cast %broadcast_in_dim3A_1 : vector<16xf32> to vector<1x16xf32>
    tpu.vector_store %arg10[%swap3A_80, %swap3A_81], %swap3A_84 {strides = array<i32>} : memref<256x128xf32, #tpu.memory_space<vmem>>, vector<1x16xf32>,
    %swap3A_85 = arith.constant 1 : i32
    %swap3A_86 = arith.index_cast %swap3A_85 : i32 to index
    %swap3A_87 = arith.constant 96 : index
    %swap3A_88 = tpu.vector_load %arg10[%swap3A_86, %swap3A_87] {strides = array<i32>} : memref<256x128xf32, #tpu.memory_space<vmem>>, vector<1x16xf32>,
    %swap3A_89 = vector.shape_cast %swap3A_88 : vector<1x16xf32> to vector<16xf32>
    %swap3A_90 = vector.shape_cast %broadcast_in_dim3A_1 : vector<16xf32> to vector<1x16xf32>
    tpu.vector_store %arg10[%swap3A_86, %swap3A_87], %swap3A_90 {strides = array<i32>} : memref<256x128xf32, #tpu.memory_space<vmem>>, vector<1x16xf32>,
    %swap3A_91 = arith.constant 1 : i32
    %swap3A_92 = arith.index_cast %swap3A_91 : i32 to index
    %swap3A_93 = arith.constant 112 : index
    %swap3A_94 = tpu.vector_load %arg10[%swap3A_92, %swap3A_93] {strides = array<i32>} : memref<256x128xf32, #tpu.memory_space<vmem>>, vector<1x16xf32>,
    %swap3A_95 = vector.shape_cast %swap3A_94 : vector<1x16xf32> to vector<16xf32>
    %swap3A_96 = vector.shape_cast %broadcast_in_dim3A_1 : vector<16xf32> to vector<1x16xf32>
    tpu.vector_store %arg10[%swap3A_92, %swap3A_93], %swap3A_96 {strides = array<i32>} : memref<256x128xf32, #tpu.memory_space<vmem>>, vector<1x16xf32>,
    %swap3A_97 = arith.constant 2 : i32
    %swap3A_98 = arith.index_cast %swap3A_97 : i32 to index
    %swap3A_99 = arith.constant 0 : index
    %swap3A_100 = tpu.vector_load %arg10[%swap3A_98, %swap3A_99] {strides = array<i32>} : memref<256x128xf32, #tpu.memory_space<vmem>>, vector<1x16xf32>,
    %swap3A_101 = vector.shape_cast %swap3A_100 : vector<1x16xf32> to vector<16xf32>
    %swap3A_102 = vector.shape_cast %broadcast_in_dim3A_1 : vector<16xf32> to vector<1x16xf32>
    tpu.vector_store %arg10[%swap3A_98, %swap3A_99], %swap3A_102 {strides = array<i32>} : memref<256x128xf32, #tpu.memory_space<vmem>>, vector<1x16xf32>,
    %swap3A_103 = arith.constant 2 : i32
    %swap3A_104 = arith.index_cast %swap3A_103 : i32 to index
    %swap3A_105 = arith.constant 16 : index
    %swap3A_106 = tpu.vector_load %arg10[%swap3A_104, %swap3A_105] {strides = array<i32>} : memref<256x128xf32, #tpu.memory_space<vmem>>, vector<1x16xf32>,
    %swap3A_107 = vector.shape_cast %swap3A_106 : vector<1x16xf32> to vector<16xf32>
    %swap3A_108 = vector.shape_cast %broadcast_in_dim3A_1 : vector<16xf32> to vector<1x16xf32>
    tpu.vector_store %arg10[%swap3A_104, %swap3A_105], %swap3A_108 {strides = array<i32>} : memref<256x128xf32, #tpu.memory_space<vmem>>, vector<1x16xf32>,
    %swap3A_109 = arith.constant 2 : i32
    %swap3A_110 = arith.index_cast %swap3A_109 : i32 to index
    %swap3A_111 = arith.constant 32 : index
    %swap3A_112 = tpu.vector_load %arg10[%swap3A_110, %swap3A_111] {strides = array<i32>} : memref<256x128xf32, #tpu.memory_space<vmem>>, vector<1x16xf32>,
    %swap3A_113 = vector.shape_cast %swap3A_112 : vector<1x16xf32> to vector<16xf32>
    %swap3A_114 = vector.shape_cast %broadcast_in_dim3A_1 : vector<16xf32> to vector<1x16xf32>
    tpu.vector_store %arg10[%swap3A_110, %swap3A_111], %swap3A_114 {strides = array<i32>} : memref<256x128xf32, #tpu.memory_space<vmem>>, vector<1x16xf32>,
    %swap3A_115 = arith.constant 2 : i32
    %swap3A_116 = arith.index_cast %swap3A_115 : i32 to index
    %swap3A_117 = arith.constant 48 : index
    %swap3A_118 = tpu.vector_load %arg10[%swap3A_116, %swap3A_117] {strides = array<i32>} : memref<256x128xf32, #tpu.memory_space<vmem>>, vector<1x16xf32>,
    %swap3A_119 = vector.shape_cast %swap3A_118 : vector<1x16xf32> to vector<16xf32>
    %swap3A_120 = vector.shape_cast %broadcast_in_dim3A_1 : vector<16xf32> to vector<1x16xf32>
    tpu.vector_store %arg10[%swap3A_116, %swap3A_117], %swap3A_120 {strides = array<i32>} : memref<256x128xf32, #tpu.memory_space<vmem>>, vector<1x16xf32>,
    %swap3A_121 = arith.constant 2 : i32
    %swap3A_122 = arith.index_cast %swap3A_121 : i32 to index
    %swap3A_123 = arith.constant 64 : index
    %swap3A_124 = tpu.vector_load %arg10[%swap3A_122, %swap3A_123] {strides = array<i32>} : memref<256x128xf32, #tpu.memory_space<vmem>>, vector<1x16xf32>,
    %swap3A_125 = vector.shape_cast %swap3A_124 : vector<1x16xf32> to vector<16xf32>
    %swap3A_126 = vector.shape_cast %broadcast_in_dim3A_1 : vector<16xf32> to vector<1x16xf32>
    tpu.vector_store %arg10[%swap3A_122, %swap3A_123], %swap3A_126 {strides = array<i32>} : memref<256x128xf32, #tpu.memory_space<vmem>>, vector<1x16xf32>,
    %swap3A_127 = arith.constant 2 : i32
    %swap3A_128 = arith.index_cast %swap3A_127 : i32 to index
    %swap3A_129 = arith.constant 80 : index
    %swap3A_130 = tpu.vector_load %arg10[%swap3A_128, %swap3A_129] {strides = array<i32>} : memref<256x128xf32, #tpu.memory_space<vmem>>, vector<1x16xf32>,
    %swap3A_131 = vector.shape_cast %swap3A_130 : vector<1x16xf32> to vector<16xf32>
    %swap3A_132 = vector.shape_cast %broadcast_in_dim3A_1 : vector<16xf32> to vector<1x16xf32>
    tpu.vector_store %arg10[%swap3A_128, %swap3A_129], %swap3A_132 {strides = array<i32>} : memref<256x128xf32, #tpu.memory_space<vmem>>, vector<1x16xf32>,
    %swap3A_133 = arith.constant 2 : i32
    %swap3A_134 = arith.index_cast %swap3A_133 : i32 to index
    %swap3A_135 = arith.constant 96 : index
    %swap3A_136 = tpu.vector_load %arg10[%swap3A_134, %swap3A_135] {strides = array<i32>} : memref<256x128xf32, #tpu.memory_space<vmem>>, vector<1x16xf32>,
    %swap3A_137 = vector.shape_cast %swap3A_136 : vector<1x16xf32> to vector<16xf32>
    %swap3A_138 = vector.shape_cast %broadcast_in_dim3A_1 : vector<16xf32> to vector<1x16xf32>
    tpu.vector_store %arg10[%swap3A_134, %swap3A_135], %swap3A_138 {strides = array<i32>} : memref<256x128xf32, #tpu.memory_space<vmem>>, vector<1x16xf32>,
    %swap3A_139 = arith.constant 2 : i32
    %swap3A_140 = arith.index_cast %swap3A_139 : i32 to index
    %swap3A_141 = arith.constant 112 : index
    %swap3A_142 = tpu.vector_load %arg10[%swap3A_140, %swap3A_141] {strides = array<i32>} : memref<256x128xf32, #tpu.memory_space<vmem>>, vector<1x16xf32>,
    %swap3A_143 = vector.shape_cast %swap3A_142 : vector<1x16xf32> to vector<16xf32>
    %swap3A_144 = vector.shape_cast %broadcast_in_dim3A_1 : vector<16xf32> to vector<1x16xf32>
    tpu.vector_store %arg10[%swap3A_140, %swap3A_141], %swap3A_144 {strides = array<i32>} : memref<256x128xf32, #tpu.memory_space<vmem>>, vector<1x16xf32>,
    %swap3A_145 = arith.constant 3 : i32
    %swap3A_146 = arith.index_cast %swap3A_145 : i32 to index
    %swap3A_147 = arith.constant 0 : index
    %swap3A_148 = tpu.vector_load %arg10[%swap3A_146, %swap3A_147] {strides = array<i32>} : memref<256x128xf32, #tpu.memory_space<vmem>>, vector<1x16xf32>,
    %swap3A_149 = vector.shape_cast %swap3A_148 : vector<1x16xf32> to vector<16xf32>
    %swap3A_150 = vector.shape_cast %broadcast_in_dim3A_1 : vector<16xf32> to vector<1x16xf32>
    tpu.vector_store %arg10[%swap3A_146, %swap3A_147], %swap3A_150 {strides = array<i32>} : memref<256x128xf32, #tpu.memory_space<vmem>>, vector<1x16xf32>,
    %swap3A_151 = arith.constant 3 : i32
    %swap3A_152 = arith.index_cast %swap3A_151 : i32 to index
    %swap3A_153 = arith.constant 16 : index
    %swap3A_154 = tpu.vector_load %arg10[%swap3A_152, %swap3A_153] {strides = array<i32>} : memref<256x128xf32, #tpu.memory_space<vmem>>, vector<1x16xf32>,
    %swap3A_155 = vector.shape_cast %swap3A_154 : vector<1x16xf32> to vector<16xf32>
    %swap3A_156 = vector.shape_cast %broadcast_in_dim3A_1 : vector<16xf32> to vector<1x16xf32>
    tpu.vector_store %arg10[%swap3A_152, %swap3A_153], %swap3A_156 {strides = array<i32>} : memref<256x128xf32, #tpu.memory_space<vmem>>, vector<1x16xf32>,
    %swap3A_157 = arith.constant 3 : i32
    %swap3A_158 = arith.index_cast %swap3A_157 : i32 to index
    %swap3A_159 = arith.constant 32 : index
    %swap3A_160 = tpu.vector_load %arg10[%swap3A_158, %swap3A_159] {strides = array<i32>} : memref<256x128xf32, #tpu.memory_space<vmem>>, vector<1x16xf32>,
    %swap3A_161 = vector.shape_cast %swap3A_160 : vector<1x16xf32> to vector<16xf32>
    %swap3A_162 = vector.shape_cast %broadcast_in_dim3A_1 : vector<16xf32> to vector<1x16xf32>
    tpu.vector_store %arg10[%swap3A_158, %swap3A_159], %swap3A_162 {strides = array<i32>} : memref<256x128xf32, #tpu.memory_space<vmem>>, vector<1x16xf32>,
    %swap3A_163 = arith.constant 3 : i32
    %swap3A_164 = arith.index_cast %swap3A_163 : i32 to index
    %swap3A_165 = arith.constant 48 : index
    %swap3A_166 = tpu.vector_load %arg10[%swap3A_164, %swap3A_165] {strides = array<i32>} : memref<256x128xf32, #tpu.memory_space<vmem>>, vector<1x16xf32>,
    %swap3A_167 = vector.shape_cast %swap3A_166 : vector<1x16xf32> to vector<16xf32>
    %swap3A_168 = vector.shape_cast %broadcast_in_dim3A_1 : vector<16xf32> to vector<1x16xf32>
    tpu.vector_store %arg10[%swap3A_164, %swap3A_165], %swap3A_168 {strides = array<i32>} : memref<256x128xf32, #tpu.memory_space<vmem>>, vector<1x16xf32>,
    %swap3A_169 = arith.constant 3 : i32
    %swap3A_170 = arith.index_cast %swap3A_169 : i32 to index
    %swap3A_171 = arith.constant 64 : index
    %swap3A_172 = tpu.vector_load %arg10[%swap3A_170, %swap3A_171] {strides = array<i32>} : memref<256x128xf32, #tpu.memory_space<vmem>>, vector<1x16xf32>,
    %swap3A_173 = vector.shape_cast %swap3A_172 : vector<1x16xf32> to vector<16xf32>
    %swap3A_174 = vector.shape_cast %broadcast_in_dim3A_1 : vector<16xf32> to vector<1x16xf32>
    tpu.vector_store %arg10[%swap3A_170, %swap3A_171], %swap3A_174 {strides = array<i32>} : memref<256x128xf32, #tpu.memory_space<vmem>>, vector<1x16xf32>,
    %swap3A_175 = arith.constant 3 : i32
    %swap3A_176 = arith.index_cast %swap3A_175 : i32 to index
    %swap3A_177 = arith.constant 80 : index
    %swap3A_178 = tpu.vector_load %arg10[%swap3A_176, %swap3A_177] {strides = array<i32>} : memref<256x128xf32, #tpu.memory_space<vmem>>, vector<1x16xf32>,
    %swap3A_179 = vector.shape_cast %swap3A_178 : vector<1x16xf32> to vector<16xf32>
    %swap3A_180 = vector.shape_cast %broadcast_in_dim3A_1 : vector<16xf32> to vector<1x16xf32>
    tpu.vector_store %arg10[%swap3A_176, %swap3A_177], %swap3A_180 {strides = array<i32>} : memref<256x128xf32, #tpu.memory_space<vmem>>, vector<1x16xf32>,
    %swap3A_181 = arith.constant 3 : i32
    %swap3A_182 = arith.index_cast %swap3A_181 : i32 to index
    %swap3A_183 = arith.constant 96 : index
    %swap3A_184 = tpu.vector_load %arg10[%swap3A_182, %swap3A_183] {strides = array<i32>} : memref<256x128xf32, #tpu.memory_space<vmem>>, vector<1x16xf32>,
    %swap3A_185 = vector.shape_cast %swap3A_184 : vector<1x16xf32> to vector<16xf32>
    %swap3A_186 = vector.shape_cast %broadcast_in_dim3A_1 : vector<16xf32> to vector<1x16xf32>
    tpu.vector_store %arg10[%swap3A_182, %swap3A_183], %swap3A_186 {strides = array<i32>} : memref<256x128xf32, #tpu.memory_space<vmem>>, vector<1x16xf32>,
    %swap3A_187 = arith.constant 3 : i32
    %swap3A_188 = arith.index_cast %swap3A_187 : i32 to index
    %swap3A_189 = arith.constant 112 : index
    %swap3A_190 = tpu.vector_load %arg10[%swap3A_188, %swap3A_189] {strides = array<i32>} : memref<256x128xf32, #tpu.memory_space<vmem>>, vector<1x16xf32>,
    %swap3A_191 = vector.shape_cast %swap3A_190 : vector<1x16xf32> to vector<16xf32>
    %swap3A_192 = vector.shape_cast %broadcast_in_dim3A_1 : vector<16xf32> to vector<1x16xf32>
    tpu.vector_store %arg10[%swap3A_188, %swap3A_189], %swap3A_192 {strides = array<i32>} : memref<256x128xf32, #tpu.memory_space<vmem>>, vector<1x16xf32>,
    %swap3A_193 = arith.constant 4 : i32
    %swap3A_194 = arith.index_cast %swap3A_193 : i32 to index
    %swap3A_195 = arith.constant 0 : index
    %swap3A_196 = tpu.vector_load %arg10[%swap3A_194, %swap3A_195] {strides = array<i32>} : memref<256x128xf32, #tpu.memory_space<vmem>>, vector<1x16xf32>,
    %swap3A_197 = vector.shape_cast %swap3A_196 : vector<1x16xf32> to vector<16xf32>
    %swap3A_198 = vector.shape_cast %broadcast_in_dim3A_1 : vector<16xf32> to vector<1x16xf32>
    tpu.vector_store %arg10[%swap3A_194, %swap3A_195], %swap3A_198 {strides = array<i32>} : memref<256x128xf32, #tpu.memory_space<vmem>>, vector<1x16xf32>,
    %swap3A_199 = arith.constant 4 : i32
    %swap3A_200 = arith.index_cast %swap3A_199 : i32 to index
    %swap3A_201 = arith.constant 16 : index
    %swap3A_202 = tpu.vector_load %arg10[%swap3A_200, %swap3A_201] {strides = array<i32>} : memref<256x128xf32, #tpu.memory_space<vmem>>, vector<1x16xf32>,
    %swap3A_203 = vector.shape_cast %swap3A_202 : vector<1x16xf32> to vector<16xf32>
    %swap3A_204 = vector.shape_cast %broadcast_in_dim3A_1 : vector<16xf32> to vector<1x16xf32>
    tpu.vector_store %arg10[%swap3A_200, %swap3A_201], %swap3A_204 {strides = array<i32>} : memref<256x128xf32, #tpu.memory_space<vmem>>, vector<1x16xf32>,
    %swap3A_205 = arith.constant 4 : i32
    %swap3A_206 = arith.index_cast %swap3A_205 : i32 to index
    %swap3A_207 = arith.constant 32 : index
    %swap3A_208 = tpu.vector_load %arg10[%swap3A_206, %swap3A_207] {strides = array<i32>} : memref<256x128xf32, #tpu.memory_space<vmem>>, vector<1x16xf32>,
    %swap3A_209 = vector.shape_cast %swap3A_208 : vector<1x16xf32> to vector<16xf32>
    %swap3A_210 = vector.shape_cast %broadcast_in_dim3A_1 : vector<16xf32> to vector<1x16xf32>
    tpu.vector_store %arg10[%swap3A_206, %swap3A_207], %swap3A_210 {strides = array<i32>} : memref<256x128xf32, #tpu.memory_space<vmem>>, vector<1x16xf32>,
    %swap3A_211 = arith.constant 4 : i32
    %swap3A_212 = arith.index_cast %swap3A_211 : i32 to index
    %swap3A_213 = arith.constant 48 : index
    %swap3A_214 = tpu.vector_load %arg10[%swap3A_212, %swap3A_213] {strides = array<i32>} : memref<256x128xf32, #tpu.memory_space<vmem>>, vector<1x16xf32>,
    %swap3A_215 = vector.shape_cast %swap3A_214 : vector<1x16xf32> to vector<16xf32>
    %swap3A_216 = vector.shape_cast %broadcast_in_dim3A_1 : vector<16xf32> to vector<1x16xf32>
    tpu.vector_store %arg10[%swap3A_212, %swap3A_213], %swap3A_216 {strides = array<i32>} : memref<256x128xf32, #tpu.memory_space<vmem>>, vector<1x16xf32>,
    %swap3A_217 = arith.constant 4 : i32
    %swap3A_218 = arith.index_cast %swap3A_217 : i32 to index
    %swap3A_219 = arith.constant 64 : index
    %swap3A_220 = tpu.vector_load %arg10[%swap3A_218, %swap3A_219] {strides = array<i32>} : memref<256x128xf32, #tpu.memory_space<vmem>>, vector<1x16xf32>,
    %swap3A_221 = vector.shape_cast %swap3A_220 : vector<1x16xf32> to vector<16xf32>
    %swap3A_222 = vector.shape_cast %broadcast_in_dim3A_1 : vector<16xf32> to vector<1x16xf32>
    tpu.vector_store %arg10[%swap3A_218, %swap3A_219], %swap3A_222 {strides = array<i32>} : memref<256x128xf32, #tpu.memory_space<vmem>>, vector<1x16xf32>,
    %swap3A_223 = arith.constant 4 : i32
    %swap3A_224 = arith.index_cast %swap3A_223 : i32 to index
    %swap3A_225 = arith.constant 80 : index
    %swap3A_226 = tpu.vector_load %arg10[%swap3A_224, %swap3A_225] {strides = array<i32>} : memref<256x128xf32, #tpu.memory_space<vmem>>, vector<1x16xf32>,
    %swap3A_227 = vector.shape_cast %swap3A_226 : vector<1x16xf32> to vector<16xf32>
    %swap3A_228 = vector.shape_cast %broadcast_in_dim3A_1 : vector<16xf32> to vector<1x16xf32>
    tpu.vector_store %arg10[%swap3A_224, %swap3A_225], %swap3A_228 {strides = array<i32>} : memref<256x128xf32, #tpu.memory_space<vmem>>, vector<1x16xf32>,
    %swap3A_229 = arith.constant 4 : i32
    %swap3A_230 = arith.index_cast %swap3A_229 : i32 to index
    %swap3A_231 = arith.constant 96 : index
    %swap3A_232 = tpu.vector_load %arg10[%swap3A_230, %swap3A_231] {strides = array<i32>} : memref<256x128xf32, #tpu.memory_space<vmem>>, vector<1x16xf32>,
    %swap3A_233 = vector.shape_cast %swap3A_232 : vector<1x16xf32> to vector<16xf32>
    %swap3A_234 = vector.shape_cast %broadcast_in_dim3A_1 : vector<16xf32> to vector<1x16xf32>
    tpu.vector_store %arg10[%swap3A_230, %swap3A_231], %swap3A_234 {strides = array<i32>} : memref<256x128xf32, #tpu.memory_space<vmem>>, vector<1x16xf32>,
    %swap3A_235 = arith.constant 4 : i32
    %swap3A_236 = arith.index_cast %swap3A_235 : i32 to index
    %swap3A_237 = arith.constant 112 : index
    %swap3A_238 = tpu.vector_load %arg10[%swap3A_236, %swap3A_237] {strides = array<i32>} : memref<256x128xf32, #tpu.memory_space<vmem>>, vector<1x16xf32>,
    %swap3A_239 = vector.shape_cast %swap3A_238 : vector<1x16xf32> to vector<16xf32>
    %swap3A_240 = vector.shape_cast %broadcast_in_dim3A_1 : vector<16xf32> to vector<1x16xf32>
    tpu.vector_store %arg10[%swap3A_236, %swap3A_237], %swap3A_240 {strides = array<i32>} : memref<256x128xf32, #tpu.memory_space<vmem>>, vector<1x16xf32>,
    %swap3A_241 = arith.constant 5 : i32
    %swap3A_242 = arith.index_cast %swap3A_241 : i32 to index
    %swap3A_243 = arith.constant 0 : index
    %swap3A_244 = tpu.vector_load %arg10[%swap3A_242, %swap3A_243] {strides = array<i32>} : memref<256x128xf32, #tpu.memory_space<vmem>>, vector<1x16xf32>,
    %swap3A_245 = vector.shape_cast %swap3A_244 : vector<1x16xf32> to vector<16xf32>
    %swap3A_246 = vector.shape_cast %broadcast_in_dim3A_1 : vector<16xf32> to vector<1x16xf32>
    tpu.vector_store %arg10[%swap3A_242, %swap3A_243], %swap3A_246 {strides = array<i32>} : memref<256x128xf32, #tpu.memory_space<vmem>>, vector<1x16xf32>,
    %swap3A_247 = arith.constant 5 : i32
    %swap3A_248 = arith.index_cast %swap3A_247 : i32 to index
    %swap3A_249 = arith.constant 16 : index
    %swap3A_250 = tpu.vector_load %arg10[%swap3A_248, %swap3A_249] {strides = array<i32>} : memref<256x128xf32, #tpu.memory_space<vmem>>, vector<1x16xf32>,
    %swap3A_251 = vector.shape_cast %swap3A_250 : vector<1x16xf32> to vector<16xf32>
    %swap3A_252 = vector.shape_cast %broadcast_in_dim3A_1 : vector<16xf32> to vector<1x16xf32>
    tpu.vector_store %arg10[%swap3A_248, %swap3A_249], %swap3A_252 {strides = array<i32>} : memref<256x128xf32, #tpu.memory_space<vmem>>, vector<1x16xf32>,
    %swap3A_253 = arith.constant 5 : i32
    %swap3A_254 = arith.index_cast %swap3A_253 : i32 to index
    %swap3A_255 = arith.constant 32 : index
    %swap3A_256 = tpu.vector_load %arg10[%swap3A_254, %swap3A_255] {strides = array<i32>} : memref<256x128xf32, #tpu.memory_space<vmem>>, vector<1x16xf32>,
    %swap3A_257 = vector.shape_cast %swap3A_256 : vector<1x16xf32> to vector<16xf32>
    %swap3A_258 = vector.shape_cast %broadcast_in_dim3A_1 : vector<16xf32> to vector<1x16xf32>
    tpu.vector_store %arg10[%swap3A_254, %swap3A_255], %swap3A_258 {strides = array<i32>} : memref<256x128xf32, #tpu.memory_space<vmem>>, vector<1x16xf32>,
    %swap3A_259 = arith.constant 5 : i32
    %swap3A_260 = arith.index_cast %swap3A_259 : i32 to index
    %swap3A_261 = arith.constant 48 : index
    %swap3A_262 = tpu.vector_load %arg10[%swap3A_260, %swap3A_261] {strides = array<i32>} : memref<256x128xf32, #tpu.memory_space<vmem>>, vector<1x16xf32>,
    %swap3A_263 = vector.shape_cast %swap3A_262 : vector<1x16xf32> to vector<16xf32>
    %swap3A_264 = vector.shape_cast %broadcast_in_dim3A_1 : vector<16xf32> to vector<1x16xf32>
    tpu.vector_store %arg10[%swap3A_260, %swap3A_261], %swap3A_264 {strides = array<i32>} : memref<256x128xf32, #tpu.memory_space<vmem>>, vector<1x16xf32>,
    %swap3A_265 = arith.constant 5 : i32
    %swap3A_266 = arith.index_cast %swap3A_265 : i32 to index
    %swap3A_267 = arith.constant 64 : index
    %swap3A_268 = tpu.vector_load %arg10[%swap3A_266, %swap3A_267] {strides = array<i32>} : memref<256x128xf32, #tpu.memory_space<vmem>>, vector<1x16xf32>,
    %swap3A_269 = vector.shape_cast %swap3A_268 : vector<1x16xf32> to vector<16xf32>
    %swap3A_270 = vector.shape_cast %broadcast_in_dim3A_1 : vector<16xf32> to vector<1x16xf32>
    tpu.vector_store %arg10[%swap3A_266, %swap3A_267], %swap3A_270 {strides = array<i32>} : memref<256x128xf32, #tpu.memory_space<vmem>>, vector<1x16xf32>,
    %swap3A_271 = arith.constant 5 : i32
    %swap3A_272 = arith.index_cast %swap3A_271 : i32 to index
    %swap3A_273 = arith.constant 80 : index
    %swap3A_274 = tpu.vector_load %arg10[%swap3A_272, %swap3A_273] {strides = array<i32>} : memref<256x128xf32, #tpu.memory_space<vmem>>, vector<1x16xf32>,
    %swap3A_275 = vector.shape_cast %swap3A_274 : vector<1x16xf32> to vector<16xf32>
    %swap3A_276 = vector.shape_cast %broadcast_in_dim3A_1 : vector<16xf32> to vector<1x16xf32>
    tpu.vector_store %arg10[%swap3A_272, %swap3A_273], %swap3A_276 {strides = array<i32>} : memref<256x128xf32, #tpu.memory_space<vmem>>, vector<1x16xf32>,
    %swap3A_277 = arith.constant 5 : i32
    %swap3A_278 = arith.index_cast %swap3A_277 : i32 to index
    %swap3A_279 = arith.constant 96 : index
    %swap3A_280 = tpu.vector_load %arg10[%swap3A_278, %swap3A_279] {strides = array<i32>} : memref<256x128xf32, #tpu.memory_space<vmem>>, vector<1x16xf32>,
    %swap3A_281 = vector.shape_cast %swap3A_280 : vector<1x16xf32> to vector<16xf32>
    %swap3A_282 = vector.shape_cast %broadcast_in_dim3A_1 : vector<16xf32> to vector<1x16xf32>
    tpu.vector_store %arg10[%swap3A_278, %swap3A_279], %swap3A_282 {strides = array<i32>} : memref<256x128xf32, #tpu.memory_space<vmem>>, vector<1x16xf32>,
    %swap3A_283 = arith.constant 5 : i32
    %swap3A_284 = arith.index_cast %swap3A_283 : i32 to index
    %swap3A_285 = arith.constant 112 : index
    %swap3A_286 = tpu.vector_load %arg10[%swap3A_284, %swap3A_285] {strides = array<i32>} : memref<256x128xf32, #tpu.memory_space<vmem>>, vector<1x16xf32>,
    %swap3A_287 = vector.shape_cast %swap3A_286 : vector<1x16xf32> to vector<16xf32>
    %swap3A_288 = vector.shape_cast %broadcast_in_dim3A_1 : vector<16xf32> to vector<1x16xf32>
    tpu.vector_store %arg10[%swap3A_284, %swap3A_285], %swap3A_288 {strides = array<i32>} : memref<256x128xf32, #tpu.memory_space<vmem>>, vector<1x16xf32>,
    %swap3A_289 = arith.constant 6 : i32
    %swap3A_290 = arith.index_cast %swap3A_289 : i32 to index
    %swap3A_291 = arith.constant 0 : index
    %swap3A_292 = tpu.vector_load %arg10[%swap3A_290, %swap3A_291] {strides = array<i32>} : memref<256x128xf32, #tpu.memory_space<vmem>>, vector<1x16xf32>,
    %swap3A_293 = vector.shape_cast %swap3A_292 : vector<1x16xf32> to vector<16xf32>
    %swap3A_294 = vector.shape_cast %broadcast_in_dim3A_1 : vector<16xf32> to vector<1x16xf32>
    tpu.vector_store %arg10[%swap3A_290, %swap3A_291], %swap3A_294 {strides = array<i32>} : memref<256x128xf32, #tpu.memory_space<vmem>>, vector<1x16xf32>,
    %swap3A_295 = arith.constant 6 : i32
    %swap3A_296 = arith.index_cast %swap3A_295 : i32 to index
    %swap3A_297 = arith.constant 16 : index
    %swap3A_298 = tpu.vector_load %arg10[%swap3A_296, %swap3A_297] {strides = array<i32>} : memref<256x128xf32, #tpu.memory_space<vmem>>, vector<1x16xf32>,
    %swap3A_299 = vector.shape_cast %swap3A_298 : vector<1x16xf32> to vector<16xf32>
    %swap3A_300 = vector.shape_cast %broadcast_in_dim3A_1 : vector<16xf32> to vector<1x16xf32>
    tpu.vector_store %arg10[%swap3A_296, %swap3A_297], %swap3A_300 {strides = array<i32>} : memref<256x128xf32, #tpu.memory_space<vmem>>, vector<1x16xf32>,
    %swap3A_301 = arith.constant 6 : i32
    %swap3A_302 = arith.index_cast %swap3A_301 : i32 to index
    %swap3A_303 = arith.constant 32 : index
    %swap3A_304 = tpu.vector_load %arg10[%swap3A_302, %swap3A_303] {strides = array<i32>} : memref<256x128xf32, #tpu.memory_space<vmem>>, vector<1x16xf32>,
    %swap3A_305 = vector.shape_cast %swap3A_304 : vector<1x16xf32> to vector<16xf32>
    %swap3A_306 = vector.shape_cast %broadcast_in_dim3A_1 : vector<16xf32> to vector<1x16xf32>
    tpu.vector_store %arg10[%swap3A_302, %swap3A_303], %swap3A_306 {strides = array<i32>} : memref<256x128xf32, #tpu.memory_space<vmem>>, vector<1x16xf32>,
    %swap3A_307 = arith.constant 6 : i32
    %swap3A_308 = arith.index_cast %swap3A_307 : i32 to index
    %swap3A_309 = arith.constant 48 : index
    %swap3A_310 = tpu.vector_load %arg10[%swap3A_308, %swap3A_309] {strides = array<i32>} : memref<256x128xf32, #tpu.memory_space<vmem>>, vector<1x16xf32>,
    %swap3A_311 = vector.shape_cast %swap3A_310 : vector<1x16xf32> to vector<16xf32>
    %swap3A_312 = vector.shape_cast %broadcast_in_dim3A_1 : vector<16xf32> to vector<1x16xf32>
    tpu.vector_store %arg10[%swap3A_308, %swap3A_309], %swap3A_312 {strides = array<i32>} : memref<256x128xf32, #tpu.memory_space<vmem>>, vector<1x16xf32>,
    %swap3A_313 = arith.constant 6 : i32
    %swap3A_314 = arith.index_cast %swap3A_313 : i32 to index
    %swap3A_315 = arith.constant 64 : index
    %swap3A_316 = tpu.vector_load %arg10[%swap3A_314, %swap3A_315] {strides = array<i32>} : memref<256x128xf32, #tpu.memory_space<vmem>>, vector<1x16xf32>,
    %swap3A_317 = vector.shape_cast %swap3A_316 : vector<1x16xf32> to vector<16xf32>
    %swap3A_318 = vector.shape_cast %broadcast_in_dim3A_1 : vector<16xf32> to vector<1x16xf32>
    tpu.vector_store %arg10[%swap3A_314, %swap3A_315], %swap3A_318 {strides = array<i32>} : memref<256x128xf32, #tpu.memory_space<vmem>>, vector<1x16xf32>,
    %swap3A_319 = arith.constant 6 : i32
    %swap3A_320 = arith.index_cast %swap3A_319 : i32 to index
    %swap3A_321 = arith.constant 80 : index
    %swap3A_322 = tpu.vector_load %arg10[%swap3A_320, %swap3A_321] {strides = array<i32>} : memref<256x128xf32, #tpu.memory_space<vmem>>, vector<1x16xf32>,
    %swap3A_323 = vector.shape_cast %swap3A_322 : vector<1x16xf32> to vector<16xf32>
    %swap3A_324 = vector.shape_cast %broadcast_in_dim3A_1 : vector<16xf32> to vector<1x16xf32>
    tpu.vector_store %arg10[%swap3A_320, %swap3A_321], %swap3A_324 {strides = array<i32>} : memref<256x128xf32, #tpu.memory_space<vmem>>, vector<1x16xf32>,
    %swap3A_325 = arith.constant 6 : i32
    %swap3A_326 = arith.index_cast %swap3A_325 : i32 to index
    %swap3A_327 = arith.constant 96 : index
    %swap3A_328 = tpu.vector_load %arg10[%swap3A_326, %swap3A_327] {strides = array<i32>} : memref<256x128xf32, #tpu.memory_space<vmem>>, vector<1x16xf32>,
    %swap3A_329 = vector.shape_cast %swap3A_328 : vector<1x16xf32> to vector<16xf32>
    %swap3A_330 = vector.shape_cast %broadcast_in_dim3A_1 : vector<16xf32> to vector<1x16xf32>
    tpu.vector_store %arg10[%swap3A_326, %swap3A_327], %swap3A_330 {strides = array<i32>} : memref<256x128xf32, #tpu.memory_space<vmem>>, vector<1x16xf32>,
    %swap3A_331 = arith.constant 6 : i32
    %swap3A_332 = arith.index_cast %swap3A_331 : i32 to index
    %swap3A_333 = arith.constant 112 : index
    %swap3A_334 = tpu.vector_load %arg10[%swap3A_332, %swap3A_333] {strides = array<i32>} : memref<256x128xf32, #tpu.memory_space<vmem>>, vector<1x16xf32>,
    %swap3A_335 = vector.shape_cast %swap3A_334 : vector<1x16xf32> to vector<16xf32>
    %swap3A_336 = vector.shape_cast %broadcast_in_dim3A_1 : vector<16xf32> to vector<1x16xf32>
    tpu.vector_store %arg10[%swap3A_332, %swap3A_333], %swap3A_336 {strides = array<i32>} : memref<256x128xf32, #tpu.memory_space<vmem>>, vector<1x16xf32>,
    %swap3A_337 = arith.constant 7 : i32
    %swap3A_338 = arith.index_cast %swap3A_337 : i32 to index
    %swap3A_339 = arith.constant 0 : index
    %swap3A_340 = tpu.vector_load %arg10[%swap3A_338, %swap3A_339] {strides = array<i32>} : memref<256x128xf32, #tpu.memory_space<vmem>>, vector<1x16xf32>,
    %swap3A_341 = vector.shape_cast %swap3A_340 : vector<1x16xf32> to vector<16xf32>
    %swap3A_342 = vector.shape_cast %broadcast_in_dim3A_1 : vector<16xf32> to vector<1x16xf32>
    tpu.vector_store %arg10[%swap3A_338, %swap3A_339], %swap3A_342 {strides = array<i32>} : memref<256x128xf32, #tpu.memory_space<vmem>>, vector<1x16xf32>,
    %swap3A_343 = arith.constant 7 : i32
    %swap3A_344 = arith.index_cast %swap3A_343 : i32 to index
    %swap3A_345 = arith.constant 16 : index
    %swap3A_346 = tpu.vector_load %arg10[%swap3A_344, %swap3A_345] {strides = array<i32>} : memref<256x128xf32, #tpu.memory_space<vmem>>, vector<1x16xf32>,
    %swap3A_347 = vector.shape_cast %swap3A_346 : vector<1x16xf32> to vector<16xf32>
    %swap3A_348 = vector.shape_cast %broadcast_in_dim3A_1 : vector<16xf32> to vector<1x16xf32>
    tpu.vector_store %arg10[%swap3A_344, %swap3A_345], %swap3A_348 {strides = array<i32>} : memref<256x128xf32, #tpu.memory_space<vmem>>, vector<1x16xf32>,
    %swap3A_349 = arith.constant 7 : i32
    %swap3A_350 = arith.index_cast %swap3A_349 : i32 to index
    %swap3A_351 = arith.constant 32 : index
    %swap3A_352 = tpu.vector_load %arg10[%swap3A_350, %swap3A_351] {strides = array<i32>} : memref<256x128xf32, #tpu.memory_space<vmem>>, vector<1x16xf32>,
    %swap3A_353 = vector.shape_cast %swap3A_352 : vector<1x16xf32> to vector<16xf32>
    %swap3A_354 = vector.shape_cast %broadcast_in_dim3A_1 : vector<16xf32> to vector<1x16xf32>
    tpu.vector_store %arg10[%swap3A_350, %swap3A_351], %swap3A_354 {strides = array<i32>} : memref<256x128xf32, #tpu.memory_space<vmem>>, vector<1x16xf32>,
    %swap3A_355 = arith.constant 7 : i32
    %swap3A_356 = arith.index_cast %swap3A_355 : i32 to index
    %swap3A_357 = arith.constant 48 : index
    %swap3A_358 = tpu.vector_load %arg10[%swap3A_356, %swap3A_357] {strides = array<i32>} : memref<256x128xf32, #tpu.memory_space<vmem>>, vector<1x16xf32>,
    %swap3A_359 = vector.shape_cast %swap3A_358 : vector<1x16xf32> to vector<16xf32>
    %swap3A_360 = vector.shape_cast %broadcast_in_dim3A_1 : vector<16xf32> to vector<1x16xf32>
    tpu.vector_store %arg10[%swap3A_356, %swap3A_357], %swap3A_360 {strides = array<i32>} : memref<256x128xf32, #tpu.memory_space<vmem>>, vector<1x16xf32>,
    %swap3A_361 = arith.constant 7 : i32
    %swap3A_362 = arith.index_cast %swap3A_361 : i32 to index
    %swap3A_363 = arith.constant 64 : index
    %swap3A_364 = tpu.vector_load %arg10[%swap3A_362, %swap3A_363] {strides = array<i32>} : memref<256x128xf32, #tpu.memory_space<vmem>>, vector<1x16xf32>,
    %swap3A_365 = vector.shape_cast %swap3A_364 : vector<1x16xf32> to vector<16xf32>
    %swap3A_366 = vector.shape_cast %broadcast_in_dim3A_1 : vector<16xf32> to vector<1x16xf32>
    tpu.vector_store %arg10[%swap3A_362, %swap3A_363], %swap3A_366 {strides = array<i32>} : memref<256x128xf32, #tpu.memory_space<vmem>>, vector<1x16xf32>,
    %swap3A_367 = arith.constant 7 : i32
    %swap3A_368 = arith.index_cast %swap3A_367 : i32 to index
    %swap3A_369 = arith.constant 80 : index
    %swap3A_370 = tpu.vector_load %arg10[%swap3A_368, %swap3A_369] {strides = array<i32>} : memref<256x128xf32, #tpu.memory_space<vmem>>, vector<1x16xf32>,
    %swap3A_371 = vector.shape_cast %swap3A_370 : vector<1x16xf32> to vector<16xf32>
    %swap3A_372 = vector.shape_cast %broadcast_in_dim3A_1 : vector<16xf32> to vector<1x16xf32>
    tpu.vector_store %arg10[%swap3A_368, %swap3A_369], %swap3A_372 {strides = array<i32>} : memref<256x128xf32, #tpu.memory_space<vmem>>, vector<1x16xf32>,
    %swap3A_373 = arith.constant 7 : i32
    %swap3A_374 = arith.index_cast %swap3A_373 : i32 to index
    %swap3A_375 = arith.constant 96 : index
    %swap3A_376 = tpu.vector_load %arg10[%swap3A_374, %swap3A_375] {strides = array<i32>} : memref<256x128xf32, #tpu.memory_space<vmem>>, vector<1x16xf32>,
    %swap3A_377 = vector.shape_cast %swap3A_376 : vector<1x16xf32> to vector<16xf32>
    %swap3A_378 = vector.shape_cast %broadcast_in_dim3A_1 : vector<16xf32> to vector<1x16xf32>
    tpu.vector_store %arg10[%swap3A_374, %swap3A_375], %swap3A_378 {strides = array<i32>} : memref<256x128xf32, #tpu.memory_space<vmem>>, vector<1x16xf32>,
    %swap3A_379 = arith.constant 7 : i32
    %swap3A_380 = arith.index_cast %swap3A_379 : i32 to index
    %swap3A_381 = arith.constant 112 : index
    %swap3A_382 = tpu.vector_load %arg10[%swap3A_380, %swap3A_381] {strides = array<i32>} : memref<256x128xf32, #tpu.memory_space<vmem>>, vector<1x16xf32>,
    %swap3A_383 = vector.shape_cast %swap3A_382 : vector<1x16xf32> to vector<16xf32>
    %swap3A_384 = vector.shape_cast %broadcast_in_dim3A_1 : vector<16xf32> to vector<1x16xf32>
    tpu.vector_store %arg10[%swap3A_380, %swap3A_381], %swap3A_384 {strides = array<i32>} : memref<256x128xf32, #tpu.memory_space<vmem>>, vector<1x16xf32>,
    %swap3A_385 = arith.constant 8 : i32
    %swap3A_386 = arith.index_cast %swap3A_385 : i32 to index
    %swap3A_387 = arith.constant 0 : index
    %swap3A_388 = tpu.vector_load %arg10[%swap3A_386, %swap3A_387] {strides = array<i32>} : memref<256x128xf32, #tpu.memory_space<vmem>>, vector<1x16xf32>,
    %swap3A_389 = vector.shape_cast %swap3A_388 : vector<1x16xf32> to vector<16xf32>
    %swap3A_390 = vector.shape_cast %broadcast_in_dim3A_1 : vector<16xf32> to vector<1x16xf32>
    tpu.vector_store %arg10[%swap3A_386, %swap3A_387], %swap3A_390 {strides = array<i32>} : memref<256x128xf32, #tpu.memory_space<vmem>>, vector<1x16xf32>,
    %swap3A_391 = arith.constant 8 : i32
    %swap3A_392 = arith.index_cast %swap3A_391 : i32 to index
    %swap3A_393 = arith.constant 16 : index
    %swap3A_394 = tpu.vector_load %arg10[%swap3A_392, %swap3A_393] {strides = array<i32>} : memref<256x128xf32, #tpu.memory_space<vmem>>, vector<1x16xf32>,
    %swap3A_395 = vector.shape_cast %swap3A_394 : vector<1x16xf32> to vector<16xf32>
    %swap3A_396 = vector.shape_cast %broadcast_in_dim3A_1 : vector<16xf32> to vector<1x16xf32>
    tpu.vector_store %arg10[%swap3A_392, %swap3A_393], %swap3A_396 {strides = array<i32>} : memref<256x128xf32, #tpu.memory_space<vmem>>, vector<1x16xf32>,
    %swap3A_397 = arith.constant 8 : i32
    %swap3A_398 = arith.index_cast %swap3A_397 : i32 to index
    %swap3A_399 = arith.constant 32 : index
    %swap3A_400 = tpu.vector_load %arg10[%swap3A_398, %swap3A_399] {strides = array<i32>} : memref<256x128xf32, #tpu.memory_space<vmem>>, vector<1x16xf32>,
    %swap3A_401 = vector.shape_cast %swap3A_400 : vector<1x16xf32> to vector<16xf32>
    %swap3A_402 = vector.shape_cast %broadcast_in_dim3A_1 : vector<16xf32> to vector<1x16xf32>
    tpu.vector_store %arg10[%swap3A_398, %swap3A_399], %swap3A_402 {strides = array<i32>} : memref<256x128xf32, #tpu.memory_space<vmem>>, vector<1x16xf32>,
    %swap3A_403 = arith.constant 8 : i32
    %swap3A_404 = arith.index_cast %swap3A_403 : i32 to index
    %swap3A_405 = arith.constant 48 : index
    %swap3A_406 = tpu.vector_load %arg10[%swap3A_404, %swap3A_405] {strides = array<i32>} : memref<256x128xf32, #tpu.memory_space<vmem>>, vector<1x16xf32>,
    %swap3A_407 = vector.shape_cast %swap3A_406 : vector<1x16xf32> to vector<16xf32>
    %swap3A_408 = vector.shape_cast %broadcast_in_dim3A_1 : vector<16xf32> to vector<1x16xf32>
    tpu.vector_store %arg10[%swap3A_404, %swap3A_405], %swap3A_408 {strides = array<i32>} : memref<256x128xf32, #tpu.memory_space<vmem>>, vector<1x16xf32>,
    %swap3A_409 = arith.constant 8 : i32
    %swap3A_410 = arith.index_cast %swap3A_409 : i32 to index
    %swap3A_411 = arith.constant 64 : index
    %swap3A_412 = tpu.vector_load %arg10[%swap3A_410, %swap3A_411] {strides = array<i32>} : memref<256x128xf32, #tpu.memory_space<vmem>>, vector<1x16xf32>,
    %swap3A_413 = vector.shape_cast %swap3A_412 : vector<1x16xf32> to vector<16xf32>
    %swap3A_414 = vector.shape_cast %broadcast_in_dim3A_1 : vector<16xf32> to vector<1x16xf32>
    tpu.vector_store %arg10[%swap3A_410, %swap3A_411], %swap3A_414 {strides = array<i32>} : memref<256x128xf32, #tpu.memory_space<vmem>>, vector<1x16xf32>,
    %swap3A_415 = arith.constant 8 : i32
    %swap3A_416 = arith.index_cast %swap3A_415 : i32 to index
    %swap3A_417 = arith.constant 80 : index
    %swap3A_418 = tpu.vector_load %arg10[%swap3A_416, %swap3A_417] {strides = array<i32>} : memref<256x128xf32, #tpu.memory_space<vmem>>, vector<1x16xf32>,
    %swap3A_419 = vector.shape_cast %swap3A_418 : vector<1x16xf32> to vector<16xf32>
    %swap3A_420 = vector.shape_cast %broadcast_in_dim3A_1 : vector<16xf32> to vector<1x16xf32>
    tpu.vector_store %arg10[%swap3A_416, %swap3A_417], %swap3A_420 {strides = array<i32>} : memref<256x128xf32, #tpu.memory_space<vmem>>, vector<1x16xf32>,
    %swap3A_421 = arith.constant 8 : i32
    %swap3A_422 = arith.index_cast %swap3A_421 : i32 to index
    %swap3A_423 = arith.constant 96 : index
    %swap3A_424 = tpu.vector_load %arg10[%swap3A_422, %swap3A_423] {strides = array<i32>} : memref<256x128xf32, #tpu.memory_space<vmem>>, vector<1x16xf32>,
    %swap3A_425 = vector.shape_cast %swap3A_424 : vector<1x16xf32> to vector<16xf32>
    %swap3A_426 = vector.shape_cast %broadcast_in_dim3A_1 : vector<16xf32> to vector<1x16xf32>
    tpu.vector_store %arg10[%swap3A_422, %swap3A_423], %swap3A_426 {strides = array<i32>} : memref<256x128xf32, #tpu.memory_space<vmem>>, vector<1x16xf32>,
    %swap3A_427 = arith.constant 8 : i32
    %swap3A_428 = arith.index_cast %swap3A_427 : i32 to index
    %swap3A_429 = arith.constant 112 : index
    %swap3A_430 = tpu.vector_load %arg10[%swap3A_428, %swap3A_429] {strides = array<i32>} : memref<256x128xf32, #tpu.memory_space<vmem>>, vector<1x16xf32>,
    %swap3A_431 = vector.shape_cast %swap3A_430 : vector<1x16xf32> to vector<16xf32>
    %swap3A_432 = vector.shape_cast %broadcast_in_dim3A_1 : vector<16xf32> to vector<1x16xf32>
    tpu.vector_store %arg10[%swap3A_428, %swap3A_429], %swap3A_432 {strides = array<i32>} : memref<256x128xf32, #tpu.memory_space<vmem>>, vector<1x16xf32>,
    %swap3A_433 = arith.constant 9 : i32
    %swap3A_434 = arith.index_cast %swap3A_433 : i32 to index
    %swap3A_435 = arith.constant 0 : index
    %swap3A_436 = tpu.vector_load %arg10[%swap3A_434, %swap3A_435] {strides = array<i32>} : memref<256x128xf32, #tpu.memory_space<vmem>>, vector<1x16xf32>,
    %swap3A_437 = vector.shape_cast %swap3A_436 : vector<1x16xf32> to vector<16xf32>
    %swap3A_438 = vector.shape_cast %broadcast_in_dim3A_1 : vector<16xf32> to vector<1x16xf32>
    tpu.vector_store %arg10[%swap3A_434, %swap3A_435], %swap3A_438 {strides = array<i32>} : memref<256x128xf32, #tpu.memory_space<vmem>>, vector<1x16xf32>,
    %swap3A_439 = arith.constant 9 : i32
    %swap3A_440 = arith.index_cast %swap3A_439 : i32 to index
    %swap3A_441 = arith.constant 16 : index
    %swap3A_442 = tpu.vector_load %arg10[%swap3A_440, %swap3A_441] {strides = array<i32>} : memref<256x128xf32, #tpu.memory_space<vmem>>, vector<1x16xf32>,
    %swap3A_443 = vector.shape_cast %swap3A_442 : vector<1x16xf32> to vector<16xf32>
    %swap3A_444 = vector.shape_cast %broadcast_in_dim3A_1 : vector<16xf32> to vector<1x16xf32>
    tpu.vector_store %arg10[%swap3A_440, %swap3A_441], %swap3A_444 {strides = array<i32>} : memref<256x128xf32, #tpu.memory_space<vmem>>, vector<1x16xf32>,
    %swap3A_445 = arith.constant 9 : i32
    %swap3A_446 = arith.index_cast %swap3A_445 : i32 to index
    %swap3A_447 = arith.constant 32 : index
    %swap3A_448 = tpu.vector_load %arg10[%swap3A_446, %swap3A_447] {strides = array<i32>} : memref<256x128xf32, #tpu.memory_space<vmem>>, vector<1x16xf32>,
    %swap3A_449 = vector.shape_cast %swap3A_448 : vector<1x16xf32> to vector<16xf32>
    %swap3A_450 = vector.shape_cast %broadcast_in_dim3A_1 : vector<16xf32> to vector<1x16xf32>
    tpu.vector_store %arg10[%swap3A_446, %swap3A_447], %swap3A_450 {strides = array<i32>} : memref<256x128xf32, #tpu.memory_space<vmem>>, vector<1x16xf32>,
    %swap3A_451 = arith.constant 9 : i32
    %swap3A_452 = arith.index_cast %swap3A_451 : i32 to index
    %swap3A_453 = arith.constant 48 : index
    %swap3A_454 = tpu.vector_load %arg10[%swap3A_452, %swap3A_453] {strides = array<i32>} : memref<256x128xf32, #tpu.memory_space<vmem>>, vector<1x16xf32>,
    %swap3A_455 = vector.shape_cast %swap3A_454 : vector<1x16xf32> to vector<16xf32>
    %swap3A_456 = vector.shape_cast %broadcast_in_dim3A_1 : vector<16xf32> to vector<1x16xf32>
    tpu.vector_store %arg10[%swap3A_452, %swap3A_453], %swap3A_456 {strides = array<i32>} : memref<256x128xf32, #tpu.memory_space<vmem>>, vector<1x16xf32>,
    %swap3A_457 = arith.constant 9 : i32
    %swap3A_458 = arith.index_cast %swap3A_457 : i32 to index
    %swap3A_459 = arith.constant 64 : index
    %swap3A_460 = tpu.vector_load %arg10[%swap3A_458, %swap3A_459] {strides = array<i32>} : memref<256x128xf32, #tpu.memory_space<vmem>>, vector<1x16xf32>,
    %swap3A_461 = vector.shape_cast %swap3A_460 : vector<1x16xf32> to vector<16xf32>
    %swap3A_462 = vector.shape_cast %broadcast_in_dim3A_1 : vector<16xf32> to vector<1x16xf32>
    tpu.vector_store %arg10[%swap3A_458, %swap3A_459], %swap3A_462 {strides = array<i32>} : memref<256x128xf32, #tpu.memory_space<vmem>>, vector<1x16xf32>,
    %swap3A_463 = arith.constant 9 : i32
    %swap3A_464 = arith.index_cast %swap3A_463 : i32 to index
    %swap3A_465 = arith.constant 80 : index
    %swap3A_466 = tpu.vector_load %arg10[%swap3A_464, %swap3A_465] {strides = array<i32>} : memref<256x128xf32, #tpu.memory_space<vmem>>, vector<1x16xf32>,
    %swap3A_467 = vector.shape_cast %swap3A_466 : vector<1x16xf32> to vector<16xf32>
    %swap3A_468 = vector.shape_cast %broadcast_in_dim3A_1 : vector<16xf32> to vector<1x16xf32>
    tpu.vector_store %arg10[%swap3A_464, %swap3A_465], %swap3A_468 {strides = array<i32>} : memref<256x128xf32, #tpu.memory_space<vmem>>, vector<1x16xf32>,
    %swap3A_469 = arith.constant 9 : i32
    %swap3A_470 = arith.index_cast %swap3A_469 : i32 to index
    %swap3A_471 = arith.constant 96 : index
    %swap3A_472 = tpu.vector_load %arg10[%swap3A_470, %swap3A_471] {strides = array<i32>} : memref<256x128xf32, #tpu.memory_space<vmem>>, vector<1x16xf32>,
    %swap3A_473 = vector.shape_cast %swap3A_472 : vector<1x16xf32> to vector<16xf32>
    %swap3A_474 = vector.shape_cast %broadcast_in_dim3A_1 : vector<16xf32> to vector<1x16xf32>
    tpu.vector_store %arg10[%swap3A_470, %swap3A_471], %swap3A_474 {strides = array<i32>} : memref<256x128xf32, #tpu.memory_space<vmem>>, vector<1x16xf32>,
    %swap3A_475 = arith.constant 9 : i32
    %swap3A_476 = arith.index_cast %swap3A_475 : i32 to index
    %swap3A_477 = arith.constant 112 : index
    %swap3A_478 = tpu.vector_load %arg10[%swap3A_476, %swap3A_477] {strides = array<i32>} : memref<256x128xf32, #tpu.memory_space<vmem>>, vector<1x16xf32>,
    %swap3A_479 = vector.shape_cast %swap3A_478 : vector<1x16xf32> to vector<16xf32>
    %swap3A_480 = vector.shape_cast %broadcast_in_dim3A_1 : vector<16xf32> to vector<1x16xf32>
    tpu.vector_store %arg10[%swap3A_476, %swap3A_477], %swap3A_480 {strides = array<i32>} : memref<256x128xf32, #tpu.memory_space<vmem>>, vector<1x16xf32>,
    %swap3A_481 = arith.constant 10 : i32
    %swap3A_482 = arith.index_cast %swap3A_481 : i32 to index
    %swap3A_483 = arith.constant 0 : index
    %swap3A_484 = tpu.vector_load %arg10[%swap3A_482, %swap3A_483] {strides = array<i32>} : memref<256x128xf32, #tpu.memory_space<vmem>>, vector<1x16xf32>,
    %swap3A_485 = vector.shape_cast %swap3A_484 : vector<1x16xf32> to vector<16xf32>
    %swap3A_486 = vector.shape_cast %broadcast_in_dim3A_1 : vector<16xf32> to vector<1x16xf32>
    tpu.vector_store %arg10[%swap3A_482, %swap3A_483], %swap3A_486 {strides = array<i32>} : memref<256x128xf32, #tpu.memory_space<vmem>>, vector<1x16xf32>,
    %swap3A_487 = arith.constant 10 : i32
    %swap3A_488 = arith.index_cast %swap3A_487 : i32 to index
    %swap3A_489 = arith.constant 16 : index
    %swap3A_490 = tpu.vector_load %arg10[%swap3A_488, %swap3A_489] {strides = array<i32>} : memref<256x128xf32, #tpu.memory_space<vmem>>, vector<1x16xf32>,
    %swap3A_491 = vector.shape_cast %swap3A_490 : vector<1x16xf32> to vector<16xf32>
    %swap3A_492 = vector.shape_cast %broadcast_in_dim3A_1 : vector<16xf32> to vector<1x16xf32>
    tpu.vector_store %arg10[%swap3A_488, %swap3A_489], %swap3A_492 {strides = array<i32>} : memref<256x128xf32, #tpu.memory_space<vmem>>, vector<1x16xf32>,
    %swap3A_493 = arith.constant 10 : i32
    %swap3A_494 = arith.index_cast %swap3A_493 : i32 to index
    %swap3A_495 = arith.constant 32 : index
    %swap3A_496 = tpu.vector_load %arg10[%swap3A_494, %swap3A_495] {strides = array<i32>} : memref<256x128xf32, #tpu.memory_space<vmem>>, vector<1x16xf32>,
    %swap3A_497 = vector.shape_cast %swap3A_496 : vector<1x16xf32> to vector<16xf32>
    %swap3A_498 = vector.shape_cast %broadcast_in_dim3A_1 : vector<16xf32> to vector<1x16xf32>
    tpu.vector_store %arg10[%swap3A_494, %swap3A_495], %swap3A_498 {strides = array<i32>} : memref<256x128xf32, #tpu.memory_space<vmem>>, vector<1x16xf32>,
    %swap3A_499 = arith.constant 10 : i32
    %swap3A_500 = arith.index_cast %swap3A_499 : i32 to index
    %swap3A_501 = arith.constant 48 : index
    %swap3A_502 = tpu.vector_load %arg10[%swap3A_500, %swap3A_501] {strides = array<i32>} : memref<256x128xf32, #tpu.memory_space<vmem>>, vector<1x16xf32>,
    %swap3A_503 = vector.shape_cast %swap3A_502 : vector<1x16xf32> to vector<16xf32>
    %swap3A_504 = vector.shape_cast %broadcast_in_dim3A_1 : vector<16xf32> to vector<1x16xf32>
    tpu.vector_store %arg10[%swap3A_500, %swap3A_501], %swap3A_504 {strides = array<i32>} : memref<256x128xf32, #tpu.memory_space<vmem>>, vector<1x16xf32>,
    %swap3A_505 = arith.constant 10 : i32
    %swap3A_506 = arith.index_cast %swap3A_505 : i32 to index
    %swap3A_507 = arith.constant 64 : index
    %swap3A_508 = tpu.vector_load %arg10[%swap3A_506, %swap3A_507] {strides = array<i32>} : memref<256x128xf32, #tpu.memory_space<vmem>>, vector<1x16xf32>,
    %swap3A_509 = vector.shape_cast %swap3A_508 : vector<1x16xf32> to vector<16xf32>
    %swap3A_510 = vector.shape_cast %broadcast_in_dim3A_1 : vector<16xf32> to vector<1x16xf32>
    tpu.vector_store %arg10[%swap3A_506, %swap3A_507], %swap3A_510 {strides = array<i32>} : memref<256x128xf32, #tpu.memory_space<vmem>>, vector<1x16xf32>,
    %swap3A_511 = arith.constant 10 : i32
    %swap3A_512 = arith.index_cast %swap3A_511 : i32 to index
    %swap3A_513 = arith.constant 80 : index
    %swap3A_514 = tpu.vector_load %arg10[%swap3A_512, %swap3A_513] {strides = array<i32>} : memref<256x128xf32, #tpu.memory_space<vmem>>, vector<1x16xf32>,
    %swap3A_515 = vector.shape_cast %swap3A_514 : vector<1x16xf32> to vector<16xf32>
    %swap3A_516 = vector.shape_cast %broadcast_in_dim3A_1 : vector<16xf32> to vector<1x16xf32>
    tpu.vector_store %arg10[%swap3A_512, %swap3A_513], %swap3A_516 {strides = array<i32>} : memref<256x128xf32, #tpu.memory_space<vmem>>, vector<1x16xf32>,
    %swap3A_517 = arith.constant 10 : i32
    %swap3A_518 = arith.index_cast %swap3A_517 : i32 to index
    %swap3A_519 = arith.constant 96 : index
    %swap3A_520 = tpu.vector_load %arg10[%swap3A_518, %swap3A_519] {strides = array<i32>} : memref<256x128xf32, #tpu.memory_space<vmem>>, vector<1x16xf32>,
    %swap3A_521 = vector.shape_cast %swap3A_520 : vector<1x16xf32> to vector<16xf32>
    %swap3A_522 = vector.shape_cast %broadcast_in_dim3A_1 : vector<16xf32> to vector<1x16xf32>
    tpu.vector_store %arg10[%swap3A_518, %swap3A_519], %swap3A_522 {strides = array<i32>} : memref<256x128xf32, #tpu.memory_space<vmem>>, vector<1x16xf32>,
    %swap3A_523 = arith.constant 10 : i32
    %swap3A_524 = arith.index_cast %swap3A_523 : i32 to index
    %swap3A_525 = arith.constant 112 : index
    %swap3A_526 = tpu.vector_load %arg10[%swap3A_524, %swap3A_525] {strides = array<i32>} : memref<256x128xf32, #tpu.memory_space<vmem>>, vector<1x16xf32>,
    %swap3A_527 = vector.shape_cast %swap3A_526 : vector<1x16xf32> to vector<16xf32>
    %swap3A_528 = vector.shape_cast %broadcast_in_dim3A_1 : vector<16xf32> to vector<1x16xf32>
    tpu.vector_store %arg10[%swap3A_524, %swap3A_525], %swap3A_528 {strides = array<i32>} : memref<256x128xf32, #tpu.memory_space<vmem>>, vector<1x16xf32>,
    %swap3A_529 = arith.constant 11 : i32
    %swap3A_530 = arith.index_cast %swap3A_529 : i32 to index
    %swap3A_531 = arith.constant 0 : index
    %swap3A_532 = tpu.vector_load %arg10[%swap3A_530, %swap3A_531] {strides = array<i32>} : memref<256x128xf32, #tpu.memory_space<vmem>>, vector<1x16xf32>,
    %swap3A_533 = vector.shape_cast %swap3A_532 : vector<1x16xf32> to vector<16xf32>
    %swap3A_534 = vector.shape_cast %broadcast_in_dim3A_1 : vector<16xf32> to vector<1x16xf32>
    tpu.vector_store %arg10[%swap3A_530, %swap3A_531], %swap3A_534 {strides = array<i32>} : memref<256x128xf32, #tpu.memory_space<vmem>>, vector<1x16xf32>,
    %swap3A_535 = arith.constant 11 : i32
    %swap3A_536 = arith.index_cast %swap3A_535 : i32 to index
    %swap3A_537 = arith.constant 16 : index
    %swap3A_538 = tpu.vector_load %arg10[%swap3A_536, %swap3A_537] {strides = array<i32>} : memref<256x128xf32, #tpu.memory_space<vmem>>, vector<1x16xf32>,
    %swap3A_539 = vector.shape_cast %swap3A_538 : vector<1x16xf32> to vector<16xf32>
    %swap3A_540 = vector.shape_cast %broadcast_in_dim3A_1 : vector<16xf32> to vector<1x16xf32>
    tpu.vector_store %arg10[%swap3A_536, %swap3A_537], %swap3A_540 {strides = array<i32>} : memref<256x128xf32, #tpu.memory_space<vmem>>, vector<1x16xf32>,
    %swap3A_541 = arith.constant 11 : i32
    %swap3A_542 = arith.index_cast %swap3A_541 : i32 to index
    %swap3A_543 = arith.constant 32 : index
    %swap3A_544 = tpu.vector_load %arg10[%swap3A_542, %swap3A_543] {strides = array<i32>} : memref<256x128xf32, #tpu.memory_space<vmem>>, vector<1x16xf32>,
    %swap3A_545 = vector.shape_cast %swap3A_544 : vector<1x16xf32> to vector<16xf32>
    %swap3A_546 = vector.shape_cast %broadcast_in_dim3A_1 : vector<16xf32> to vector<1x16xf32>
    tpu.vector_store %arg10[%swap3A_542, %swap3A_543], %swap3A_546 {strides = array<i32>} : memref<256x128xf32, #tpu.memory_space<vmem>>, vector<1x16xf32>,
    %swap3A_547 = arith.constant 11 : i32
    %swap3A_548 = arith.index_cast %swap3A_547 : i32 to index
    %swap3A_549 = arith.constant 48 : index
    %swap3A_550 = tpu.vector_load %arg10[%swap3A_548, %swap3A_549] {strides = array<i32>} : memref<256x128xf32, #tpu.memory_space<vmem>>, vector<1x16xf32>,
    %swap3A_551 = vector.shape_cast %swap3A_550 : vector<1x16xf32> to vector<16xf32>
    %swap3A_552 = vector.shape_cast %broadcast_in_dim3A_1 : vector<16xf32> to vector<1x16xf32>
    tpu.vector_store %arg10[%swap3A_548, %swap3A_549], %swap3A_552 {strides = array<i32>} : memref<256x128xf32, #tpu.memory_space<vmem>>, vector<1x16xf32>,
    %swap3A_553 = arith.constant 11 : i32
    %swap3A_554 = arith.index_cast %swap3A_553 : i32 to index
    %swap3A_555 = arith.constant 64 : index
    %swap3A_556 = tpu.vector_load %arg10[%swap3A_554, %swap3A_555] {strides = array<i32>} : memref<256x128xf32, #tpu.memory_space<vmem>>, vector<1x16xf32>,
    %swap3A_557 = vector.shape_cast %swap3A_556 : vector<1x16xf32> to vector<16xf32>
    %swap3A_558 = vector.shape_cast %broadcast_in_dim3A_1 : vector<16xf32> to vector<1x16xf32>
    tpu.vector_store %arg10[%swap3A_554, %swap3A_555], %swap3A_558 {strides = array<i32>} : memref<256x128xf32, #tpu.memory_space<vmem>>, vector<1x16xf32>,
    %swap3A_559 = arith.constant 11 : i32
    %swap3A_560 = arith.index_cast %swap3A_559 : i32 to index
    %swap3A_561 = arith.constant 80 : index
    %swap3A_562 = tpu.vector_load %arg10[%swap3A_560, %swap3A_561] {strides = array<i32>} : memref<256x128xf32, #tpu.memory_space<vmem>>, vector<1x16xf32>,
    %swap3A_563 = vector.shape_cast %swap3A_562 : vector<1x16xf32> to vector<16xf32>
    %swap3A_564 = vector.shape_cast %broadcast_in_dim3A_1 : vector<16xf32> to vector<1x16xf32>
    tpu.vector_store %arg10[%swap3A_560, %swap3A_561], %swap3A_564 {strides = array<i32>} : memref<256x128xf32, #tpu.memory_space<vmem>>, vector<1x16xf32>,
    %swap3A_565 = arith.constant 11 : i32
    %swap3A_566 = arith.index_cast %swap3A_565 : i32 to index
    %swap3A_567 = arith.constant 96 : index
    %swap3A_568 = tpu.vector_load %arg10[%swap3A_566, %swap3A_567] {strides = array<i32>} : memref<256x128xf32, #tpu.memory_space<vmem>>, vector<1x16xf32>,
    %swap3A_569 = vector.shape_cast %swap3A_568 : vector<1x16xf32> to vector<16xf32>
    %swap3A_570 = vector.shape_cast %broadcast_in_dim3A_1 : vector<16xf32> to vector<1x16xf32>
    tpu.vector_store %arg10[%swap3A_566, %swap3A_567], %swap3A_570 {strides = array<i32>} : memref<256x128xf32, #tpu.memory_space<vmem>>, vector<1x16xf32>,
    %swap3A_571 = arith.constant 11 : i32
    %swap3A_572 = arith.index_cast %swap3A_571 : i32 to index
    %swap3A_573 = arith.constant 112 : index
    %swap3A_574 = tpu.vector_load %arg10[%swap3A_572, %swap3A_573] {strides = array<i32>} : memref<256x128xf32, #tpu.memory_space<vmem>>, vector<1x16xf32>,
    %swap3A_575 = vector.shape_cast %swap3A_574 : vector<1x16xf32> to vector<16xf32>
    %swap3A_576 = vector.shape_cast %broadcast_in_dim3A_1 : vector<16xf32> to vector<1x16xf32>
    tpu.vector_store %arg10[%swap3A_572, %swap3A_573], %swap3A_576 {strides = array<i32>} : memref<256x128xf32, #tpu.memory_space<vmem>>, vector<1x16xf32>,
    %swap3A_577 = arith.constant 12 : i32
    %swap3A_578 = arith.index_cast %swap3A_577 : i32 to index
    %swap3A_579 = arith.constant 0 : index
    %swap3A_580 = tpu.vector_load %arg10[%swap3A_578, %swap3A_579] {strides = array<i32>} : memref<256x128xf32, #tpu.memory_space<vmem>>, vector<1x16xf32>,
    %swap3A_581 = vector.shape_cast %swap3A_580 : vector<1x16xf32> to vector<16xf32>
    %swap3A_582 = vector.shape_cast %broadcast_in_dim3A_1 : vector<16xf32> to vector<1x16xf32>
    tpu.vector_store %arg10[%swap3A_578, %swap3A_579], %swap3A_582 {strides = array<i32>} : memref<256x128xf32, #tpu.memory_space<vmem>>, vector<1x16xf32>,
    %swap3A_583 = arith.constant 12 : i32
    %swap3A_584 = arith.index_cast %swap3A_583 : i32 to index
    %swap3A_585 = arith.constant 16 : index
    %swap3A_586 = tpu.vector_load %arg10[%swap3A_584, %swap3A_585] {strides = array<i32>} : memref<256x128xf32, #tpu.memory_space<vmem>>, vector<1x16xf32>,
    %swap3A_587 = vector.shape_cast %swap3A_586 : vector<1x16xf32> to vector<16xf32>
    %swap3A_588 = vector.shape_cast %broadcast_in_dim3A_1 : vector<16xf32> to vector<1x16xf32>
    tpu.vector_store %arg10[%swap3A_584, %swap3A_585], %swap3A_588 {strides = array<i32>} : memref<256x128xf32, #tpu.memory_space<vmem>>, vector<1x16xf32>,
    %swap3A_589 = arith.constant 12 : i32
    %swap3A_590 = arith.index_cast %swap3A_589 : i32 to index
    %swap3A_591 = arith.constant 32 : index
    %swap3A_592 = tpu.vector_load %arg10[%swap3A_590, %swap3A_591] {strides = array<i32>} : memref<256x128xf32, #tpu.memory_space<vmem>>, vector<1x16xf32>,
    %swap3A_593 = vector.shape_cast %swap3A_592 : vector<1x16xf32> to vector<16xf32>
    %swap3A_594 = vector.shape_cast %broadcast_in_dim3A_1 : vector<16xf32> to vector<1x16xf32>
    tpu.vector_store %arg10[%swap3A_590, %swap3A_591], %swap3A_594 {strides = array<i32>} : memref<256x128xf32, #tpu.memory_space<vmem>>, vector<1x16xf32>,
    %swap3A_595 = arith.constant 12 : i32
    %swap3A_596 = arith.index_cast %swap3A_595 : i32 to index
    %swap3A_597 = arith.constant 48 : index
    %swap3A_598 = tpu.vector_load %arg10[%swap3A_596, %swap3A_597] {strides = array<i32>} : memref<256x128xf32, #tpu.memory_space<vmem>>, vector<1x16xf32>,
    %swap3A_599 = vector.shape_cast %swap3A_598 : vector<1x16xf32> to vector<16xf32>
    %swap3A_600 = vector.shape_cast %broadcast_in_dim3A_1 : vector<16xf32> to vector<1x16xf32>
    tpu.vector_store %arg10[%swap3A_596, %swap3A_597], %swap3A_600 {strides = array<i32>} : memref<256x128xf32, #tpu.memory_space<vmem>>, vector<1x16xf32>,
    %swap3A_601 = arith.constant 12 : i32
    %swap3A_602 = arith.index_cast %swap3A_601 : i32 to index
    %swap3A_603 = arith.constant 64 : index
    %swap3A_604 = tpu.vector_load %arg10[%swap3A_602, %swap3A_603] {strides = array<i32>} : memref<256x128xf32, #tpu.memory_space<vmem>>, vector<1x16xf32>,
    %swap3A_605 = vector.shape_cast %swap3A_604 : vector<1x16xf32> to vector<16xf32>
    %swap3A_606 = vector.shape_cast %broadcast_in_dim3A_1 : vector<16xf32> to vector<1x16xf32>
    tpu.vector_store %arg10[%swap3A_602, %swap3A_603], %swap3A_606 {strides = array<i32>} : memref<256x128xf32, #tpu.memory_space<vmem>>, vector<1x16xf32>,
    %swap3A_607 = arith.constant 12 : i32
    %swap3A_608 = arith.index_cast %swap3A_607 : i32 to index
    %swap3A_609 = arith.constant 80 : index
    %swap3A_610 = tpu.vector_load %arg10[%swap3A_608, %swap3A_609] {strides = array<i32>} : memref<256x128xf32, #tpu.memory_space<vmem>>, vector<1x16xf32>,
    %swap3A_611 = vector.shape_cast %swap3A_610 : vector<1x16xf32> to vector<16xf32>
    %swap3A_612 = vector.shape_cast %broadcast_in_dim3A_1 : vector<16xf32> to vector<1x16xf32>
    tpu.vector_store %arg10[%swap3A_608, %swap3A_609], %swap3A_612 {strides = array<i32>} : memref<256x128xf32, #tpu.memory_space<vmem>>, vector<1x16xf32>,
    %swap3A_613 = arith.constant 12 : i32
    %swap3A_614 = arith.index_cast %swap3A_613 : i32 to index
    %swap3A_615 = arith.constant 96 : index
    %swap3A_616 = tpu.vector_load %arg10[%swap3A_614, %swap3A_615] {strides = array<i32>} : memref<256x128xf32, #tpu.memory_space<vmem>>, vector<1x16xf32>,
    %swap3A_617 = vector.shape_cast %swap3A_616 : vector<1x16xf32> to vector<16xf32>
    %swap3A_618 = vector.shape_cast %broadcast_in_dim3A_1 : vector<16xf32> to vector<1x16xf32>
    tpu.vector_store %arg10[%swap3A_614, %swap3A_615], %swap3A_618 {strides = array<i32>} : memref<256x128xf32, #tpu.memory_space<vmem>>, vector<1x16xf32>,
    %swap3A_619 = arith.constant 12 : i32
    %swap3A_620 = arith.index_cast %swap3A_619 : i32 to index
    %swap3A_621 = arith.constant 112 : index
    %swap3A_622 = tpu.vector_load %arg10[%swap3A_620, %swap3A_621] {strides = array<i32>} : memref<256x128xf32, #tpu.memory_space<vmem>>, vector<1x16xf32>,
    %swap3A_623 = vector.shape_cast %swap3A_622 : vector<1x16xf32> to vector<16xf32>
    %swap3A_624 = vector.shape_cast %broadcast_in_dim3A_1 : vector<16xf32> to vector<1x16xf32>
    tpu.vector_store %arg10[%swap3A_620, %swap3A_621], %swap3A_624 {strides = array<i32>} : memref<256x128xf32, #tpu.memory_space<vmem>>, vector<1x16xf32>,
    %swap3A_625 = arith.constant 13 : i32
    %swap3A_626 = arith.index_cast %swap3A_625 : i32 to index
    %swap3A_627 = arith.constant 0 : index
    %swap3A_628 = tpu.vector_load %arg10[%swap3A_626, %swap3A_627] {strides = array<i32>} : memref<256x128xf32, #tpu.memory_space<vmem>>, vector<1x16xf32>,
    %swap3A_629 = vector.shape_cast %swap3A_628 : vector<1x16xf32> to vector<16xf32>
    %swap3A_630 = vector.shape_cast %broadcast_in_dim3A_1 : vector<16xf32> to vector<1x16xf32>
    tpu.vector_store %arg10[%swap3A_626, %swap3A_627], %swap3A_630 {strides = array<i32>} : memref<256x128xf32, #tpu.memory_space<vmem>>, vector<1x16xf32>,
    %swap3A_631 = arith.constant 13 : i32
    %swap3A_632 = arith.index_cast %swap3A_631 : i32 to index
    %swap3A_633 = arith.constant 16 : index
    %swap3A_634 = tpu.vector_load %arg10[%swap3A_632, %swap3A_633] {strides = array<i32>} : memref<256x128xf32, #tpu.memory_space<vmem>>, vector<1x16xf32>,
    %swap3A_635 = vector.shape_cast %swap3A_634 : vector<1x16xf32> to vector<16xf32>
    %swap3A_636 = vector.shape_cast %broadcast_in_dim3A_1 : vector<16xf32> to vector<1x16xf32>
    tpu.vector_store %arg10[%swap3A_632, %swap3A_633], %swap3A_636 {strides = array<i32>} : memref<256x128xf32, #tpu.memory_space<vmem>>, vector<1x16xf32>,
    %swap3A_637 = arith.constant 13 : i32
    %swap3A_638 = arith.index_cast %swap3A_637 : i32 to index
    %swap3A_639 = arith.constant 32 : index
    %swap3A_640 = tpu.vector_load %arg10[%swap3A_638, %swap3A_639] {strides = array<i32>} : memref<256x128xf32, #tpu.memory_space<vmem>>, vector<1x16xf32>,
    %swap3A_641 = vector.shape_cast %swap3A_640 : vector<1x16xf32> to vector<16xf32>
    %swap3A_642 = vector.shape_cast %broadcast_in_dim3A_1 : vector<16xf32> to vector<1x16xf32>
    tpu.vector_store %arg10[%swap3A_638, %swap3A_639], %swap3A_642 {strides = array<i32>} : memref<256x128xf32, #tpu.memory_space<vmem>>, vector<1x16xf32>,
    %swap3A_643 = arith.constant 13 : i32
    %swap3A_644 = arith.index_cast %swap3A_643 : i32 to index
    %swap3A_645 = arith.constant 48 : index
    %swap3A_646 = tpu.vector_load %arg10[%swap3A_644, %swap3A_645] {strides = array<i32>} : memref<256x128xf32, #tpu.memory_space<vmem>>, vector<1x16xf32>,
    %swap3A_647 = vector.shape_cast %swap3A_646 : vector<1x16xf32> to vector<16xf32>
    %swap3A_648 = vector.shape_cast %broadcast_in_dim3A_1 : vector<16xf32> to vector<1x16xf32>
    tpu.vector_store %arg10[%swap3A_644, %swap3A_645], %swap3A_648 {strides = array<i32>} : memref<256x128xf32, #tpu.memory_space<vmem>>, vector<1x16xf32>,
    %swap3A_649 = arith.constant 13 : i32
    %swap3A_650 = arith.index_cast %swap3A_649 : i32 to index
    %swap3A_651 = arith.constant 64 : index
    %swap3A_652 = tpu.vector_load %arg10[%swap3A_650, %swap3A_651] {strides = array<i32>} : memref<256x128xf32, #tpu.memory_space<vmem>>, vector<1x16xf32>,
    %swap3A_653 = vector.shape_cast %swap3A_652 : vector<1x16xf32> to vector<16xf32>
    %swap3A_654 = vector.shape_cast %broadcast_in_dim3A_1 : vector<16xf32> to vector<1x16xf32>
    tpu.vector_store %arg10[%swap3A_650, %swap3A_651], %swap3A_654 {strides = array<i32>} : memref<256x128xf32, #tpu.memory_space<vmem>>, vector<1x16xf32>,
    %swap3A_655 = arith.constant 13 : i32
    %swap3A_656 = arith.index_cast %swap3A_655 : i32 to index
    %swap3A_657 = arith.constant 80 : index
    %swap3A_658 = tpu.vector_load %arg10[%swap3A_656, %swap3A_657] {strides = array<i32>} : memref<256x128xf32, #tpu.memory_space<vmem>>, vector<1x16xf32>,
    %swap3A_659 = vector.shape_cast %swap3A_658 : vector<1x16xf32> to vector<16xf32>
    %swap3A_660 = vector.shape_cast %broadcast_in_dim3A_1 : vector<16xf32> to vector<1x16xf32>
    tpu.vector_store %arg10[%swap3A_656, %swap3A_657], %swap3A_660 {strides = array<i32>} : memref<256x128xf32, #tpu.memory_space<vmem>>, vector<1x16xf32>,
    %swap3A_661 = arith.constant 13 : i32
    %swap3A_662 = arith.index_cast %swap3A_661 : i32 to index
    %swap3A_663 = arith.constant 96 : index
    %swap3A_664 = tpu.vector_load %arg10[%swap3A_662, %swap3A_663] {strides = array<i32>} : memref<256x128xf32, #tpu.memory_space<vmem>>, vector<1x16xf32>,
    %swap3A_665 = vector.shape_cast %swap3A_664 : vector<1x16xf32> to vector<16xf32>
    %swap3A_666 = vector.shape_cast %broadcast_in_dim3A_1 : vector<16xf32> to vector<1x16xf32>
    tpu.vector_store %arg10[%swap3A_662, %swap3A_663], %swap3A_666 {strides = array<i32>} : memref<256x128xf32, #tpu.memory_space<vmem>>, vector<1x16xf32>,
    %swap3A_667 = arith.constant 13 : i32
    %swap3A_668 = arith.index_cast %swap3A_667 : i32 to index
    %swap3A_669 = arith.constant 112 : index
    %swap3A_670 = tpu.vector_load %arg10[%swap3A_668, %swap3A_669] {strides = array<i32>} : memref<256x128xf32, #tpu.memory_space<vmem>>, vector<1x16xf32>,
    %swap3A_671 = vector.shape_cast %swap3A_670 : vector<1x16xf32> to vector<16xf32>
    %swap3A_672 = vector.shape_cast %broadcast_in_dim3A_1 : vector<16xf32> to vector<1x16xf32>
    tpu.vector_store %arg10[%swap3A_668, %swap3A_669], %swap3A_672 {strides = array<i32>} : memref<256x128xf32, #tpu.memory_space<vmem>>, vector<1x16xf32>,
    %swap3A_673 = arith.constant 14 : i32
    %swap3A_674 = arith.index_cast %swap3A_673 : i32 to index
    %swap3A_675 = arith.constant 0 : index
    %swap3A_676 = tpu.vector_load %arg10[%swap3A_674, %swap3A_675] {strides = array<i32>} : memref<256x128xf32, #tpu.memory_space<vmem>>, vector<1x16xf32>,
    %swap3A_677 = vector.shape_cast %swap3A_676 : vector<1x16xf32> to vector<16xf32>
    %swap3A_678 = vector.shape_cast %broadcast_in_dim3A_1 : vector<16xf32> to vector<1x16xf32>
    tpu.vector_store %arg10[%swap3A_674, %swap3A_675], %swap3A_678 {strides = array<i32>} : memref<256x128xf32, #tpu.memory_space<vmem>>, vector<1x16xf32>,
    %swap3A_679 = arith.constant 14 : i32
    %swap3A_680 = arith.index_cast %swap3A_679 : i32 to index
    %swap3A_681 = arith.constant 16 : index
    %swap3A_682 = tpu.vector_load %arg10[%swap3A_680, %swap3A_681] {strides = array<i32>} : memref<256x128xf32, #tpu.memory_space<vmem>>, vector<1x16xf32>,
    %swap3A_683 = vector.shape_cast %swap3A_682 : vector<1x16xf32> to vector<16xf32>
    %swap3A_684 = vector.shape_cast %broadcast_in_dim3A_1 : vector<16xf32> to vector<1x16xf32>
    tpu.vector_store %arg10[%swap3A_680, %swap3A_681], %swap3A_684 {strides = array<i32>} : memref<256x128xf32, #tpu.memory_space<vmem>>, vector<1x16xf32>,
    %swap3A_685 = arith.constant 14 : i32
    %swap3A_686 = arith.index_cast %swap3A_685 : i32 to index
    %swap3A_687 = arith.constant 32 : index
    %swap3A_688 = tpu.vector_load %arg10[%swap3A_686, %swap3A_687] {strides = array<i32>} : memref<256x128xf32, #tpu.memory_space<vmem>>, vector<1x16xf32>,
    %swap3A_689 = vector.shape_cast %swap3A_688 : vector<1x16xf32> to vector<16xf32>
    %swap3A_690 = vector.shape_cast %broadcast_in_dim3A_1 : vector<16xf32> to vector<1x16xf32>
    tpu.vector_store %arg10[%swap3A_686, %swap3A_687], %swap3A_690 {strides = array<i32>} : memref<256x128xf32, #tpu.memory_space<vmem>>, vector<1x16xf32>,
    %swap3A_691 = arith.constant 14 : i32
    %swap3A_692 = arith.index_cast %swap3A_691 : i32 to index
    %swap3A_693 = arith.constant 48 : index
    %swap3A_694 = tpu.vector_load %arg10[%swap3A_692, %swap3A_693] {strides = array<i32>} : memref<256x128xf32, #tpu.memory_space<vmem>>, vector<1x16xf32>,
    %swap3A_695 = vector.shape_cast %swap3A_694 : vector<1x16xf32> to vector<16xf32>
    %swap3A_696 = vector.shape_cast %broadcast_in_dim3A_1 : vector<16xf32> to vector<1x16xf32>
    tpu.vector_store %arg10[%swap3A_692, %swap3A_693], %swap3A_696 {strides = array<i32>} : memref<256x128xf32, #tpu.memory_space<vmem>>, vector<1x16xf32>,
    %swap3A_697 = arith.constant 14 : i32
    %swap3A_698 = arith.index_cast %swap3A_697 : i32 to index
    %swap3A_699 = arith.constant 64 : index
    %swap3A_700 = tpu.vector_load %arg10[%swap3A_698, %swap3A_699] {strides = array<i32>} : memref<256x128xf32, #tpu.memory_space<vmem>>, vector<1x16xf32>,
    %swap3A_701 = vector.shape_cast %swap3A_700 : vector<1x16xf32> to vector<16xf32>
    %swap3A_702 = vector.shape_cast %broadcast_in_dim3A_1 : vector<16xf32> to vector<1x16xf32>
    tpu.vector_store %arg10[%swap3A_698, %swap3A_699], %swap3A_702 {strides = array<i32>} : memref<256x128xf32, #tpu.memory_space<vmem>>, vector<1x16xf32>,
    %swap3A_703 = arith.constant 14 : i32
    %swap3A_704 = arith.index_cast %swap3A_703 : i32 to index
    %swap3A_705 = arith.constant 80 : index
    %swap3A_706 = tpu.vector_load %arg10[%swap3A_704, %swap3A_705] {strides = array<i32>} : memref<256x128xf32, #tpu.memory_space<vmem>>, vector<1x16xf32>,
    %swap3A_707 = vector.shape_cast %swap3A_706 : vector<1x16xf32> to vector<16xf32>
    %swap3A_708 = vector.shape_cast %broadcast_in_dim3A_1 : vector<16xf32> to vector<1x16xf32>
    tpu.vector_store %arg10[%swap3A_704, %swap3A_705], %swap3A_708 {strides = array<i32>} : memref<256x128xf32, #tpu.memory_space<vmem>>, vector<1x16xf32>,
    %swap3A_709 = arith.constant 14 : i32
    %swap3A_710 = arith.index_cast %swap3A_709 : i32 to index
    %swap3A_711 = arith.constant 96 : index
    %swap3A_712 = tpu.vector_load %arg10[%swap3A_710, %swap3A_711] {strides = array<i32>} : memref<256x128xf32, #tpu.memory_space<vmem>>, vector<1x16xf32>,
    %swap3A_713 = vector.shape_cast %swap3A_712 : vector<1x16xf32> to vector<16xf32>
    %swap3A_714 = vector.shape_cast %broadcast_in_dim3A_1 : vector<16xf32> to vector<1x16xf32>
    tpu.vector_store %arg10[%swap3A_710, %swap3A_711], %swap3A_714 {strides = array<i32>} : memref<256x128xf32, #tpu.memory_space<vmem>>, vector<1x16xf32>,
    %swap3A_715 = arith.constant 14 : i32
    %swap3A_716 = arith.index_cast %swap3A_715 : i32 to index
    %swap3A_717 = arith.constant 112 : index
    %swap3A_718 = tpu.vector_load %arg10[%swap3A_716, %swap3A_717] {strides = array<i32>} : memref<256x128xf32, #tpu.memory_space<vmem>>, vector<1x16xf32>,
    %swap3A_719 = vector.shape_cast %swap3A_718 : vector<1x16xf32> to vector<16xf32>
    %swap3A_720 = vector.shape_cast %broadcast_in_dim3A_1 : vector<16xf32> to vector<1x16xf32>
    tpu.vector_store %arg10[%swap3A_716, %swap3A_717], %swap3A_720 {strides = array<i32>} : memref<256x128xf32, #tpu.memory_space<vmem>>, vector<1x16xf32>,
    %swap3A_721 = arith.constant 15 : i32
    %swap3A_722 = arith.index_cast %swap3A_721 : i32 to index
    %swap3A_723 = arith.constant 0 : index
    %swap3A_724 = tpu.vector_load %arg10[%swap3A_722, %swap3A_723] {strides = array<i32>} : memref<256x128xf32, #tpu.memory_space<vmem>>, vector<1x16xf32>,
    %swap3A_725 = vector.shape_cast %swap3A_724 : vector<1x16xf32> to vector<16xf32>
    %swap3A_726 = vector.shape_cast %broadcast_in_dim3A_1 : vector<16xf32> to vector<1x16xf32>
    tpu.vector_store %arg10[%swap3A_722, %swap3A_723], %swap3A_726 {strides = array<i32>} : memref<256x128xf32, #tpu.memory_space<vmem>>, vector<1x16xf32>,
    %swap3A_727 = arith.constant 15 : i32
    %swap3A_728 = arith.index_cast %swap3A_727 : i32 to index
    %swap3A_729 = arith.constant 16 : index
    %swap3A_730 = tpu.vector_load %arg10[%swap3A_728, %swap3A_729] {strides = array<i32>} : memref<256x128xf32, #tpu.memory_space<vmem>>, vector<1x16xf32>,
    %swap3A_731 = vector.shape_cast %swap3A_730 : vector<1x16xf32> to vector<16xf32>
    %swap3A_732 = vector.shape_cast %broadcast_in_dim3A_1 : vector<16xf32> to vector<1x16xf32>
    tpu.vector_store %arg10[%swap3A_728, %swap3A_729], %swap3A_732 {strides = array<i32>} : memref<256x128xf32, #tpu.memory_space<vmem>>, vector<1x16xf32>,
    %swap3A_733 = arith.constant 15 : i32
    %swap3A_734 = arith.index_cast %swap3A_733 : i32 to index
    %swap3A_735 = arith.constant 32 : index
    %swap3A_736 = tpu.vector_load %arg10[%swap3A_734, %swap3A_735] {strides = array<i32>} : memref<256x128xf32, #tpu.memory_space<vmem>>, vector<1x16xf32>,
    %swap3A_737 = vector.shape_cast %swap3A_736 : vector<1x16xf32> to vector<16xf32>
    %swap3A_738 = vector.shape_cast %broadcast_in_dim3A_1 : vector<16xf32> to vector<1x16xf32>
    tpu.vector_store %arg10[%swap3A_734, %swap3A_735], %swap3A_738 {strides = array<i32>} : memref<256x128xf32, #tpu.memory_space<vmem>>, vector<1x16xf32>,
    %swap3A_739 = arith.constant 15 : i32
    %swap3A_740 = arith.index_cast %swap3A_739 : i32 to index
    %swap3A_741 = arith.constant 48 : index
    %swap3A_742 = tpu.vector_load %arg10[%swap3A_740, %swap3A_741] {strides = array<i32>} : memref<256x128xf32, #tpu.memory_space<vmem>>, vector<1x16xf32>,
    %swap3A_743 = vector.shape_cast %swap3A_742 : vector<1x16xf32> to vector<16xf32>
    %swap3A_744 = vector.shape_cast %broadcast_in_dim3A_1 : vector<16xf32> to vector<1x16xf32>
    tpu.vector_store %arg10[%swap3A_740, %swap3A_741], %swap3A_744 {strides = array<i32>} : memref<256x128xf32, #tpu.memory_space<vmem>>, vector<1x16xf32>,
    %swap3A_745 = arith.constant 15 : i32
    %swap3A_746 = arith.index_cast %swap3A_745 : i32 to index
    %swap3A_747 = arith.constant 64 : index
    %swap3A_748 = tpu.vector_load %arg10[%swap3A_746, %swap3A_747] {strides = array<i32>} : memref<256x128xf32, #tpu.memory_space<vmem>>, vector<1x16xf32>,
    %swap3A_749 = vector.shape_cast %swap3A_748 : vector<1x16xf32> to vector<16xf32>
    %swap3A_750 = vector.shape_cast %broadcast_in_dim3A_1 : vector<16xf32> to vector<1x16xf32>
    tpu.vector_store %arg10[%swap3A_746, %swap3A_747], %swap3A_750 {strides = array<i32>} : memref<256x128xf32, #tpu.memory_space<vmem>>, vector<1x16xf32>,
    %swap3A_751 = arith.constant 15 : i32
    %swap3A_752 = arith.index_cast %swap3A_751 : i32 to index
    %swap3A_753 = arith.constant 80 : index
    %swap3A_754 = tpu.vector_load %arg10[%swap3A_752, %swap3A_753] {strides = array<i32>} : memref<256x128xf32, #tpu.memory_space<vmem>>, vector<1x16xf32>,
    %swap3A_755 = vector.shape_cast %swap3A_754 : vector<1x16xf32> to vector<16xf32>
    %swap3A_756 = vector.shape_cast %broadcast_in_dim3A_1 : vector<16xf32> to vector<1x16xf32>
    tpu.vector_store %arg10[%swap3A_752, %swap3A_753], %swap3A_756 {strides = array<i32>} : memref<256x128xf32, #tpu.memory_space<vmem>>, vector<1x16xf32>,
    %swap3A_757 = arith.constant 15 : i32
    %swap3A_758 = arith.index_cast %swap3A_757 : i32 to index
    %swap3A_759 = arith.constant 96 : index
    %swap3A_760 = tpu.vector_load %arg10[%swap3A_758, %swap3A_759] {strides = array<i32>} : memref<256x128xf32, #tpu.memory_space<vmem>>, vector<1x16xf32>,
    %swap3A_761 = vector.shape_cast %swap3A_760 : vector<1x16xf32> to vector<16xf32>
    %swap3A_762 = vector.shape_cast %broadcast_in_dim3A_1 : vector<16xf32> to vector<1x16xf32>
    tpu.vector_store %arg10[%swap3A_758, %swap3A_759], %swap3A_762 {strides = array<i32>} : memref<256x128xf32, #tpu.memory_space<vmem>>, vector<1x16xf32>,
    %swap3A_763 = arith.constant 15 : i32
    %swap3A_764 = arith.index_cast %swap3A_763 : i32 to index
    %swap3A_765 = arith.constant 112 : index
    %swap3A_766 = tpu.vector_load %arg10[%swap3A_764, %swap3A_765] {strides = array<i32>} : memref<256x128xf32, #tpu.memory_space<vmem>>, vector<1x16xf32>,
    %swap3A_767 = vector.shape_cast %swap3A_766 : vector<1x16xf32> to vector<16xf32>
    %swap3A_768 = vector.shape_cast %broadcast_in_dim3A_1 : vector<16xf32> to vector<1x16xf32>
    tpu.vector_store %arg10[%swap3A_764, %swap3A_765], %swap3A_768 {strides = array<i32>} : memref<256x128xf32, #tpu.memory_space<vmem>>, vector<1x16xf32>,
    %scan3A = arith.constant 0 : i32
    %scan3A_769 = arith.constant 0 : i32
    %scan3A_770 = arith.constant 40 : i32
    %scan3A_771 = arith.addi %scan3A_769, %scan3A_770 : i32
    %scan3A_772 = arith.constant 1 : i32
    scf.for %scan3A_790 = %scan3A_769 to %scan3A_771 step %scan3A_772  : i32 {
      %mul3A_791 = arith.constant 640 : i32
      %mul3A_792 = arith.muli %arg1, %mul3A_791 : i32
      %mul3A_793 = arith.constant 16 : i32
      %mul3A_794 = arith.muli %scan3A_790, %mul3A_793 : i32
      %add3A_795 = arith.addi %mul3A_792, %mul3A_794 : i32
      "tpu.region"() ({
        %run_scoped3A = tpu.sem_alloc : memref<!tpu.dma_semaphore, #tpu.memory_space<semaphore_mem>>
        %dma_start3A = arith.constant 0 : i32
        %dma_start3A_796 = arith.constant 0 : i32
        %dma_start3A_797 = tpu.memref_slice %arg10[%dma_start3A, %dma_start3A_796] : memref<256x128xf32, #tpu.memory_space<vmem>> -> memref<16x128xf32, #tpu.memory_space<vmem>>
        %dma_start3A_798 = arith.constant 0 : i32
        %dma_start3A_799 = tpu.memref_slice %arg11[%add3A_795, %dma_start3A_798] : memref<10240x128xf32, #tpu.memory_space<vmem_shared>> -> memref<16x128xf32, #tpu.memory_space<vmem_shared>>
        %dma_start3A_800 = arith.constant 0 : i32
        %dma_start3A_801 = tpu.memref_slice %arg11[%add3A_795, %dma_start3A_800] : memref<10240x128xf32, #tpu.memory_space<vmem_shared>> -> memref<16x128xf32, #tpu.memory_space<vmem_shared>>
        %dma_start3A_802 = arith.constant 0 : i32
        %dma_start3A_803 = arith.constant 0 : i32
        %dma_start3A_804 = tpu.memref_slice %arg10[%dma_start3A_802, %dma_start3A_803] : memref<256x128xf32, #tpu.memory_space<vmem>> -> memref<16x128xf32, #tpu.memory_space<vmem>>
        tpu.enqueue_dma source(%dma_start3A_804 : memref<16x128xf32, #tpu.memory_space<vmem>>) target(%dma_start3A_801 : memref<16x128xf32, #tpu.memory_space<vmem_shared>>) target_semaphore(%run_scoped3A : memref<!tpu.dma_semaphore, #tpu.memory_space<semaphore_mem>>)
        %dma_wait3A = arith.constant 0 : i32
        %dma_wait3A_805 = arith.constant 0 : i32
        %dma_wait3A_806 = tpu.memref_slice %arg10[%dma_wait3A, %dma_wait3A_805] : memref<256x128xf32, #tpu.memory_space<vmem>> -> memref<16x128xf32, #tpu.memory_space<vmem>>
        %dma_wait3A_807 = arith.constant 0 : i32
        %dma_wait3A_808 = tpu.memref_slice %arg11[%add3A_795, %dma_wait3A_807] : memref<10240x128xf32, #tpu.memory_space<vmem_shared>> -> memref<16x128xf32, #tpu.memory_space<vmem_shared>>
        %dma_wait3A_809 = arith.constant 0 : i32
        %dma_wait3A_810 = tpu.memref_slice %arg11[%add3A_795, %dma_wait3A_809] : memref<10240x128xf32, #tpu.memory_space<vmem_shared>> -> memref<16x128xf32, #tpu.memory_space<vmem_shared>>
        %dma_wait3A_811 = arith.constant 0 : i32
        %dma_wait3A_812 = arith.constant 0 : i32
        %dma_wait3A_813 = tpu.memref_slice %arg10[%dma_wait3A_811, %dma_wait3A_812] : memref<256x128xf32, #tpu.memory_space<vmem>> -> memref<16x128xf32, #tpu.memory_space<vmem>>
        tpu.wait_dma2 semaphore(%run_scoped3A : memref<!tpu.dma_semaphore, #tpu.memory_space<semaphore_mem>>) src(%dma_wait3A_813 : memref<16x128xf32, #tpu.memory_space<vmem>>) dst(%dma_wait3A_810 : memref<16x128xf32, #tpu.memory_space<vmem_shared>>)
        tpu.yield
      }) : () -> ()
    }
    %scan3A_773 = arith.constant 40 : i32
    %barrier3A = arith.constant 0 : index
    tpu.barrier barrier_id(%barrier3A)
    %iota3A = tpu.iota {dimensions = array<i32: 0>} : vector<16xi32>
    %eq3A = arith.constant 4 : i32
    %eq3A_774 = vector.broadcast %eq3A : i32 to vector<16xi32>
    %eq3A_775 = arith.cmpi eq, %iota3A, %eq3A_774 : vector<16xi32>
    %jit3A = arith.constant 1.000000e+00 : f32
    %jit3A_776 = arith.constant 0.000000e+00 : f32
    %broadcast_in_dim3A_777 = vector.broadcast %jit3A : f32 to vector<16xf32>
    %broadcast_in_dim3A_778 = vector.broadcast %jit3A_776 : f32 to vector<16xf32>
    %select_n3A = arith.select %eq3A_775, %broadcast_in_dim3A_777, %broadcast_in_dim3A_778 : vector<16xi1>, vector<16xf32>
    %scan3A_779 = arith.constant 0 : i32
    %scan3A_780 = arith.constant 0 : i32
    %scan3A_781 = arith.constant 20 : i32
    %scan3A_782 = arith.addi %scan3A_780, %scan3A_781 : i32
    %scan3A_783 = arith.constant 1 : i32
    scf.for %scan3A_790 = %scan3A_780 to %scan3A_782 step %scan3A_783  : i32 {
      %mul3A_791 = arith.constant 256 : i32
      %mul3A_792 = arith.muli %scan3A_790, %mul3A_791 : i32
      %dma_start3A = tpu.memref_slice %arg7[%mul3A_792] : memref<5120xi32, #tpu.memory_space<vmem>> -> memref<256xi32, #tpu.memory_space<vmem>>
      %dma_start3A_793 = arith.constant 0 : i32
      %dma_start3A_794 = arith.constant 0 : i32
      %dma_start3A_795 = tpu.memref_slice %arg2[%dma_start3A_793, %dma_start3A_794] : memref<160000x128xf32, #tpu.memory_space<hbm>> -> memref<160000x128xf32, #tpu.memory_space<hbm>>
      tpu.enqueue_indirect_dma source(%dma_start3A_795 : memref<160000x128xf32, #tpu.memory_space<hbm>>) target(%arg10 : memref<256x128xf32, #tpu.memory_space<vmem>>) offsets(%dma_start3A : memref<256xi32, #tpu.memory_space<vmem>>) semaphore(%arg12 : memref<!tpu.dma_semaphore, #tpu.memory_space<semaphore_mem>>)
      %dma_start3A_796 = arith.constant 0 : i32
      %dma_start3A_797 = tpu.memref_slice %arg4[%add3A, %scan3A_790, %dma_start3A_796] : memref<32x20x256xi32, #tpu.memory_space<hbm>> -> memref<1x1x256xi32, #tpu.memory_space<hbm>>
      %dma_start3A_798 = tpu.memref_squeeze %dma_start3A_797 : memref<1x1x256xi32, #tpu.memory_space<hbm>> -> memref<256xi32, #tpu.memory_space<hbm>>
      %dma_start3A_799 = arith.constant 0 : i32
      %dma_start3A_800 = tpu.memref_slice %arg4[%add3A, %scan3A_790, %dma_start3A_799] : memref<32x20x256xi32, #tpu.memory_space<hbm>> -> memref<1x1x256xi32, #tpu.memory_space<hbm>>
      %dma_start3A_801 = tpu.memref_squeeze %dma_start3A_800 : memref<1x1x256xi32, #tpu.memory_space<hbm>> -> memref<256xi32, #tpu.memory_space<hbm>>
      tpu.enqueue_dma source(%dma_start3A_801 : memref<256xi32, #tpu.memory_space<hbm>>) target(%arg8 : memref<256xi32, #tpu.memory_space<vmem>>) target_semaphore(%arg13 : memref<!tpu.dma_semaphore, #tpu.memory_space<semaphore_mem>>)
      %mul3A_802 = arith.constant 32 : i32
      %mul3A_803 = arith.muli %scan3A_790, %mul3A_802 : i32
      "tpu.region"() ({
        %run_scoped3A = tpu.sem_alloc : memref<!tpu.dma_semaphore, #tpu.memory_space<semaphore_mem>>
        %dma_start3A_819 = arith.constant 0 : i32
        %dma_start3A_820 = tpu.memref_slice %arg5[%add3A, %mul3A_803, %dma_start3A_819] : memref<32x640x128xf32, #tpu.memory_space<hbm>> -> memref<1x32x128xf32, #tpu.memory_space<hbm>>
        %dma_start3A_821 = tpu.memref_squeeze %dma_start3A_820 : memref<1x32x128xf32, #tpu.memory_space<hbm>> -> memref<32x128xf32, #tpu.memory_space<hbm>>
        %dma_start3A_822 = arith.constant 0 : i32
        %dma_start3A_823 = tpu.memref_slice %arg5[%add3A, %mul3A_803, %dma_start3A_822] : memref<32x640x128xf32, #tpu.memory_space<hbm>> -> memref<1x32x128xf32, #tpu.memory_space<hbm>>
        %dma_start3A_824 = tpu.memref_squeeze %dma_start3A_823 : memref<1x32x128xf32, #tpu.memory_space<hbm>> -> memref<32x128xf32, #tpu.memory_space<hbm>>
        tpu.enqueue_dma source(%dma_start3A_824 : memref<32x128xf32, #tpu.memory_space<hbm>>) target(%arg9 : memref<32x128xf32, #tpu.memory_space<vmem>>) target_semaphore(%run_scoped3A : memref<!tpu.dma_semaphore, #tpu.memory_space<semaphore_mem>>)
        %dma_wait3A_825 = arith.constant 0 : i32
        %dma_wait3A_826 = tpu.memref_slice %arg5[%add3A, %mul3A_803, %dma_wait3A_825] : memref<32x640x128xf32, #tpu.memory_space<hbm>> -> memref<1x32x128xf32, #tpu.memory_space<hbm>>
        %dma_wait3A_827 = tpu.memref_squeeze %dma_wait3A_826 : memref<1x32x128xf32, #tpu.memory_space<hbm>> -> memref<32x128xf32, #tpu.memory_space<hbm>>
        %dma_wait3A_828 = arith.constant 0 : i32
        %dma_wait3A_829 = tpu.memref_slice %arg5[%add3A, %mul3A_803, %dma_wait3A_828] : memref<32x640x128xf32, #tpu.memory_space<hbm>> -> memref<1x32x128xf32, #tpu.memory_space<hbm>>
        %dma_wait3A_830 = tpu.memref_squeeze %dma_wait3A_829 : memref<1x32x128xf32, #tpu.memory_space<hbm>> -> memref<32x128xf32, #tpu.memory_space<hbm>>
        tpu.wait_dma2 semaphore(%run_scoped3A : memref<!tpu.dma_semaphore, #tpu.memory_space<semaphore_mem>>) src(%dma_wait3A_830 : memref<32x128xf32, #tpu.memory_space<hbm>>) dst(%arg9 : memref<32x128xf32, #tpu.memory_space<vmem>>)
        tpu.yield
      }) : () -> ()
      %dma_wait3A = tpu.memref_slice %arg7[%mul3A_792] : memref<5120xi32, #tpu.memory_space<vmem>> -> memref<256xi32, #tpu.memory_space<vmem>>
      %dma_wait3A_804 = arith.constant 0 : i32
      %dma_wait3A_805 = arith.constant 0 : i32
      %dma_wait3A_806 = tpu.memref_slice %arg2[%dma_wait3A_804, %dma_wait3A_805] : memref<160000x128xf32, #tpu.memory_space<hbm>> -> memref<160000x128xf32, #tpu.memory_space<hbm>>
      tpu.wait_indirect_dma semaphore(%arg12 : memref<!tpu.dma_semaphore, #tpu.memory_space<semaphore_mem>>) src(%dma_wait3A_806 : memref<160000x128xf32, #tpu.memory_space<hbm>>) dst(%arg10 : memref<256x128xf32, #tpu.memory_space<vmem>>)
      %scan3A_807 = arith.constant 0 : i32
      %scan3A_808 = arith.constant 0 : i32
      %scan3A_809 = arith.constant 32 : i32
      %scan3A_810 = arith.addi %scan3A_808, %scan3A_809 : i32
      %scan3A_811 = arith.constant 1 : i32
      scf.for %scan3A_819 = %scan3A_808 to %scan3A_810 step %scan3A_811  : i32 {
        %mul3A_820 = arith.constant 8 : i32
        %mul3A_821 = arith.muli %scan3A_819, %mul3A_820 : i32
        %add3A_822 = arith.constant 0 : i32
        %add3A_823 = arith.addi %mul3A_821, %add3A_822 : i32
        %get3A = arith.index_cast %scan3A_819 : i32 to index
        %get3A_824 = arith.constant 0 : index
        %get3A_825 = tpu.vector_load %arg9[%get3A, %get3A_824] {strides = array<i32>} : memref<32x128xf32, #tpu.memory_space<vmem>>, vector<1x16xf32>,
        %get3A_826 = vector.shape_cast %get3A_825 : vector<1x16xf32> to vector<16xf32>
        %get3A_827 = arith.index_cast %add3A_823 : i32 to index
        %get3A_828 = arith.constant 0 : index
        %get3A_829 = tpu.vector_load %arg10[%get3A_827, %get3A_828] {strides = array<i32>} : memref<256x128xf32, #tpu.memory_space<vmem>>, vector<1x16xf32>,
        %get3A_830 = vector.shape_cast %get3A_829 : vector<1x16xf32> to vector<16xf32>
        %mul3A_831 = arith.mulf %get3A_830, %get3A_826 : vector<16xf32>
        %swap3A_832 = arith.index_cast %add3A_823 : i32 to index
        %swap3A_833 = arith.constant 0 : index
        %swap3A_834 = tpu.vector_load %arg10[%swap3A_832, %swap3A_833] {strides = array<i32>} : memref<256x128xf32, #tpu.memory_space<vmem>>, vector<1x16xf32>,
        %swap3A_835 = vector.shape_cast %swap3A_834 : vector<1x16xf32> to vector<16xf32>
        %swap3A_836 = vector.shape_cast %mul3A_831 : vector<16xf32> to vector<1x16xf32>
        tpu.vector_store %arg10[%swap3A_832, %swap3A_833], %swap3A_836 {strides = array<i32>} : memref<256x128xf32, #tpu.memory_space<vmem>>, vector<1x16xf32>,
        %get3A_837 = arith.index_cast %add3A_823 : i32 to index
        %get3A_838 = arith.constant 16 : index
        %get3A_839 = tpu.vector_load %arg10[%get3A_837, %get3A_838] {strides = array<i32>} : memref<256x128xf32, #tpu.memory_space<vmem>>, vector<1x16xf32>,
        %get3A_840 = vector.shape_cast %get3A_839 : vector<1x16xf32> to vector<16xf32>
        %mul3A_841 = arith.mulf %get3A_840, %get3A_826 : vector<16xf32>
        %swap3A_842 = arith.index_cast %add3A_823 : i32 to index
        %swap3A_843 = arith.constant 16 : index
        %swap3A_844 = tpu.vector_load %arg10[%swap3A_842, %swap3A_843] {strides = array<i32>} : memref<256x128xf32, #tpu.memory_space<vmem>>, vector<1x16xf32>,
        %swap3A_845 = vector.shape_cast %swap3A_844 : vector<1x16xf32> to vector<16xf32>
        %swap3A_846 = vector.shape_cast %mul3A_841 : vector<16xf32> to vector<1x16xf32>
        tpu.vector_store %arg10[%swap3A_842, %swap3A_843], %swap3A_846 {strides = array<i32>} : memref<256x128xf32, #tpu.memory_space<vmem>>, vector<1x16xf32>,
        %get3A_847 = arith.index_cast %add3A_823 : i32 to index
        %get3A_848 = arith.constant 32 : index
        %get3A_849 = tpu.vector_load %arg10[%get3A_847, %get3A_848] {strides = array<i32>} : memref<256x128xf32, #tpu.memory_space<vmem>>, vector<1x16xf32>,
        %get3A_850 = vector.shape_cast %get3A_849 : vector<1x16xf32> to vector<16xf32>
        %mul3A_851 = arith.mulf %get3A_850, %get3A_826 : vector<16xf32>
        %swap3A_852 = arith.index_cast %add3A_823 : i32 to index
        %swap3A_853 = arith.constant 32 : index
        %swap3A_854 = tpu.vector_load %arg10[%swap3A_852, %swap3A_853] {strides = array<i32>} : memref<256x128xf32, #tpu.memory_space<vmem>>, vector<1x16xf32>,
        %swap3A_855 = vector.shape_cast %swap3A_854 : vector<1x16xf32> to vector<16xf32>
        %swap3A_856 = vector.shape_cast %mul3A_851 : vector<16xf32> to vector<1x16xf32>
        tpu.vector_store %arg10[%swap3A_852, %swap3A_853], %swap3A_856 {strides = array<i32>} : memref<256x128xf32, #tpu.memory_space<vmem>>, vector<1x16xf32>,
        %get3A_857 = arith.index_cast %add3A_823 : i32 to index
        %get3A_858 = arith.constant 48 : index
        %get3A_859 = tpu.vector_load %arg10[%get3A_857, %get3A_858] {strides = array<i32>} : memref<256x128xf32, #tpu.memory_space<vmem>>, vector<1x16xf32>,
        %get3A_860 = vector.shape_cast %get3A_859 : vector<1x16xf32> to vector<16xf32>
        %mul3A_861 = arith.mulf %get3A_860, %get3A_826 : vector<16xf32>
        %swap3A_862 = arith.index_cast %add3A_823 : i32 to index
        %swap3A_863 = arith.constant 48 : index
        %swap3A_864 = tpu.vector_load %arg10[%swap3A_862, %swap3A_863] {strides = array<i32>} : memref<256x128xf32, #tpu.memory_space<vmem>>, vector<1x16xf32>,
        %swap3A_865 = vector.shape_cast %swap3A_864 : vector<1x16xf32> to vector<16xf32>
        %swap3A_866 = vector.shape_cast %mul3A_861 : vector<16xf32> to vector<1x16xf32>
        tpu.vector_store %arg10[%swap3A_862, %swap3A_863], %swap3A_866 {strides = array<i32>} : memref<256x128xf32, #tpu.memory_space<vmem>>, vector<1x16xf32>,
        %get3A_867 = arith.index_cast %add3A_823 : i32 to index
        %get3A_868 = arith.constant 64 : index
        %get3A_869 = tpu.vector_load %arg10[%get3A_867, %get3A_868] {strides = array<i32>} : memref<256x128xf32, #tpu.memory_space<vmem>>, vector<1x16xf32>,
        %get3A_870 = vector.shape_cast %get3A_869 : vector<1x16xf32> to vector<16xf32>
        %mul3A_871 = arith.mulf %get3A_870, %get3A_826 : vector<16xf32>
        %swap3A_872 = arith.index_cast %add3A_823 : i32 to index
        %swap3A_873 = arith.constant 64 : index
        %swap3A_874 = tpu.vector_load %arg10[%swap3A_872, %swap3A_873] {strides = array<i32>} : memref<256x128xf32, #tpu.memory_space<vmem>>, vector<1x16xf32>,
        %swap3A_875 = vector.shape_cast %swap3A_874 : vector<1x16xf32> to vector<16xf32>
        %swap3A_876 = vector.shape_cast %mul3A_871 : vector<16xf32> to vector<1x16xf32>
        tpu.vector_store %arg10[%swap3A_872, %swap3A_873], %swap3A_876 {strides = array<i32>} : memref<256x128xf32, #tpu.memory_space<vmem>>, vector<1x16xf32>,
        %get3A_877 = arith.index_cast %add3A_823 : i32 to index
        %get3A_878 = arith.constant 80 : index
        %get3A_879 = tpu.vector_load %arg10[%get3A_877, %get3A_878] {strides = array<i32>} : memref<256x128xf32, #tpu.memory_space<vmem>>, vector<1x16xf32>,
        %get3A_880 = vector.shape_cast %get3A_879 : vector<1x16xf32> to vector<16xf32>
        %mul3A_881 = arith.mulf %get3A_880, %get3A_826 : vector<16xf32>
        %swap3A_882 = arith.index_cast %add3A_823 : i32 to index
        %swap3A_883 = arith.constant 80 : index
        %swap3A_884 = tpu.vector_load %arg10[%swap3A_882, %swap3A_883] {strides = array<i32>} : memref<256x128xf32, #tpu.memory_space<vmem>>, vector<1x16xf32>,
        %swap3A_885 = vector.shape_cast %swap3A_884 : vector<1x16xf32> to vector<16xf32>
        %swap3A_886 = vector.shape_cast %mul3A_881 : vector<16xf32> to vector<1x16xf32>
        tpu.vector_store %arg10[%swap3A_882, %swap3A_883], %swap3A_886 {strides = array<i32>} : memref<256x128xf32, #tpu.memory_space<vmem>>, vector<1x16xf32>,
        %get3A_887 = arith.index_cast %add3A_823 : i32 to index
        %get3A_888 = arith.constant 96 : index
        %get3A_889 = tpu.vector_load %arg10[%get3A_887, %get3A_888] {strides = array<i32>} : memref<256x128xf32, #tpu.memory_space<vmem>>, vector<1x16xf32>,
        %get3A_890 = vector.shape_cast %get3A_889 : vector<1x16xf32> to vector<16xf32>
        %mul3A_891 = arith.mulf %get3A_890, %get3A_826 : vector<16xf32>
        %add3A_892 = arith.addf %mul3A_891, %select_n3A : vector<16xf32>
        %swap3A_893 = arith.index_cast %add3A_823 : i32 to index
        %swap3A_894 = arith.constant 96 : index
        %swap3A_895 = tpu.vector_load %arg10[%swap3A_893, %swap3A_894] {strides = array<i32>} : memref<256x128xf32, #tpu.memory_space<vmem>>, vector<1x16xf32>,
        %swap3A_896 = vector.shape_cast %swap3A_895 : vector<1x16xf32> to vector<16xf32>
        %swap3A_897 = vector.shape_cast %add3A_892 : vector<16xf32> to vector<1x16xf32>
        tpu.vector_store %arg10[%swap3A_893, %swap3A_894], %swap3A_897 {strides = array<i32>} : memref<256x128xf32, #tpu.memory_space<vmem>>, vector<1x16xf32>,
        %get3A_898 = arith.index_cast %add3A_823 : i32 to index
        %get3A_899 = arith.constant 112 : index
        %get3A_900 = tpu.vector_load %arg10[%get3A_898, %get3A_899] {strides = array<i32>} : memref<256x128xf32, #tpu.memory_space<vmem>>, vector<1x16xf32>,
        %get3A_901 = vector.shape_cast %get3A_900 : vector<1x16xf32> to vector<16xf32>
        %mul3A_902 = arith.mulf %get3A_901, %get3A_826 : vector<16xf32>
        %swap3A_903 = arith.index_cast %add3A_823 : i32 to index
        %swap3A_904 = arith.constant 112 : index
        %swap3A_905 = tpu.vector_load %arg10[%swap3A_903, %swap3A_904] {strides = array<i32>} : memref<256x128xf32, #tpu.memory_space<vmem>>, vector<1x16xf32>,
        %swap3A_906 = vector.shape_cast %swap3A_905 : vector<1x16xf32> to vector<16xf32>
        %swap3A_907 = vector.shape_cast %mul3A_902 : vector<16xf32> to vector<1x16xf32>
        tpu.vector_store %arg10[%swap3A_903, %swap3A_904], %swap3A_907 {strides = array<i32>} : memref<256x128xf32, #tpu.memory_space<vmem>>, vector<1x16xf32>,
        %mul3A_908 = arith.constant 8 : i32
        %mul3A_909 = arith.muli %scan3A_819, %mul3A_908 : i32
        %add3A_910 = arith.constant 1 : i32
        %add3A_911 = arith.addi %mul3A_909, %add3A_910 : i32
        %get3A_912 = arith.index_cast %scan3A_819 : i32 to index
        %get3A_913 = arith.constant 16 : index
        %get3A_914 = tpu.vector_load %arg9[%get3A_912, %get3A_913] {strides = array<i32>} : memref<32x128xf32, #tpu.memory_space<vmem>>, vector<1x16xf32>,
        %get3A_915 = vector.shape_cast %get3A_914 : vector<1x16xf32> to vector<16xf32>
        %get3A_916 = arith.index_cast %add3A_911 : i32 to index
        %get3A_917 = arith.constant 0 : index
        %get3A_918 = tpu.vector_load %arg10[%get3A_916, %get3A_917] {strides = array<i32>} : memref<256x128xf32, #tpu.memory_space<vmem>>, vector<1x16xf32>,
        %get3A_919 = vector.shape_cast %get3A_918 : vector<1x16xf32> to vector<16xf32>
        %mul3A_920 = arith.mulf %get3A_919, %get3A_915 : vector<16xf32>
        %swap3A_921 = arith.index_cast %add3A_911 : i32 to index
        %swap3A_922 = arith.constant 0 : index
        %swap3A_923 = tpu.vector_load %arg10[%swap3A_921, %swap3A_922] {strides = array<i32>} : memref<256x128xf32, #tpu.memory_space<vmem>>, vector<1x16xf32>,
        %swap3A_924 = vector.shape_cast %swap3A_923 : vector<1x16xf32> to vector<16xf32>
        %swap3A_925 = vector.shape_cast %mul3A_920 : vector<16xf32> to vector<1x16xf32>
        tpu.vector_store %arg10[%swap3A_921, %swap3A_922], %swap3A_925 {strides = array<i32>} : memref<256x128xf32, #tpu.memory_space<vmem>>, vector<1x16xf32>,
        %get3A_926 = arith.index_cast %add3A_911 : i32 to index
        %get3A_927 = arith.constant 16 : index
        %get3A_928 = tpu.vector_load %arg10[%get3A_926, %get3A_927] {strides = array<i32>} : memref<256x128xf32, #tpu.memory_space<vmem>>, vector<1x16xf32>,
        %get3A_929 = vector.shape_cast %get3A_928 : vector<1x16xf32> to vector<16xf32>
        %mul3A_930 = arith.mulf %get3A_929, %get3A_915 : vector<16xf32>
        %swap3A_931 = arith.index_cast %add3A_911 : i32 to index
        %swap3A_932 = arith.constant 16 : index
        %swap3A_933 = tpu.vector_load %arg10[%swap3A_931, %swap3A_932] {strides = array<i32>} : memref<256x128xf32, #tpu.memory_space<vmem>>, vector<1x16xf32>,
        %swap3A_934 = vector.shape_cast %swap3A_933 : vector<1x16xf32> to vector<16xf32>
        %swap3A_935 = vector.shape_cast %mul3A_930 : vector<16xf32> to vector<1x16xf32>
        tpu.vector_store %arg10[%swap3A_931, %swap3A_932], %swap3A_935 {strides = array<i32>} : memref<256x128xf32, #tpu.memory_space<vmem>>, vector<1x16xf32>,
        %get3A_936 = arith.index_cast %add3A_911 : i32 to index
        %get3A_937 = arith.constant 32 : index
        %get3A_938 = tpu.vector_load %arg10[%get3A_936, %get3A_937] {strides = array<i32>} : memref<256x128xf32, #tpu.memory_space<vmem>>, vector<1x16xf32>,
        %get3A_939 = vector.shape_cast %get3A_938 : vector<1x16xf32> to vector<16xf32>
        %mul3A_940 = arith.mulf %get3A_939, %get3A_915 : vector<16xf32>
        %swap3A_941 = arith.index_cast %add3A_911 : i32 to index
        %swap3A_942 = arith.constant 32 : index
        %swap3A_943 = tpu.vector_load %arg10[%swap3A_941, %swap3A_942] {strides = array<i32>} : memref<256x128xf32, #tpu.memory_space<vmem>>, vector<1x16xf32>,
        %swap3A_944 = vector.shape_cast %swap3A_943 : vector<1x16xf32> to vector<16xf32>
        %swap3A_945 = vector.shape_cast %mul3A_940 : vector<16xf32> to vector<1x16xf32>
        tpu.vector_store %arg10[%swap3A_941, %swap3A_942], %swap3A_945 {strides = array<i32>} : memref<256x128xf32, #tpu.memory_space<vmem>>, vector<1x16xf32>,
        %get3A_946 = arith.index_cast %add3A_911 : i32 to index
        %get3A_947 = arith.constant 48 : index
        %get3A_948 = tpu.vector_load %arg10[%get3A_946, %get3A_947] {strides = array<i32>} : memref<256x128xf32, #tpu.memory_space<vmem>>, vector<1x16xf32>,
        %get3A_949 = vector.shape_cast %get3A_948 : vector<1x16xf32> to vector<16xf32>
        %mul3A_950 = arith.mulf %get3A_949, %get3A_915 : vector<16xf32>
        %swap3A_951 = arith.index_cast %add3A_911 : i32 to index
        %swap3A_952 = arith.constant 48 : index
        %swap3A_953 = tpu.vector_load %arg10[%swap3A_951, %swap3A_952] {strides = array<i32>} : memref<256x128xf32, #tpu.memory_space<vmem>>, vector<1x16xf32>,
        %swap3A_954 = vector.shape_cast %swap3A_953 : vector<1x16xf32> to vector<16xf32>
        %swap3A_955 = vector.shape_cast %mul3A_950 : vector<16xf32> to vector<1x16xf32>
        tpu.vector_store %arg10[%swap3A_951, %swap3A_952], %swap3A_955 {strides = array<i32>} : memref<256x128xf32, #tpu.memory_space<vmem>>, vector<1x16xf32>,
        %get3A_956 = arith.index_cast %add3A_911 : i32 to index
        %get3A_957 = arith.constant 64 : index
        %get3A_958 = tpu.vector_load %arg10[%get3A_956, %get3A_957] {strides = array<i32>} : memref<256x128xf32, #tpu.memory_space<vmem>>, vector<1x16xf32>,
        %get3A_959 = vector.shape_cast %get3A_958 : vector<1x16xf32> to vector<16xf32>
        %mul3A_960 = arith.mulf %get3A_959, %get3A_915 : vector<16xf32>
        %swap3A_961 = arith.index_cast %add3A_911 : i32 to index
        %swap3A_962 = arith.constant 64 : index
        %swap3A_963 = tpu.vector_load %arg10[%swap3A_961, %swap3A_962] {strides = array<i32>} : memref<256x128xf32, #tpu.memory_space<vmem>>, vector<1x16xf32>,
        %swap3A_964 = vector.shape_cast %swap3A_963 : vector<1x16xf32> to vector<16xf32>
        %swap3A_965 = vector.shape_cast %mul3A_960 : vector<16xf32> to vector<1x16xf32>
        tpu.vector_store %arg10[%swap3A_961, %swap3A_962], %swap3A_965 {strides = array<i32>} : memref<256x128xf32, #tpu.memory_space<vmem>>, vector<1x16xf32>,
        %get3A_966 = arith.index_cast %add3A_911 : i32 to index
        %get3A_967 = arith.constant 80 : index
        %get3A_968 = tpu.vector_load %arg10[%get3A_966, %get3A_967] {strides = array<i32>} : memref<256x128xf32, #tpu.memory_space<vmem>>, vector<1x16xf32>,
        %get3A_969 = vector.shape_cast %get3A_968 : vector<1x16xf32> to vector<16xf32>
        %mul3A_970 = arith.mulf %get3A_969, %get3A_915 : vector<16xf32>
        %swap3A_971 = arith.index_cast %add3A_911 : i32 to index
        %swap3A_972 = arith.constant 80 : index
        %swap3A_973 = tpu.vector_load %arg10[%swap3A_971, %swap3A_972] {strides = array<i32>} : memref<256x128xf32, #tpu.memory_space<vmem>>, vector<1x16xf32>,
        %swap3A_974 = vector.shape_cast %swap3A_973 : vector<1x16xf32> to vector<16xf32>
        %swap3A_975 = vector.shape_cast %mul3A_970 : vector<16xf32> to vector<1x16xf32>
        tpu.vector_store %arg10[%swap3A_971, %swap3A_972], %swap3A_975 {strides = array<i32>} : memref<256x128xf32, #tpu.memory_space<vmem>>, vector<1x16xf32>,
        %get3A_976 = arith.index_cast %add3A_911 : i32 to index
        %get3A_977 = arith.constant 96 : index
        %get3A_978 = tpu.vector_load %arg10[%get3A_976, %get3A_977] {strides = array<i32>} : memref<256x128xf32, #tpu.memory_space<vmem>>, vector<1x16xf32>,
        %get3A_979 = vector.shape_cast %get3A_978 : vector<1x16xf32> to vector<16xf32>
        %mul3A_980 = arith.mulf %get3A_979, %get3A_915 : vector<16xf32>
        %add3A_981 = arith.addf %mul3A_980, %select_n3A : vector<16xf32>
        %swap3A_982 = arith.index_cast %add3A_911 : i32 to index
        %swap3A_983 = arith.constant 96 : index
        %swap3A_984 = tpu.vector_load %arg10[%swap3A_982, %swap3A_983] {strides = array<i32>} : memref<256x128xf32, #tpu.memory_space<vmem>>, vector<1x16xf32>,
        %swap3A_985 = vector.shape_cast %swap3A_984 : vector<1x16xf32> to vector<16xf32>
        %swap3A_986 = vector.shape_cast %add3A_981 : vector<16xf32> to vector<1x16xf32>
        tpu.vector_store %arg10[%swap3A_982, %swap3A_983], %swap3A_986 {strides = array<i32>} : memref<256x128xf32, #tpu.memory_space<vmem>>, vector<1x16xf32>,
        %get3A_987 = arith.index_cast %add3A_911 : i32 to index
        %get3A_988 = arith.constant 112 : index
        %get3A_989 = tpu.vector_load %arg10[%get3A_987, %get3A_988] {strides = array<i32>} : memref<256x128xf32, #tpu.memory_space<vmem>>, vector<1x16xf32>,
        %get3A_990 = vector.shape_cast %get3A_989 : vector<1x16xf32> to vector<16xf32>
        %mul3A_991 = arith.mulf %get3A_990, %get3A_915 : vector<16xf32>
        %swap3A_992 = arith.index_cast %add3A_911 : i32 to index
        %swap3A_993 = arith.constant 112 : index
        %swap3A_994 = tpu.vector_load %arg10[%swap3A_992, %swap3A_993] {strides = array<i32>} : memref<256x128xf32, #tpu.memory_space<vmem>>, vector<1x16xf32>,
        %swap3A_995 = vector.shape_cast %swap3A_994 : vector<1x16xf32> to vector<16xf32>
        %swap3A_996 = vector.shape_cast %mul3A_991 : vector<16xf32> to vector<1x16xf32>
        tpu.vector_store %arg10[%swap3A_992, %swap3A_993], %swap3A_996 {strides = array<i32>} : memref<256x128xf32, #tpu.memory_space<vmem>>, vector<1x16xf32>,
        %mul3A_997 = arith.constant 8 : i32
        %mul3A_998 = arith.muli %scan3A_819, %mul3A_997 : i32
        %add3A_999 = arith.constant 2 : i32
        %add3A_1000 = arith.addi %mul3A_998, %add3A_999 : i32
        %get3A_1001 = arith.index_cast %scan3A_819 : i32 to index
        %get3A_1002 = arith.constant 32 : index
        %get3A_1003 = tpu.vector_load %arg9[%get3A_1001, %get3A_1002] {strides = array<i32>} : memref<32x128xf32, #tpu.memory_space<vmem>>, vector<1x16xf32>,
        %get3A_1004 = vector.shape_cast %get3A_1003 : vector<1x16xf32> to vector<16xf32>
        %get3A_1005 = arith.index_cast %add3A_1000 : i32 to index
        %get3A_1006 = arith.constant 0 : index
        %get3A_1007 = tpu.vector_load %arg10[%get3A_1005, %get3A_1006] {strides = array<i32>} : memref<256x128xf32, #tpu.memory_space<vmem>>, vector<1x16xf32>,
        %get3A_1008 = vector.shape_cast %get3A_1007 : vector<1x16xf32> to vector<16xf32>
        %mul3A_1009 = arith.mulf %get3A_1008, %get3A_1004 : vector<16xf32>
        %swap3A_1010 = arith.index_cast %add3A_1000 : i32 to index
        %swap3A_1011 = arith.constant 0 : index
        %swap3A_1012 = tpu.vector_load %arg10[%swap3A_1010, %swap3A_1011] {strides = array<i32>} : memref<256x128xf32, #tpu.memory_space<vmem>>, vector<1x16xf32>,
        %swap3A_1013 = vector.shape_cast %swap3A_1012 : vector<1x16xf32> to vector<16xf32>
        %swap3A_1014 = vector.shape_cast %mul3A_1009 : vector<16xf32> to vector<1x16xf32>
        tpu.vector_store %arg10[%swap3A_1010, %swap3A_1011], %swap3A_1014 {strides = array<i32>} : memref<256x128xf32, #tpu.memory_space<vmem>>, vector<1x16xf32>,
        %get3A_1015 = arith.index_cast %add3A_1000 : i32 to index
        %get3A_1016 = arith.constant 16 : index
        %get3A_1017 = tpu.vector_load %arg10[%get3A_1015, %get3A_1016] {strides = array<i32>} : memref<256x128xf32, #tpu.memory_space<vmem>>, vector<1x16xf32>,
        %get3A_1018 = vector.shape_cast %get3A_1017 : vector<1x16xf32> to vector<16xf32>
        %mul3A_1019 = arith.mulf %get3A_1018, %get3A_1004 : vector<16xf32>
        %swap3A_1020 = arith.index_cast %add3A_1000 : i32 to index
        %swap3A_1021 = arith.constant 16 : index
        %swap3A_1022 = tpu.vector_load %arg10[%swap3A_1020, %swap3A_1021] {strides = array<i32>} : memref<256x128xf32, #tpu.memory_space<vmem>>, vector<1x16xf32>,
        %swap3A_1023 = vector.shape_cast %swap3A_1022 : vector<1x16xf32> to vector<16xf32>
        %swap3A_1024 = vector.shape_cast %mul3A_1019 : vector<16xf32> to vector<1x16xf32>
        tpu.vector_store %arg10[%swap3A_1020, %swap3A_1021], %swap3A_1024 {strides = array<i32>} : memref<256x128xf32, #tpu.memory_space<vmem>>, vector<1x16xf32>,
        %get3A_1025 = arith.index_cast %add3A_1000 : i32 to index
        %get3A_1026 = arith.constant 32 : index
        %get3A_1027 = tpu.vector_load %arg10[%get3A_1025, %get3A_1026] {strides = array<i32>} : memref<256x128xf32, #tpu.memory_space<vmem>>, vector<1x16xf32>,
        %get3A_1028 = vector.shape_cast %get3A_1027 : vector<1x16xf32> to vector<16xf32>
        %mul3A_1029 = arith.mulf %get3A_1028, %get3A_1004 : vector<16xf32>
        %swap3A_1030 = arith.index_cast %add3A_1000 : i32 to index
        %swap3A_1031 = arith.constant 32 : index
        %swap3A_1032 = tpu.vector_load %arg10[%swap3A_1030, %swap3A_1031] {strides = array<i32>} : memref<256x128xf32, #tpu.memory_space<vmem>>, vector<1x16xf32>,
        %swap3A_1033 = vector.shape_cast %swap3A_1032 : vector<1x16xf32> to vector<16xf32>
        %swap3A_1034 = vector.shape_cast %mul3A_1029 : vector<16xf32> to vector<1x16xf32>
        tpu.vector_store %arg10[%swap3A_1030, %swap3A_1031], %swap3A_1034 {strides = array<i32>} : memref<256x128xf32, #tpu.memory_space<vmem>>, vector<1x16xf32>,
        %get3A_1035 = arith.index_cast %add3A_1000 : i32 to index
        %get3A_1036 = arith.constant 48 : index
        %get3A_1037 = tpu.vector_load %arg10[%get3A_1035, %get3A_1036] {strides = array<i32>} : memref<256x128xf32, #tpu.memory_space<vmem>>, vector<1x16xf32>,
        %get3A_1038 = vector.shape_cast %get3A_1037 : vector<1x16xf32> to vector<16xf32>
        %mul3A_1039 = arith.mulf %get3A_1038, %get3A_1004 : vector<16xf32>
        %swap3A_1040 = arith.index_cast %add3A_1000 : i32 to index
        %swap3A_1041 = arith.constant 48 : index
        %swap3A_1042 = tpu.vector_load %arg10[%swap3A_1040, %swap3A_1041] {strides = array<i32>} : memref<256x128xf32, #tpu.memory_space<vmem>>, vector<1x16xf32>,
        %swap3A_1043 = vector.shape_cast %swap3A_1042 : vector<1x16xf32> to vector<16xf32>
        %swap3A_1044 = vector.shape_cast %mul3A_1039 : vector<16xf32> to vector<1x16xf32>
        tpu.vector_store %arg10[%swap3A_1040, %swap3A_1041], %swap3A_1044 {strides = array<i32>} : memref<256x128xf32, #tpu.memory_space<vmem>>, vector<1x16xf32>,
        %get3A_1045 = arith.index_cast %add3A_1000 : i32 to index
        %get3A_1046 = arith.constant 64 : index
        %get3A_1047 = tpu.vector_load %arg10[%get3A_1045, %get3A_1046] {strides = array<i32>} : memref<256x128xf32, #tpu.memory_space<vmem>>, vector<1x16xf32>,
        %get3A_1048 = vector.shape_cast %get3A_1047 : vector<1x16xf32> to vector<16xf32>
        %mul3A_1049 = arith.mulf %get3A_1048, %get3A_1004 : vector<16xf32>
        %swap3A_1050 = arith.index_cast %add3A_1000 : i32 to index
        %swap3A_1051 = arith.constant 64 : index
        %swap3A_1052 = tpu.vector_load %arg10[%swap3A_1050, %swap3A_1051] {strides = array<i32>} : memref<256x128xf32, #tpu.memory_space<vmem>>, vector<1x16xf32>,
        %swap3A_1053 = vector.shape_cast %swap3A_1052 : vector<1x16xf32> to vector<16xf32>
        %swap3A_1054 = vector.shape_cast %mul3A_1049 : vector<16xf32> to vector<1x16xf32>
        tpu.vector_store %arg10[%swap3A_1050, %swap3A_1051], %swap3A_1054 {strides = array<i32>} : memref<256x128xf32, #tpu.memory_space<vmem>>, vector<1x16xf32>,
        %get3A_1055 = arith.index_cast %add3A_1000 : i32 to index
        %get3A_1056 = arith.constant 80 : index
        %get3A_1057 = tpu.vector_load %arg10[%get3A_1055, %get3A_1056] {strides = array<i32>} : memref<256x128xf32, #tpu.memory_space<vmem>>, vector<1x16xf32>,
        %get3A_1058 = vector.shape_cast %get3A_1057 : vector<1x16xf32> to vector<16xf32>
        %mul3A_1059 = arith.mulf %get3A_1058, %get3A_1004 : vector<16xf32>
        %swap3A_1060 = arith.index_cast %add3A_1000 : i32 to index
        %swap3A_1061 = arith.constant 80 : index
        %swap3A_1062 = tpu.vector_load %arg10[%swap3A_1060, %swap3A_1061] {strides = array<i32>} : memref<256x128xf32, #tpu.memory_space<vmem>>, vector<1x16xf32>,
        %swap3A_1063 = vector.shape_cast %swap3A_1062 : vector<1x16xf32> to vector<16xf32>
        %swap3A_1064 = vector.shape_cast %mul3A_1059 : vector<16xf32> to vector<1x16xf32>
        tpu.vector_store %arg10[%swap3A_1060, %swap3A_1061], %swap3A_1064 {strides = array<i32>} : memref<256x128xf32, #tpu.memory_space<vmem>>, vector<1x16xf32>,
        %get3A_1065 = arith.index_cast %add3A_1000 : i32 to index
        %get3A_1066 = arith.constant 96 : index
        %get3A_1067 = tpu.vector_load %arg10[%get3A_1065, %get3A_1066] {strides = array<i32>} : memref<256x128xf32, #tpu.memory_space<vmem>>, vector<1x16xf32>,
        %get3A_1068 = vector.shape_cast %get3A_1067 : vector<1x16xf32> to vector<16xf32>
        %mul3A_1069 = arith.mulf %get3A_1068, %get3A_1004 : vector<16xf32>
        %add3A_1070 = arith.addf %mul3A_1069, %select_n3A : vector<16xf32>
        %swap3A_1071 = arith.index_cast %add3A_1000 : i32 to index
        %swap3A_1072 = arith.constant 96 : index
        %swap3A_1073 = tpu.vector_load %arg10[%swap3A_1071, %swap3A_1072] {strides = array<i32>} : memref<256x128xf32, #tpu.memory_space<vmem>>, vector<1x16xf32>,
        %swap3A_1074 = vector.shape_cast %swap3A_1073 : vector<1x16xf32> to vector<16xf32>
        %swap3A_1075 = vector.shape_cast %add3A_1070 : vector<16xf32> to vector<1x16xf32>
        tpu.vector_store %arg10[%swap3A_1071, %swap3A_1072], %swap3A_1075 {strides = array<i32>} : memref<256x128xf32, #tpu.memory_space<vmem>>, vector<1x16xf32>,
        %get3A_1076 = arith.index_cast %add3A_1000 : i32 to index
        %get3A_1077 = arith.constant 112 : index
        %get3A_1078 = tpu.vector_load %arg10[%get3A_1076, %get3A_1077] {strides = array<i32>} : memref<256x128xf32, #tpu.memory_space<vmem>>, vector<1x16xf32>,
        %get3A_1079 = vector.shape_cast %get3A_1078 : vector<1x16xf32> to vector<16xf32>
        %mul3A_1080 = arith.mulf %get3A_1079, %get3A_1004 : vector<16xf32>
        %swap3A_1081 = arith.index_cast %add3A_1000 : i32 to index
        %swap3A_1082 = arith.constant 112 : index
        %swap3A_1083 = tpu.vector_load %arg10[%swap3A_1081, %swap3A_1082] {strides = array<i32>} : memref<256x128xf32, #tpu.memory_space<vmem>>, vector<1x16xf32>,
        %swap3A_1084 = vector.shape_cast %swap3A_1083 : vector<1x16xf32> to vector<16xf32>
        %swap3A_1085 = vector.shape_cast %mul3A_1080 : vector<16xf32> to vector<1x16xf32>
        tpu.vector_store %arg10[%swap3A_1081, %swap3A_1082], %swap3A_1085 {strides = array<i32>} : memref<256x128xf32, #tpu.memory_space<vmem>>, vector<1x16xf32>,
        %mul3A_1086 = arith.constant 8 : i32
        %mul3A_1087 = arith.muli %scan3A_819, %mul3A_1086 : i32
        %add3A_1088 = arith.constant 3 : i32
        %add3A_1089 = arith.addi %mul3A_1087, %add3A_1088 : i32
        %get3A_1090 = arith.index_cast %scan3A_819 : i32 to index
        %get3A_1091 = arith.constant 48 : index
        %get3A_1092 = tpu.vector_load %arg9[%get3A_1090, %get3A_1091] {strides = array<i32>} : memref<32x128xf32, #tpu.memory_space<vmem>>, vector<1x16xf32>,
        %get3A_1093 = vector.shape_cast %get3A_1092 : vector<1x16xf32> to vector<16xf32>
        %get3A_1094 = arith.index_cast %add3A_1089 : i32 to index
        %get3A_1095 = arith.constant 0 : index
        %get3A_1096 = tpu.vector_load %arg10[%get3A_1094, %get3A_1095] {strides = array<i32>} : memref<256x128xf32, #tpu.memory_space<vmem>>, vector<1x16xf32>,
        %get3A_1097 = vector.shape_cast %get3A_1096 : vector<1x16xf32> to vector<16xf32>
        %mul3A_1098 = arith.mulf %get3A_1097, %get3A_1093 : vector<16xf32>
        %swap3A_1099 = arith.index_cast %add3A_1089 : i32 to index
        %swap3A_1100 = arith.constant 0 : index
        %swap3A_1101 = tpu.vector_load %arg10[%swap3A_1099, %swap3A_1100] {strides = array<i32>} : memref<256x128xf32, #tpu.memory_space<vmem>>, vector<1x16xf32>,
        %swap3A_1102 = vector.shape_cast %swap3A_1101 : vector<1x16xf32> to vector<16xf32>
        %swap3A_1103 = vector.shape_cast %mul3A_1098 : vector<16xf32> to vector<1x16xf32>
        tpu.vector_store %arg10[%swap3A_1099, %swap3A_1100], %swap3A_1103 {strides = array<i32>} : memref<256x128xf32, #tpu.memory_space<vmem>>, vector<1x16xf32>,
        %get3A_1104 = arith.index_cast %add3A_1089 : i32 to index
        %get3A_1105 = arith.constant 16 : index
        %get3A_1106 = tpu.vector_load %arg10[%get3A_1104, %get3A_1105] {strides = array<i32>} : memref<256x128xf32, #tpu.memory_space<vmem>>, vector<1x16xf32>,
        %get3A_1107 = vector.shape_cast %get3A_1106 : vector<1x16xf32> to vector<16xf32>
        %mul3A_1108 = arith.mulf %get3A_1107, %get3A_1093 : vector<16xf32>
        %swap3A_1109 = arith.index_cast %add3A_1089 : i32 to index
        %swap3A_1110 = arith.constant 16 : index
        %swap3A_1111 = tpu.vector_load %arg10[%swap3A_1109, %swap3A_1110] {strides = array<i32>} : memref<256x128xf32, #tpu.memory_space<vmem>>, vector<1x16xf32>,
        %swap3A_1112 = vector.shape_cast %swap3A_1111 : vector<1x16xf32> to vector<16xf32>
        %swap3A_1113 = vector.shape_cast %mul3A_1108 : vector<16xf32> to vector<1x16xf32>
        tpu.vector_store %arg10[%swap3A_1109, %swap3A_1110], %swap3A_1113 {strides = array<i32>} : memref<256x128xf32, #tpu.memory_space<vmem>>, vector<1x16xf32>,
        %get3A_1114 = arith.index_cast %add3A_1089 : i32 to index
        %get3A_1115 = arith.constant 32 : index
        %get3A_1116 = tpu.vector_load %arg10[%get3A_1114, %get3A_1115] {strides = array<i32>} : memref<256x128xf32, #tpu.memory_space<vmem>>, vector<1x16xf32>,
        %get3A_1117 = vector.shape_cast %get3A_1116 : vector<1x16xf32> to vector<16xf32>
        %mul3A_1118 = arith.mulf %get3A_1117, %get3A_1093 : vector<16xf32>
        %swap3A_1119 = arith.index_cast %add3A_1089 : i32 to index
        %swap3A_1120 = arith.constant 32 : index
        %swap3A_1121 = tpu.vector_load %arg10[%swap3A_1119, %swap3A_1120] {strides = array<i32>} : memref<256x128xf32, #tpu.memory_space<vmem>>, vector<1x16xf32>,
        %swap3A_1122 = vector.shape_cast %swap3A_1121 : vector<1x16xf32> to vector<16xf32>
        %swap3A_1123 = vector.shape_cast %mul3A_1118 : vector<16xf32> to vector<1x16xf32>
        tpu.vector_store %arg10[%swap3A_1119, %swap3A_1120], %swap3A_1123 {strides = array<i32>} : memref<256x128xf32, #tpu.memory_space<vmem>>, vector<1x16xf32>,
        %get3A_1124 = arith.index_cast %add3A_1089 : i32 to index
        %get3A_1125 = arith.constant 48 : index
        %get3A_1126 = tpu.vector_load %arg10[%get3A_1124, %get3A_1125] {strides = array<i32>} : memref<256x128xf32, #tpu.memory_space<vmem>>, vector<1x16xf32>,
        %get3A_1127 = vector.shape_cast %get3A_1126 : vector<1x16xf32> to vector<16xf32>
        %mul3A_1128 = arith.mulf %get3A_1127, %get3A_1093 : vector<16xf32>
        %swap3A_1129 = arith.index_cast %add3A_1089 : i32 to index
        %swap3A_1130 = arith.constant 48 : index
        %swap3A_1131 = tpu.vector_load %arg10[%swap3A_1129, %swap3A_1130] {strides = array<i32>} : memref<256x128xf32, #tpu.memory_space<vmem>>, vector<1x16xf32>,
        %swap3A_1132 = vector.shape_cast %swap3A_1131 : vector<1x16xf32> to vector<16xf32>
        %swap3A_1133 = vector.shape_cast %mul3A_1128 : vector<16xf32> to vector<1x16xf32>
        tpu.vector_store %arg10[%swap3A_1129, %swap3A_1130], %swap3A_1133 {strides = array<i32>} : memref<256x128xf32, #tpu.memory_space<vmem>>, vector<1x16xf32>,
        %get3A_1134 = arith.index_cast %add3A_1089 : i32 to index
        %get3A_1135 = arith.constant 64 : index
        %get3A_1136 = tpu.vector_load %arg10[%get3A_1134, %get3A_1135] {strides = array<i32>} : memref<256x128xf32, #tpu.memory_space<vmem>>, vector<1x16xf32>,
        %get3A_1137 = vector.shape_cast %get3A_1136 : vector<1x16xf32> to vector<16xf32>
        %mul3A_1138 = arith.mulf %get3A_1137, %get3A_1093 : vector<16xf32>
        %swap3A_1139 = arith.index_cast %add3A_1089 : i32 to index
        %swap3A_1140 = arith.constant 64 : index
        %swap3A_1141 = tpu.vector_load %arg10[%swap3A_1139, %swap3A_1140] {strides = array<i32>} : memref<256x128xf32, #tpu.memory_space<vmem>>, vector<1x16xf32>,
        %swap3A_1142 = vector.shape_cast %swap3A_1141 : vector<1x16xf32> to vector<16xf32>
        %swap3A_1143 = vector.shape_cast %mul3A_1138 : vector<16xf32> to vector<1x16xf32>
        tpu.vector_store %arg10[%swap3A_1139, %swap3A_1140], %swap3A_1143 {strides = array<i32>} : memref<256x128xf32, #tpu.memory_space<vmem>>, vector<1x16xf32>,
        %get3A_1144 = arith.index_cast %add3A_1089 : i32 to index
        %get3A_1145 = arith.constant 80 : index
        %get3A_1146 = tpu.vector_load %arg10[%get3A_1144, %get3A_1145] {strides = array<i32>} : memref<256x128xf32, #tpu.memory_space<vmem>>, vector<1x16xf32>,
        %get3A_1147 = vector.shape_cast %get3A_1146 : vector<1x16xf32> to vector<16xf32>
        %mul3A_1148 = arith.mulf %get3A_1147, %get3A_1093 : vector<16xf32>
        %swap3A_1149 = arith.index_cast %add3A_1089 : i32 to index
        %swap3A_1150 = arith.constant 80 : index
        %swap3A_1151 = tpu.vector_load %arg10[%swap3A_1149, %swap3A_1150] {strides = array<i32>} : memref<256x128xf32, #tpu.memory_space<vmem>>, vector<1x16xf32>,
        %swap3A_1152 = vector.shape_cast %swap3A_1151 : vector<1x16xf32> to vector<16xf32>
        %swap3A_1153 = vector.shape_cast %mul3A_1148 : vector<16xf32> to vector<1x16xf32>
        tpu.vector_store %arg10[%swap3A_1149, %swap3A_1150], %swap3A_1153 {strides = array<i32>} : memref<256x128xf32, #tpu.memory_space<vmem>>, vector<1x16xf32>,
        %get3A_1154 = arith.index_cast %add3A_1089 : i32 to index
        %get3A_1155 = arith.constant 96 : index
        %get3A_1156 = tpu.vector_load %arg10[%get3A_1154, %get3A_1155] {strides = array<i32>} : memref<256x128xf32, #tpu.memory_space<vmem>>, vector<1x16xf32>,
        %get3A_1157 = vector.shape_cast %get3A_1156 : vector<1x16xf32> to vector<16xf32>
        %mul3A_1158 = arith.mulf %get3A_1157, %get3A_1093 : vector<16xf32>
        %add3A_1159 = arith.addf %mul3A_1158, %select_n3A : vector<16xf32>
        %swap3A_1160 = arith.index_cast %add3A_1089 : i32 to index
        %swap3A_1161 = arith.constant 96 : index
        %swap3A_1162 = tpu.vector_load %arg10[%swap3A_1160, %swap3A_1161] {strides = array<i32>} : memref<256x128xf32, #tpu.memory_space<vmem>>, vector<1x16xf32>,
        %swap3A_1163 = vector.shape_cast %swap3A_1162 : vector<1x16xf32> to vector<16xf32>
        %swap3A_1164 = vector.shape_cast %add3A_1159 : vector<16xf32> to vector<1x16xf32>
        tpu.vector_store %arg10[%swap3A_1160, %swap3A_1161], %swap3A_1164 {strides = array<i32>} : memref<256x128xf32, #tpu.memory_space<vmem>>, vector<1x16xf32>,
        %get3A_1165 = arith.index_cast %add3A_1089 : i32 to index
        %get3A_1166 = arith.constant 112 : index
        %get3A_1167 = tpu.vector_load %arg10[%get3A_1165, %get3A_1166] {strides = array<i32>} : memref<256x128xf32, #tpu.memory_space<vmem>>, vector<1x16xf32>,
        %get3A_1168 = vector.shape_cast %get3A_1167 : vector<1x16xf32> to vector<16xf32>
        %mul3A_1169 = arith.mulf %get3A_1168, %get3A_1093 : vector<16xf32>
        %swap3A_1170 = arith.index_cast %add3A_1089 : i32 to index
        %swap3A_1171 = arith.constant 112 : index
        %swap3A_1172 = tpu.vector_load %arg10[%swap3A_1170, %swap3A_1171] {strides = array<i32>} : memref<256x128xf32, #tpu.memory_space<vmem>>, vector<1x16xf32>,
        %swap3A_1173 = vector.shape_cast %swap3A_1172 : vector<1x16xf32> to vector<16xf32>
        %swap3A_1174 = vector.shape_cast %mul3A_1169 : vector<16xf32> to vector<1x16xf32>
        tpu.vector_store %arg10[%swap3A_1170, %swap3A_1171], %swap3A_1174 {strides = array<i32>} : memref<256x128xf32, #tpu.memory_space<vmem>>, vector<1x16xf32>,
        %mul3A_1175 = arith.constant 8 : i32
        %mul3A_1176 = arith.muli %scan3A_819, %mul3A_1175 : i32
        %add3A_1177 = arith.constant 4 : i32
        %add3A_1178 = arith.addi %mul3A_1176, %add3A_1177 : i32
        %get3A_1179 = arith.index_cast %scan3A_819 : i32 to index
        %get3A_1180 = arith.constant 64 : index
        %get3A_1181 = tpu.vector_load %arg9[%get3A_1179, %get3A_1180] {strides = array<i32>} : memref<32x128xf32, #tpu.memory_space<vmem>>, vector<1x16xf32>,
        %get3A_1182 = vector.shape_cast %get3A_1181 : vector<1x16xf32> to vector<16xf32>
        %get3A_1183 = arith.index_cast %add3A_1178 : i32 to index
        %get3A_1184 = arith.constant 0 : index
        %get3A_1185 = tpu.vector_load %arg10[%get3A_1183, %get3A_1184] {strides = array<i32>} : memref<256x128xf32, #tpu.memory_space<vmem>>, vector<1x16xf32>,
        %get3A_1186 = vector.shape_cast %get3A_1185 : vector<1x16xf32> to vector<16xf32>
        %mul3A_1187 = arith.mulf %get3A_1186, %get3A_1182 : vector<16xf32>
        %swap3A_1188 = arith.index_cast %add3A_1178 : i32 to index
        %swap3A_1189 = arith.constant 0 : index
        %swap3A_1190 = tpu.vector_load %arg10[%swap3A_1188, %swap3A_1189] {strides = array<i32>} : memref<256x128xf32, #tpu.memory_space<vmem>>, vector<1x16xf32>,
        %swap3A_1191 = vector.shape_cast %swap3A_1190 : vector<1x16xf32> to vector<16xf32>
        %swap3A_1192 = vector.shape_cast %mul3A_1187 : vector<16xf32> to vector<1x16xf32>
        tpu.vector_store %arg10[%swap3A_1188, %swap3A_1189], %swap3A_1192 {strides = array<i32>} : memref<256x128xf32, #tpu.memory_space<vmem>>, vector<1x16xf32>,
        %get3A_1193 = arith.index_cast %add3A_1178 : i32 to index
        %get3A_1194 = arith.constant 16 : index
        %get3A_1195 = tpu.vector_load %arg10[%get3A_1193, %get3A_1194] {strides = array<i32>} : memref<256x128xf32, #tpu.memory_space<vmem>>, vector<1x16xf32>,
        %get3A_1196 = vector.shape_cast %get3A_1195 : vector<1x16xf32> to vector<16xf32>
        %mul3A_1197 = arith.mulf %get3A_1196, %get3A_1182 : vector<16xf32>
        %swap3A_1198 = arith.index_cast %add3A_1178 : i32 to index
        %swap3A_1199 = arith.constant 16 : index
        %swap3A_1200 = tpu.vector_load %arg10[%swap3A_1198, %swap3A_1199] {strides = array<i32>} : memref<256x128xf32, #tpu.memory_space<vmem>>, vector<1x16xf32>,
        %swap3A_1201 = vector.shape_cast %swap3A_1200 : vector<1x16xf32> to vector<16xf32>
        %swap3A_1202 = vector.shape_cast %mul3A_1197 : vector<16xf32> to vector<1x16xf32>
        tpu.vector_store %arg10[%swap3A_1198, %swap3A_1199], %swap3A_1202 {strides = array<i32>} : memref<256x128xf32, #tpu.memory_space<vmem>>, vector<1x16xf32>,
        %get3A_1203 = arith.index_cast %add3A_1178 : i32 to index
        %get3A_1204 = arith.constant 32 : index
        %get3A_1205 = tpu.vector_load %arg10[%get3A_1203, %get3A_1204] {strides = array<i32>} : memref<256x128xf32, #tpu.memory_space<vmem>>, vector<1x16xf32>,
        %get3A_1206 = vector.shape_cast %get3A_1205 : vector<1x16xf32> to vector<16xf32>
        %mul3A_1207 = arith.mulf %get3A_1206, %get3A_1182 : vector<16xf32>
        %swap3A_1208 = arith.index_cast %add3A_1178 : i32 to index
        %swap3A_1209 = arith.constant 32 : index
        %swap3A_1210 = tpu.vector_load %arg10[%swap3A_1208, %swap3A_1209] {strides = array<i32>} : memref<256x128xf32, #tpu.memory_space<vmem>>, vector<1x16xf32>,
        %swap3A_1211 = vector.shape_cast %swap3A_1210 : vector<1x16xf32> to vector<16xf32>
        %swap3A_1212 = vector.shape_cast %mul3A_1207 : vector<16xf32> to vector<1x16xf32>
        tpu.vector_store %arg10[%swap3A_1208, %swap3A_1209], %swap3A_1212 {strides = array<i32>} : memref<256x128xf32, #tpu.memory_space<vmem>>, vector<1x16xf32>,
        %get3A_1213 = arith.index_cast %add3A_1178 : i32 to index
        %get3A_1214 = arith.constant 48 : index
        %get3A_1215 = tpu.vector_load %arg10[%get3A_1213, %get3A_1214] {strides = array<i32>} : memref<256x128xf32, #tpu.memory_space<vmem>>, vector<1x16xf32>,
        %get3A_1216 = vector.shape_cast %get3A_1215 : vector<1x16xf32> to vector<16xf32>
        %mul3A_1217 = arith.mulf %get3A_1216, %get3A_1182 : vector<16xf32>
        %swap3A_1218 = arith.index_cast %add3A_1178 : i32 to index
        %swap3A_1219 = arith.constant 48 : index
        %swap3A_1220 = tpu.vector_load %arg10[%swap3A_1218, %swap3A_1219] {strides = array<i32>} : memref<256x128xf32, #tpu.memory_space<vmem>>, vector<1x16xf32>,
        %swap3A_1221 = vector.shape_cast %swap3A_1220 : vector<1x16xf32> to vector<16xf32>
        %swap3A_1222 = vector.shape_cast %mul3A_1217 : vector<16xf32> to vector<1x16xf32>
        tpu.vector_store %arg10[%swap3A_1218, %swap3A_1219], %swap3A_1222 {strides = array<i32>} : memref<256x128xf32, #tpu.memory_space<vmem>>, vector<1x16xf32>,
        %get3A_1223 = arith.index_cast %add3A_1178 : i32 to index
        %get3A_1224 = arith.constant 64 : index
        %get3A_1225 = tpu.vector_load %arg10[%get3A_1223, %get3A_1224] {strides = array<i32>} : memref<256x128xf32, #tpu.memory_space<vmem>>, vector<1x16xf32>,
        %get3A_1226 = vector.shape_cast %get3A_1225 : vector<1x16xf32> to vector<16xf32>
        %mul3A_1227 = arith.mulf %get3A_1226, %get3A_1182 : vector<16xf32>
        %swap3A_1228 = arith.index_cast %add3A_1178 : i32 to index
        %swap3A_1229 = arith.constant 64 : index
        %swap3A_1230 = tpu.vector_load %arg10[%swap3A_1228, %swap3A_1229] {strides = array<i32>} : memref<256x128xf32, #tpu.memory_space<vmem>>, vector<1x16xf32>,
        %swap3A_1231 = vector.shape_cast %swap3A_1230 : vector<1x16xf32> to vector<16xf32>
        %swap3A_1232 = vector.shape_cast %mul3A_1227 : vector<16xf32> to vector<1x16xf32>
        tpu.vector_store %arg10[%swap3A_1228, %swap3A_1229], %swap3A_1232 {strides = array<i32>} : memref<256x128xf32, #tpu.memory_space<vmem>>, vector<1x16xf32>,
        %get3A_1233 = arith.index_cast %add3A_1178 : i32 to index
        %get3A_1234 = arith.constant 80 : index
        %get3A_1235 = tpu.vector_load %arg10[%get3A_1233, %get3A_1234] {strides = array<i32>} : memref<256x128xf32, #tpu.memory_space<vmem>>, vector<1x16xf32>,
        %get3A_1236 = vector.shape_cast %get3A_1235 : vector<1x16xf32> to vector<16xf32>
        %mul3A_1237 = arith.mulf %get3A_1236, %get3A_1182 : vector<16xf32>
        %swap3A_1238 = arith.index_cast %add3A_1178 : i32 to index
        %swap3A_1239 = arith.constant 80 : index
        %swap3A_1240 = tpu.vector_load %arg10[%swap3A_1238, %swap3A_1239] {strides = array<i32>} : memref<256x128xf32, #tpu.memory_space<vmem>>, vector<1x16xf32>,
        %swap3A_1241 = vector.shape_cast %swap3A_1240 : vector<1x16xf32> to vector<16xf32>
        %swap3A_1242 = vector.shape_cast %mul3A_1237 : vector<16xf32> to vector<1x16xf32>
        tpu.vector_store %arg10[%swap3A_1238, %swap3A_1239], %swap3A_1242 {strides = array<i32>} : memref<256x128xf32, #tpu.memory_space<vmem>>, vector<1x16xf32>,
        %get3A_1243 = arith.index_cast %add3A_1178 : i32 to index
        %get3A_1244 = arith.constant 96 : index
        %get3A_1245 = tpu.vector_load %arg10[%get3A_1243, %get3A_1244] {strides = array<i32>} : memref<256x128xf32, #tpu.memory_space<vmem>>, vector<1x16xf32>,
        %get3A_1246 = vector.shape_cast %get3A_1245 : vector<1x16xf32> to vector<16xf32>
        %mul3A_1247 = arith.mulf %get3A_1246, %get3A_1182 : vector<16xf32>
        %add3A_1248 = arith.addf %mul3A_1247, %select_n3A : vector<16xf32>
        %swap3A_1249 = arith.index_cast %add3A_1178 : i32 to index
        %swap3A_1250 = arith.constant 96 : index
        %swap3A_1251 = tpu.vector_load %arg10[%swap3A_1249, %swap3A_1250] {strides = array<i32>} : memref<256x128xf32, #tpu.memory_space<vmem>>, vector<1x16xf32>,
        %swap3A_1252 = vector.shape_cast %swap3A_1251 : vector<1x16xf32> to vector<16xf32>
        %swap3A_1253 = vector.shape_cast %add3A_1248 : vector<16xf32> to vector<1x16xf32>
        tpu.vector_store %arg10[%swap3A_1249, %swap3A_1250], %swap3A_1253 {strides = array<i32>} : memref<256x128xf32, #tpu.memory_space<vmem>>, vector<1x16xf32>,
        %get3A_1254 = arith.index_cast %add3A_1178 : i32 to index
        %get3A_1255 = arith.constant 112 : index
        %get3A_1256 = tpu.vector_load %arg10[%get3A_1254, %get3A_1255] {strides = array<i32>} : memref<256x128xf32, #tpu.memory_space<vmem>>, vector<1x16xf32>,
        %get3A_1257 = vector.shape_cast %get3A_1256 : vector<1x16xf32> to vector<16xf32>
        %mul3A_1258 = arith.mulf %get3A_1257, %get3A_1182 : vector<16xf32>
        %swap3A_1259 = arith.index_cast %add3A_1178 : i32 to index
        %swap3A_1260 = arith.constant 112 : index
        %swap3A_1261 = tpu.vector_load %arg10[%swap3A_1259, %swap3A_1260] {strides = array<i32>} : memref<256x128xf32, #tpu.memory_space<vmem>>, vector<1x16xf32>,
        %swap3A_1262 = vector.shape_cast %swap3A_1261 : vector<1x16xf32> to vector<16xf32>
        %swap3A_1263 = vector.shape_cast %mul3A_1258 : vector<16xf32> to vector<1x16xf32>
        tpu.vector_store %arg10[%swap3A_1259, %swap3A_1260], %swap3A_1263 {strides = array<i32>} : memref<256x128xf32, #tpu.memory_space<vmem>>, vector<1x16xf32>,
        %mul3A_1264 = arith.constant 8 : i32
        %mul3A_1265 = arith.muli %scan3A_819, %mul3A_1264 : i32
        %add3A_1266 = arith.constant 5 : i32
        %add3A_1267 = arith.addi %mul3A_1265, %add3A_1266 : i32
        %get3A_1268 = arith.index_cast %scan3A_819 : i32 to index
        %get3A_1269 = arith.constant 80 : index
        %get3A_1270 = tpu.vector_load %arg9[%get3A_1268, %get3A_1269] {strides = array<i32>} : memref<32x128xf32, #tpu.memory_space<vmem>>, vector<1x16xf32>,
        %get3A_1271 = vector.shape_cast %get3A_1270 : vector<1x16xf32> to vector<16xf32>
        %get3A_1272 = arith.index_cast %add3A_1267 : i32 to index
        %get3A_1273 = arith.constant 0 : index
        %get3A_1274 = tpu.vector_load %arg10[%get3A_1272, %get3A_1273] {strides = array<i32>} : memref<256x128xf32, #tpu.memory_space<vmem>>, vector<1x16xf32>,
        %get3A_1275 = vector.shape_cast %get3A_1274 : vector<1x16xf32> to vector<16xf32>
        %mul3A_1276 = arith.mulf %get3A_1275, %get3A_1271 : vector<16xf32>
        %swap3A_1277 = arith.index_cast %add3A_1267 : i32 to index
        %swap3A_1278 = arith.constant 0 : index
        %swap3A_1279 = tpu.vector_load %arg10[%swap3A_1277, %swap3A_1278] {strides = array<i32>} : memref<256x128xf32, #tpu.memory_space<vmem>>, vector<1x16xf32>,
        %swap3A_1280 = vector.shape_cast %swap3A_1279 : vector<1x16xf32> to vector<16xf32>
        %swap3A_1281 = vector.shape_cast %mul3A_1276 : vector<16xf32> to vector<1x16xf32>
        tpu.vector_store %arg10[%swap3A_1277, %swap3A_1278], %swap3A_1281 {strides = array<i32>} : memref<256x128xf32, #tpu.memory_space<vmem>>, vector<1x16xf32>,
        %get3A_1282 = arith.index_cast %add3A_1267 : i32 to index
        %get3A_1283 = arith.constant 16 : index
        %get3A_1284 = tpu.vector_load %arg10[%get3A_1282, %get3A_1283] {strides = array<i32>} : memref<256x128xf32, #tpu.memory_space<vmem>>, vector<1x16xf32>,
        %get3A_1285 = vector.shape_cast %get3A_1284 : vector<1x16xf32> to vector<16xf32>
        %mul3A_1286 = arith.mulf %get3A_1285, %get3A_1271 : vector<16xf32>
        %swap3A_1287 = arith.index_cast %add3A_1267 : i32 to index
        %swap3A_1288 = arith.constant 16 : index
        %swap3A_1289 = tpu.vector_load %arg10[%swap3A_1287, %swap3A_1288] {strides = array<i32>} : memref<256x128xf32, #tpu.memory_space<vmem>>, vector<1x16xf32>,
        %swap3A_1290 = vector.shape_cast %swap3A_1289 : vector<1x16xf32> to vector<16xf32>
        %swap3A_1291 = vector.shape_cast %mul3A_1286 : vector<16xf32> to vector<1x16xf32>
        tpu.vector_store %arg10[%swap3A_1287, %swap3A_1288], %swap3A_1291 {strides = array<i32>} : memref<256x128xf32, #tpu.memory_space<vmem>>, vector<1x16xf32>,
        %get3A_1292 = arith.index_cast %add3A_1267 : i32 to index
        %get3A_1293 = arith.constant 32 : index
        %get3A_1294 = tpu.vector_load %arg10[%get3A_1292, %get3A_1293] {strides = array<i32>} : memref<256x128xf32, #tpu.memory_space<vmem>>, vector<1x16xf32>,
        %get3A_1295 = vector.shape_cast %get3A_1294 : vector<1x16xf32> to vector<16xf32>
        %mul3A_1296 = arith.mulf %get3A_1295, %get3A_1271 : vector<16xf32>
        %swap3A_1297 = arith.index_cast %add3A_1267 : i32 to index
        %swap3A_1298 = arith.constant 32 : index
        %swap3A_1299 = tpu.vector_load %arg10[%swap3A_1297, %swap3A_1298] {strides = array<i32>} : memref<256x128xf32, #tpu.memory_space<vmem>>, vector<1x16xf32>,
        %swap3A_1300 = vector.shape_cast %swap3A_1299 : vector<1x16xf32> to vector<16xf32>
        %swap3A_1301 = vector.shape_cast %mul3A_1296 : vector<16xf32> to vector<1x16xf32>
        tpu.vector_store %arg10[%swap3A_1297, %swap3A_1298], %swap3A_1301 {strides = array<i32>} : memref<256x128xf32, #tpu.memory_space<vmem>>, vector<1x16xf32>,
        %get3A_1302 = arith.index_cast %add3A_1267 : i32 to index
        %get3A_1303 = arith.constant 48 : index
        %get3A_1304 = tpu.vector_load %arg10[%get3A_1302, %get3A_1303] {strides = array<i32>} : memref<256x128xf32, #tpu.memory_space<vmem>>, vector<1x16xf32>,
        %get3A_1305 = vector.shape_cast %get3A_1304 : vector<1x16xf32> to vector<16xf32>
        %mul3A_1306 = arith.mulf %get3A_1305, %get3A_1271 : vector<16xf32>
        %swap3A_1307 = arith.index_cast %add3A_1267 : i32 to index
        %swap3A_1308 = arith.constant 48 : index
        %swap3A_1309 = tpu.vector_load %arg10[%swap3A_1307, %swap3A_1308] {strides = array<i32>} : memref<256x128xf32, #tpu.memory_space<vmem>>, vector<1x16xf32>,
        %swap3A_1310 = vector.shape_cast %swap3A_1309 : vector<1x16xf32> to vector<16xf32>
        %swap3A_1311 = vector.shape_cast %mul3A_1306 : vector<16xf32> to vector<1x16xf32>
        tpu.vector_store %arg10[%swap3A_1307, %swap3A_1308], %swap3A_1311 {strides = array<i32>} : memref<256x128xf32, #tpu.memory_space<vmem>>, vector<1x16xf32>,
        %get3A_1312 = arith.index_cast %add3A_1267 : i32 to index
        %get3A_1313 = arith.constant 64 : index
        %get3A_1314 = tpu.vector_load %arg10[%get3A_1312, %get3A_1313] {strides = array<i32>} : memref<256x128xf32, #tpu.memory_space<vmem>>, vector<1x16xf32>,
        %get3A_1315 = vector.shape_cast %get3A_1314 : vector<1x16xf32> to vector<16xf32>
        %mul3A_1316 = arith.mulf %get3A_1315, %get3A_1271 : vector<16xf32>
        %swap3A_1317 = arith.index_cast %add3A_1267 : i32 to index
        %swap3A_1318 = arith.constant 64 : index
        %swap3A_1319 = tpu.vector_load %arg10[%swap3A_1317, %swap3A_1318] {strides = array<i32>} : memref<256x128xf32, #tpu.memory_space<vmem>>, vector<1x16xf32>,
        %swap3A_1320 = vector.shape_cast %swap3A_1319 : vector<1x16xf32> to vector<16xf32>
        %swap3A_1321 = vector.shape_cast %mul3A_1316 : vector<16xf32> to vector<1x16xf32>
        tpu.vector_store %arg10[%swap3A_1317, %swap3A_1318], %swap3A_1321 {strides = array<i32>} : memref<256x128xf32, #tpu.memory_space<vmem>>, vector<1x16xf32>,
        %get3A_1322 = arith.index_cast %add3A_1267 : i32 to index
        %get3A_1323 = arith.constant 80 : index
        %get3A_1324 = tpu.vector_load %arg10[%get3A_1322, %get3A_1323] {strides = array<i32>} : memref<256x128xf32, #tpu.memory_space<vmem>>, vector<1x16xf32>,
        %get3A_1325 = vector.shape_cast %get3A_1324 : vector<1x16xf32> to vector<16xf32>
        %mul3A_1326 = arith.mulf %get3A_1325, %get3A_1271 : vector<16xf32>
        %swap3A_1327 = arith.index_cast %add3A_1267 : i32 to index
        %swap3A_1328 = arith.constant 80 : index
        %swap3A_1329 = tpu.vector_load %arg10[%swap3A_1327, %swap3A_1328] {strides = array<i32>} : memref<256x128xf32, #tpu.memory_space<vmem>>, vector<1x16xf32>,
        %swap3A_1330 = vector.shape_cast %swap3A_1329 : vector<1x16xf32> to vector<16xf32>
        %swap3A_1331 = vector.shape_cast %mul3A_1326 : vector<16xf32> to vector<1x16xf32>
        tpu.vector_store %arg10[%swap3A_1327, %swap3A_1328], %swap3A_1331 {strides = array<i32>} : memref<256x128xf32, #tpu.memory_space<vmem>>, vector<1x16xf32>,
        %get3A_1332 = arith.index_cast %add3A_1267 : i32 to index
        %get3A_1333 = arith.constant 96 : index
        %get3A_1334 = tpu.vector_load %arg10[%get3A_1332, %get3A_1333] {strides = array<i32>} : memref<256x128xf32, #tpu.memory_space<vmem>>, vector<1x16xf32>,
        %get3A_1335 = vector.shape_cast %get3A_1334 : vector<1x16xf32> to vector<16xf32>
        %mul3A_1336 = arith.mulf %get3A_1335, %get3A_1271 : vector<16xf32>
        %add3A_1337 = arith.addf %mul3A_1336, %select_n3A : vector<16xf32>
        %swap3A_1338 = arith.index_cast %add3A_1267 : i32 to index
        %swap3A_1339 = arith.constant 96 : index
        %swap3A_1340 = tpu.vector_load %arg10[%swap3A_1338, %swap3A_1339] {strides = array<i32>} : memref<256x128xf32, #tpu.memory_space<vmem>>, vector<1x16xf32>,
        %swap3A_1341 = vector.shape_cast %swap3A_1340 : vector<1x16xf32> to vector<16xf32>
        %swap3A_1342 = vector.shape_cast %add3A_1337 : vector<16xf32> to vector<1x16xf32>
        tpu.vector_store %arg10[%swap3A_1338, %swap3A_1339], %swap3A_1342 {strides = array<i32>} : memref<256x128xf32, #tpu.memory_space<vmem>>, vector<1x16xf32>,
        %get3A_1343 = arith.index_cast %add3A_1267 : i32 to index
        %get3A_1344 = arith.constant 112 : index
        %get3A_1345 = tpu.vector_load %arg10[%get3A_1343, %get3A_1344] {strides = array<i32>} : memref<256x128xf32, #tpu.memory_space<vmem>>, vector<1x16xf32>,
        %get3A_1346 = vector.shape_cast %get3A_1345 : vector<1x16xf32> to vector<16xf32>
        %mul3A_1347 = arith.mulf %get3A_1346, %get3A_1271 : vector<16xf32>
        %swap3A_1348 = arith.index_cast %add3A_1267 : i32 to index
        %swap3A_1349 = arith.constant 112 : index
        %swap3A_1350 = tpu.vector_load %arg10[%swap3A_1348, %swap3A_1349] {strides = array<i32>} : memref<256x128xf32, #tpu.memory_space<vmem>>, vector<1x16xf32>,
        %swap3A_1351 = vector.shape_cast %swap3A_1350 : vector<1x16xf32> to vector<16xf32>
        %swap3A_1352 = vector.shape_cast %mul3A_1347 : vector<16xf32> to vector<1x16xf32>
        tpu.vector_store %arg10[%swap3A_1348, %swap3A_1349], %swap3A_1352 {strides = array<i32>} : memref<256x128xf32, #tpu.memory_space<vmem>>, vector<1x16xf32>,
        %mul3A_1353 = arith.constant 8 : i32
        %mul3A_1354 = arith.muli %scan3A_819, %mul3A_1353 : i32
        %add3A_1355 = arith.constant 6 : i32
        %add3A_1356 = arith.addi %mul3A_1354, %add3A_1355 : i32
        %get3A_1357 = arith.index_cast %scan3A_819 : i32 to index
        %get3A_1358 = arith.constant 96 : index
        %get3A_1359 = tpu.vector_load %arg9[%get3A_1357, %get3A_1358] {strides = array<i32>} : memref<32x128xf32, #tpu.memory_space<vmem>>, vector<1x16xf32>,
        %get3A_1360 = vector.shape_cast %get3A_1359 : vector<1x16xf32> to vector<16xf32>
        %get3A_1361 = arith.index_cast %add3A_1356 : i32 to index
        %get3A_1362 = arith.constant 0 : index
        %get3A_1363 = tpu.vector_load %arg10[%get3A_1361, %get3A_1362] {strides = array<i32>} : memref<256x128xf32, #tpu.memory_space<vmem>>, vector<1x16xf32>,
        %get3A_1364 = vector.shape_cast %get3A_1363 : vector<1x16xf32> to vector<16xf32>
        %mul3A_1365 = arith.mulf %get3A_1364, %get3A_1360 : vector<16xf32>
        %swap3A_1366 = arith.index_cast %add3A_1356 : i32 to index
        %swap3A_1367 = arith.constant 0 : index
        %swap3A_1368 = tpu.vector_load %arg10[%swap3A_1366, %swap3A_1367] {strides = array<i32>} : memref<256x128xf32, #tpu.memory_space<vmem>>, vector<1x16xf32>,
        %swap3A_1369 = vector.shape_cast %swap3A_1368 : vector<1x16xf32> to vector<16xf32>
        %swap3A_1370 = vector.shape_cast %mul3A_1365 : vector<16xf32> to vector<1x16xf32>
        tpu.vector_store %arg10[%swap3A_1366, %swap3A_1367], %swap3A_1370 {strides = array<i32>} : memref<256x128xf32, #tpu.memory_space<vmem>>, vector<1x16xf32>,
        %get3A_1371 = arith.index_cast %add3A_1356 : i32 to index
        %get3A_1372 = arith.constant 16 : index
        %get3A_1373 = tpu.vector_load %arg10[%get3A_1371, %get3A_1372] {strides = array<i32>} : memref<256x128xf32, #tpu.memory_space<vmem>>, vector<1x16xf32>,
        %get3A_1374 = vector.shape_cast %get3A_1373 : vector<1x16xf32> to vector<16xf32>
        %mul3A_1375 = arith.mulf %get3A_1374, %get3A_1360 : vector<16xf32>
        %swap3A_1376 = arith.index_cast %add3A_1356 : i32 to index
        %swap3A_1377 = arith.constant 16 : index
        %swap3A_1378 = tpu.vector_load %arg10[%swap3A_1376, %swap3A_1377] {strides = array<i32>} : memref<256x128xf32, #tpu.memory_space<vmem>>, vector<1x16xf32>,
        %swap3A_1379 = vector.shape_cast %swap3A_1378 : vector<1x16xf32> to vector<16xf32>
        %swap3A_1380 = vector.shape_cast %mul3A_1375 : vector<16xf32> to vector<1x16xf32>
        tpu.vector_store %arg10[%swap3A_1376, %swap3A_1377], %swap3A_1380 {strides = array<i32>} : memref<256x128xf32, #tpu.memory_space<vmem>>, vector<1x16xf32>,
        %get3A_1381 = arith.index_cast %add3A_1356 : i32 to index
        %get3A_1382 = arith.constant 32 : index
        %get3A_1383 = tpu.vector_load %arg10[%get3A_1381, %get3A_1382] {strides = array<i32>} : memref<256x128xf32, #tpu.memory_space<vmem>>, vector<1x16xf32>,
        %get3A_1384 = vector.shape_cast %get3A_1383 : vector<1x16xf32> to vector<16xf32>
        %mul3A_1385 = arith.mulf %get3A_1384, %get3A_1360 : vector<16xf32>
        %swap3A_1386 = arith.index_cast %add3A_1356 : i32 to index
        %swap3A_1387 = arith.constant 32 : index
        %swap3A_1388 = tpu.vector_load %arg10[%swap3A_1386, %swap3A_1387] {strides = array<i32>} : memref<256x128xf32, #tpu.memory_space<vmem>>, vector<1x16xf32>,
        %swap3A_1389 = vector.shape_cast %swap3A_1388 : vector<1x16xf32> to vector<16xf32>
        %swap3A_1390 = vector.shape_cast %mul3A_1385 : vector<16xf32> to vector<1x16xf32>
        tpu.vector_store %arg10[%swap3A_1386, %swap3A_1387], %swap3A_1390 {strides = array<i32>} : memref<256x128xf32, #tpu.memory_space<vmem>>, vector<1x16xf32>,
        %get3A_1391 = arith.index_cast %add3A_1356 : i32 to index
        %get3A_1392 = arith.constant 48 : index
        %get3A_1393 = tpu.vector_load %arg10[%get3A_1391, %get3A_1392] {strides = array<i32>} : memref<256x128xf32, #tpu.memory_space<vmem>>, vector<1x16xf32>,
        %get3A_1394 = vector.shape_cast %get3A_1393 : vector<1x16xf32> to vector<16xf32>
        %mul3A_1395 = arith.mulf %get3A_1394, %get3A_1360 : vector<16xf32>
        %swap3A_1396 = arith.index_cast %add3A_1356 : i32 to index
        %swap3A_1397 = arith.constant 48 : index
        %swap3A_1398 = tpu.vector_load %arg10[%swap3A_1396, %swap3A_1397] {strides = array<i32>} : memref<256x128xf32, #tpu.memory_space<vmem>>, vector<1x16xf32>,
        %swap3A_1399 = vector.shape_cast %swap3A_1398 : vector<1x16xf32> to vector<16xf32>
        %swap3A_1400 = vector.shape_cast %mul3A_1395 : vector<16xf32> to vector<1x16xf32>
        tpu.vector_store %arg10[%swap3A_1396, %swap3A_1397], %swap3A_1400 {strides = array<i32>} : memref<256x128xf32, #tpu.memory_space<vmem>>, vector<1x16xf32>,
        %get3A_1401 = arith.index_cast %add3A_1356 : i32 to index
        %get3A_1402 = arith.constant 64 : index
        %get3A_1403 = tpu.vector_load %arg10[%get3A_1401, %get3A_1402] {strides = array<i32>} : memref<256x128xf32, #tpu.memory_space<vmem>>, vector<1x16xf32>,
        %get3A_1404 = vector.shape_cast %get3A_1403 : vector<1x16xf32> to vector<16xf32>
        %mul3A_1405 = arith.mulf %get3A_1404, %get3A_1360 : vector<16xf32>
        %swap3A_1406 = arith.index_cast %add3A_1356 : i32 to index
        %swap3A_1407 = arith.constant 64 : index
        %swap3A_1408 = tpu.vector_load %arg10[%swap3A_1406, %swap3A_1407] {strides = array<i32>} : memref<256x128xf32, #tpu.memory_space<vmem>>, vector<1x16xf32>,
        %swap3A_1409 = vector.shape_cast %swap3A_1408 : vector<1x16xf32> to vector<16xf32>
        %swap3A_1410 = vector.shape_cast %mul3A_1405 : vector<16xf32> to vector<1x16xf32>
        tpu.vector_store %arg10[%swap3A_1406, %swap3A_1407], %swap3A_1410 {strides = array<i32>} : memref<256x128xf32, #tpu.memory_space<vmem>>, vector<1x16xf32>,
        %get3A_1411 = arith.index_cast %add3A_1356 : i32 to index
        %get3A_1412 = arith.constant 80 : index
        %get3A_1413 = tpu.vector_load %arg10[%get3A_1411, %get3A_1412] {strides = array<i32>} : memref<256x128xf32, #tpu.memory_space<vmem>>, vector<1x16xf32>,
        %get3A_1414 = vector.shape_cast %get3A_1413 : vector<1x16xf32> to vector<16xf32>
        %mul3A_1415 = arith.mulf %get3A_1414, %get3A_1360 : vector<16xf32>
        %swap3A_1416 = arith.index_cast %add3A_1356 : i32 to index
        %swap3A_1417 = arith.constant 80 : index
        %swap3A_1418 = tpu.vector_load %arg10[%swap3A_1416, %swap3A_1417] {strides = array<i32>} : memref<256x128xf32, #tpu.memory_space<vmem>>, vector<1x16xf32>,
        %swap3A_1419 = vector.shape_cast %swap3A_1418 : vector<1x16xf32> to vector<16xf32>
        %swap3A_1420 = vector.shape_cast %mul3A_1415 : vector<16xf32> to vector<1x16xf32>
        tpu.vector_store %arg10[%swap3A_1416, %swap3A_1417], %swap3A_1420 {strides = array<i32>} : memref<256x128xf32, #tpu.memory_space<vmem>>, vector<1x16xf32>,
        %get3A_1421 = arith.index_cast %add3A_1356 : i32 to index
        %get3A_1422 = arith.constant 96 : index
        %get3A_1423 = tpu.vector_load %arg10[%get3A_1421, %get3A_1422] {strides = array<i32>} : memref<256x128xf32, #tpu.memory_space<vmem>>, vector<1x16xf32>,
        %get3A_1424 = vector.shape_cast %get3A_1423 : vector<1x16xf32> to vector<16xf32>
        %mul3A_1425 = arith.mulf %get3A_1424, %get3A_1360 : vector<16xf32>
        %add3A_1426 = arith.addf %mul3A_1425, %select_n3A : vector<16xf32>
        %swap3A_1427 = arith.index_cast %add3A_1356 : i32 to index
        %swap3A_1428 = arith.constant 96 : index
        %swap3A_1429 = tpu.vector_load %arg10[%swap3A_1427, %swap3A_1428] {strides = array<i32>} : memref<256x128xf32, #tpu.memory_space<vmem>>, vector<1x16xf32>,
        %swap3A_1430 = vector.shape_cast %swap3A_1429 : vector<1x16xf32> to vector<16xf32>
        %swap3A_1431 = vector.shape_cast %add3A_1426 : vector<16xf32> to vector<1x16xf32>
        tpu.vector_store %arg10[%swap3A_1427, %swap3A_1428], %swap3A_1431 {strides = array<i32>} : memref<256x128xf32, #tpu.memory_space<vmem>>, vector<1x16xf32>,
        %get3A_1432 = arith.index_cast %add3A_1356 : i32 to index
        %get3A_1433 = arith.constant 112 : index
        %get3A_1434 = tpu.vector_load %arg10[%get3A_1432, %get3A_1433] {strides = array<i32>} : memref<256x128xf32, #tpu.memory_space<vmem>>, vector<1x16xf32>,
        %get3A_1435 = vector.shape_cast %get3A_1434 : vector<1x16xf32> to vector<16xf32>
        %mul3A_1436 = arith.mulf %get3A_1435, %get3A_1360 : vector<16xf32>
        %swap3A_1437 = arith.index_cast %add3A_1356 : i32 to index
        %swap3A_1438 = arith.constant 112 : index
        %swap3A_1439 = tpu.vector_load %arg10[%swap3A_1437, %swap3A_1438] {strides = array<i32>} : memref<256x128xf32, #tpu.memory_space<vmem>>, vector<1x16xf32>,
        %swap3A_1440 = vector.shape_cast %swap3A_1439 : vector<1x16xf32> to vector<16xf32>
        %swap3A_1441 = vector.shape_cast %mul3A_1436 : vector<16xf32> to vector<1x16xf32>
        tpu.vector_store %arg10[%swap3A_1437, %swap3A_1438], %swap3A_1441 {strides = array<i32>} : memref<256x128xf32, #tpu.memory_space<vmem>>, vector<1x16xf32>,
        %mul3A_1442 = arith.constant 8 : i32
        %mul3A_1443 = arith.muli %scan3A_819, %mul3A_1442 : i32
        %add3A_1444 = arith.constant 7 : i32
        %add3A_1445 = arith.addi %mul3A_1443, %add3A_1444 : i32
        %get3A_1446 = arith.index_cast %scan3A_819 : i32 to index
        %get3A_1447 = arith.constant 112 : index
        %get3A_1448 = tpu.vector_load %arg9[%get3A_1446, %get3A_1447] {strides = array<i32>} : memref<32x128xf32, #tpu.memory_space<vmem>>, vector<1x16xf32>,
        %get3A_1449 = vector.shape_cast %get3A_1448 : vector<1x16xf32> to vector<16xf32>
        %get3A_1450 = arith.index_cast %add3A_1445 : i32 to index
        %get3A_1451 = arith.constant 0 : index
        %get3A_1452 = tpu.vector_load %arg10[%get3A_1450, %get3A_1451] {strides = array<i32>} : memref<256x128xf32, #tpu.memory_space<vmem>>, vector<1x16xf32>,
        %get3A_1453 = vector.shape_cast %get3A_1452 : vector<1x16xf32> to vector<16xf32>
        %mul3A_1454 = arith.mulf %get3A_1453, %get3A_1449 : vector<16xf32>
        %swap3A_1455 = arith.index_cast %add3A_1445 : i32 to index
        %swap3A_1456 = arith.constant 0 : index
        %swap3A_1457 = tpu.vector_load %arg10[%swap3A_1455, %swap3A_1456] {strides = array<i32>} : memref<256x128xf32, #tpu.memory_space<vmem>>, vector<1x16xf32>,
        %swap3A_1458 = vector.shape_cast %swap3A_1457 : vector<1x16xf32> to vector<16xf32>
        %swap3A_1459 = vector.shape_cast %mul3A_1454 : vector<16xf32> to vector<1x16xf32>
        tpu.vector_store %arg10[%swap3A_1455, %swap3A_1456], %swap3A_1459 {strides = array<i32>} : memref<256x128xf32, #tpu.memory_space<vmem>>, vector<1x16xf32>,
        %get3A_1460 = arith.index_cast %add3A_1445 : i32 to index
        %get3A_1461 = arith.constant 16 : index
        %get3A_1462 = tpu.vector_load %arg10[%get3A_1460, %get3A_1461] {strides = array<i32>} : memref<256x128xf32, #tpu.memory_space<vmem>>, vector<1x16xf32>,
        %get3A_1463 = vector.shape_cast %get3A_1462 : vector<1x16xf32> to vector<16xf32>
        %mul3A_1464 = arith.mulf %get3A_1463, %get3A_1449 : vector<16xf32>
        %swap3A_1465 = arith.index_cast %add3A_1445 : i32 to index
        %swap3A_1466 = arith.constant 16 : index
        %swap3A_1467 = tpu.vector_load %arg10[%swap3A_1465, %swap3A_1466] {strides = array<i32>} : memref<256x128xf32, #tpu.memory_space<vmem>>, vector<1x16xf32>,
        %swap3A_1468 = vector.shape_cast %swap3A_1467 : vector<1x16xf32> to vector<16xf32>
        %swap3A_1469 = vector.shape_cast %mul3A_1464 : vector<16xf32> to vector<1x16xf32>
        tpu.vector_store %arg10[%swap3A_1465, %swap3A_1466], %swap3A_1469 {strides = array<i32>} : memref<256x128xf32, #tpu.memory_space<vmem>>, vector<1x16xf32>,
        %get3A_1470 = arith.index_cast %add3A_1445 : i32 to index
        %get3A_1471 = arith.constant 32 : index
        %get3A_1472 = tpu.vector_load %arg10[%get3A_1470, %get3A_1471] {strides = array<i32>} : memref<256x128xf32, #tpu.memory_space<vmem>>, vector<1x16xf32>,
        %get3A_1473 = vector.shape_cast %get3A_1472 : vector<1x16xf32> to vector<16xf32>
        %mul3A_1474 = arith.mulf %get3A_1473, %get3A_1449 : vector<16xf32>
        %swap3A_1475 = arith.index_cast %add3A_1445 : i32 to index
        %swap3A_1476 = arith.constant 32 : index
        %swap3A_1477 = tpu.vector_load %arg10[%swap3A_1475, %swap3A_1476] {strides = array<i32>} : memref<256x128xf32, #tpu.memory_space<vmem>>, vector<1x16xf32>,
        %swap3A_1478 = vector.shape_cast %swap3A_1477 : vector<1x16xf32> to vector<16xf32>
        %swap3A_1479 = vector.shape_cast %mul3A_1474 : vector<16xf32> to vector<1x16xf32>
        tpu.vector_store %arg10[%swap3A_1475, %swap3A_1476], %swap3A_1479 {strides = array<i32>} : memref<256x128xf32, #tpu.memory_space<vmem>>, vector<1x16xf32>,
        %get3A_1480 = arith.index_cast %add3A_1445 : i32 to index
        %get3A_1481 = arith.constant 48 : index
        %get3A_1482 = tpu.vector_load %arg10[%get3A_1480, %get3A_1481] {strides = array<i32>} : memref<256x128xf32, #tpu.memory_space<vmem>>, vector<1x16xf32>,
        %get3A_1483 = vector.shape_cast %get3A_1482 : vector<1x16xf32> to vector<16xf32>
        %mul3A_1484 = arith.mulf %get3A_1483, %get3A_1449 : vector<16xf32>
        %swap3A_1485 = arith.index_cast %add3A_1445 : i32 to index
        %swap3A_1486 = arith.constant 48 : index
        %swap3A_1487 = tpu.vector_load %arg10[%swap3A_1485, %swap3A_1486] {strides = array<i32>} : memref<256x128xf32, #tpu.memory_space<vmem>>, vector<1x16xf32>,
        %swap3A_1488 = vector.shape_cast %swap3A_1487 : vector<1x16xf32> to vector<16xf32>
        %swap3A_1489 = vector.shape_cast %mul3A_1484 : vector<16xf32> to vector<1x16xf32>
        tpu.vector_store %arg10[%swap3A_1485, %swap3A_1486], %swap3A_1489 {strides = array<i32>} : memref<256x128xf32, #tpu.memory_space<vmem>>, vector<1x16xf32>,
        %get3A_1490 = arith.index_cast %add3A_1445 : i32 to index
        %get3A_1491 = arith.constant 64 : index
        %get3A_1492 = tpu.vector_load %arg10[%get3A_1490, %get3A_1491] {strides = array<i32>} : memref<256x128xf32, #tpu.memory_space<vmem>>, vector<1x16xf32>,
        %get3A_1493 = vector.shape_cast %get3A_1492 : vector<1x16xf32> to vector<16xf32>
        %mul3A_1494 = arith.mulf %get3A_1493, %get3A_1449 : vector<16xf32>
        %swap3A_1495 = arith.index_cast %add3A_1445 : i32 to index
        %swap3A_1496 = arith.constant 64 : index
        %swap3A_1497 = tpu.vector_load %arg10[%swap3A_1495, %swap3A_1496] {strides = array<i32>} : memref<256x128xf32, #tpu.memory_space<vmem>>, vector<1x16xf32>,
        %swap3A_1498 = vector.shape_cast %swap3A_1497 : vector<1x16xf32> to vector<16xf32>
        %swap3A_1499 = vector.shape_cast %mul3A_1494 : vector<16xf32> to vector<1x16xf32>
        tpu.vector_store %arg10[%swap3A_1495, %swap3A_1496], %swap3A_1499 {strides = array<i32>} : memref<256x128xf32, #tpu.memory_space<vmem>>, vector<1x16xf32>,
        %get3A_1500 = arith.index_cast %add3A_1445 : i32 to index
        %get3A_1501 = arith.constant 80 : index
        %get3A_1502 = tpu.vector_load %arg10[%get3A_1500, %get3A_1501] {strides = array<i32>} : memref<256x128xf32, #tpu.memory_space<vmem>>, vector<1x16xf32>,
        %get3A_1503 = vector.shape_cast %get3A_1502 : vector<1x16xf32> to vector<16xf32>
        %mul3A_1504 = arith.mulf %get3A_1503, %get3A_1449 : vector<16xf32>
        %swap3A_1505 = arith.index_cast %add3A_1445 : i32 to index
        %swap3A_1506 = arith.constant 80 : index
        %swap3A_1507 = tpu.vector_load %arg10[%swap3A_1505, %swap3A_1506] {strides = array<i32>} : memref<256x128xf32, #tpu.memory_space<vmem>>, vector<1x16xf32>,
        %swap3A_1508 = vector.shape_cast %swap3A_1507 : vector<1x16xf32> to vector<16xf32>
        %swap3A_1509 = vector.shape_cast %mul3A_1504 : vector<16xf32> to vector<1x16xf32>
        tpu.vector_store %arg10[%swap3A_1505, %swap3A_1506], %swap3A_1509 {strides = array<i32>} : memref<256x128xf32, #tpu.memory_space<vmem>>, vector<1x16xf32>,
        %get3A_1510 = arith.index_cast %add3A_1445 : i32 to index
        %get3A_1511 = arith.constant 96 : index
        %get3A_1512 = tpu.vector_load %arg10[%get3A_1510, %get3A_1511] {strides = array<i32>} : memref<256x128xf32, #tpu.memory_space<vmem>>, vector<1x16xf32>,
        %get3A_1513 = vector.shape_cast %get3A_1512 : vector<1x16xf32> to vector<16xf32>
        %mul3A_1514 = arith.mulf %get3A_1513, %get3A_1449 : vector<16xf32>
        %add3A_1515 = arith.addf %mul3A_1514, %select_n3A : vector<16xf32>
        %swap3A_1516 = arith.index_cast %add3A_1445 : i32 to index
        %swap3A_1517 = arith.constant 96 : index
        %swap3A_1518 = tpu.vector_load %arg10[%swap3A_1516, %swap3A_1517] {strides = array<i32>} : memref<256x128xf32, #tpu.memory_space<vmem>>, vector<1x16xf32>,
        %swap3A_1519 = vector.shape_cast %swap3A_1518 : vector<1x16xf32> to vector<16xf32>
        %swap3A_1520 = vector.shape_cast %add3A_1515 : vector<16xf32> to vector<1x16xf32>
        tpu.vector_store %arg10[%swap3A_1516, %swap3A_1517], %swap3A_1520 {strides = array<i32>} : memref<256x128xf32, #tpu.memory_space<vmem>>, vector<1x16xf32>,
        %get3A_1521 = arith.index_cast %add3A_1445 : i32 to index
        %get3A_1522 = arith.constant 112 : index
        %get3A_1523 = tpu.vector_load %arg10[%get3A_1521, %get3A_1522] {strides = array<i32>} : memref<256x128xf32, #tpu.memory_space<vmem>>, vector<1x16xf32>,
        %get3A_1524 = vector.shape_cast %get3A_1523 : vector<1x16xf32> to vector<16xf32>
        %mul3A_1525 = arith.mulf %get3A_1524, %get3A_1449 : vector<16xf32>
        %swap3A_1526 = arith.index_cast %add3A_1445 : i32 to index
        %swap3A_1527 = arith.constant 112 : index
        %swap3A_1528 = tpu.vector_load %arg10[%swap3A_1526, %swap3A_1527] {strides = array<i32>} : memref<256x128xf32, #tpu.memory_space<vmem>>, vector<1x16xf32>,
        %swap3A_1529 = vector.shape_cast %swap3A_1528 : vector<1x16xf32> to vector<16xf32>
        %swap3A_1530 = vector.shape_cast %mul3A_1525 : vector<16xf32> to vector<1x16xf32>
        tpu.vector_store %arg10[%swap3A_1526, %swap3A_1527], %swap3A_1530 {strides = array<i32>} : memref<256x128xf32, #tpu.memory_space<vmem>>, vector<1x16xf32>,
      }
      %scan3A_812 = arith.constant 32 : i32
      %dma_wait3A_813 = arith.constant 0 : i32
      %dma_wait3A_814 = tpu.memref_slice %arg4[%add3A, %scan3A_790, %dma_wait3A_813] : memref<32x20x256xi32, #tpu.memory_space<hbm>> -> memref<1x1x256xi32, #tpu.memory_space<hbm>>
      %dma_wait3A_815 = tpu.memref_squeeze %dma_wait3A_814 : memref<1x1x256xi32, #tpu.memory_space<hbm>> -> memref<256xi32, #tpu.memory_space<hbm>>
      %dma_wait3A_816 = arith.constant 0 : i32
      %dma_wait3A_817 = tpu.memref_slice %arg4[%add3A, %scan3A_790, %dma_wait3A_816] : memref<32x20x256xi32, #tpu.memory_space<hbm>> -> memref<1x1x256xi32, #tpu.memory_space<hbm>>
      %dma_wait3A_818 = tpu.memref_squeeze %dma_wait3A_817 : memref<1x1x256xi32, #tpu.memory_space<hbm>> -> memref<256xi32, #tpu.memory_space<hbm>>
      tpu.wait_dma2 semaphore(%arg13 : memref<!tpu.dma_semaphore, #tpu.memory_space<semaphore_mem>>) src(%dma_wait3A_818 : memref<256xi32, #tpu.memory_space<hbm>>) dst(%arg8 : memref<256xi32, #tpu.memory_space<vmem>>)
      "tpu.region"() ({
        %run_scoped3A = tpu.sem_alloc : memref<!tpu.dma_semaphore, #tpu.memory_space<semaphore_mem>>
        %dma_start3A_819 = arith.constant 0 : i32
        %dma_start3A_820 = arith.constant 0 : i32
        %dma_start3A_821 = tpu.memref_slice %arg11[%dma_start3A_819, %dma_start3A_820] : memref<10240x128xf32, #tpu.memory_space<vmem_shared>> -> memref<10240x128xf32, #tpu.memory_space<vmem_shared>>
        tpu.enqueue_indirect_dma source(%arg10 : memref<256x128xf32, #tpu.memory_space<vmem>>) target(%dma_start3A_821 : memref<10240x128xf32, #tpu.memory_space<vmem_shared>>) offsets(%arg8 : memref<256xi32, #tpu.memory_space<vmem>>) semaphore(%run_scoped3A : memref<!tpu.dma_semaphore, #tpu.memory_space<semaphore_mem>>) {add = true}
        %dma_wait3A_822 = arith.constant 0 : i32
        %dma_wait3A_823 = arith.constant 0 : i32
        %dma_wait3A_824 = tpu.memref_slice %arg11[%dma_wait3A_822, %dma_wait3A_823] : memref<10240x128xf32, #tpu.memory_space<vmem_shared>> -> memref<10240x128xf32, #tpu.memory_space<vmem_shared>>
        tpu.wait_indirect_dma semaphore(%run_scoped3A : memref<!tpu.dma_semaphore, #tpu.memory_space<semaphore_mem>>) src(%arg10 : memref<256x128xf32, #tpu.memory_space<vmem>>) dst(%dma_wait3A_824 : memref<10240x128xf32, #tpu.memory_space<vmem_shared>>)
        tpu.yield
      }) : () -> ()
    }
    %scan3A_784 = arith.constant 20 : i32
    %barrier3A_785 = arith.constant 0 : index
    tpu.barrier barrier_id(%barrier3A_785)
    %mul3A_786 = arith.constant 640 : i32
    %mul3A_787 = arith.muli %arg1, %mul3A_786 : i32
    %mul3A_788 = arith.constant 640 : i32
    %mul3A_789 = arith.muli %arg1, %mul3A_788 : i32
    "tpu.region"() ({
      %run_scoped3A = tpu.sem_alloc : memref<!tpu.dma_semaphore, #tpu.memory_space<semaphore_mem>>
      %dma_start3A = arith.constant 0 : i32
      %dma_start3A_790 = tpu.memref_slice %arg6[%arg0, %mul3A_789, %dma_start3A] : memref<2x10240x128xf32, #tpu.memory_space<hbm>> -> memref<1x640x128xf32, #tpu.memory_space<hbm>>
      %dma_start3A_791 = tpu.memref_squeeze %dma_start3A_790 : memref<1x640x128xf32, #tpu.memory_space<hbm>> -> memref<640x128xf32, #tpu.memory_space<hbm>>
      %dma_start3A_792 = arith.constant 0 : i32
      %dma_start3A_793 = tpu.memref_slice %arg11[%mul3A_787, %dma_start3A_792] : memref<10240x128xf32, #tpu.memory_space<vmem_shared>> -> memref<640x128xf32, #tpu.memory_space<vmem_shared>>
      tpu.enqueue_dma source(%dma_start3A_793 : memref<640x128xf32, #tpu.memory_space<vmem_shared>>) target(%dma_start3A_791 : memref<640x128xf32, #tpu.memory_space<hbm>>) target_semaphore(%run_scoped3A : memref<!tpu.dma_semaphore, #tpu.memory_space<semaphore_mem>>)
      %dma_wait3A = arith.constant 0 : i32
      %dma_wait3A_794 = tpu.memref_slice %arg6[%arg0, %mul3A_789, %dma_wait3A] : memref<2x10240x128xf32, #tpu.memory_space<hbm>> -> memref<1x640x128xf32, #tpu.memory_space<hbm>>
      %dma_wait3A_795 = tpu.memref_squeeze %dma_wait3A_794 : memref<1x640x128xf32, #tpu.memory_space<hbm>> -> memref<640x128xf32, #tpu.memory_space<hbm>>
      %dma_wait3A_796 = arith.constant 0 : i32
      %dma_wait3A_797 = tpu.memref_slice %arg11[%mul3A_787, %dma_wait3A_796] : memref<10240x128xf32, #tpu.memory_space<vmem_shared>> -> memref<640x128xf32, #tpu.memory_space<vmem_shared>>
      tpu.wait_dma2 semaphore(%run_scoped3A : memref<!tpu.dma_semaphore, #tpu.memory_space<semaphore_mem>>) src(%dma_wait3A_797 : memref<640x128xf32, #tpu.memory_space<vmem_shared>>) dst(%dma_wait3A_795 : memref<640x128xf32, #tpu.memory_space<hbm>>)
      tpu.yield
    }) : () -> ()
    return
  }
}

module attributes {stable_mosaic.version = 14 : i64} {
  func.func @_y_body(%arg0: i32, %arg1: memref<1000x128xf32, #tpu.memory_space<vmem>>, %arg2: memref<128x512xf32, #tpu.memory_space<vmem>>, %arg3: memref<16x4xf32, #tpu.memory_space<smem>>, %arg4: memref<1000x2048xf32, #tpu.memory_space<vmem>>) attributes {dimension_semantics = [#tpu.dimension_semantics<arbitrary>], iteration_bounds = array<i64: 10>, scalar_prefetch = 0 : i64, scratch_operands = 0 : i64, tpu.core_type = #tpu.core_type<tc>, window_params = [{transform_indices = @transform_0, window_bounds = array<i64: 1000, 128>}, {pipeline_mode = #tpu.pipeline_mode<synchronous>, transform_indices = @transform_1, window_bounds = array<i64: 128, 512>}, {transform_indices = @transform_2, window_bounds = array<i64: 16, 4>}, {transform_indices = @transform_3, window_bounds = array<i64: 1000, 2048>}]} {
    %get3A = arith.constant 0 : index
    %get3A_0 = arith.constant 0 : index
    %get3A_1 = vector.load %arg1[%get3A, %get3A_0] : memref<1000x128xf32, #tpu.memory_space<vmem>>, vector<1000x128xf32>
    %get3A_2 = arith.constant 0 : index
    %get3A_3 = arith.constant 0 : index
    %get3A_4 = vector.load %arg2[%get3A_2, %get3A_3] : memref<128x512xf32, #tpu.memory_space<vmem>>, vector<128x512xf32>
    %dot_general3A = arith.constant dense<0.000000e+00> : vector<1000x512xf32>
    %dot_general3A_5 = tpu.matmul %get3A_1, %get3A_4, %dot_general3A {dimension_numbers = #tpu.dot_dimension_numbers<[1], [0], [0], [1], [0, 0, 1, 1], [], []>, transpose_lhs_hint = false} : vector<1000x128xf32>, vector<128x512xf32>, vector<1000x512xf32> -> vector<1000x512xf32>
    %get3A_6 = arith.constant 0 : index
    %get3A_7 = arith.constant 0 : index
    %get3A_8 = memref.load %arg3[%get3A_6, %get3A_7] : memref<16x4xf32, #tpu.memory_space<smem>>
    %slice3A = vector.extract_strided_slice %dot_general3A_5 {offsets = [0, 0], sizes = [1000, 128], strides = [1, 1]} : vector<1000x512xf32> to vector<1000x128xf32>
    %mul3A = vector.broadcast %get3A_8 : f32 to vector<1000x128xf32>
    %mul3A_9 = arith.mulf %mul3A, %slice3A : vector<1000x128xf32>
    %get3A_10 = arith.constant 0 : index
    %get3A_11 = arith.constant 1 : index
    %get3A_12 = memref.load %arg3[%get3A_10, %get3A_11] : memref<16x4xf32, #tpu.memory_space<smem>>
    %slice3A_13 = vector.extract_strided_slice %dot_general3A_5 {offsets = [0, 128], sizes = [1000, 128], strides = [1, 1]} : vector<1000x512xf32> to vector<1000x128xf32>
    %mul3A_14 = vector.broadcast %get3A_12 : f32 to vector<1000x128xf32>
    %mul3A_15 = arith.mulf %mul3A_14, %slice3A_13 : vector<1000x128xf32>
    %add3A = arith.addf %mul3A_9, %mul3A_15 : vector<1000x128xf32>
    %get3A_16 = arith.constant 0 : index
    %get3A_17 = arith.constant 2 : index
    %get3A_18 = memref.load %arg3[%get3A_16, %get3A_17] : memref<16x4xf32, #tpu.memory_space<smem>>
    %slice3A_19 = vector.extract_strided_slice %dot_general3A_5 {offsets = [0, 256], sizes = [1000, 128], strides = [1, 1]} : vector<1000x512xf32> to vector<1000x128xf32>
    %mul3A_20 = vector.broadcast %get3A_18 : f32 to vector<1000x128xf32>
    %mul3A_21 = arith.mulf %mul3A_20, %slice3A_19 : vector<1000x128xf32>
    %add3A_22 = arith.addf %add3A, %mul3A_21 : vector<1000x128xf32>
    %get3A_23 = arith.constant 0 : index
    %get3A_24 = arith.constant 3 : index
    %get3A_25 = memref.load %arg3[%get3A_23, %get3A_24] : memref<16x4xf32, #tpu.memory_space<smem>>
    %slice3A_26 = vector.extract_strided_slice %dot_general3A_5 {offsets = [0, 384], sizes = [1000, 128], strides = [1, 1]} : vector<1000x512xf32> to vector<1000x128xf32>
    %mul3A_27 = vector.broadcast %get3A_25 : f32 to vector<1000x128xf32>
    %mul3A_28 = arith.mulf %mul3A_27, %slice3A_26 : vector<1000x128xf32>
    %add3A_29 = arith.addf %add3A_22, %mul3A_28 : vector<1000x128xf32>
    %swap3A = arith.constant 0 : index
    %swap3A_30 = arith.constant 0 : index
    %swap3A_31 = vector.load %arg4[%swap3A, %swap3A_30] : memref<1000x2048xf32, #tpu.memory_space<vmem>>, vector<1000x128xf32>
    tpu.vector_store %arg4[%swap3A, %swap3A_30], %add3A_29 {strides = array<i32>} : memref<1000x2048xf32, #tpu.memory_space<vmem>>, vector<1000x128xf32>,
    %get3A_32 = arith.constant 1 : index
    %get3A_33 = arith.constant 0 : index
    %get3A_34 = memref.load %arg3[%get3A_32, %get3A_33] : memref<16x4xf32, #tpu.memory_space<smem>>
    %slice3A_35 = vector.extract_strided_slice %dot_general3A_5 {offsets = [0, 0], sizes = [1000, 128], strides = [1, 1]} : vector<1000x512xf32> to vector<1000x128xf32>
    %mul3A_36 = vector.broadcast %get3A_34 : f32 to vector<1000x128xf32>
    %mul3A_37 = arith.mulf %mul3A_36, %slice3A_35 : vector<1000x128xf32>
    %get3A_38 = arith.constant 1 : index
    %get3A_39 = arith.constant 1 : index
    %get3A_40 = memref.load %arg3[%get3A_38, %get3A_39] : memref<16x4xf32, #tpu.memory_space<smem>>
    %slice3A_41 = vector.extract_strided_slice %dot_general3A_5 {offsets = [0, 128], sizes = [1000, 128], strides = [1, 1]} : vector<1000x512xf32> to vector<1000x128xf32>
    %mul3A_42 = vector.broadcast %get3A_40 : f32 to vector<1000x128xf32>
    %mul3A_43 = arith.mulf %mul3A_42, %slice3A_41 : vector<1000x128xf32>
    %add3A_44 = arith.addf %mul3A_37, %mul3A_43 : vector<1000x128xf32>
    %get3A_45 = arith.constant 1 : index
    %get3A_46 = arith.constant 2 : index
    %get3A_47 = memref.load %arg3[%get3A_45, %get3A_46] : memref<16x4xf32, #tpu.memory_space<smem>>
    %slice3A_48 = vector.extract_strided_slice %dot_general3A_5 {offsets = [0, 256], sizes = [1000, 128], strides = [1, 1]} : vector<1000x512xf32> to vector<1000x128xf32>
    %mul3A_49 = vector.broadcast %get3A_47 : f32 to vector<1000x128xf32>
    %mul3A_50 = arith.mulf %mul3A_49, %slice3A_48 : vector<1000x128xf32>
    %add3A_51 = arith.addf %add3A_44, %mul3A_50 : vector<1000x128xf32>
    %get3A_52 = arith.constant 1 : index
    %get3A_53 = arith.constant 3 : index
    %get3A_54 = memref.load %arg3[%get3A_52, %get3A_53] : memref<16x4xf32, #tpu.memory_space<smem>>
    %slice3A_55 = vector.extract_strided_slice %dot_general3A_5 {offsets = [0, 384], sizes = [1000, 128], strides = [1, 1]} : vector<1000x512xf32> to vector<1000x128xf32>
    %mul3A_56 = vector.broadcast %get3A_54 : f32 to vector<1000x128xf32>
    %mul3A_57 = arith.mulf %mul3A_56, %slice3A_55 : vector<1000x128xf32>
    %add3A_58 = arith.addf %add3A_51, %mul3A_57 : vector<1000x128xf32>
    %swap3A_59 = arith.constant 0 : index
    %swap3A_60 = arith.constant 128 : index
    %swap3A_61 = vector.load %arg4[%swap3A_59, %swap3A_60] : memref<1000x2048xf32, #tpu.memory_space<vmem>>, vector<1000x128xf32>
    tpu.vector_store %arg4[%swap3A_59, %swap3A_60], %add3A_58 {strides = array<i32>} : memref<1000x2048xf32, #tpu.memory_space<vmem>>, vector<1000x128xf32>,
    %get3A_62 = arith.constant 2 : index
    %get3A_63 = arith.constant 0 : index
    %get3A_64 = memref.load %arg3[%get3A_62, %get3A_63] : memref<16x4xf32, #tpu.memory_space<smem>>
    %slice3A_65 = vector.extract_strided_slice %dot_general3A_5 {offsets = [0, 0], sizes = [1000, 128], strides = [1, 1]} : vector<1000x512xf32> to vector<1000x128xf32>
    %mul3A_66 = vector.broadcast %get3A_64 : f32 to vector<1000x128xf32>
    %mul3A_67 = arith.mulf %mul3A_66, %slice3A_65 : vector<1000x128xf32>
    %get3A_68 = arith.constant 2 : index
    %get3A_69 = arith.constant 1 : index
    %get3A_70 = memref.load %arg3[%get3A_68, %get3A_69] : memref<16x4xf32, #tpu.memory_space<smem>>
    %slice3A_71 = vector.extract_strided_slice %dot_general3A_5 {offsets = [0, 128], sizes = [1000, 128], strides = [1, 1]} : vector<1000x512xf32> to vector<1000x128xf32>
    %mul3A_72 = vector.broadcast %get3A_70 : f32 to vector<1000x128xf32>
    %mul3A_73 = arith.mulf %mul3A_72, %slice3A_71 : vector<1000x128xf32>
    %add3A_74 = arith.addf %mul3A_67, %mul3A_73 : vector<1000x128xf32>
    %get3A_75 = arith.constant 2 : index
    %get3A_76 = arith.constant 2 : index
    %get3A_77 = memref.load %arg3[%get3A_75, %get3A_76] : memref<16x4xf32, #tpu.memory_space<smem>>
    %slice3A_78 = vector.extract_strided_slice %dot_general3A_5 {offsets = [0, 256], sizes = [1000, 128], strides = [1, 1]} : vector<1000x512xf32> to vector<1000x128xf32>
    %mul3A_79 = vector.broadcast %get3A_77 : f32 to vector<1000x128xf32>
    %mul3A_80 = arith.mulf %mul3A_79, %slice3A_78 : vector<1000x128xf32>
    %add3A_81 = arith.addf %add3A_74, %mul3A_80 : vector<1000x128xf32>
    %get3A_82 = arith.constant 2 : index
    %get3A_83 = arith.constant 3 : index
    %get3A_84 = memref.load %arg3[%get3A_82, %get3A_83] : memref<16x4xf32, #tpu.memory_space<smem>>
    %slice3A_85 = vector.extract_strided_slice %dot_general3A_5 {offsets = [0, 384], sizes = [1000, 128], strides = [1, 1]} : vector<1000x512xf32> to vector<1000x128xf32>
    %mul3A_86 = vector.broadcast %get3A_84 : f32 to vector<1000x128xf32>
    %mul3A_87 = arith.mulf %mul3A_86, %slice3A_85 : vector<1000x128xf32>
    %add3A_88 = arith.addf %add3A_81, %mul3A_87 : vector<1000x128xf32>
    %swap3A_89 = arith.constant 0 : index
    %swap3A_90 = arith.constant 256 : index
    %swap3A_91 = vector.load %arg4[%swap3A_89, %swap3A_90] : memref<1000x2048xf32, #tpu.memory_space<vmem>>, vector<1000x128xf32>
    tpu.vector_store %arg4[%swap3A_89, %swap3A_90], %add3A_88 {strides = array<i32>} : memref<1000x2048xf32, #tpu.memory_space<vmem>>, vector<1000x128xf32>,
    %get3A_92 = arith.constant 3 : index
    %get3A_93 = arith.constant 0 : index
    %get3A_94 = memref.load %arg3[%get3A_92, %get3A_93] : memref<16x4xf32, #tpu.memory_space<smem>>
    %slice3A_95 = vector.extract_strided_slice %dot_general3A_5 {offsets = [0, 0], sizes = [1000, 128], strides = [1, 1]} : vector<1000x512xf32> to vector<1000x128xf32>
    %mul3A_96 = vector.broadcast %get3A_94 : f32 to vector<1000x128xf32>
    %mul3A_97 = arith.mulf %mul3A_96, %slice3A_95 : vector<1000x128xf32>
    %get3A_98 = arith.constant 3 : index
    %get3A_99 = arith.constant 1 : index
    %get3A_100 = memref.load %arg3[%get3A_98, %get3A_99] : memref<16x4xf32, #tpu.memory_space<smem>>
    %slice3A_101 = vector.extract_strided_slice %dot_general3A_5 {offsets = [0, 128], sizes = [1000, 128], strides = [1, 1]} : vector<1000x512xf32> to vector<1000x128xf32>
    %mul3A_102 = vector.broadcast %get3A_100 : f32 to vector<1000x128xf32>
    %mul3A_103 = arith.mulf %mul3A_102, %slice3A_101 : vector<1000x128xf32>
    %add3A_104 = arith.addf %mul3A_97, %mul3A_103 : vector<1000x128xf32>
    %get3A_105 = arith.constant 3 : index
    %get3A_106 = arith.constant 2 : index
    %get3A_107 = memref.load %arg3[%get3A_105, %get3A_106] : memref<16x4xf32, #tpu.memory_space<smem>>
    %slice3A_108 = vector.extract_strided_slice %dot_general3A_5 {offsets = [0, 256], sizes = [1000, 128], strides = [1, 1]} : vector<1000x512xf32> to vector<1000x128xf32>
    %mul3A_109 = vector.broadcast %get3A_107 : f32 to vector<1000x128xf32>
    %mul3A_110 = arith.mulf %mul3A_109, %slice3A_108 : vector<1000x128xf32>
    %add3A_111 = arith.addf %add3A_104, %mul3A_110 : vector<1000x128xf32>
    %get3A_112 = arith.constant 3 : index
    %get3A_113 = arith.constant 3 : index
    %get3A_114 = memref.load %arg3[%get3A_112, %get3A_113] : memref<16x4xf32, #tpu.memory_space<smem>>
    %slice3A_115 = vector.extract_strided_slice %dot_general3A_5 {offsets = [0, 384], sizes = [1000, 128], strides = [1, 1]} : vector<1000x512xf32> to vector<1000x128xf32>
    %mul3A_116 = vector.broadcast %get3A_114 : f32 to vector<1000x128xf32>
    %mul3A_117 = arith.mulf %mul3A_116, %slice3A_115 : vector<1000x128xf32>
    %add3A_118 = arith.addf %add3A_111, %mul3A_117 : vector<1000x128xf32>
    %swap3A_119 = arith.constant 0 : index
    %swap3A_120 = arith.constant 384 : index
    %swap3A_121 = vector.load %arg4[%swap3A_119, %swap3A_120] : memref<1000x2048xf32, #tpu.memory_space<vmem>>, vector<1000x128xf32>
    tpu.vector_store %arg4[%swap3A_119, %swap3A_120], %add3A_118 {strides = array<i32>} : memref<1000x2048xf32, #tpu.memory_space<vmem>>, vector<1000x128xf32>,
    %get3A_122 = arith.constant 4 : index
    %get3A_123 = arith.constant 0 : index
    %get3A_124 = memref.load %arg3[%get3A_122, %get3A_123] : memref<16x4xf32, #tpu.memory_space<smem>>
    %slice3A_125 = vector.extract_strided_slice %dot_general3A_5 {offsets = [0, 0], sizes = [1000, 128], strides = [1, 1]} : vector<1000x512xf32> to vector<1000x128xf32>
    %mul3A_126 = vector.broadcast %get3A_124 : f32 to vector<1000x128xf32>
    %mul3A_127 = arith.mulf %mul3A_126, %slice3A_125 : vector<1000x128xf32>
    %get3A_128 = arith.constant 4 : index
    %get3A_129 = arith.constant 1 : index
    %get3A_130 = memref.load %arg3[%get3A_128, %get3A_129] : memref<16x4xf32, #tpu.memory_space<smem>>
    %slice3A_131 = vector.extract_strided_slice %dot_general3A_5 {offsets = [0, 128], sizes = [1000, 128], strides = [1, 1]} : vector<1000x512xf32> to vector<1000x128xf32>
    %mul3A_132 = vector.broadcast %get3A_130 : f32 to vector<1000x128xf32>
    %mul3A_133 = arith.mulf %mul3A_132, %slice3A_131 : vector<1000x128xf32>
    %add3A_134 = arith.addf %mul3A_127, %mul3A_133 : vector<1000x128xf32>
    %get3A_135 = arith.constant 4 : index
    %get3A_136 = arith.constant 2 : index
    %get3A_137 = memref.load %arg3[%get3A_135, %get3A_136] : memref<16x4xf32, #tpu.memory_space<smem>>
    %slice3A_138 = vector.extract_strided_slice %dot_general3A_5 {offsets = [0, 256], sizes = [1000, 128], strides = [1, 1]} : vector<1000x512xf32> to vector<1000x128xf32>
    %mul3A_139 = vector.broadcast %get3A_137 : f32 to vector<1000x128xf32>
    %mul3A_140 = arith.mulf %mul3A_139, %slice3A_138 : vector<1000x128xf32>
    %add3A_141 = arith.addf %add3A_134, %mul3A_140 : vector<1000x128xf32>
    %get3A_142 = arith.constant 4 : index
    %get3A_143 = arith.constant 3 : index
    %get3A_144 = memref.load %arg3[%get3A_142, %get3A_143] : memref<16x4xf32, #tpu.memory_space<smem>>
    %slice3A_145 = vector.extract_strided_slice %dot_general3A_5 {offsets = [0, 384], sizes = [1000, 128], strides = [1, 1]} : vector<1000x512xf32> to vector<1000x128xf32>
    %mul3A_146 = vector.broadcast %get3A_144 : f32 to vector<1000x128xf32>
    %mul3A_147 = arith.mulf %mul3A_146, %slice3A_145 : vector<1000x128xf32>
    %add3A_148 = arith.addf %add3A_141, %mul3A_147 : vector<1000x128xf32>
    %swap3A_149 = arith.constant 0 : index
    %swap3A_150 = arith.constant 512 : index
    %swap3A_151 = vector.load %arg4[%swap3A_149, %swap3A_150] : memref<1000x2048xf32, #tpu.memory_space<vmem>>, vector<1000x128xf32>
    tpu.vector_store %arg4[%swap3A_149, %swap3A_150], %add3A_148 {strides = array<i32>} : memref<1000x2048xf32, #tpu.memory_space<vmem>>, vector<1000x128xf32>,
    %get3A_152 = arith.constant 5 : index
    %get3A_153 = arith.constant 0 : index
    %get3A_154 = memref.load %arg3[%get3A_152, %get3A_153] : memref<16x4xf32, #tpu.memory_space<smem>>
    %slice3A_155 = vector.extract_strided_slice %dot_general3A_5 {offsets = [0, 0], sizes = [1000, 128], strides = [1, 1]} : vector<1000x512xf32> to vector<1000x128xf32>
    %mul3A_156 = vector.broadcast %get3A_154 : f32 to vector<1000x128xf32>
    %mul3A_157 = arith.mulf %mul3A_156, %slice3A_155 : vector<1000x128xf32>
    %get3A_158 = arith.constant 5 : index
    %get3A_159 = arith.constant 1 : index
    %get3A_160 = memref.load %arg3[%get3A_158, %get3A_159] : memref<16x4xf32, #tpu.memory_space<smem>>
    %slice3A_161 = vector.extract_strided_slice %dot_general3A_5 {offsets = [0, 128], sizes = [1000, 128], strides = [1, 1]} : vector<1000x512xf32> to vector<1000x128xf32>
    %mul3A_162 = vector.broadcast %get3A_160 : f32 to vector<1000x128xf32>
    %mul3A_163 = arith.mulf %mul3A_162, %slice3A_161 : vector<1000x128xf32>
    %add3A_164 = arith.addf %mul3A_157, %mul3A_163 : vector<1000x128xf32>
    %get3A_165 = arith.constant 5 : index
    %get3A_166 = arith.constant 2 : index
    %get3A_167 = memref.load %arg3[%get3A_165, %get3A_166] : memref<16x4xf32, #tpu.memory_space<smem>>
    %slice3A_168 = vector.extract_strided_slice %dot_general3A_5 {offsets = [0, 256], sizes = [1000, 128], strides = [1, 1]} : vector<1000x512xf32> to vector<1000x128xf32>
    %mul3A_169 = vector.broadcast %get3A_167 : f32 to vector<1000x128xf32>
    %mul3A_170 = arith.mulf %mul3A_169, %slice3A_168 : vector<1000x128xf32>
    %add3A_171 = arith.addf %add3A_164, %mul3A_170 : vector<1000x128xf32>
    %get3A_172 = arith.constant 5 : index
    %get3A_173 = arith.constant 3 : index
    %get3A_174 = memref.load %arg3[%get3A_172, %get3A_173] : memref<16x4xf32, #tpu.memory_space<smem>>
    %slice3A_175 = vector.extract_strided_slice %dot_general3A_5 {offsets = [0, 384], sizes = [1000, 128], strides = [1, 1]} : vector<1000x512xf32> to vector<1000x128xf32>
    %mul3A_176 = vector.broadcast %get3A_174 : f32 to vector<1000x128xf32>
    %mul3A_177 = arith.mulf %mul3A_176, %slice3A_175 : vector<1000x128xf32>
    %add3A_178 = arith.addf %add3A_171, %mul3A_177 : vector<1000x128xf32>
    %swap3A_179 = arith.constant 0 : index
    %swap3A_180 = arith.constant 640 : index
    %swap3A_181 = vector.load %arg4[%swap3A_179, %swap3A_180] : memref<1000x2048xf32, #tpu.memory_space<vmem>>, vector<1000x128xf32>
    tpu.vector_store %arg4[%swap3A_179, %swap3A_180], %add3A_178 {strides = array<i32>} : memref<1000x2048xf32, #tpu.memory_space<vmem>>, vector<1000x128xf32>,
    %get3A_182 = arith.constant 6 : index
    %get3A_183 = arith.constant 0 : index
    %get3A_184 = memref.load %arg3[%get3A_182, %get3A_183] : memref<16x4xf32, #tpu.memory_space<smem>>
    %slice3A_185 = vector.extract_strided_slice %dot_general3A_5 {offsets = [0, 0], sizes = [1000, 128], strides = [1, 1]} : vector<1000x512xf32> to vector<1000x128xf32>
    %mul3A_186 = vector.broadcast %get3A_184 : f32 to vector<1000x128xf32>
    %mul3A_187 = arith.mulf %mul3A_186, %slice3A_185 : vector<1000x128xf32>
    %get3A_188 = arith.constant 6 : index
    %get3A_189 = arith.constant 1 : index
    %get3A_190 = memref.load %arg3[%get3A_188, %get3A_189] : memref<16x4xf32, #tpu.memory_space<smem>>
    %slice3A_191 = vector.extract_strided_slice %dot_general3A_5 {offsets = [0, 128], sizes = [1000, 128], strides = [1, 1]} : vector<1000x512xf32> to vector<1000x128xf32>
    %mul3A_192 = vector.broadcast %get3A_190 : f32 to vector<1000x128xf32>
    %mul3A_193 = arith.mulf %mul3A_192, %slice3A_191 : vector<1000x128xf32>
    %add3A_194 = arith.addf %mul3A_187, %mul3A_193 : vector<1000x128xf32>
    %get3A_195 = arith.constant 6 : index
    %get3A_196 = arith.constant 2 : index
    %get3A_197 = memref.load %arg3[%get3A_195, %get3A_196] : memref<16x4xf32, #tpu.memory_space<smem>>
    %slice3A_198 = vector.extract_strided_slice %dot_general3A_5 {offsets = [0, 256], sizes = [1000, 128], strides = [1, 1]} : vector<1000x512xf32> to vector<1000x128xf32>
    %mul3A_199 = vector.broadcast %get3A_197 : f32 to vector<1000x128xf32>
    %mul3A_200 = arith.mulf %mul3A_199, %slice3A_198 : vector<1000x128xf32>
    %add3A_201 = arith.addf %add3A_194, %mul3A_200 : vector<1000x128xf32>
    %get3A_202 = arith.constant 6 : index
    %get3A_203 = arith.constant 3 : index
    %get3A_204 = memref.load %arg3[%get3A_202, %get3A_203] : memref<16x4xf32, #tpu.memory_space<smem>>
    %slice3A_205 = vector.extract_strided_slice %dot_general3A_5 {offsets = [0, 384], sizes = [1000, 128], strides = [1, 1]} : vector<1000x512xf32> to vector<1000x128xf32>
    %mul3A_206 = vector.broadcast %get3A_204 : f32 to vector<1000x128xf32>
    %mul3A_207 = arith.mulf %mul3A_206, %slice3A_205 : vector<1000x128xf32>
    %add3A_208 = arith.addf %add3A_201, %mul3A_207 : vector<1000x128xf32>
    %swap3A_209 = arith.constant 0 : index
    %swap3A_210 = arith.constant 768 : index
    %swap3A_211 = vector.load %arg4[%swap3A_209, %swap3A_210] : memref<1000x2048xf32, #tpu.memory_space<vmem>>, vector<1000x128xf32>
    tpu.vector_store %arg4[%swap3A_209, %swap3A_210], %add3A_208 {strides = array<i32>} : memref<1000x2048xf32, #tpu.memory_space<vmem>>, vector<1000x128xf32>,
    %get3A_212 = arith.constant 7 : index
    %get3A_213 = arith.constant 0 : index
    %get3A_214 = memref.load %arg3[%get3A_212, %get3A_213] : memref<16x4xf32, #tpu.memory_space<smem>>
    %slice3A_215 = vector.extract_strided_slice %dot_general3A_5 {offsets = [0, 0], sizes = [1000, 128], strides = [1, 1]} : vector<1000x512xf32> to vector<1000x128xf32>
    %mul3A_216 = vector.broadcast %get3A_214 : f32 to vector<1000x128xf32>
    %mul3A_217 = arith.mulf %mul3A_216, %slice3A_215 : vector<1000x128xf32>
    %get3A_218 = arith.constant 7 : index
    %get3A_219 = arith.constant 1 : index
    %get3A_220 = memref.load %arg3[%get3A_218, %get3A_219] : memref<16x4xf32, #tpu.memory_space<smem>>
    %slice3A_221 = vector.extract_strided_slice %dot_general3A_5 {offsets = [0, 128], sizes = [1000, 128], strides = [1, 1]} : vector<1000x512xf32> to vector<1000x128xf32>
    %mul3A_222 = vector.broadcast %get3A_220 : f32 to vector<1000x128xf32>
    %mul3A_223 = arith.mulf %mul3A_222, %slice3A_221 : vector<1000x128xf32>
    %add3A_224 = arith.addf %mul3A_217, %mul3A_223 : vector<1000x128xf32>
    %get3A_225 = arith.constant 7 : index
    %get3A_226 = arith.constant 2 : index
    %get3A_227 = memref.load %arg3[%get3A_225, %get3A_226] : memref<16x4xf32, #tpu.memory_space<smem>>
    %slice3A_228 = vector.extract_strided_slice %dot_general3A_5 {offsets = [0, 256], sizes = [1000, 128], strides = [1, 1]} : vector<1000x512xf32> to vector<1000x128xf32>
    %mul3A_229 = vector.broadcast %get3A_227 : f32 to vector<1000x128xf32>
    %mul3A_230 = arith.mulf %mul3A_229, %slice3A_228 : vector<1000x128xf32>
    %add3A_231 = arith.addf %add3A_224, %mul3A_230 : vector<1000x128xf32>
    %get3A_232 = arith.constant 7 : index
    %get3A_233 = arith.constant 3 : index
    %get3A_234 = memref.load %arg3[%get3A_232, %get3A_233] : memref<16x4xf32, #tpu.memory_space<smem>>
    %slice3A_235 = vector.extract_strided_slice %dot_general3A_5 {offsets = [0, 384], sizes = [1000, 128], strides = [1, 1]} : vector<1000x512xf32> to vector<1000x128xf32>
    %mul3A_236 = vector.broadcast %get3A_234 : f32 to vector<1000x128xf32>
    %mul3A_237 = arith.mulf %mul3A_236, %slice3A_235 : vector<1000x128xf32>
    %add3A_238 = arith.addf %add3A_231, %mul3A_237 : vector<1000x128xf32>
    %swap3A_239 = arith.constant 0 : index
    %swap3A_240 = arith.constant 896 : index
    %swap3A_241 = vector.load %arg4[%swap3A_239, %swap3A_240] : memref<1000x2048xf32, #tpu.memory_space<vmem>>, vector<1000x128xf32>
    tpu.vector_store %arg4[%swap3A_239, %swap3A_240], %add3A_238 {strides = array<i32>} : memref<1000x2048xf32, #tpu.memory_space<vmem>>, vector<1000x128xf32>,
    %get3A_242 = arith.constant 8 : index
    %get3A_243 = arith.constant 0 : index
    %get3A_244 = memref.load %arg3[%get3A_242, %get3A_243] : memref<16x4xf32, #tpu.memory_space<smem>>
    %slice3A_245 = vector.extract_strided_slice %dot_general3A_5 {offsets = [0, 0], sizes = [1000, 128], strides = [1, 1]} : vector<1000x512xf32> to vector<1000x128xf32>
    %mul3A_246 = vector.broadcast %get3A_244 : f32 to vector<1000x128xf32>
    %mul3A_247 = arith.mulf %mul3A_246, %slice3A_245 : vector<1000x128xf32>
    %get3A_248 = arith.constant 8 : index
    %get3A_249 = arith.constant 1 : index
    %get3A_250 = memref.load %arg3[%get3A_248, %get3A_249] : memref<16x4xf32, #tpu.memory_space<smem>>
    %slice3A_251 = vector.extract_strided_slice %dot_general3A_5 {offsets = [0, 128], sizes = [1000, 128], strides = [1, 1]} : vector<1000x512xf32> to vector<1000x128xf32>
    %mul3A_252 = vector.broadcast %get3A_250 : f32 to vector<1000x128xf32>
    %mul3A_253 = arith.mulf %mul3A_252, %slice3A_251 : vector<1000x128xf32>
    %add3A_254 = arith.addf %mul3A_247, %mul3A_253 : vector<1000x128xf32>
    %get3A_255 = arith.constant 8 : index
    %get3A_256 = arith.constant 2 : index
    %get3A_257 = memref.load %arg3[%get3A_255, %get3A_256] : memref<16x4xf32, #tpu.memory_space<smem>>
    %slice3A_258 = vector.extract_strided_slice %dot_general3A_5 {offsets = [0, 256], sizes = [1000, 128], strides = [1, 1]} : vector<1000x512xf32> to vector<1000x128xf32>
    %mul3A_259 = vector.broadcast %get3A_257 : f32 to vector<1000x128xf32>
    %mul3A_260 = arith.mulf %mul3A_259, %slice3A_258 : vector<1000x128xf32>
    %add3A_261 = arith.addf %add3A_254, %mul3A_260 : vector<1000x128xf32>
    %get3A_262 = arith.constant 8 : index
    %get3A_263 = arith.constant 3 : index
    %get3A_264 = memref.load %arg3[%get3A_262, %get3A_263] : memref<16x4xf32, #tpu.memory_space<smem>>
    %slice3A_265 = vector.extract_strided_slice %dot_general3A_5 {offsets = [0, 384], sizes = [1000, 128], strides = [1, 1]} : vector<1000x512xf32> to vector<1000x128xf32>
    %mul3A_266 = vector.broadcast %get3A_264 : f32 to vector<1000x128xf32>
    %mul3A_267 = arith.mulf %mul3A_266, %slice3A_265 : vector<1000x128xf32>
    %add3A_268 = arith.addf %add3A_261, %mul3A_267 : vector<1000x128xf32>
    %swap3A_269 = arith.constant 0 : index
    %swap3A_270 = arith.constant 1024 : index
    %swap3A_271 = vector.load %arg4[%swap3A_269, %swap3A_270] : memref<1000x2048xf32, #tpu.memory_space<vmem>>, vector<1000x128xf32>
    tpu.vector_store %arg4[%swap3A_269, %swap3A_270], %add3A_268 {strides = array<i32>} : memref<1000x2048xf32, #tpu.memory_space<vmem>>, vector<1000x128xf32>,
    %get3A_272 = arith.constant 9 : index
    %get3A_273 = arith.constant 0 : index
    %get3A_274 = memref.load %arg3[%get3A_272, %get3A_273] : memref<16x4xf32, #tpu.memory_space<smem>>
    %slice3A_275 = vector.extract_strided_slice %dot_general3A_5 {offsets = [0, 0], sizes = [1000, 128], strides = [1, 1]} : vector<1000x512xf32> to vector<1000x128xf32>
    %mul3A_276 = vector.broadcast %get3A_274 : f32 to vector<1000x128xf32>
    %mul3A_277 = arith.mulf %mul3A_276, %slice3A_275 : vector<1000x128xf32>
    %get3A_278 = arith.constant 9 : index
    %get3A_279 = arith.constant 1 : index
    %get3A_280 = memref.load %arg3[%get3A_278, %get3A_279] : memref<16x4xf32, #tpu.memory_space<smem>>
    %slice3A_281 = vector.extract_strided_slice %dot_general3A_5 {offsets = [0, 128], sizes = [1000, 128], strides = [1, 1]} : vector<1000x512xf32> to vector<1000x128xf32>
    %mul3A_282 = vector.broadcast %get3A_280 : f32 to vector<1000x128xf32>
    %mul3A_283 = arith.mulf %mul3A_282, %slice3A_281 : vector<1000x128xf32>
    %add3A_284 = arith.addf %mul3A_277, %mul3A_283 : vector<1000x128xf32>
    %get3A_285 = arith.constant 9 : index
    %get3A_286 = arith.constant 2 : index
    %get3A_287 = memref.load %arg3[%get3A_285, %get3A_286] : memref<16x4xf32, #tpu.memory_space<smem>>
    %slice3A_288 = vector.extract_strided_slice %dot_general3A_5 {offsets = [0, 256], sizes = [1000, 128], strides = [1, 1]} : vector<1000x512xf32> to vector<1000x128xf32>
    %mul3A_289 = vector.broadcast %get3A_287 : f32 to vector<1000x128xf32>
    %mul3A_290 = arith.mulf %mul3A_289, %slice3A_288 : vector<1000x128xf32>
    %add3A_291 = arith.addf %add3A_284, %mul3A_290 : vector<1000x128xf32>
    %get3A_292 = arith.constant 9 : index
    %get3A_293 = arith.constant 3 : index
    %get3A_294 = memref.load %arg3[%get3A_292, %get3A_293] : memref<16x4xf32, #tpu.memory_space<smem>>
    %slice3A_295 = vector.extract_strided_slice %dot_general3A_5 {offsets = [0, 384], sizes = [1000, 128], strides = [1, 1]} : vector<1000x512xf32> to vector<1000x128xf32>
    %mul3A_296 = vector.broadcast %get3A_294 : f32 to vector<1000x128xf32>
    %mul3A_297 = arith.mulf %mul3A_296, %slice3A_295 : vector<1000x128xf32>
    %add3A_298 = arith.addf %add3A_291, %mul3A_297 : vector<1000x128xf32>
    %swap3A_299 = arith.constant 0 : index
    %swap3A_300 = arith.constant 1152 : index
    %swap3A_301 = vector.load %arg4[%swap3A_299, %swap3A_300] : memref<1000x2048xf32, #tpu.memory_space<vmem>>, vector<1000x128xf32>
    tpu.vector_store %arg4[%swap3A_299, %swap3A_300], %add3A_298 {strides = array<i32>} : memref<1000x2048xf32, #tpu.memory_space<vmem>>, vector<1000x128xf32>,
    %get3A_302 = arith.constant 10 : index
    %get3A_303 = arith.constant 0 : index
    %get3A_304 = memref.load %arg3[%get3A_302, %get3A_303] : memref<16x4xf32, #tpu.memory_space<smem>>
    %slice3A_305 = vector.extract_strided_slice %dot_general3A_5 {offsets = [0, 0], sizes = [1000, 128], strides = [1, 1]} : vector<1000x512xf32> to vector<1000x128xf32>
    %mul3A_306 = vector.broadcast %get3A_304 : f32 to vector<1000x128xf32>
    %mul3A_307 = arith.mulf %mul3A_306, %slice3A_305 : vector<1000x128xf32>
    %get3A_308 = arith.constant 10 : index
    %get3A_309 = arith.constant 1 : index
    %get3A_310 = memref.load %arg3[%get3A_308, %get3A_309] : memref<16x4xf32, #tpu.memory_space<smem>>
    %slice3A_311 = vector.extract_strided_slice %dot_general3A_5 {offsets = [0, 128], sizes = [1000, 128], strides = [1, 1]} : vector<1000x512xf32> to vector<1000x128xf32>
    %mul3A_312 = vector.broadcast %get3A_310 : f32 to vector<1000x128xf32>
    %mul3A_313 = arith.mulf %mul3A_312, %slice3A_311 : vector<1000x128xf32>
    %add3A_314 = arith.addf %mul3A_307, %mul3A_313 : vector<1000x128xf32>
    %get3A_315 = arith.constant 10 : index
    %get3A_316 = arith.constant 2 : index
    %get3A_317 = memref.load %arg3[%get3A_315, %get3A_316] : memref<16x4xf32, #tpu.memory_space<smem>>
    %slice3A_318 = vector.extract_strided_slice %dot_general3A_5 {offsets = [0, 256], sizes = [1000, 128], strides = [1, 1]} : vector<1000x512xf32> to vector<1000x128xf32>
    %mul3A_319 = vector.broadcast %get3A_317 : f32 to vector<1000x128xf32>
    %mul3A_320 = arith.mulf %mul3A_319, %slice3A_318 : vector<1000x128xf32>
    %add3A_321 = arith.addf %add3A_314, %mul3A_320 : vector<1000x128xf32>
    %get3A_322 = arith.constant 10 : index
    %get3A_323 = arith.constant 3 : index
    %get3A_324 = memref.load %arg3[%get3A_322, %get3A_323] : memref<16x4xf32, #tpu.memory_space<smem>>
    %slice3A_325 = vector.extract_strided_slice %dot_general3A_5 {offsets = [0, 384], sizes = [1000, 128], strides = [1, 1]} : vector<1000x512xf32> to vector<1000x128xf32>
    %mul3A_326 = vector.broadcast %get3A_324 : f32 to vector<1000x128xf32>
    %mul3A_327 = arith.mulf %mul3A_326, %slice3A_325 : vector<1000x128xf32>
    %add3A_328 = arith.addf %add3A_321, %mul3A_327 : vector<1000x128xf32>
    %swap3A_329 = arith.constant 0 : index
    %swap3A_330 = arith.constant 1280 : index
    %swap3A_331 = vector.load %arg4[%swap3A_329, %swap3A_330] : memref<1000x2048xf32, #tpu.memory_space<vmem>>, vector<1000x128xf32>
    tpu.vector_store %arg4[%swap3A_329, %swap3A_330], %add3A_328 {strides = array<i32>} : memref<1000x2048xf32, #tpu.memory_space<vmem>>, vector<1000x128xf32>,
    %get3A_332 = arith.constant 11 : index
    %get3A_333 = arith.constant 0 : index
    %get3A_334 = memref.load %arg3[%get3A_332, %get3A_333] : memref<16x4xf32, #tpu.memory_space<smem>>
    %slice3A_335 = vector.extract_strided_slice %dot_general3A_5 {offsets = [0, 0], sizes = [1000, 128], strides = [1, 1]} : vector<1000x512xf32> to vector<1000x128xf32>
    %mul3A_336 = vector.broadcast %get3A_334 : f32 to vector<1000x128xf32>
    %mul3A_337 = arith.mulf %mul3A_336, %slice3A_335 : vector<1000x128xf32>
    %get3A_338 = arith.constant 11 : index
    %get3A_339 = arith.constant 1 : index
    %get3A_340 = memref.load %arg3[%get3A_338, %get3A_339] : memref<16x4xf32, #tpu.memory_space<smem>>
    %slice3A_341 = vector.extract_strided_slice %dot_general3A_5 {offsets = [0, 128], sizes = [1000, 128], strides = [1, 1]} : vector<1000x512xf32> to vector<1000x128xf32>
    %mul3A_342 = vector.broadcast %get3A_340 : f32 to vector<1000x128xf32>
    %mul3A_343 = arith.mulf %mul3A_342, %slice3A_341 : vector<1000x128xf32>
    %add3A_344 = arith.addf %mul3A_337, %mul3A_343 : vector<1000x128xf32>
    %get3A_345 = arith.constant 11 : index
    %get3A_346 = arith.constant 2 : index
    %get3A_347 = memref.load %arg3[%get3A_345, %get3A_346] : memref<16x4xf32, #tpu.memory_space<smem>>
    %slice3A_348 = vector.extract_strided_slice %dot_general3A_5 {offsets = [0, 256], sizes = [1000, 128], strides = [1, 1]} : vector<1000x512xf32> to vector<1000x128xf32>
    %mul3A_349 = vector.broadcast %get3A_347 : f32 to vector<1000x128xf32>
    %mul3A_350 = arith.mulf %mul3A_349, %slice3A_348 : vector<1000x128xf32>
    %add3A_351 = arith.addf %add3A_344, %mul3A_350 : vector<1000x128xf32>
    %get3A_352 = arith.constant 11 : index
    %get3A_353 = arith.constant 3 : index
    %get3A_354 = memref.load %arg3[%get3A_352, %get3A_353] : memref<16x4xf32, #tpu.memory_space<smem>>
    %slice3A_355 = vector.extract_strided_slice %dot_general3A_5 {offsets = [0, 384], sizes = [1000, 128], strides = [1, 1]} : vector<1000x512xf32> to vector<1000x128xf32>
    %mul3A_356 = vector.broadcast %get3A_354 : f32 to vector<1000x128xf32>
    %mul3A_357 = arith.mulf %mul3A_356, %slice3A_355 : vector<1000x128xf32>
    %add3A_358 = arith.addf %add3A_351, %mul3A_357 : vector<1000x128xf32>
    %swap3A_359 = arith.constant 0 : index
    %swap3A_360 = arith.constant 1408 : index
    %swap3A_361 = vector.load %arg4[%swap3A_359, %swap3A_360] : memref<1000x2048xf32, #tpu.memory_space<vmem>>, vector<1000x128xf32>
    tpu.vector_store %arg4[%swap3A_359, %swap3A_360], %add3A_358 {strides = array<i32>} : memref<1000x2048xf32, #tpu.memory_space<vmem>>, vector<1000x128xf32>,
    %get3A_362 = arith.constant 12 : index
    %get3A_363 = arith.constant 0 : index
    %get3A_364 = memref.load %arg3[%get3A_362, %get3A_363] : memref<16x4xf32, #tpu.memory_space<smem>>
    %slice3A_365 = vector.extract_strided_slice %dot_general3A_5 {offsets = [0, 0], sizes = [1000, 128], strides = [1, 1]} : vector<1000x512xf32> to vector<1000x128xf32>
    %mul3A_366 = vector.broadcast %get3A_364 : f32 to vector<1000x128xf32>
    %mul3A_367 = arith.mulf %mul3A_366, %slice3A_365 : vector<1000x128xf32>
    %get3A_368 = arith.constant 12 : index
    %get3A_369 = arith.constant 1 : index
    %get3A_370 = memref.load %arg3[%get3A_368, %get3A_369] : memref<16x4xf32, #tpu.memory_space<smem>>
    %slice3A_371 = vector.extract_strided_slice %dot_general3A_5 {offsets = [0, 128], sizes = [1000, 128], strides = [1, 1]} : vector<1000x512xf32> to vector<1000x128xf32>
    %mul3A_372 = vector.broadcast %get3A_370 : f32 to vector<1000x128xf32>
    %mul3A_373 = arith.mulf %mul3A_372, %slice3A_371 : vector<1000x128xf32>
    %add3A_374 = arith.addf %mul3A_367, %mul3A_373 : vector<1000x128xf32>
    %get3A_375 = arith.constant 12 : index
    %get3A_376 = arith.constant 2 : index
    %get3A_377 = memref.load %arg3[%get3A_375, %get3A_376] : memref<16x4xf32, #tpu.memory_space<smem>>
    %slice3A_378 = vector.extract_strided_slice %dot_general3A_5 {offsets = [0, 256], sizes = [1000, 128], strides = [1, 1]} : vector<1000x512xf32> to vector<1000x128xf32>
    %mul3A_379 = vector.broadcast %get3A_377 : f32 to vector<1000x128xf32>
    %mul3A_380 = arith.mulf %mul3A_379, %slice3A_378 : vector<1000x128xf32>
    %add3A_381 = arith.addf %add3A_374, %mul3A_380 : vector<1000x128xf32>
    %get3A_382 = arith.constant 12 : index
    %get3A_383 = arith.constant 3 : index
    %get3A_384 = memref.load %arg3[%get3A_382, %get3A_383] : memref<16x4xf32, #tpu.memory_space<smem>>
    %slice3A_385 = vector.extract_strided_slice %dot_general3A_5 {offsets = [0, 384], sizes = [1000, 128], strides = [1, 1]} : vector<1000x512xf32> to vector<1000x128xf32>
    %mul3A_386 = vector.broadcast %get3A_384 : f32 to vector<1000x128xf32>
    %mul3A_387 = arith.mulf %mul3A_386, %slice3A_385 : vector<1000x128xf32>
    %add3A_388 = arith.addf %add3A_381, %mul3A_387 : vector<1000x128xf32>
    %swap3A_389 = arith.constant 0 : index
    %swap3A_390 = arith.constant 1536 : index
    %swap3A_391 = vector.load %arg4[%swap3A_389, %swap3A_390] : memref<1000x2048xf32, #tpu.memory_space<vmem>>, vector<1000x128xf32>
    tpu.vector_store %arg4[%swap3A_389, %swap3A_390], %add3A_388 {strides = array<i32>} : memref<1000x2048xf32, #tpu.memory_space<vmem>>, vector<1000x128xf32>,
    %get3A_392 = arith.constant 13 : index
    %get3A_393 = arith.constant 0 : index
    %get3A_394 = memref.load %arg3[%get3A_392, %get3A_393] : memref<16x4xf32, #tpu.memory_space<smem>>
    %slice3A_395 = vector.extract_strided_slice %dot_general3A_5 {offsets = [0, 0], sizes = [1000, 128], strides = [1, 1]} : vector<1000x512xf32> to vector<1000x128xf32>
    %mul3A_396 = vector.broadcast %get3A_394 : f32 to vector<1000x128xf32>
    %mul3A_397 = arith.mulf %mul3A_396, %slice3A_395 : vector<1000x128xf32>
    %get3A_398 = arith.constant 13 : index
    %get3A_399 = arith.constant 1 : index
    %get3A_400 = memref.load %arg3[%get3A_398, %get3A_399] : memref<16x4xf32, #tpu.memory_space<smem>>
    %slice3A_401 = vector.extract_strided_slice %dot_general3A_5 {offsets = [0, 128], sizes = [1000, 128], strides = [1, 1]} : vector<1000x512xf32> to vector<1000x128xf32>
    %mul3A_402 = vector.broadcast %get3A_400 : f32 to vector<1000x128xf32>
    %mul3A_403 = arith.mulf %mul3A_402, %slice3A_401 : vector<1000x128xf32>
    %add3A_404 = arith.addf %mul3A_397, %mul3A_403 : vector<1000x128xf32>
    %get3A_405 = arith.constant 13 : index
    %get3A_406 = arith.constant 2 : index
    %get3A_407 = memref.load %arg3[%get3A_405, %get3A_406] : memref<16x4xf32, #tpu.memory_space<smem>>
    %slice3A_408 = vector.extract_strided_slice %dot_general3A_5 {offsets = [0, 256], sizes = [1000, 128], strides = [1, 1]} : vector<1000x512xf32> to vector<1000x128xf32>
    %mul3A_409 = vector.broadcast %get3A_407 : f32 to vector<1000x128xf32>
    %mul3A_410 = arith.mulf %mul3A_409, %slice3A_408 : vector<1000x128xf32>
    %add3A_411 = arith.addf %add3A_404, %mul3A_410 : vector<1000x128xf32>
    %get3A_412 = arith.constant 13 : index
    %get3A_413 = arith.constant 3 : index
    %get3A_414 = memref.load %arg3[%get3A_412, %get3A_413] : memref<16x4xf32, #tpu.memory_space<smem>>
    %slice3A_415 = vector.extract_strided_slice %dot_general3A_5 {offsets = [0, 384], sizes = [1000, 128], strides = [1, 1]} : vector<1000x512xf32> to vector<1000x128xf32>
    %mul3A_416 = vector.broadcast %get3A_414 : f32 to vector<1000x128xf32>
    %mul3A_417 = arith.mulf %mul3A_416, %slice3A_415 : vector<1000x128xf32>
    %add3A_418 = arith.addf %add3A_411, %mul3A_417 : vector<1000x128xf32>
    %swap3A_419 = arith.constant 0 : index
    %swap3A_420 = arith.constant 1664 : index
    %swap3A_421 = vector.load %arg4[%swap3A_419, %swap3A_420] : memref<1000x2048xf32, #tpu.memory_space<vmem>>, vector<1000x128xf32>
    tpu.vector_store %arg4[%swap3A_419, %swap3A_420], %add3A_418 {strides = array<i32>} : memref<1000x2048xf32, #tpu.memory_space<vmem>>, vector<1000x128xf32>,
    %get3A_422 = arith.constant 14 : index
    %get3A_423 = arith.constant 0 : index
    %get3A_424 = memref.load %arg3[%get3A_422, %get3A_423] : memref<16x4xf32, #tpu.memory_space<smem>>
    %slice3A_425 = vector.extract_strided_slice %dot_general3A_5 {offsets = [0, 0], sizes = [1000, 128], strides = [1, 1]} : vector<1000x512xf32> to vector<1000x128xf32>
    %mul3A_426 = vector.broadcast %get3A_424 : f32 to vector<1000x128xf32>
    %mul3A_427 = arith.mulf %mul3A_426, %slice3A_425 : vector<1000x128xf32>
    %get3A_428 = arith.constant 14 : index
    %get3A_429 = arith.constant 1 : index
    %get3A_430 = memref.load %arg3[%get3A_428, %get3A_429] : memref<16x4xf32, #tpu.memory_space<smem>>
    %slice3A_431 = vector.extract_strided_slice %dot_general3A_5 {offsets = [0, 128], sizes = [1000, 128], strides = [1, 1]} : vector<1000x512xf32> to vector<1000x128xf32>
    %mul3A_432 = vector.broadcast %get3A_430 : f32 to vector<1000x128xf32>
    %mul3A_433 = arith.mulf %mul3A_432, %slice3A_431 : vector<1000x128xf32>
    %add3A_434 = arith.addf %mul3A_427, %mul3A_433 : vector<1000x128xf32>
    %get3A_435 = arith.constant 14 : index
    %get3A_436 = arith.constant 2 : index
    %get3A_437 = memref.load %arg3[%get3A_435, %get3A_436] : memref<16x4xf32, #tpu.memory_space<smem>>
    %slice3A_438 = vector.extract_strided_slice %dot_general3A_5 {offsets = [0, 256], sizes = [1000, 128], strides = [1, 1]} : vector<1000x512xf32> to vector<1000x128xf32>
    %mul3A_439 = vector.broadcast %get3A_437 : f32 to vector<1000x128xf32>
    %mul3A_440 = arith.mulf %mul3A_439, %slice3A_438 : vector<1000x128xf32>
    %add3A_441 = arith.addf %add3A_434, %mul3A_440 : vector<1000x128xf32>
    %get3A_442 = arith.constant 14 : index
    %get3A_443 = arith.constant 3 : index
    %get3A_444 = memref.load %arg3[%get3A_442, %get3A_443] : memref<16x4xf32, #tpu.memory_space<smem>>
    %slice3A_445 = vector.extract_strided_slice %dot_general3A_5 {offsets = [0, 384], sizes = [1000, 128], strides = [1, 1]} : vector<1000x512xf32> to vector<1000x128xf32>
    %mul3A_446 = vector.broadcast %get3A_444 : f32 to vector<1000x128xf32>
    %mul3A_447 = arith.mulf %mul3A_446, %slice3A_445 : vector<1000x128xf32>
    %add3A_448 = arith.addf %add3A_441, %mul3A_447 : vector<1000x128xf32>
    %swap3A_449 = arith.constant 0 : index
    %swap3A_450 = arith.constant 1792 : index
    %swap3A_451 = vector.load %arg4[%swap3A_449, %swap3A_450] : memref<1000x2048xf32, #tpu.memory_space<vmem>>, vector<1000x128xf32>
    tpu.vector_store %arg4[%swap3A_449, %swap3A_450], %add3A_448 {strides = array<i32>} : memref<1000x2048xf32, #tpu.memory_space<vmem>>, vector<1000x128xf32>,
    %get3A_452 = arith.constant 15 : index
    %get3A_453 = arith.constant 0 : index
    %get3A_454 = memref.load %arg3[%get3A_452, %get3A_453] : memref<16x4xf32, #tpu.memory_space<smem>>
    %slice3A_455 = vector.extract_strided_slice %dot_general3A_5 {offsets = [0, 0], sizes = [1000, 128], strides = [1, 1]} : vector<1000x512xf32> to vector<1000x128xf32>
    %mul3A_456 = vector.broadcast %get3A_454 : f32 to vector<1000x128xf32>
    %mul3A_457 = arith.mulf %mul3A_456, %slice3A_455 : vector<1000x128xf32>
    %get3A_458 = arith.constant 15 : index
    %get3A_459 = arith.constant 1 : index
    %get3A_460 = memref.load %arg3[%get3A_458, %get3A_459] : memref<16x4xf32, #tpu.memory_space<smem>>
    %slice3A_461 = vector.extract_strided_slice %dot_general3A_5 {offsets = [0, 128], sizes = [1000, 128], strides = [1, 1]} : vector<1000x512xf32> to vector<1000x128xf32>
    %mul3A_462 = vector.broadcast %get3A_460 : f32 to vector<1000x128xf32>
    %mul3A_463 = arith.mulf %mul3A_462, %slice3A_461 : vector<1000x128xf32>
    %add3A_464 = arith.addf %mul3A_457, %mul3A_463 : vector<1000x128xf32>
    %get3A_465 = arith.constant 15 : index
    %get3A_466 = arith.constant 2 : index
    %get3A_467 = memref.load %arg3[%get3A_465, %get3A_466] : memref<16x4xf32, #tpu.memory_space<smem>>
    %slice3A_468 = vector.extract_strided_slice %dot_general3A_5 {offsets = [0, 256], sizes = [1000, 128], strides = [1, 1]} : vector<1000x512xf32> to vector<1000x128xf32>
    %mul3A_469 = vector.broadcast %get3A_467 : f32 to vector<1000x128xf32>
    %mul3A_470 = arith.mulf %mul3A_469, %slice3A_468 : vector<1000x128xf32>
    %add3A_471 = arith.addf %add3A_464, %mul3A_470 : vector<1000x128xf32>
    %get3A_472 = arith.constant 15 : index
    %get3A_473 = arith.constant 3 : index
    %get3A_474 = memref.load %arg3[%get3A_472, %get3A_473] : memref<16x4xf32, #tpu.memory_space<smem>>
    %slice3A_475 = vector.extract_strided_slice %dot_general3A_5 {offsets = [0, 384], sizes = [1000, 128], strides = [1, 1]} : vector<1000x512xf32> to vector<1000x128xf32>
    %mul3A_476 = vector.broadcast %get3A_474 : f32 to vector<1000x128xf32>
    %mul3A_477 = arith.mulf %mul3A_476, %slice3A_475 : vector<1000x128xf32>
    %add3A_478 = arith.addf %add3A_471, %mul3A_477 : vector<1000x128xf32>
    %swap3A_479 = arith.constant 0 : index
    %swap3A_480 = arith.constant 1920 : index
    %swap3A_481 = vector.load %arg4[%swap3A_479, %swap3A_480] : memref<1000x2048xf32, #tpu.memory_space<vmem>>, vector<1000x128xf32>
    tpu.vector_store %arg4[%swap3A_479, %swap3A_480], %add3A_478 {strides = array<i32>} : memref<1000x2048xf32, #tpu.memory_space<vmem>>, vector<1000x128xf32>,
    return
  }
  func.func @transform_0(%arg0: i32) -> (i32, i32) {
    %c0_i32 = arith.constant 0 : i32
    %c0_i32_0 = arith.constant 0 : i32
    return %arg0, %c0_i32 : i32, i32
  }
  func.func @transform_1(%arg0: i32) -> (i32, i32) {
    %c0_i32 = arith.constant 0 : i32
    %c0_i32_0 = arith.constant 0 : i32
    %c0_i32_1 = arith.constant 0 : i32
    return %c0_i32, %c0_i32_0 : i32, i32
  }
  func.func @transform_2(%arg0: i32) -> (i32, i32) {
    %c0_i32 = arith.constant 0 : i32
    %c0_i32_0 = arith.constant 0 : i32
    %c0_i32_1 = arith.constant 0 : i32
    return %c0_i32, %c0_i32_0 : i32, i32
  }
  func.func @transform_3(%arg0: i32) -> (i32, i32) {
    %c0_i32 = arith.constant 0 : i32
    %c0_i32_0 = arith.constant 0 : i32
    return %arg0, %c0_i32 : i32, i32
  }
}

module attributes {stable_mosaic.version = 14 : i64} {
  func.func @_epi_body(%arg0: i32, %arg1: memref<1000x128xf32, #tpu.memory_space<vmem>>, %arg2: memref<1000x128xf32, #tpu.memory_space<vmem>>, %arg3: memref<1000x128xf32, #tpu.memory_space<vmem>>, %arg4: memref<128x128xf32, #tpu.memory_space<vmem>>, %arg5: memref<1x128xf32, #tpu.memory_space<vmem>>, %arg6: memref<1000x128xf32, #tpu.memory_space<vmem>>) attributes {dimension_semantics = [#tpu.dimension_semantics<arbitrary>], iteration_bounds = array<i64: 10>, scalar_prefetch = 0 : i64, scratch_operands = 0 : i64, tpu.core_type = #tpu.core_type<tc>, window_params = [{transform_indices = @transform_0, window_bounds = array<i64: 1000, 128>}, {transform_indices = @transform_1, window_bounds = array<i64: 1000, 128>}, {transform_indices = @transform_2, window_bounds = array<i64: 1000, 128>}, {pipeline_mode = #tpu.pipeline_mode<synchronous>, transform_indices = @transform_3, window_bounds = array<i64: 128, 128>}, {pipeline_mode = #tpu.pipeline_mode<synchronous>, transform_indices = @transform_4, window_bounds = array<i64: 1, 128>}, {transform_indices = @transform_5, window_bounds = array<i64: 1000, 128>}]} {
    %get3A = arith.constant 0 : index
    %get3A_0 = arith.constant 0 : index
    %get3A_1 = vector.load %arg1[%get3A, %get3A_0] : memref<1000x128xf32, #tpu.memory_space<vmem>>, vector<1000x128xf32>
    %get3A_2 = arith.constant 0 : index
    %get3A_3 = arith.constant 0 : index
    %get3A_4 = vector.load %arg2[%get3A_2, %get3A_3] : memref<1000x128xf32, #tpu.memory_space<vmem>>, vector<1000x128xf32>
    %add3A = arith.addf %get3A_1, %get3A_4 : vector<1000x128xf32>
    %iota3A = tpu.iota {dimensions = array<i32: 1>} : vector<1000x128xi32>
    %eq3A = arith.constant 100 : i32
    %eq3A_5 = vector.broadcast %eq3A : i32 to vector<1000x128xi32>
    %eq3A_6 = arith.cmpi eq, %iota3A, %eq3A_5 : vector<1000x128xi32>
    %jit3A = arith.constant 0.000000e+00 : f32
    %broadcast_in_dim3A = vector.broadcast %jit3A : f32 to vector<1000x128xf32>
    %select_n3A = arith.select %eq3A_6, %add3A, %broadcast_in_dim3A : vector<1000x128xi1>, vector<1000x128xf32>
    %reduce_sum3A = arith.constant dense<0.000000e+00> : vector<1000xf32>
    %reduce_sum3A_7 = vector.multi_reduction <add>, %select_n3A, %reduce_sum3A [1] : vector<1000x128xf32> to vector<1000xf32>
    %broadcast_in_dim3A_8 = vector.shape_cast %reduce_sum3A_7 : vector<1000xf32> to vector<1000x1xf32>
    %max3A = arith.constant 1.000000e+00 : f32
    %max3A_9 = vector.broadcast %max3A : f32 to vector<1000x1xf32>
    %max3A_10 = arith.maximumf %broadcast_in_dim3A_8, %max3A_9 : vector<1000x1xf32>
    %lt3A = arith.constant 100 : i32
    %lt3A_11 = vector.broadcast %lt3A : i32 to vector<1000x128xi32>
    %lt3A_12 = arith.cmpi slt, %iota3A, %lt3A_11 : vector<1000x128xi32>
    %jit3A_13 = arith.constant 0.000000e+00 : f32
    %broadcast_in_dim3A_14 = vector.broadcast %jit3A_13 : f32 to vector<1000x128xf32>
    %select_n3A_15 = arith.select %lt3A_12, %add3A, %broadcast_in_dim3A_14 : vector<1000x128xi1>, vector<1000x128xf32>
    %div3A = vector.broadcast %max3A_10 : vector<1000x1xf32> to vector<1000x128xf32>
    %div3A_16 = arith.divf %select_n3A_15, %div3A : vector<1000x128xf32>
    %get3A_17 = arith.constant 0 : index
    %get3A_18 = arith.constant 0 : index
    %get3A_19 = vector.load %arg3[%get3A_17, %get3A_18] : memref<1000x128xf32, #tpu.memory_space<vmem>>, vector<1000x128xf32>
    %get3A_20 = arith.constant 0 : index
    %get3A_21 = arith.constant 0 : index
    %get3A_22 = vector.load %arg4[%get3A_20, %get3A_21] : memref<128x128xf32, #tpu.memory_space<vmem>>, vector<128x128xf32>
    %dot_general3A = arith.constant dense<0.000000e+00> : vector<1000x128xf32>
    %dot_general3A_23 = tpu.matmul %get3A_19, %get3A_22, %dot_general3A {dimension_numbers = #tpu.dot_dimension_numbers<[1], [0], [0], [1], [0, 0, 1, 1], [], []>, transpose_lhs_hint = false} : vector<1000x128xf32>, vector<128x128xf32>, vector<1000x128xf32> -> vector<1000x128xf32>
    %add3A_24 = arith.addf %div3A_16, %dot_general3A_23 : vector<1000x128xf32>
    %get3A_25 = arith.constant 0 : index
    %get3A_26 = arith.constant 0 : index
    %get3A_27 = vector.load %arg5[%get3A_25, %get3A_26] : memref<1x128xf32, #tpu.memory_space<vmem>>, vector<1x128xf32>
    %add3A_28 = vector.broadcast %get3A_27 : vector<1x128xf32> to vector<1000x128xf32>
    %add3A_29 = arith.addf %add3A_24, %add3A_28 : vector<1000x128xf32>
    %max3A_30 = arith.constant 0.000000e+00 : f32
    %max3A_31 = vector.broadcast %max3A_30 : f32 to vector<1000x128xf32>
    %max3A_32 = arith.maximumf %add3A_29, %max3A_31 : vector<1000x128xf32>
    %swap3A = arith.constant 0 : index
    %swap3A_33 = arith.constant 0 : index
    %swap3A_34 = vector.load %arg6[%swap3A, %swap3A_33] : memref<1000x128xf32, #tpu.memory_space<vmem>>, vector<1000x128xf32>
    tpu.vector_store %arg6[%swap3A, %swap3A_33], %max3A_32 {strides = array<i32>} : memref<1000x128xf32, #tpu.memory_space<vmem>>, vector<1000x128xf32>,
    return
  }
  func.func @transform_0(%arg0: i32) -> (i32, i32) {
    %c0_i32 = arith.constant 0 : i32
    %c0_i32_0 = arith.constant 0 : i32
    return %arg0, %c0_i32 : i32, i32
  }
  func.func @transform_1(%arg0: i32) -> (i32, i32) {
    %c0_i32 = arith.constant 0 : i32
    %c0_i32_0 = arith.constant 0 : i32
    return %arg0, %c0_i32 : i32, i32
  }
  func.func @transform_2(%arg0: i32) -> (i32, i32) {
    %c0_i32 = arith.constant 0 : i32
    %c0_i32_0 = arith.constant 0 : i32
    return %arg0, %c0_i32 : i32, i32
  }
  func.func @transform_3(%arg0: i32) -> (i32, i32) {
    %c0_i32 = arith.constant 0 : i32
    %c0_i32_0 = arith.constant 0 : i32
    %c0_i32_1 = arith.constant 0 : i32
    return %c0_i32, %c0_i32_0 : i32, i32
  }
  func.func @transform_4(%arg0: i32) -> (i32, i32) {
    %c0_i32 = arith.constant 0 : i32
    %c0_i32_0 = arith.constant 0 : i32
    %c0_i32_1 = arith.constant 0 : i32
    return %c0_i32, %c0_i32_0 : i32, i32
  }
  func.func @transform_5(%arg0: i32) -> (i32, i32) {
    %c0_i32 = arith.constant 0 : i32
    %c0_i32_0 = arith.constant 0 : i32
    return %arg0, %c0_i32 : i32, i32
  }
}

module attributes {stable_mosaic.version = 14 : i64} {
  func.func @_epi_body(%arg0: i32, %arg1: memref<1000x128xf32, #tpu.memory_space<vmem>>, %arg2: memref<1000x128xf32, #tpu.memory_space<vmem>>, %arg3: memref<1000x128xf32, #tpu.memory_space<vmem>>, %arg4: memref<128x128xf32, #tpu.memory_space<vmem>>, %arg5: memref<1x128xf32, #tpu.memory_space<vmem>>, %arg6: memref<1000x128xf32, #tpu.memory_space<vmem>>) attributes {dimension_semantics = [#tpu.dimension_semantics<arbitrary>], iteration_bounds = array<i64: 10>, scalar_prefetch = 0 : i64, scratch_operands = 0 : i64, tpu.core_type = #tpu.core_type<tc>, window_params = [{transform_indices = @transform_0, window_bounds = array<i64: 1000, 128>}, {transform_indices = @transform_1, window_bounds = array<i64: 1000, 128>}, {transform_indices = @transform_2, window_bounds = array<i64: 1000, 128>}, {pipeline_mode = #tpu.pipeline_mode<synchronous>, transform_indices = @transform_3, window_bounds = array<i64: 128, 128>}, {pipeline_mode = #tpu.pipeline_mode<synchronous>, transform_indices = @transform_4, window_bounds = array<i64: 1, 128>}, {transform_indices = @transform_5, window_bounds = array<i64: 1000, 128>}]} {
    %get3A = arith.constant 0 : index
    %get3A_0 = arith.constant 0 : index
    %get3A_1 = vector.load %arg1[%get3A, %get3A_0] : memref<1000x128xf32, #tpu.memory_space<vmem>>, vector<1000x128xf32>
    %get3A_2 = arith.constant 0 : index
    %get3A_3 = arith.constant 0 : index
    %get3A_4 = vector.load %arg2[%get3A_2, %get3A_3] : memref<1000x128xf32, #tpu.memory_space<vmem>>, vector<1000x128xf32>
    %add3A = arith.addf %get3A_1, %get3A_4 : vector<1000x128xf32>
    %iota3A = tpu.iota {dimensions = array<i32: 1>} : vector<1000x128xi32>
    %eq3A = arith.constant 100 : i32
    %eq3A_5 = vector.broadcast %eq3A : i32 to vector<1000x128xi32>
    %eq3A_6 = arith.cmpi eq, %iota3A, %eq3A_5 : vector<1000x128xi32>
    %jit3A = arith.constant 0.000000e+00 : f32
    %broadcast_in_dim3A = vector.broadcast %jit3A : f32 to vector<1000x128xf32>
    %select_n3A = arith.select %eq3A_6, %add3A, %broadcast_in_dim3A : vector<1000x128xi1>, vector<1000x128xf32>
    %reduce_sum3A = arith.constant dense<0.000000e+00> : vector<1000xf32>
    %reduce_sum3A_7 = vector.multi_reduction <add>, %select_n3A, %reduce_sum3A [1] : vector<1000x128xf32> to vector<1000xf32>
    %broadcast_in_dim3A_8 = vector.shape_cast %reduce_sum3A_7 : vector<1000xf32> to vector<1000x1xf32>
    %max3A = arith.constant 1.000000e+00 : f32
    %max3A_9 = vector.broadcast %max3A : f32 to vector<1000x1xf32>
    %max3A_10 = arith.maximumf %broadcast_in_dim3A_8, %max3A_9 : vector<1000x1xf32>
    %lt3A = arith.constant 100 : i32
    %lt3A_11 = vector.broadcast %lt3A : i32 to vector<1000x128xi32>
    %lt3A_12 = arith.cmpi slt, %iota3A, %lt3A_11 : vector<1000x128xi32>
    %jit3A_13 = arith.constant 0.000000e+00 : f32
    %broadcast_in_dim3A_14 = vector.broadcast %jit3A_13 : f32 to vector<1000x128xf32>
    %select_n3A_15 = arith.select %lt3A_12, %add3A, %broadcast_in_dim3A_14 : vector<1000x128xi1>, vector<1000x128xf32>
    %div3A = vector.broadcast %max3A_10 : vector<1000x1xf32> to vector<1000x128xf32>
    %div3A_16 = arith.divf %select_n3A_15, %div3A : vector<1000x128xf32>
    %get3A_17 = arith.constant 0 : index
    %get3A_18 = arith.constant 0 : index
    %get3A_19 = vector.load %arg3[%get3A_17, %get3A_18] : memref<1000x128xf32, #tpu.memory_space<vmem>>, vector<1000x128xf32>
    %get3A_20 = arith.constant 0 : index
    %get3A_21 = arith.constant 0 : index
    %get3A_22 = vector.load %arg4[%get3A_20, %get3A_21] : memref<128x128xf32, #tpu.memory_space<vmem>>, vector<128x128xf32>
    %dot_general3A = arith.constant dense<0.000000e+00> : vector<1000x128xf32>
    %dot_general3A_23 = tpu.matmul %get3A_19, %get3A_22, %dot_general3A {dimension_numbers = #tpu.dot_dimension_numbers<[1], [0], [0], [1], [0, 0, 1, 1], [], []>, transpose_lhs_hint = false} : vector<1000x128xf32>, vector<128x128xf32>, vector<1000x128xf32> -> vector<1000x128xf32>
    %add3A_24 = arith.addf %div3A_16, %dot_general3A_23 : vector<1000x128xf32>
    %get3A_25 = arith.constant 0 : index
    %get3A_26 = arith.constant 0 : index
    %get3A_27 = vector.load %arg5[%get3A_25, %get3A_26] : memref<1x128xf32, #tpu.memory_space<vmem>>, vector<1x128xf32>
    %add3A_28 = vector.broadcast %get3A_27 : vector<1x128xf32> to vector<1000x128xf32>
    %add3A_29 = arith.addf %add3A_24, %add3A_28 : vector<1000x128xf32>
    %swap3A = arith.constant 0 : index
    %swap3A_30 = arith.constant 0 : index
    %swap3A_31 = vector.load %arg6[%swap3A, %swap3A_30] : memref<1000x128xf32, #tpu.memory_space<vmem>>, vector<1000x128xf32>
    tpu.vector_store %arg6[%swap3A, %swap3A_30], %add3A_29 {strides = array<i32>} : memref<1000x128xf32, #tpu.memory_space<vmem>>, vector<1000x128xf32>,
    return
  }
  func.func @transform_0(%arg0: i32) -> (i32, i32) {
    %c0_i32 = arith.constant 0 : i32
    %c0_i32_0 = arith.constant 0 : i32
    return %arg0, %c0_i32 : i32, i32
  }
  func.func @transform_1(%arg0: i32) -> (i32, i32) {
    %c0_i32 = arith.constant 0 : i32
    %c0_i32_0 = arith.constant 0 : i32
    return %arg0, %c0_i32 : i32, i32
  }
  func.func @transform_2(%arg0: i32) -> (i32, i32) {
    %c0_i32 = arith.constant 0 : i32
    %c0_i32_0 = arith.constant 0 : i32
    return %arg0, %c0_i32 : i32, i32
  }
  func.func @transform_3(%arg0: i32) -> (i32, i32) {
    %c0_i32 = arith.constant 0 : i32
    %c0_i32_0 = arith.constant 0 : i32
    %c0_i32_1 = arith.constant 0 : i32
    return %c0_i32, %c0_i32_0 : i32, i32
  }
  func.func @transform_4(%arg0: i32) -> (i32, i32) {
    %c0_i32 = arith.constant 0 : i32
    %c0_i32_0 = arith.constant 0 : i32
    %c0_i32_1 = arith.constant 0 : i32
    return %c0_i32, %c0_i32_0 : i32, i32
  }
  func.func @transform_5(%arg0: i32) -> (i32, i32) {
    %c0_i32 = arith.constant 0 : i32
    %c0_i32_0 = arith.constant 0 : i32
    return %arg0, %c0_i32 : i32, i32
  }
}

</mosaic_0001>

<sc_bundles>
// kernel: kernel.11.cloned.1.call-start
scs
__scs_entry_jumppad:
0x0: {  	(pc) =	sbr.rel $0x88, $3  }
0x1: {  	(tag) =	ssettag $0x0;
	lr =	simm.s32 $0x1  }
0x2: {  	[smem:$0x3F95] =	sst lr;
	_ =	strace $0xD0000000  }
0x3: {  	_ = 	snop  }
0x4: {  	_ = 	snop  }
0x5: {  	_ = 	snop  }
0x6: {  	_ = 	snop  }
0x7: {  	_ = 	snop  }
__scs_overlays_trampoline_lowered:
0x8: {  	[smem:$0x3FA4] =	sst s0  }
0x9: {  	[smem:$0x3FA5] =	sst s1  }
0xa: {  	[smem:$0x3FA6] =	sst s2  }
0xb: {  	[smem:$0x3FA7] =	sst s3  }
0xc: {  	[smem:$0x3FA8] =	sst s4  }
0xd: {  	[smem:$0x3FA9] =	sst s5  }
0xe: {  	[smem:$0x3FAA] =	sst s6  }
0xf: {  	[smem:$0x3FAB] =	sst s7  }
0x10: {  	[smem:$0x3FAC] =	sst s8  }
0x11: {  	[smem:$0x3FAD] =	sst s9;
	s0 =	simm.s32 @!p0 $0x0  }
0x12: {  	s1 =	sld [smem:$0x3F93];
	s0 =	simm.s32 @p0 $0x1  }
0x13: {  	[smem:$0x3FAE] =	sst s0;
	s0 =	simm.s32 @!p1 $0x0  }
0x14: {  	s2 =	sld [smem:$0x3F92];
	s0 =	simm.s32 @p1 $0x1  }
0x15: {  	[smem:$0x3FAF] =	sst s0;
	s0 =	simm.s32 @!p2 $0x0  }
0x16: {  	s3 =	sld [smem:$0x3FDB];
	s0 =	simm.s32 @p2 $0x1  }
0x17: {  	s4 =	simm.s32 $0x1BF5;
	[smem:$0x3FB1] =	sst s0  }
0x18: {  	s0 =	sld [smem:$0x3F94];
	_ =	swait.ge [sflag:s4], $0x0  }
0x19: {  	s7 =	sld [smem:$0x3F95]  }
0x1a: {  	s8 =	sadd.s32 $0xFFFFE003, lr  }
0x1b: {  	s9 =	sadd.s32 $0xFFFFFEF7, lr;
	s5 =	simm.s32 $0xFFFFFFFF;
	p2 =	slt.u32 s8, $0xFFFFF086  }
0x1c: {  	p1 =	slt.u32 s9, $0xF7A;
	s5 =	simm.s32 @!p2 $0x0  }
0x1d: {  	s5 =	simm.s32 @p1 $0x1;
	p0 =	seq.s32 s7, s2  }
0x1e: {  	s7 =	smul.u32 @!p0 $0xF7A, s2;
	p2 =	seq.s32 @!p0 s5, $0x0  }
0x1f: {  	s9 =	smul.u32 $0xF7A, s1;
	s8 =	simm.s32 @!p0 $0x1BF5;
	p2 =	por !p2, p0  }
0x20: {  	[sflag:s8] =	ssyncset.s32 @!p0 $0xFFFFF086;
	s6 =	sadd.s32 @!p0 s3, s7;
	s7 =	simm.s32 @!p0 $0x108  }
0x21: {  	s3 =	sadd.s32 s3, s9;
	s6 =	sadd.s32 @!p0 $0x88, s6;
	s7 =	simm.s32 @p2 $0x1082  }
0x22: {  	[simem:s7], [sflag:s8] =	dma.local @!p0 [hbm:s6], $0xF7A  }
0x23: {  	s9 =	sor.u32 $0xD0000000, s2;
	s6 =	simm.s32 $0x108;
	_ =	swait.ge @!p0 [sflag:s8], $0x0  }
0x24: {  	s3 =	sadd.s32 $0x88, s3;
	s6 =	simm.s32 @!p1 $0x1082;
	[sflag:s4] =	ssyncset.s32 $0xFFFFF086  }
0x25: {  	[simem:s6], [sflag:s4] =	dma.local [hbm:s3], $0xF7A  }
0x26: {  	[smem:$0x3F95] =	sst s1;
	(tag) =	ssettag s2;
	_ =	strace s9  }
0x27: {  	s1 =	sld [smem:$0x3FA5]  }
0x28: {  	s2 =	sld [smem:$0x3FA6]  }
0x29: {  	s4 =	sld [smem:$0x3FA8]  }
0x2a: {  	p0 =	seq.s32 s5, $0x0;
	s5 =	sld [smem:$0x3FA9]  }
0x2b: {  	s6 =	sld [smem:$0x3FAA]  }
0x2c: {  	s7 =	sld [smem:$0x3FAB]  }
0x2d: {  	s3 =	simm.s32 $0x108;
	s8 =	sld [smem:$0x3FAC]  }
0x2e: {  	s3 =	simm.s32 @!p0 $0x1082;
	s9 =	sld [smem:$0x3FAD]  }
0x2f: {  	lr =	sadd.s32 s0, s3;
	s0 =	sld [smem:$0x3FA4]  }
0x30: {  	s3 =	sld [smem:$0x3FA7]  }
0x31: {  	[smem:$0x3FB0] =	sst s10  }
0x32: {  	s10 =	sld [smem:$0x3FAE];
	_ =	sdelay $0x3  }
0x33: {  	p0 =	seq.s32 s10, $0x1;
	s10 =	sld [smem:$0x3FB0];
	_ =	sdelay $0x3  }
0x34: {  	[smem:$0x3FB0] =	sst s10  }
0x35: {  	s10 =	sld [smem:$0x3FAF];
	_ =	sdelay $0x3  }
0x36: {  	p1 =	seq.s32 s10, $0x1;
	s10 =	sld [smem:$0x3FB0];
	_ =	sdelay $0x3  }
0x37: {  	[smem:$0x3FB0] =	sst s10  }
0x38: {  	s10 =	sld [smem:$0x3FB1]  }
0x39: {  	_ = 	snop;
	(pc) =	sbr.ind lr, $3  }
0x3a: {  	_ = 	snop  }
0x3b: {  	_ = 	snop  }
0x3c: {  	p2 =	seq.s32 s10, $0x1;
	s10 =	sld [smem:$0x3FB0]  }
0x3d: {  	_ =	shalt  }
0x3e: {  	_ =	shalt  }
0x3f: {  	_ =	shalt  }
0x40: {  	_ =	shalt  }
0x41: {  	_ =	shalt  }
0x42: {  	_ =	shalt  }
0x43: {  	_ =	shalt  }
0x44: {  	_ =	shalt  }
0x45: {  	_ =	shalt  }
0x46: {  	_ =	shalt  }
0x47: {  	_ =	shalt  }
0x48: {  	_ =	shalt  }
0x49: {  	_ =	shalt  }
0x4a: {  	_ =	shalt  }
0x4b: {  	_ =	shalt  }
0x4c: {  	_ =	shalt  }
0x4d: {  	_ =	shalt  }
0x4e: {  	_ =	shalt  }
0x4f: {  	_ =	shalt  }
0x50: {  	_ =	shalt  }
0x51: {  	_ =	shalt  }
0x52: {  	_ =	shalt  }
0x53: {  	_ =	shalt  }
0x54: {  	_ =	shalt  }
0x55: {  	_ =	shalt  }
0x56: {  	_ =	shalt  }
0x57: {  	_ =	shalt  }
0x58: {  	_ =	shalt  }
0x59: {  	_ =	shalt  }
0x5a: {  	_ =	shalt  }
0x5b: {  	_ =	shalt  }
0x5c: {  	_ =	shalt  }
0x5d: {  	_ =	shalt  }
0x5e: {  	_ =	shalt  }
0x5f: {  	_ =	shalt  }
0x60: {  	_ =	shalt  }
0x61: {  	_ =	shalt  }
0x62: {  	_ =	shalt  }
0x63: {  	_ =	shalt  }
0x64: {  	_ =	shalt  }
0x65: {  	_ =	shalt  }
0x66: {  	_ =	shalt  }
0x67: {  	_ =	shalt  }
0x68: {  	_ =	shalt  }
0x69: {  	_ =	shalt  }
0x6a: {  	_ =	shalt  }
0x6b: {  	_ =	shalt  }
0x6c: {  	_ =	shalt  }
0x6d: {  	_ =	shalt  }
0x6e: {  	_ =	shalt  }
0x6f: {  	_ =	shalt  }
0x70: {  	_ =	shalt  }
0x71: {  	_ =	shalt  }
0x72: {  	_ =	shalt  }
0x73: {  	_ =	shalt  }
0x74: {  	_ =	shalt  }
0x75: {  	_ =	shalt  }
0x76: {  	_ =	shalt  }
0x77: {  	_ =	shalt  }
0x78: {  	_ =	shalt  }
0x79: {  	_ =	shalt  }
0x7a: {  	_ =	shalt  }
0x7b: {  	_ =	shalt  }
0x7c: {  	_ =	shalt  }
0x7d: {  	_ =	shalt  }
0x7e: {  	_ =	shalt  }
0x7f: {  	_ =	shalt  }
0x80: {  	_ =	shalt  }
0x81: {  	_ =	shalt  }
0x82: {  	_ =	shalt  }
0x83: {  	_ =	shalt  }
0x84: {  	_ =	shalt  }
0x85: {  	_ =	shalt  }
0x86: {  	_ =	shalt  }
0x87: {  	_ =	shalt  }
.Lfunc_end0:
.L_simem_size_0:
called_computation.1_lowered:
.L_overlay_start_0:
0x88: {  	s2 =	sld [smem:$0x3FD9]  }
0x89: {  	s3 =	sld [smem:$0x3FFE];
	_ =	sdelay $0x1  }
0x8a: {  	s1 =	srdreg.scid  }
0x8b: {  	s0 =	sand.u32 $0x1, s1  }
0x8c: {  	s17 =	sshll.u32 s0, $0xA;
	s2 =	sadd.s32 s3, s2  }
0x8d: {  	s2 =	sadd.s32 s2, s17  }
0x8e: {  	[smem:$0x3FBC] =	sst s2  }
0x8f: {  	_ = 	snop  }
0x90: {  	s2 =	sld [smem:$0x3FD0];
	(tm) =	ssettm $0x1  }
0x91: {  	s18 =	sld [smem:$0x3FFB];
	_ =	sdelay $0x3  }
0x92: {  	_ =	strace s18  }
0x93: {  	s3 =	sld [smem:$0x3FFC];
	_ =	sdelay $0x3  }
0x94: {  	_ =	strace s3  }
0x95: {  	s3 =	sld [smem:$0x3FFD];
	_ =	sdelay $0x3  }
0x96: {  	_ =	strace s3  }
0x97: {  	_ =	strace $0x8FFFFFFF  }
0x98: {  	s19 =	sld [smem:$0x3FDB];
	_ =	sdelay $0x1  }
0x99: {  	s4 =	simm.s32 $_scs_section_size  }
0x9a: {  	s5 =	simm.s32 $_size__tile_overlayer_lowered;
	s6 =	simm.s32 $_tile_overlayer_lowered  }
0x9b: {  	s22 =	simm.s32 $0x1BFF;
	s21 =	sshll.u32 s6, $0x1;
	s3 =	sadd.s32 s4, s19  }
0x9c: {  	s7 =	simm.s32 $0x0;
	s20 =	sshll.u32 s5, $0x1;
	s5 =	sadd.s32 s21, s3  }
0x9d: {  	[timem:s7], [sflag:s22] =	dma.local [hbm:s5], s20  }
0x9e: {  	_ =	swait.ge [sflag:s22], s20  }
0x9f: {  	s4 =	ssub.s32 $0x0, s20;
	[sflag:s22] =	ssyncset.done $0x0  }
0xa0: {  	[sflag:s22] =	ssyncadd.s32 s4;
	_ =	sdelay $0x1  }
0xa1: {  	s23 =	simm.s32 $0x1B8B  }
0xa2: {  	_ =	swait.ge [sflag:s23], $0x1  }
0xa3: {  	[sflag:s23] =	ssyncset.done $0x0  }
0xa4: {  	s25 =	simm.s32 $0x1B8E;
	s24 =	sld [smem:$0x3FFE];
	[sflag:s23] =	ssyncadd.s32 $0xFFFFFFFF  }
0xa5: {  	s26 =	simm.s32 $execute0_lowered;
	[smem:$0x3FD2] =	sst s25  }
0xa6: {  	s5 =	sshll.u32 s26, $0x1;
	_ =	strace $0x80000049;
	[dreg:$0x1] =	wrdreg $0xFFFFFFFF  }
0xa7: {  	s28 =	simm.s32 $_size_execute0_lowered;
	s3 =	sadd.s32 s3, s5;
	[dreg:$0x0] =	wrdreg $0x0  }
0xa8: {  	s5 =	sshll.u32 s28, $0x1;
	[dreg:$0x2] =	wrdreg s3  }
0xa9: {  	[dreg:$0x3] =	wrdreg s5  }
0xaa: {  	[dreg:$0x4] =	wrdreg $0xC0  }
0xab: {  	_ =	task [dreg:s7], $0x5FFFF  }
0xac: {  	[dreg:$0x1] =	wrdreg $0xFFFFFFFF  }
0xad: {  	[dreg:$0x0] =	wrdreg $0x60  }
0xae: {  	[dreg:$0x2] =	wrdreg s24  }
0xaf: {  	[dreg:$0x3] =	wrdreg s2  }
0xb0: {  	[dreg:$0x4] =	wrdreg $0xA5000  }
0xb1: {  	[dreg:$0x5] =	wrdreg $0x9  }
0xb2: {  	_ =	task.clear_ibuf [dreg:s7], $0x6FFFF;
	_ =	strace $0x90000049  }
0xb3: {  	s29 =	simm.s32 $0x9;
	_ =	strace $0x8000004B  }
0xb4: {  	_ =	swait.ge [sflag:s29], $0x1  }
0xb5: {  	[sflag:s29] =	ssyncadd.s32 $0xFFFFFFFF  }
0xb6: {  	_ =	strace $0x9000004B  }
0xb7: {  	_ =	sfence  }
0xb8: {  	s30 =	sld [smem:$0x0];
	_ =	sdelay $0x2  }
0xb9: {  	s31 =	sshll.u32 s1, $0xD;
	s1 =	sshrl.u32 s1, $0x2  }
0xba: {  	s3 =	sand.u32 $0x4000, s31;
	s1 =	sadd.s32 s1, s30  }
0xbb: {  	s0 =	sor.u32 s3, s0;
	s1 =	sshll.u32 s1, $0x11  }
0xbc: {  	s0 =	sor.u32 s1, s0  }
0xbd: {  	s0 =	sadd.s32 $0x8F2B, s0  }
0xbe: {  	[sflag:s0] =	ssyncadd.remote.s32 $0x1  }
0xbf: {  	_ =	sfence.sel $0xFFFF  }
0xc0: {  	[dreg:$0x0] =	wrdreg $0xFFFFFFFF;
	(pc) =	sbr.abs _section_cstart, $3  }
0xc1: {  	[dreg:$0x1] =	wrdreg $0xFFFFFFFF  }
0xc2: {  	_ =	task.clear_ibuf [dreg:s7], $0x2FFFF;
	_ =	strace $0x9FFFFFFF  }
0xc3: {  	(tm) =	ssettm $0x7FFFFFFF  }
tec
execute0_lowered:
.L_overlay_start_1:
0x0: {  	(tag) =	ssettag $0x1  }
0x1: {  	s1 =	rddreg [dreg:$0x0];
	s3 =	srdreg.scid  }
0x2: {  	s0 =	stileid.u32;
	s2 =	rddreg [dreg:$0x1]  }
0x3: {  	s13 =	simm.s32 $0x80;
	s14 =	simm.s32 $0x400;
	s15 =	simm.s32 $0x3  }
0x4: {  	s16 =	simm.s32 $0x2500;
	s17 =	simm.s32 $0x100;
	s18 =	simm.s32 $0x1400  }
0x5: {  	s19 =	simm.s32 $0x1500;
	s20 =	simm.s32 $0x1;
	s21 =	simm.s32 $0x2  }
0x6: {  	s24 =	simm.s32 $0x0;
	s6 =	sand.u32 $0x1, s3;
	s28 =	smul.u32 $0x14000, s0  }
0x7: {  	s4 =	sshll.u32 s0, $0x1;
	s26 =	sshrl.u32 s0, $0x2;
	s11 =	smul.u32 $0x50000, s0  }
0x8: {  	s3 =	rddreg [dreg:$0x2];
	s31 =	sshll.u32 s0, $0x6;
	s5 =	smul.u32 $0xA000, s26  }
0x9: {  	s10 =	sor.u32 s6, s4;
	s4 =	simm.s32 $0x0;
	s8 =	smul.u32 $0x140000, s6  }
0xa: {  	s29 =	ssub.s32 $0x2, s6;
	s6 =	sadd.s32 $0x2DE00, s1;
	s22 =	sor.u32 $0x1C03, s31  }
0xb: {  	s7 =	sshll.u32 s10, $0x7;
	[smem:$0x7FF] =	sst s4;
	s30 =	sshrl.u32 s29, $0x1  }
0xc: {  	s11 =	sshrl.u32 s11, $0x2;
	s7 =	sand.u32 $0x380, s7;
	_ =	strace $0x8000004A  }
0xd: {  	s12 =	ssub.s32 s29, s30;
	s5 =	sor.u32 s5, s7;
	s7 =	sadd.s32 s28, s8  }
0xe: {  	s12 =	smax.u32 s12, $0x1;
	s9 =	sshrl.u32 s5, $0x3;
	s7 =	sshrl.u32 s7, $0x3  }
0xf: {  	s5 =	sadd.s32 $0x2EEE00, s1;
	s9 =	sadd.s32 s9, s1;
	s1 =	sadd.s32 s7, s1  }
0x10: {  	v0 =	vimm.f32 $0.0e+00;
	vm0 =	vcmask $0x1310;
	s7 =	smul.u32 $0x1800, s10;
	s8 =	sadd.s32 $0x1C00, s9;
	s9 =	sadd.s32 s11, s3  }
0x11: {  	v1 =	vsel vm0, $0x3F800000, v0;
	s10 =	smul.u32 $0x14000, s10;
	s11 =	sadd.s32 $0x7DE00, s1;
	s23 =	sshrl.u32 s9, $0x3  }
.LBB2_1:
0x12: {  	[tilespmem:s4], [sflag:$0x3] =	stream.strided.gather [hbm4b:s8+s13], $0x1400, s14, s13, $0x38;
	[tilespmem:$0x1E500] =	vst v63  }
0x13: {  	_ =	swait.ge [sflag:s15], $0x1400  }
0x14: {  	[sflag:s15] =	ssyncset.done $0x0  }
0x15: {  	[sflag:s15] =	ssyncadd.s32 $0xFFFFEC00  }
0x16: {  	[tilespmem:$0x2500] =	vst v0  }
0x17: {  	[tilespmem:$0x2510] =	vst v0  }
0x18: {  	[tilespmem:$0x2520] =	vst v0  }
0x19: {  	[tilespmem:$0x2530] =	vst v0  }
0x1a: {  	[tilespmem:$0x2540] =	vst v0  }
0x1b: {  	[tilespmem:$0x2550] =	vst v0  }
0x1c: {  	[tilespmem:$0x2560] =	vst v0  }
0x1d: {  	[tilespmem:$0x2570] =	vst v0  }
0x1e: {  	[tilespmem:$0x2580] =	vst v0  }
0x1f: {  	[tilespmem:$0x2590] =	vst v0  }
0x20: {  	[tilespmem:$0x25A0] =	vst v0  }
0x21: {  	[tilespmem:$0x25B0] =	vst v0  }
0x22: {  	[tilespmem:$0x25C0] =	vst v0  }
0x23: {  	[tilespmem:$0x25D0] =	vst v0  }
0x24: {  	[tilespmem:$0x25E0] =	vst v0  }
0x25: {  	[tilespmem:$0x25F0] =	vst v0  }
0x26: {  	[tilespmem:$0x2600] =	vst v0  }
0x27: {  	[tilespmem:$0x2610] =	vst v0  }
0x28: {  	[tilespmem:$0x2620] =	vst v0  }
0x29: {  	[tilespmem:$0x2630] =	vst v0  }
0x2a: {  	[tilespmem:$0x2640] =	vst v0  }
0x2b: {  	[tilespmem:$0x2650] =	vst v0  }
0x2c: {  	[tilespmem:$0x2660] =	vst v0  }
0x2d: {  	[tilespmem:$0x2670] =	vst v0  }
0x2e: {  	[tilespmem:$0x2680] =	vst v0  }
0x2f: {  	[tilespmem:$0x2690] =	vst v0  }
0x30: {  	[tilespmem:$0x26A0] =	vst v0  }
0x31: {  	[tilespmem:$0x26B0] =	vst v0  }
0x32: {  	[tilespmem:$0x26C0] =	vst v0  }
0x33: {  	[tilespmem:$0x26D0] =	vst v0  }
0x34: {  	[tilespmem:$0x26E0] =	vst v0  }
0x35: {  	[tilespmem:$0x26F0] =	vst v0  }
0x36: {  	[tilespmem:$0x2700] =	vst v0  }
0x37: {  	[tilespmem:$0x2710] =	vst v0  }
0x38: {  	[tilespmem:$0x2720] =	vst v0  }
0x39: {  	[tilespmem:$0x2730] =	vst v0  }
0x3a: {  	[tilespmem:$0x2740] =	vst v0  }
0x3b: {  	[tilespmem:$0x2750] =	vst v0  }
0x3c: {  	[tilespmem:$0x2760] =	vst v0  }
0x3d: {  	[tilespmem:$0x2770] =	vst v0  }
0x3e: {  	[tilespmem:$0x2780] =	vst v0  }
0x3f: {  	[tilespmem:$0x2790] =	vst v0  }
0x40: {  	[tilespmem:$0x27A0] =	vst v0  }
0x41: {  	[tilespmem:$0x27B0] =	vst v0  }
0x42: {  	[tilespmem:$0x27C0] =	vst v0  }
0x43: {  	[tilespmem:$0x27D0] =	vst v0  }
0x44: {  	[tilespmem:$0x27E0] =	vst v0  }
0x45: {  	[tilespmem:$0x27F0] =	vst v0  }
0x46: {  	[tilespmem:$0x2800] =	vst v0  }
0x47: {  	[tilespmem:$0x2810] =	vst v0  }
0x48: {  	[tilespmem:$0x2820] =	vst v0  }
0x49: {  	[tilespmem:$0x2830] =	vst v0  }
0x4a: {  	[tilespmem:$0x2840] =	vst v0  }
0x4b: {  	[tilespmem:$0x2850] =	vst v0  }
0x4c: {  	[tilespmem:$0x2860] =	vst v0  }
0x4d: {  	[tilespmem:$0x2870] =	vst v0  }
0x4e: {  	[tilespmem:$0x2880] =	vst v0  }
0x4f: {  	[tilespmem:$0x2890] =	vst v0  }
0x50: {  	[tilespmem:$0x28A0] =	vst v0  }
0x51: {  	[tilespmem:$0x28B0] =	vst v0  }
0x52: {  	[tilespmem:$0x28C0] =	vst v0  }
0x53: {  	[tilespmem:$0x28D0] =	vst v0  }
0x54: {  	[tilespmem:$0x28E0] =	vst v0  }
0x55: {  	[tilespmem:$0x28F0] =	vst v0  }
0x56: {  	[tilespmem:$0x2900] =	vst v0  }
0x57: {  	[tilespmem:$0x2910] =	vst v0  }
0x58: {  	[tilespmem:$0x2920] =	vst v0  }
0x59: {  	[tilespmem:$0x2930] =	vst v0  }
0x5a: {  	[tilespmem:$0x2940] =	vst v0  }
0x5b: {  	[tilespmem:$0x2950] =	vst v0  }
0x5c: {  	[tilespmem:$0x2960] =	vst v0  }
0x5d: {  	[tilespmem:$0x2970] =	vst v0  }
0x5e: {  	[tilespmem:$0x2980] =	vst v0  }
0x5f: {  	[tilespmem:$0x2990] =	vst v0  }
0x60: {  	[tilespmem:$0x29A0] =	vst v0  }
0x61: {  	[tilespmem:$0x29B0] =	vst v0  }
0x62: {  	[tilespmem:$0x29C0] =	vst v0  }
0x63: {  	[tilespmem:$0x29D0] =	vst v0  }
0x64: {  	[tilespmem:$0x29E0] =	vst v0  }
0x65: {  	[tilespmem:$0x29F0] =	vst v0  }
0x66: {  	[tilespmem:$0x2A00] =	vst v0  }
0x67: {  	[tilespmem:$0x2A10] =	vst v0  }
0x68: {  	[tilespmem:$0x2A20] =	vst v0  }
0x69: {  	[tilespmem:$0x2A30] =	vst v0  }
0x6a: {  	[tilespmem:$0x2A40] =	vst v0  }
0x6b: {  	[tilespmem:$0x2A50] =	vst v0  }
0x6c: {  	[tilespmem:$0x2A60] =	vst v0  }
0x6d: {  	[tilespmem:$0x2A70] =	vst v0  }
0x6e: {  	[tilespmem:$0x2A80] =	vst v0  }
0x6f: {  	[tilespmem:$0x2A90] =	vst v0  }
0x70: {  	[tilespmem:$0x2AA0] =	vst v0  }
0x71: {  	[tilespmem:$0x2AB0] =	vst v0  }
0x72: {  	[tilespmem:$0x2AC0] =	vst v0  }
0x73: {  	[tilespmem:$0x2AD0] =	vst v0  }
0x74: {  	[tilespmem:$0x2AE0] =	vst v0  }
0x75: {  	[tilespmem:$0x2AF0] =	vst v0  }
0x76: {  	[tilespmem:$0x2B00] =	vst v0  }
0x77: {  	[tilespmem:$0x2B10] =	vst v0  }
0x78: {  	[tilespmem:$0x2B20] =	vst v0  }
0x79: {  	[tilespmem:$0x2B30] =	vst v0  }
0x7a: {  	[tilespmem:$0x2B40] =	vst v0  }
0x7b: {  	[tilespmem:$0x2B50] =	vst v0  }
0x7c: {  	[tilespmem:$0x2B60] =	vst v0  }
0x7d: {  	[tilespmem:$0x2B70] =	vst v0  }
0x7e: {  	[tilespmem:$0x2B80] =	vst v0  }
0x7f: {  	[tilespmem:$0x2B90] =	vst v0  }
0x80: {  	[tilespmem:$0x2BA0] =	vst v0  }
0x81: {  	[tilespmem:$0x2BB0] =	vst v0  }
0x82: {  	[tilespmem:$0x2BC0] =	vst v0  }
0x83: {  	[tilespmem:$0x2BD0] =	vst v0  }
0x84: {  	[tilespmem:$0x2BE0] =	vst v0  }
0x85: {  	[tilespmem:$0x2BF0] =	vst v0  }
0x86: {  	[tilespmem:$0x2C00] =	vst v0  }
0x87: {  	[tilespmem:$0x2C10] =	vst v0  }
0x88: {  	[tilespmem:$0x2C20] =	vst v0  }
0x89: {  	[tilespmem:$0x2C30] =	vst v0  }
0x8a: {  	[tilespmem:$0x2C40] =	vst v0  }
0x8b: {  	[tilespmem:$0x2C50] =	vst v0  }
0x8c: {  	[tilespmem:$0x2C60] =	vst v0  }
0x8d: {  	[tilespmem:$0x2C70] =	vst v0  }
0x8e: {  	[tilespmem:$0x2C80] =	vst v0  }
0x8f: {  	[tilespmem:$0x2C90] =	vst v0  }
0x90: {  	[tilespmem:$0x2CA0] =	vst v0  }
0x91: {  	[tilespmem:$0x2CB0] =	vst v0  }
0x92: {  	[tilespmem:$0x2CC0] =	vst v0  }
0x93: {  	[tilespmem:$0x2CD0] =	vst v0  }
0x94: {  	[tilespmem:$0x2CE0] =	vst v0  }
0x95: {  	s1 =	sadd.s32 $0x0, s9;
	[tilespmem:$0x2CF0] =	vst v0  }
0x96: {  	[spmem:s1] =	stream.linear.scatter [tilespmem:s16], [sflag:$0x3], $0x800, $0x38;
	[tilespmem:$0x1E500] =	vst v63  }
0x97: {  	s1 =	simm.s32 $0x2000;
	_ =	swait.ge [sflag:s15], $0x800  }
.LBB2_2:
0x98: {  	s25 =	sshra.s32 s1, $0x2;
	[sflag:s15] =	ssyncset.done $0x0;
	p0 =	sne.s32 s1, $0x4E000  }
.Ltmp0:
0x99: {  	s25 =	sadd.s32 s25, s9;
	[sflag:s15] =	ssyncadd.s32 $0xFFFFF800;
	(pc) =	sbr.rel @p0 .LBB2_2-.Ltmp0, $3  }
0x9a: {  	[spmem:s25] =	stream.linear.scatter [tilespmem:s16], [sflag:$0x3], $0x800, $0x38;
	[tilespmem:$0x1E500] =	vst v63  }
0x9b: {  	s1 =	sadd.s32 $0x2000, s1;
	_ =	sdelay $0x1  }
0x9c: {  	_ =	swait.ge [sflag:s15], $0x800  }
0x9d: {  	[sflag:s15] =	ssyncset.done $0x0  }
0x9e: {  	[sflag:s15] =	ssyncadd.s32 $0xFFFFF800  }
0x9f: {  	s25 =	simm.s32 $0x0;
	s26 =	simm.s32 $0x0;
	[bflag:$0x0] =	sbarrier.arrive $0xFFFF  }
.LBB2_4:
0xa0: {  	s1 =	sshll.u32 s26, $0x8  }
0xa1: {  	s28 =	sand.u32 $0x3FFFFF00, s1  }
0xa2: {  	[tilespmem:s16], [sflag:$0x1] =	stream.indirect.gather [hbm4b:s5+s17], $0x80, s28, s17, $0xb8;
	[tilespmem:$0x1E500] =	vst v63  }
0xa3: {  	s1 =	sand.u32 $0x1800, s1;
	s28 =	sshll.u32 s26, $0x7  }
0xa4: {  	s1 =	sadd.s32 s7, s1;
	s28 =	sand.u32 $0x380, s28  }
0xa5: {  	s1 =	sor.u32 s28, s1  }
0xa6: {  	s1 =	sshrl.u32 s1, $0x3  }
0xa7: {  	s1 =	sadd.s32 s2, s1  }
0xa8: {  	[tilespmem:s18], [sflag:$0x2] =	stream.strided.gather [hbm4b:s1+s13], $0x100, s14, s13, $0x38;
	[tilespmem:$0x1E500] =	vst v63  }
0xa9: {  	s1 =	sshll.u32 s26, $0xC  }
0xaa: {  	s1 =	sadd.s32 s10, s1  }
0xab: {  	s1 =	sshrl.u32 s1, $0x3  }
0xac: {  	s1 =	sadd.s32 s6, s1  }
0xad: {  	[tilespmem:s19], [sflag:$0x3] =	stream.linear.gather [hbm4b:s1+s25], $0x1000, $0x38;
	[tilespmem:$0x1E500] =	vst v63  }
0xae: {  	_ =	swait.ge [sflag:s15], $0x1000  }
0xaf: {  	[sflag:s15] =	ssyncset.done $0x0  }
0xb0: {  	[sflag:s15] =	ssyncadd.s32 $0xFFFFF000  }
0xb1: {  	_ =	swait.ge [sflag:s20], $0x8000  }
0xb2: {  	[sflag:s20] =	ssyncset.done $0x0  }
0xb3: {  	s29 =	simm.s32 $0x2700;
	[sflag:s20] =	ssyncadd.s32 $0xFFFF8000  }
0xb4: {  	v2 =	vld [tilespmem:s29+$0xFFFFFE20]  }
0xb5: {  	s28 =	simm.s32 $0x0;
	v3 =	vld [tilespmem:s29+$0xFFFFFE50]  }
0xb6: {  	v4 =	vld [tilespmem:s28+$0x1500]  }
0xb7: {  	v5 =	vld [tilespmem:s29+$0xFFFFFE10]  }
0xb8: {  	v6 =	vld [tilespmem:s29+$0xFFFFFE60]  }
0xb9: {  	v7 =	vld [tilespmem:s29+$0xFFFFFE70];
	_ =	sdelay $0x1  }
0xba: {  	v9 =	vld [tilespmem:s29+$0xFFFFFE00];
	v3 =	vmul.f32 v3, v4  }
0xbb: {  	v8 =	vld [tilespmem:s29+$0xFFFFFE40];
	v5 =	vmul.f32 v5, v4  }
0xbc: {  	v10 =	vld [tilespmem:s29+$0xFFFFFE30];
	v6 =	vmul.f32 v6, v4;
	v2 =	vmul.f32 v2, v4;
	[tilespmem:s29+$0xFFFFFE50] =	vst v3  }
0xbd: {  	[tilespmem:s29+$0xFFFFFE10] =	vst v5;
	v3 =	vmul.f32 v7, v4  }
0xbe: {  	v5 =	vadd.f32 v1, v6;
	[tilespmem:s29+$0xFFFFFE20] =	vst v2  }
0xbf: {  	v2 =	vmul.f32 v9, v4;
	[tilespmem:s29+$0xFFFFFE70] =	vst v3  }
0xc0: {  	v3 =	vmul.f32 v8, v4;
	[tilespmem:s29+$0xFFFFFE60] =	vst v5  }
0xc1: {  	v4 =	vmul.f32 v10, v4;
	[tilespmem:s29+$0xFFFFFE00] =	vst v2  }
0xc2: {  	v6 =	vld [tilespmem:s29+$0xFFFFFE80];
	[tilespmem:s29+$0xFFFFFE40] =	vst v3  }
0xc3: {  	[tilespmem:s29+$0xFFFFFE30] =	vst v4;
	v3 =	vld [tilespmem:s29+$0xFFFFFED0]  }
0xc4: {  	v4 =	vld [tilespmem:s28+$0x1510]  }
0xc5: {  	v2 =	vld [tilespmem:s29+$0xFFFFFEB0]  }
0xc6: {  	v5 =	vld [tilespmem:s29+$0xFFFFFEE0]  }
0xc7: {  	v7 =	vld [tilespmem:s29+$0xFFFFFEF0];
	_ =	sdelay $0x1  }
0xc8: {  	v9 =	vld [tilespmem:s29+$0xFFFFFE90];
	v3 =	vmul.f32 v3, v4  }
0xc9: {  	v10 =	vld [tilespmem:s29+$0xFFFFFEC0];
	v2 =	vmul.f32 v2, v4  }
0xca: {  	v8 =	vld [tilespmem:s29+$0xFFFFFEA0];
	v5 =	vmul.f32 v5, v4;
	v6 =	vmul.f32 v6, v4;
	[tilespmem:s29+$0xFFFFFED0] =	vst v3  }
0xcb: {  	[tilespmem:s29+$0xFFFFFEB0] =	vst v2;
	v2 =	vmul.f32 v7, v4  }
0xcc: {  	v3 =	vadd.f32 v1, v5;
	[tilespmem:s29+$0xFFFFFE80] =	vst v6  }
0xcd: {  	v5 =	vmul.f32 v9, v4;
	[tilespmem:s29+$0xFFFFFEF0] =	vst v2  }
0xce: {  	v2 =	vmul.f32 v10, v4;
	[tilespmem:s29+$0xFFFFFEE0] =	vst v3  }
0xcf: {  	v3 =	vmul.f32 v8, v4;
	[tilespmem:s29+$0xFFFFFE90] =	vst v5  }
0xd0: {  	[tilespmem:s29+$0xFFFFFEC0] =	vst v2;
	v2 =	vld [tilespmem:s29+$0xFFFFFF60]  }
0xd1: {  	[tilespmem:s29+$0xFFFFFEA0] =	vst v3;
	v3 =	vld [tilespmem:s29+$0xFFFFFF20]  }
0xd2: {  	v4 =	vld [tilespmem:s28+$0x1520]  }
0xd3: {  	v5 =	vld [tilespmem:s29+$0xFFFFFF40];
	_ =	sdelay $0x1  }
0xd4: {  	v6 =	vld [tilespmem:s29+$0xFFFFFF50]  }
0xd5: {  	v7 =	vld [tilespmem:s29+$0xFFFFFF30]  }
0xd6: {  	v8 =	vld [tilespmem:s29+$0xFFFFFF70];
	v3 =	vmul.f32 v3, v4;
	v2 =	vmul.f32 v2, v4  }
0xd7: {  	v9 =	vld [tilespmem:s29+$0xFFFFFF10];
	v5 =	vmul.f32 v5, v4  }
0xd8: {  	v10 =	vld [tilespmem:s29+$0xFFFFFF00];
	[tilespmem:s29+$0xFFFFFF20] =	vst v3;
	v2 =	vadd.f32 v1, v2  }
0xd9: {  	[tilespmem:s29+$0xFFFFFF40] =	vst v5;
	v3 =	vmul.f32 v6, v4  }
0xda: {  	v5 =	vmul.f32 v7, v4;
	[tilespmem:s29+$0xFFFFFF60] =	vst v2  }
0xdb: {  	v2 =	vmul.f32 v8, v4;
	[tilespmem:s29+$0xFFFFFF50] =	vst v3  }
0xdc: {  	v3 =	vmul.f32 v9, v4;
	[tilespmem:s29+$0xFFFFFF30] =	vst v5  }
0xdd: {  	v4 =	vmul.f32 v10, v4;
	[tilespmem:s29+$0xFFFFFF70] =	vst v2  }
0xde: {  	v6 =	vld [tilespmem:s29+$0xFFFFFF80];
	[tilespmem:s29+$0xFFFFFF10] =	vst v3  }
0xdf: {  	[tilespmem:s29+$0xFFFFFF00] =	vst v4;
	v3 =	vld [tilespmem:s29+$0xFFFFFFC0]  }
0xe0: {  	v4 =	vld [tilespmem:s28+$0x1530]  }
0xe1: {  	v2 =	vld [tilespmem:s29+$0xFFFFFFD0]  }
0xe2: {  	v5 =	vld [tilespmem:s29+$0xFFFFFFE0]  }
0xe3: {  	v7 =	vld [tilespmem:s29+$0xFFFFFFB0];
	_ =	sdelay $0x1  }
0xe4: {  	v8 =	vld [tilespmem:s29+$0xFFFFFF90];
	v3 =	vmul.f32 v3, v4  }
0xe5: {  	v9 =	vld [tilespmem:s29+$0xFFFFFFF0];
	v2 =	vmul.f32 v2, v4  }
0xe6: {  	v10 =	vld [tilespmem:s29+$0xFFFFFFA0];
	v5 =	vmul.f32 v5, v4;
	v6 =	vmul.f32 v6, v4;
	[tilespmem:s29+$0xFFFFFFC0] =	vst v3  }
0xe7: {  	v3 =	vmul.f32 v7, v4;
	[tilespmem:s29+$0xFFFFFFD0] =	vst v2  }
0xe8: {  	v2 =	vadd.f32 v1, v5;
	[tilespmem:s29+$0xFFFFFF80] =	vst v6  }
0xe9: {  	v5 =	vmul.f32 v8, v4;
	[tilespmem:s29+$0xFFFFFFB0] =	vst v3  }
0xea: {  	v6 =	vld [tilespmem:s29+$0x20];
	v3 =	vmul.f32 v9, v4;
	[tilespmem:s29+$0xFFFFFFE0] =	vst v2  }
0xeb: {  	v7 =	vld [tilespmem:s29+$0x70];
	v2 =	vmul.f32 v10, v4;
	[tilespmem:s29+$0xFFFFFF90] =	vst v5  }
0xec: {  	v4 =	vld [tilespmem:s29+$0x10];
	[tilespmem:s29+$0xFFFFFFF0] =	vst v3  }
0xed: {  	[tilespmem:s29+$0xFFFFFFA0] =	vst v2;
	v2 =	vld [tilespmem:s29+$0x30]  }
0xee: {  	v5 =	vld [tilespmem:s28+$0x1540]  }
0xef: {  	v3 =	vld [tilespmem:s29+$0x60]  }
0xf0: {  	v8 =	vld [tilespmem:s29+$0x40]  }
0xf1: {  	v9 =	vld [tilespmem:s29+$0x50]  }
0xf2: {  	v10 =	vld [tilespmem:s29+$0x0]  }
0xf3: {  	v2 =	vmul.f32 v2, v5  }
0xf4: {  	v3 =	vmul.f32 v3, v5;
	v4 =	vmul.f32 v4, v5  }
0xf5: {  	v6 =	vmul.f32 v6, v5;
	[tilespmem:s29+$0x30] =	vst v2  }
0xf6: {  	v2 =	vadd.f32 v1, v3;
	v3 =	vmul.f32 v7, v5;
	[tilespmem:s29+$0x10] =	vst v4;
	v4 =	vmul.f32 v9, v5  }
0xf7: {  	[tilespmem:s29+$0x20] =	vst v6;
	v6 =	vmul.f32 v8, v5;
	v7 =	vmul.f32 v10, v5;
	v5 =	vld [tilespmem:s29+$0xF0]  }
0xf8: {  	v8 =	vld [tilespmem:s29+$0x80];
	[tilespmem:s29+$0x60] =	vst v2  }
0xf9: {  	v9 =	vld [tilespmem:s29+$0xE0];
	[tilespmem:s29+$0x70] =	vst v3  }
0xfa: {  	v10 =	vld [tilespmem:s29+$0xC0];
	[tilespmem:s29+$0x50] =	vst v4  }
0xfb: {  	v2 =	vld [tilespmem:s29+$0xD0];
	[tilespmem:s29+$0x40] =	vst v6  }
0xfc: {  	v3 =	vld [tilespmem:s29+$0xB0];
	[tilespmem:s29+$0x0] =	vst v7  }
0xfd: {  	v4 =	vld [tilespmem:s28+$0x1550]  }
0xfe: {  	v7 =	vld [tilespmem:s29+$0x90]  }
0xff: {  	s31 =	simm.s32 $0x200;
	s30 =	simm.s32 $0x2700;
	v6 =	vld [tilespmem:s29+$0xA0]  }
.LBB2_5:
0x100: {  	p0 =	sne.s32 s31, $0x3E00  }
0x101: {  	s29 =	sadd.s32 $0x400, s29;
	s1 =	smov.u32 s31;
	s31 =	sadd.s32 $0x200, s31  }
0x102: {  	v8 =	vmul.f32 v8, v4;
	v9 =	vmul.f32 v9, v4  }
0x103: {  	v5 =	vmul.f32 v5, v4;
	v7 =	vmul.f32 v7, v4  }
0x104: {  	v3 =	vmul.f32 v3, v4;
	[tilespmem:s30+$0x80] =	vst v8;
	v6 =	vmul.f32 v6, v4;
	v8 =	vadd.f32 v1, v9  }
0x105: {  	v2 =	vmul.f32 v2, v4;
	v9 =	vmul.f32 v10, v4;
	[tilespmem:s30+$0xF0] =	vst v5  }
0x106: {  	[tilespmem:s30+$0xB0] =	vst v3  }
0x107: {  	[tilespmem:s30+$0xD0] =	vst v2;
	v2 =	vld [tilespmem:s30+$0x130]  }
0x108: {  	[tilespmem:s30+$0xC0] =	vst v9;
	v3 =	vld [tilespmem:s30+$0x110]  }
0x109: {  	[tilespmem:s30+$0xE0] =	vst v8;
	v4 =	vld [tilespmem:s30+$0x160]  }
0x10a: {  	[tilespmem:s30+$0x90] =	vst v7;
	v5 =	vld [tilespmem:s30+$0x150]  }
0x10b: {  	[tilespmem:s30+$0xA0] =	vst v6;
	v6 =	vld [tilespmem:s30+$0x140]  }
0x10c: {  	v7 =	vld [tilespmem:s28+$0x1560]  }
0x10d: {  	v8 =	vld [tilespmem:s30+$0x170]  }
0x10e: {  	v9 =	vld [tilespmem:s30+$0x100]  }
0x10f: {  	v10 =	vld [tilespmem:s30+$0x120];
	_ =	sdelay $0x1  }
0x110: {  	v6 =	vmul.f32 v6, v7;
	v4 =	vmul.f32 v4, v7  }
0x111: {  	v5 =	vmul.f32 v5, v7;
	v8 =	vmul.f32 v8, v7  }
0x112: {  	v3 =	vmul.f32 v3, v7;
	v9 =	vmul.f32 v9, v7;
	[tilespmem:s30+$0x140] =	vst v6;
	v4 =	vadd.f32 v1, v4  }
0x113: {  	v2 =	vmul.f32 v2, v7;
	v6 =	vmul.f32 v10, v7;
	[tilespmem:s30+$0x150] =	vst v5  }
0x114: {  	[tilespmem:s30+$0x160] =	vst v4  }
0x115: {  	[tilespmem:s30+$0x100] =	vst v9  }
0x116: {  	[tilespmem:s30+$0x110] =	vst v3  }
0x117: {  	[tilespmem:s30+$0x120] =	vst v6  }
0x118: {  	[tilespmem:s30+$0x130] =	vst v2;
	_ =	sdelay $0x3  }
0x119: {  	v2 =	vld [tilespmem:s30+$0x180]  }
0x11a: {  	v3 =	vld [tilespmem:s30+$0x1F0]  }
0x11b: {  	v4 =	vld [tilespmem:s30+$0x190]  }
0x11c: {  	v5 =	vld [tilespmem:s30+$0x1A0]  }
0x11d: {  	[tilespmem:s30+$0x170] =	vst v8;
	v6 =	vld [tilespmem:s30+$0x1E0]  }
0x11e: {  	v7 =	vld [tilespmem:s28+$0x1570]  }
0x11f: {  	v8 =	vld [tilespmem:s30+$0x1C0]  }
0x120: {  	v9 =	vld [tilespmem:s30+$0x1B0]  }
0x121: {  	v10 =	vld [tilespmem:s30+$0x1D0];
	_ =	sdelay $0x1  }
0x122: {  	v2 =	vmul.f32 v2, v7;
	v6 =	vmul.f32 v6, v7  }
0x123: {  	v4 =	vmul.f32 v4, v7;
	v5 =	vmul.f32 v5, v7  }
0x124: {  	v8 =	vmul.f32 v8, v7;
	[tilespmem:s30+$0x180] =	vst v2;
	v2 =	vmul.f32 v9, v7;
	v6 =	vadd.f32 v1, v6  }
0x125: {  	v3 =	vmul.f32 v3, v7;
	[tilespmem:s30+$0x190] =	vst v4;
	v4 =	vmul.f32 v10, v7  }
0x126: {  	[tilespmem:s30+$0x1A0] =	vst v5  }
0x127: {  	v5 =	vld [tilespmem:s29+$0xFFFFFE70];
	[tilespmem:s30+$0x1C0] =	vst v8  }
0x128: {  	v7 =	vld [tilespmem:s29+$0xFFFFFE40];
	[tilespmem:s30+$0x1F0] =	vst v3  }
0x129: {  	v3 =	vld [tilespmem:s29+$0xFFFFFE20];
	[tilespmem:s30+$0x1E0] =	vst v6  }
0x12a: {  	v6 =	vld [tilespmem:s29+$0xFFFFFE60];
	[tilespmem:s30+$0x1D0] =	vst v4  }
0x12b: {  	s28 =	sshra.s32 s1, $0x2;
	v4 =	vld [tilespmem:s29+$0xFFFFFE50];
	[tilespmem:s30+$0x1B0] =	vst v2;
	s30 =	smov.u32 s29  }
0x12c: {  	v2 =	vld [tilespmem:s28+$0x1500]  }
0x12d: {  	v8 =	vld [tilespmem:s29+$0xFFFFFE10]  }
0x12e: {  	v9 =	vld [tilespmem:s29+$0xFFFFFE30]  }
0x12f: {  	v10 =	vld [tilespmem:s29+$0xFFFFFE00];
	_ =	sdelay $0x1  }
0x130: {  	v4 =	vmul.f32 v4, v2;
	v6 =	vmul.f32 v6, v2  }
0x131: {  	v3 =	vmul.f32 v3, v2;
	v8 =	vmul.f32 v8, v2  }
0x132: {  	v7 =	vmul.f32 v7, v2;
	v9 =	vmul.f32 v9, v2;
	[tilespmem:s29+$0xFFFFFE50] =	vst v4;
	v4 =	vadd.f32 v1, v6  }
0x133: {  	v6 =	vmul.f32 v10, v2;
	[tilespmem:s29+$0xFFFFFE10] =	vst v8;
	v2 =	vmul.f32 v5, v2  }
0x134: {  	[tilespmem:s29+$0xFFFFFE20] =	vst v3  }
0x135: {  	[tilespmem:s29+$0xFFFFFE70] =	vst v2;
	v2 =	vld [tilespmem:s29+$0xFFFFFEF0]  }
0x136: {  	[tilespmem:s29+$0xFFFFFE60] =	vst v4;
	v3 =	vld [tilespmem:s29+$0xFFFFFEA0]  }
0x137: {  	[tilespmem:s29+$0xFFFFFE00] =	vst v6;
	v4 =	vld [tilespmem:s29+$0xFFFFFEB0]  }
0x138: {  	[tilespmem:s29+$0xFFFFFE40] =	vst v7;
	v5 =	vld [tilespmem:s29+$0xFFFFFEE0]  }
0x139: {  	[tilespmem:s29+$0xFFFFFE30] =	vst v9;
	v6 =	vld [tilespmem:s29+$0xFFFFFED0]  }
0x13a: {  	v7 =	vld [tilespmem:s28+$0x1510]  }
0x13b: {  	v8 =	vld [tilespmem:s29+$0xFFFFFE90]  }
0x13c: {  	v9 =	vld [tilespmem:s29+$0xFFFFFE80]  }
0x13d: {  	v10 =	vld [tilespmem:s29+$0xFFFFFEC0];
	_ =	sdelay $0x1  }
0x13e: {  	v6 =	vmul.f32 v6, v7;
	v5 =	vmul.f32 v5, v7  }
0x13f: {  	v4 =	vmul.f32 v4, v7;
	v8 =	vmul.f32 v8, v7  }
0x140: {  	v3 =	vmul.f32 v3, v7;
	v9 =	vmul.f32 v9, v7;
	[tilespmem:s29+$0xFFFFFED0] =	vst v6;
	v5 =	vadd.f32 v1, v5  }
0x141: {  	v2 =	vmul.f32 v2, v7;
	[tilespmem:s29+$0xFFFFFEB0] =	vst v4;
	v4 =	vmul.f32 v10, v7  }
0x142: {  	[tilespmem:s29+$0xFFFFFE80] =	vst v9  }
0x143: {  	[tilespmem:s29+$0xFFFFFEF0] =	vst v2;
	v2 =	vld [tilespmem:s29+$0xFFFFFF50]  }
0x144: {  	[tilespmem:s29+$0xFFFFFEE0] =	vst v5;
	v5 =	vld [tilespmem:s29+$0xFFFFFF30]  }
0x145: {  	[tilespmem:s29+$0xFFFFFE90] =	vst v8;
	v6 =	vld [tilespmem:s29+$0xFFFFFF70]  }
0x146: {  	[tilespmem:s29+$0xFFFFFEC0] =	vst v4;
	v4 =	vld [tilespmem:s29+$0xFFFFFF60]  }
0x147: {  	[tilespmem:s29+$0xFFFFFEA0] =	vst v3;
	v3 =	vld [tilespmem:s29+$0xFFFFFF20]  }
0x148: {  	v7 =	vld [tilespmem:s28+$0x1520]  }
0x149: {  	v8 =	vld [tilespmem:s29+$0xFFFFFF40]  }
0x14a: {  	v9 =	vld [tilespmem:s29+$0xFFFFFF10]  }
0x14b: {  	v10 =	vld [tilespmem:s29+$0xFFFFFF00];
	_ =	sdelay $0x1  }
0x14c: {  	v3 =	vmul.f32 v3, v7;
	v4 =	vmul.f32 v4, v7  }
0x14d: {  	v6 =	vmul.f32 v6, v7;
	v8 =	vmul.f32 v8, v7  }
0x14e: {  	v9 =	vmul.f32 v9, v7;
	[tilespmem:s29+$0xFFFFFF20] =	vst v3;
	v3 =	vmul.f32 v5, v7;
	v4 =	vadd.f32 v1, v4  }
0x14f: {  	v2 =	vmul.f32 v2, v7;
	v5 =	vmul.f32 v10, v7;
	[tilespmem:s29+$0xFFFFFF40] =	vst v8  }
0x150: {  	[tilespmem:s29+$0xFFFFFF60] =	vst v4  }
0x151: {  	[tilespmem:s29+$0xFFFFFF50] =	vst v2  }
0x152: {  	[tilespmem:s29+$0xFFFFFF30] =	vst v3;
	v2 =	vld [tilespmem:s29+$0xFFFFFFB0]  }
0x153: {  	[tilespmem:s29+$0xFFFFFF70] =	vst v6;
	v3 =	vld [tilespmem:s29+$0xFFFFFFD0]  }
0x154: {  	[tilespmem:s29+$0xFFFFFF10] =	vst v9;
	v4 =	vld [tilespmem:s29+$0xFFFFFFE0]  }
0x155: {  	[tilespmem:s29+$0xFFFFFF00] =	vst v5;
	v5 =	vld [tilespmem:s29+$0xFFFFFFC0]  }
0x156: {  	v6 =	vld [tilespmem:s28+$0x1530]  }
0x157: {  	v7 =	vld [tilespmem:s29+$0xFFFFFF80]  }
0x158: {  	v8 =	vld [tilespmem:s29+$0xFFFFFF90]  }
0x159: {  	v9 =	vld [tilespmem:s29+$0xFFFFFFF0];
	_ =	sdelay $0x1  }
0x15a: {  	v10 =	vld [tilespmem:s29+$0xFFFFFFA0];
	v5 =	vmul.f32 v5, v6;
	v4 =	vmul.f32 v4, v6  }
0x15b: {  	v3 =	vmul.f32 v3, v6;
	v7 =	vmul.f32 v7, v6  }
0x15c: {  	v2 =	vmul.f32 v2, v6;
	v8 =	vmul.f32 v8, v6;
	[tilespmem:s29+$0xFFFFFFC0] =	vst v5;
	v4 =	vadd.f32 v1, v4  }
0x15d: {  	[tilespmem:s29+$0xFFFFFFD0] =	vst v3;
	v3 =	vmul.f32 v9, v6  }
0x15e: {  	[tilespmem:s29+$0xFFFFFF80] =	vst v7  }
0x15f: {  	v5 =	vmul.f32 v10, v6;
	[tilespmem:s29+$0xFFFFFFB0] =	vst v2;
	v2 =	vld [tilespmem:s29+$0x70]  }
0x160: {  	[tilespmem:s29+$0xFFFFFFE0] =	vst v4;
	v4 =	vld [tilespmem:s29+$0x10]  }
0x161: {  	[tilespmem:s29+$0xFFFFFF90] =	vst v8;
	v6 =	vld [tilespmem:s29+$0x40]  }
0x162: {  	[tilespmem:s29+$0xFFFFFFF0] =	vst v3;
	v3 =	vld [tilespmem:s29+$0x60]  }
0x163: {  	[tilespmem:s29+$0xFFFFFFA0] =	vst v5;
	v5 =	vld [tilespmem:s29+$0x30]  }
0x164: {  	v7 =	vld [tilespmem:s28+$0x1540]  }
0x165: {  	v8 =	vld [tilespmem:s29+$0x20]  }
0x166: {  	v9 =	vld [tilespmem:s29+$0x0]  }
0x167: {  	v10 =	vld [tilespmem:s29+$0x50];
	_ =	sdelay $0x1  }
0x168: {  	v5 =	vmul.f32 v5, v7;
	v3 =	vmul.f32 v3, v7  }
0x169: {  	v6 =	vmul.f32 v6, v7;
	v8 =	vmul.f32 v8, v7  }
0x16a: {  	v4 =	vmul.f32 v4, v7;
	v9 =	vmul.f32 v9, v7;
	[tilespmem:s29+$0x30] =	vst v5;
	v3 =	vadd.f32 v1, v3  }
0x16b: {  	[tilespmem:s29+$0x20] =	vst v8;
	v5 =	vmul.f32 v10, v7;
	v7 =	vmul.f32 v2, v7  }
0x16c: {  	[tilespmem:s29+$0x10] =	vst v4  }
0x16d: {  	[tilespmem:s29+$0x60] =	vst v3;
	v2 =	vld [tilespmem:s29+$0xD0]  }
0x16e: {  	[tilespmem:s29+$0x70] =	vst v7;
	v3 =	vld [tilespmem:s29+$0xB0]  }
0x16f: {  	[tilespmem:s29+$0x50] =	vst v5;
	v5 =	vld [tilespmem:s29+$0xF0]  }
0x170: {  	[tilespmem:s29+$0x40] =	vst v6;
	v8 =	vld [tilespmem:s29+$0x80]  }
.Ltmp1:
0x171: {  	[tilespmem:s29+$0x0] =	vst v9;
	v9 =	vld [tilespmem:s29+$0xE0];
	(pc) =	sbr.rel @p0 .LBB2_5-.Ltmp1, $4  }
0x172: {  	v4 =	vld [tilespmem:s28+$0x1550]  }
0x173: {  	v7 =	vld [tilespmem:s29+$0x90]  }
0x174: {  	v6 =	vld [tilespmem:s29+$0xA0]  }
0x175: {  	v10 =	vld [tilespmem:s29+$0xC0]  }
0x176: {  	_ = 	snop  }
0x177: {  	v8 =	vmul.f32 v8, v4  }
0x178: {  	v5 =	vmul.f32 v5, v4  }
0x179: {  	v3 =	vmul.f32 v3, v4;
	v46 =	vmul.f32 v9, v4;
	[tilespmem:s30+$0x80] =	vst v8  }
0x17a: {  	v2 =	vmul.f32 v2, v4;
	[tilespmem:s30+$0xF0] =	vst v5  }
0x17b: {  	[tilespmem:s30+$0xB0] =	vst v3;
	v3 =	vadd.f32 v1, v46  }
0x17c: {  	[tilespmem:s30+$0xD0] =	vst v2;
	v2 =	vmul.f32 v7, v4  }
0x17d: {  	v49 =	vmul.f32 v6, v4;
	[tilespmem:s30+$0xE0] =	vst v3  }
0x17e: {  	v47 =	vmul.f32 v10, v4;
	[tilespmem:s30+$0x90] =	vst v2  }
0x17f: {  	v50 =	vld [tilespmem:s30+$0x150];
	[tilespmem:s30+$0xA0] =	vst v49  }
0x180: {  	v2 =	vld [tilespmem:s30+$0x140];
	[tilespmem:s30+$0xC0] =	vst v47  }
0x181: {  	v4 =	vld [tilespmem:s28+$0x1560]  }
0x182: {  	v3 =	vld [tilespmem:s30+$0x160]  }
0x183: {  	v48 =	vld [tilespmem:s30+$0x110];
	_ =	sdelay $0x1  }
0x184: {  	v51 =	vld [tilespmem:s30+$0x100]  }
0x185: {  	v53 =	vld [tilespmem:s30+$0x120];
	v2 =	vmul.f32 v2, v4  }
0x186: {  	v52 =	vld [tilespmem:s30+$0x130];
	v3 =	vmul.f32 v3, v4;
	v6 =	vmul.f32 v50, v4  }
0x187: {  	v54 =	vld [tilespmem:s30+$0x170];
	v5 =	vmul.f32 v48, v4;
	[tilespmem:s30+$0x140] =	vst v2  }
0x188: {  	v2 =	vadd.f32 v1, v3;
	[tilespmem:s30+$0x150] =	vst v6  }
0x189: {  	v3 =	vmul.f32 v51, v4;
	[tilespmem:s30+$0x110] =	vst v5  }
0x18a: {  	[tilespmem:s30+$0x160] =	vst v2;
	v2 =	vmul.f32 v53, v4  }
0x18b: {  	[tilespmem:s30+$0x100] =	vst v3;
	v3 =	vmul.f32 v52, v4  }
0x18c: {  	v4 =	vmul.f32 v54, v4;
	[tilespmem:s30+$0x120] =	vst v2  }
0x18d: {  	v55 =	vld [tilespmem:s30+$0x180];
	[tilespmem:s30+$0x130] =	vst v3  }
0x18e: {  	v56 =	vld [tilespmem:s30+$0x1E0];
	[tilespmem:s30+$0x170] =	vst v4  }
0x18f: {  	v4 =	vld [tilespmem:s28+$0x1570]  }
0x190: {  	v2 =	vld [tilespmem:s30+$0x190]  }
0x191: {  	v3 =	vld [tilespmem:s30+$0x1A0]  }
0x192: {  	v57 =	vld [tilespmem:s30+$0x1C0]  }
0x193: {  	v60 =	vld [tilespmem:s30+$0x1D0]  }
0x194: {  	v58 =	vld [tilespmem:s30+$0x1F0];
	v5 =	vmul.f32 v55, v4  }
0x195: {  	v2 =	vmul.f32 v2, v4  }
0x196: {  	v59 =	vld [tilespmem:s30+$0x1B0];
	v3 =	vmul.f32 v3, v4;
	[tilespmem:s30+$0x180] =	vst v5  }
0x197: {  	v62 =	vmul.f32 v57, v4;
	[tilespmem:s30+$0x190] =	vst v2  }
0x198: {  	v61 =	vmul.f32 v56, v4;
	v63 =	vmul.f32 v60, v4;
	[tilespmem:s30+$0x1A0] =	vst v3  }
0x199: {  	v2 =	vmul.f32 v58, v4;
	[tilespmem:s30+$0x1C0] =	vst v62  }
0x19a: {  	v3 =	vadd.f32 v1, v61;
	[tilespmem:s30+$0x1D0] =	vst v63  }
0x19b: {  	[tilespmem:s30+$0x1F0] =	vst v2;
	v2 =	vmul.f32 v59, v4  }
0x19c: {  	[tilespmem:s30+$0x1E0] =	vst v3  }
0x19d: {  	[tilespmem:s30+$0x1B0] =	vst v2  }
0x19e: {  	s26 =	sadd.s32 $0x1, s26;
	_ =	swait.ge [sflag:s21], $0x100  }
0x19f: {  	p0 =	sne.s32 s26, $0x14;
	[sflag:s21] =	ssyncset.done $0x0  }
.Ltmp2:
0x1a0: {  	[sflag:s21] =	ssyncadd.s32 $0xFFFFFF00;
	(pc) =	sbr.rel @p0 .LBB2_4-.Ltmp2, $4  }
0x1a1: {  	[spmem:s3] =	stream.indirect.scatter.add.f32 [tilespmem:s16], [sflag:$0x3], $0x80, s18, s17, $0xb8;
	[tilespmem:$0x1E500] =	vst v63  }
0x1a2: {  	_ =	swait.ge [sflag:s15], $0x8000  }
0x1a3: {  	[sflag:s15] =	ssyncset.done $0x0  }
0x1a4: {  	[sflag:s15] =	ssyncadd.s32 $0xFFFF8000  }
0x1a5: {  	s24 =	sadd.s32 $0x1, s24  }
0x1a6: {  	p0 =	sne.s32 s24, s12  }
.Ltmp3:
0x1a7: {  	[bflag:$0x0] =	sbarrier.arrive $0xFFFF;
	(pc) =	sbr.rel @p0 .LBB2_1-.Ltmp3, $4  }
0x1a8: {  	[hbm:s11], [sflag:s22] =	dma.local [spmem:s23], $0x2800  }
0x1a9: {  	_ =	swait.ge [sflag:s15], $0x2800  }
0x1aa: {  	[sflag:s15] =	ssyncset.done $0x0  }
0x1ab: {  	[sflag:s15] =	ssyncadd.s32 $0xFFFFD800  }
0x1ac: {  	_ =	sfence.sel $0x180000  }
0x1ad: {  	[bflag:$0x0] =	sbarrier.arrive $0xFFFF  }
0x1ae: {  	_ =	strace $0x9000004A  }
0x1af: {  	[bflag:$0x2] =	sbarrier.arrive $0xFFFF  }
0x1b0: {  	p0 =	sne.s32 s0, $0x0;
	s0 =	rddreg [dreg:$0x3]  }
0x1b1: {  	s0 =	sadd.s32 @!p0 $0x100000, s0  }
0x1b2: {  	[sflag:s0] =	ssyncadd.tile.s32 @!p0 $0x1;
	_ =	shalt  }
.Lfunc_end2:
_tile_overlayer_lowered:
.L_overlay_start_2:
0x1b3: {  	(tag) =	ssettag $0x2  }
0x1b4: {  	s0 =	rddreg [dreg:$0x0];
	s2 =	stileid.u32  }
0x1b5: {  	s1 =	rddreg [dreg:$0x1];
	p0 =	sne.s32 s2, $0x0  }
0x1b6: {  	s3 =	rddreg [dreg:$0x2];
	[bflag:$0x3] =	sbarrier.arrive $0xFFFF;
	s2 =	simm.s32 @!p0 $0x1C03  }
0x1b7: {  	[timem:s3], [sflag:s2] =	dma.local @!p0 [hbm:s0], s1  }
0x1b8: {  	s0 =	simm.s32 @!p0 $0x3  }
0x1b9: {  	_ =	swait.ge @!p0 [sflag:s0], s1  }
0x1ba: {  	s1 =	ssub.s32 @!p0 $0x0, s1;
	[sflag:s0] =	ssyncset.done @!p0 $0x0  }
0x1bb: {  	[sflag:s0] =	ssyncadd.s32 @!p0 s1  }
0x1bc: {  	[bflag:$0x3] =	sbarrier.arrive $0xFFFF  }
0x1bd: {  	_ =	shalt  }

// kernel: kernel.8.cloned.1.call-start
scs
__scs_entry_jumppad:
0x0: {  	(pc) =	sbr.rel $0x88, $3  }
0x1: {  	(tag) =	ssettag $0x0;
	lr =	simm.s32 $0x1  }
0x2: {  	[smem:$0x3F95] =	sst lr;
	_ =	strace $0xD0000000  }
0x3: {  	_ = 	snop  }
0x4: {  	_ = 	snop  }
0x5: {  	_ = 	snop  }
0x6: {  	_ = 	snop  }
0x7: {  	_ = 	snop  }
__scs_overlays_trampoline_lowered:
0x8: {  	[smem:$0x3FA4] =	sst s0  }
0x9: {  	[smem:$0x3FA5] =	sst s1  }
0xa: {  	[smem:$0x3FA6] =	sst s2  }
0xb: {  	[smem:$0x3FA7] =	sst s3  }
0xc: {  	[smem:$0x3FA8] =	sst s4  }
0xd: {  	[smem:$0x3FA9] =	sst s5  }
0xe: {  	[smem:$0x3FAA] =	sst s6  }
0xf: {  	[smem:$0x3FAB] =	sst s7  }
0x10: {  	[smem:$0x3FAC] =	sst s8  }
0x11: {  	[smem:$0x3FAD] =	sst s9;
	s0 =	simm.s32 @!p0 $0x0  }
0x12: {  	s1 =	sld [smem:$0x3F93];
	s0 =	simm.s32 @p0 $0x1  }
0x13: {  	[smem:$0x3FAE] =	sst s0;
	s0 =	simm.s32 @!p1 $0x0  }
0x14: {  	s2 =	sld [smem:$0x3F92];
	s0 =	simm.s32 @p1 $0x1  }
0x15: {  	[smem:$0x3FAF] =	sst s0;
	s0 =	simm.s32 @!p2 $0x0  }
0x16: {  	s3 =	sld [smem:$0x3FDB];
	s0 =	simm.s32 @p2 $0x1  }
0x17: {  	s4 =	simm.s32 $0x1BF5;
	[smem:$0x3FB1] =	sst s0  }
0x18: {  	s0 =	sld [smem:$0x3F94];
	_ =	swait.ge [sflag:s4], $0x0  }
0x19: {  	s7 =	sld [smem:$0x3F95]  }
0x1a: {  	s8 =	sadd.s32 $0xFFFFE003, lr  }
0x1b: {  	s9 =	sadd.s32 $0xFFFFFEF7, lr;
	s5 =	simm.s32 $0xFFFFFFFF;
	p2 =	slt.u32 s8, $0xFFFFF086  }
0x1c: {  	p1 =	slt.u32 s9, $0xF7A;
	s5 =	simm.s32 @!p2 $0x0  }
0x1d: {  	s5 =	simm.s32 @p1 $0x1;
	p0 =	seq.s32 s7, s2  }
0x1e: {  	s7 =	smul.u32 @!p0 $0xF7A, s2;
	p2 =	seq.s32 @!p0 s5, $0x0  }
0x1f: {  	s9 =	smul.u32 $0xF7A, s1;
	s8 =	simm.s32 @!p0 $0x1BF5;
	p2 =	por !p2, p0  }
0x20: {  	[sflag:s8] =	ssyncset.s32 @!p0 $0xFFFFF086;
	s6 =	sadd.s32 @!p0 s3, s7;
	s7 =	simm.s32 @!p0 $0x108  }
0x21: {  	s3 =	sadd.s32 s3, s9;
	s6 =	sadd.s32 @!p0 $0x88, s6;
	s7 =	simm.s32 @p2 $0x1082  }
0x22: {  	[simem:s7], [sflag:s8] =	dma.local @!p0 [hbm:s6], $0xF7A  }
0x23: {  	s9 =	sor.u32 $0xD0000000, s2;
	s6 =	simm.s32 $0x108;
	_ =	swait.ge @!p0 [sflag:s8], $0x0  }
0x24: {  	s3 =	sadd.s32 $0x88, s3;
	s6 =	simm.s32 @!p1 $0x1082;
	[sflag:s4] =	ssyncset.s32 $0xFFFFF086  }
0x25: {  	[simem:s6], [sflag:s4] =	dma.local [hbm:s3], $0xF7A  }
0x26: {  	[smem:$0x3F95] =	sst s1;
	(tag) =	ssettag s2;
	_ =	strace s9  }
0x27: {  	s1 =	sld [smem:$0x3FA5]  }
0x28: {  	s2 =	sld [smem:$0x3FA6]  }
0x29: {  	s4 =	sld [smem:$0x3FA8]  }
0x2a: {  	p0 =	seq.s32 s5, $0x0;
	s5 =	sld [smem:$0x3FA9]  }
0x2b: {  	s6 =	sld [smem:$0x3FAA]  }
0x2c: {  	s7 =	sld [smem:$0x3FAB]  }
0x2d: {  	s3 =	simm.s32 $0x108;
	s8 =	sld [smem:$0x3FAC]  }
0x2e: {  	s3 =	simm.s32 @!p0 $0x1082;
	s9 =	sld [smem:$0x3FAD]  }
0x2f: {  	lr =	sadd.s32 s0, s3;
	s0 =	sld [smem:$0x3FA4]  }
0x30: {  	s3 =	sld [smem:$0x3FA7]  }
0x31: {  	[smem:$0x3FB0] =	sst s10  }
0x32: {  	s10 =	sld [smem:$0x3FAE];
	_ =	sdelay $0x3  }
0x33: {  	p0 =	seq.s32 s10, $0x1;
	s10 =	sld [smem:$0x3FB0];
	_ =	sdelay $0x3  }
0x34: {  	[smem:$0x3FB0] =	sst s10  }
0x35: {  	s10 =	sld [smem:$0x3FAF];
	_ =	sdelay $0x3  }
0x36: {  	p1 =	seq.s32 s10, $0x1;
	s10 =	sld [smem:$0x3FB0];
	_ =	sdelay $0x3  }
0x37: {  	[smem:$0x3FB0] =	sst s10  }
0x38: {  	s10 =	sld [smem:$0x3FB1]  }
0x39: {  	_ = 	snop;
	(pc) =	sbr.ind lr, $3  }
0x3a: {  	_ = 	snop  }
0x3b: {  	_ = 	snop  }
0x3c: {  	p2 =	seq.s32 s10, $0x1;
	s10 =	sld [smem:$0x3FB0]  }
0x3d: {  	_ =	shalt  }
0x3e: {  	_ =	shalt  }
0x3f: {  	_ =	shalt  }
0x40: {  	_ =	shalt  }
0x41: {  	_ =	shalt  }
0x42: {  	_ =	shalt  }
0x43: {  	_ =	shalt  }
0x44: {  	_ =	shalt  }
0x45: {  	_ =	shalt  }
0x46: {  	_ =	shalt  }
0x47: {  	_ =	shalt  }
0x48: {  	_ =	shalt  }
0x49: {  	_ =	shalt  }
0x4a: {  	_ =	shalt  }
0x4b: {  	_ =	shalt  }
0x4c: {  	_ =	shalt  }
0x4d: {  	_ =	shalt  }
0x4e: {  	_ =	shalt  }
0x4f: {  	_ =	shalt  }
0x50: {  	_ =	shalt  }
0x51: {  	_ =	shalt  }
0x52: {  	_ =	shalt  }
0x53: {  	_ =	shalt  }
0x54: {  	_ =	shalt  }
0x55: {  	_ =	shalt  }
0x56: {  	_ =	shalt  }
0x57: {  	_ =	shalt  }
0x58: {  	_ =	shalt  }
0x59: {  	_ =	shalt  }
0x5a: {  	_ =	shalt  }
0x5b: {  	_ =	shalt  }
0x5c: {  	_ =	shalt  }
0x5d: {  	_ =	shalt  }
0x5e: {  	_ =	shalt  }
0x5f: {  	_ =	shalt  }
0x60: {  	_ =	shalt  }
0x61: {  	_ =	shalt  }
0x62: {  	_ =	shalt  }
0x63: {  	_ =	shalt  }
0x64: {  	_ =	shalt  }
0x65: {  	_ =	shalt  }
0x66: {  	_ =	shalt  }
0x67: {  	_ =	shalt  }
0x68: {  	_ =	shalt  }
0x69: {  	_ =	shalt  }
0x6a: {  	_ =	shalt  }
0x6b: {  	_ =	shalt  }
0x6c: {  	_ =	shalt  }
0x6d: {  	_ =	shalt  }
0x6e: {  	_ =	shalt  }
0x6f: {  	_ =	shalt  }
0x70: {  	_ =	shalt  }
0x71: {  	_ =	shalt  }
0x72: {  	_ =	shalt  }
0x73: {  	_ =	shalt  }
0x74: {  	_ =	shalt  }
0x75: {  	_ =	shalt  }
0x76: {  	_ =	shalt  }
0x77: {  	_ =	shalt  }
0x78: {  	_ =	shalt  }
0x79: {  	_ =	shalt  }
0x7a: {  	_ =	shalt  }
0x7b: {  	_ =	shalt  }
0x7c: {  	_ =	shalt  }
0x7d: {  	_ =	shalt  }
0x7e: {  	_ =	shalt  }
0x7f: {  	_ =	shalt  }
0x80: {  	_ =	shalt  }
0x81: {  	_ =	shalt  }
0x82: {  	_ =	shalt  }
0x83: {  	_ =	shalt  }
0x84: {  	_ =	shalt  }
0x85: {  	_ =	shalt  }
0x86: {  	_ =	shalt  }
0x87: {  	_ =	shalt  }
.Lfunc_end0:
.L_simem_size_0:
called_computation_lowered:
.L_overlay_start_0:
0x88: {  	s2 =	sld [smem:$0x3FD9]  }
0x89: {  	s3 =	sld [smem:$0x3FFE];
	_ =	sdelay $0x1  }
0x8a: {  	s1 =	srdreg.scid  }
0x8b: {  	s0 =	sand.u32 $0x1, s1  }
0x8c: {  	s17 =	sshll.u32 s0, $0xA;
	s2 =	sadd.s32 s3, s2  }
0x8d: {  	s2 =	sadd.s32 s2, s17  }
0x8e: {  	[smem:$0x3FBC] =	sst s2  }
0x8f: {  	_ = 	snop  }
0x90: {  	s2 =	sld [smem:$0x3FD0];
	(tm) =	ssettm $0x1  }
0x91: {  	s18 =	sld [smem:$0x3FFB];
	_ =	sdelay $0x3  }
0x92: {  	_ =	strace s18  }
0x93: {  	s3 =	sld [smem:$0x3FFC];
	_ =	sdelay $0x3  }
0x94: {  	_ =	strace s3  }
0x95: {  	s3 =	sld [smem:$0x3FFD];
	_ =	sdelay $0x3  }
0x96: {  	_ =	strace s3  }
0x97: {  	_ =	strace $0x8FFFFFFF  }
0x98: {  	s19 =	sld [smem:$0x3FDB];
	_ =	sdelay $0x1  }
0x99: {  	s4 =	simm.s32 $_scs_section_size  }
0x9a: {  	s5 =	simm.s32 $_size__tile_overlayer_lowered;
	s6 =	simm.s32 $_tile_overlayer_lowered  }
0x9b: {  	s22 =	simm.s32 $0x1BFF;
	s21 =	sshll.u32 s6, $0x1;
	s3 =	sadd.s32 s4, s19  }
0x9c: {  	s7 =	simm.s32 $0x0;
	s20 =	sshll.u32 s5, $0x1;
	s5 =	sadd.s32 s21, s3  }
0x9d: {  	[timem:s7], [sflag:s22] =	dma.local [hbm:s5], s20  }
0x9e: {  	_ =	swait.ge [sflag:s22], s20  }
0x9f: {  	s4 =	ssub.s32 $0x0, s20;
	[sflag:s22] =	ssyncset.done $0x0  }
0xa0: {  	[sflag:s22] =	ssyncadd.s32 s4;
	_ =	sdelay $0x1  }
0xa1: {  	s23 =	simm.s32 $0x1B8B  }
0xa2: {  	_ =	swait.ge [sflag:s23], $0x1  }
0xa3: {  	[sflag:s23] =	ssyncset.done $0x0  }
0xa4: {  	s25 =	simm.s32 $0x1B8E;
	s24 =	sld [smem:$0x3FFE];
	[sflag:s23] =	ssyncadd.s32 $0xFFFFFFFF  }
0xa5: {  	s26 =	simm.s32 $execute0_lowered;
	[smem:$0x3FD2] =	sst s25  }
0xa6: {  	s5 =	sshll.u32 s26, $0x1;
	_ =	strace $0x80000046;
	[dreg:$0x1] =	wrdreg $0xFFFFFFFF  }
0xa7: {  	s28 =	simm.s32 $_size_execute0_lowered;
	s3 =	sadd.s32 s3, s5;
	[dreg:$0x0] =	wrdreg $0x0  }
0xa8: {  	s5 =	sshll.u32 s28, $0x1;
	[dreg:$0x2] =	wrdreg s3  }
0xa9: {  	[dreg:$0x3] =	wrdreg s5  }
0xaa: {  	[dreg:$0x4] =	wrdreg $0xC0  }
0xab: {  	_ =	task [dreg:s7], $0x5FFFF  }
0xac: {  	[dreg:$0x1] =	wrdreg $0xFFFFFFFF  }
0xad: {  	[dreg:$0x0] =	wrdreg $0x60  }
0xae: {  	[dreg:$0x2] =	wrdreg s24  }
0xaf: {  	[dreg:$0x3] =	wrdreg s2  }
0xb0: {  	[dreg:$0x4] =	wrdreg $0xA5000  }
0xb1: {  	[dreg:$0x5] =	wrdreg $0x9  }
0xb2: {  	_ =	task.clear_ibuf [dreg:s7], $0x6FFFF;
	_ =	strace $0x90000046  }
0xb3: {  	s29 =	simm.s32 $0x9;
	_ =	strace $0x80000048  }
0xb4: {  	_ =	swait.ge [sflag:s29], $0x1  }
0xb5: {  	[sflag:s29] =	ssyncadd.s32 $0xFFFFFFFF  }
0xb6: {  	_ =	strace $0x90000048  }
0xb7: {  	_ =	sfence  }
0xb8: {  	s30 =	sld [smem:$0x0];
	_ =	sdelay $0x2  }
0xb9: {  	s31 =	sshll.u32 s1, $0xD;
	s1 =	sshrl.u32 s1, $0x2  }
0xba: {  	s3 =	sand.u32 $0x4000, s31;
	s1 =	sadd.s32 s1, s30  }
0xbb: {  	s0 =	sor.u32 s3, s0;
	s1 =	sshll.u32 s1, $0x11  }
0xbc: {  	s0 =	sor.u32 s1, s0  }
0xbd: {  	s0 =	sadd.s32 $0x8F2B, s0  }
0xbe: {  	[sflag:s0] =	ssyncadd.remote.s32 $0x1  }
0xbf: {  	_ =	sfence.sel $0xFFFF  }
0xc0: {  	[dreg:$0x0] =	wrdreg $0xFFFFFFFF;
	(pc) =	sbr.abs _section_cstart, $3  }
0xc1: {  	[dreg:$0x1] =	wrdreg $0xFFFFFFFF  }
0xc2: {  	_ =	task.clear_ibuf [dreg:s7], $0x2FFFF;
	_ =	strace $0x9FFFFFFF  }
0xc3: {  	(tm) =	ssettm $0x7FFFFFFF  }
tec
execute0_lowered:
.L_overlay_start_1:
0x0: {  	(tag) =	ssettag $0x1  }
0x1: {  	s1 =	rddreg [dreg:$0x0];
	s3 =	srdreg.scid  }
0x2: {  	s0 =	stileid.u32;
	s2 =	rddreg [dreg:$0x1]  }
0x3: {  	s13 =	simm.s32 $0x80;
	s14 =	simm.s32 $0x400;
	s15 =	simm.s32 $0x3  }
0x4: {  	s16 =	simm.s32 $0x2500;
	s17 =	simm.s32 $0x100;
	s18 =	simm.s32 $0x1400  }
0x5: {  	s19 =	simm.s32 $0x1500;
	s20 =	simm.s32 $0x1;
	s21 =	simm.s32 $0x2  }
0x6: {  	s24 =	simm.s32 $0x0;
	s6 =	sand.u32 $0x1, s3;
	s28 =	smul.u32 $0x14000, s0  }
0x7: {  	s4 =	sshll.u32 s0, $0x1;
	s26 =	sshrl.u32 s0, $0x2;
	s11 =	smul.u32 $0x50000, s0  }
0x8: {  	s3 =	rddreg [dreg:$0x2];
	s31 =	sshll.u32 s0, $0x6;
	s5 =	smul.u32 $0xA000, s26  }
0x9: {  	s10 =	sor.u32 s6, s4;
	s4 =	simm.s32 $0x0;
	s8 =	smul.u32 $0x140000, s6  }
0xa: {  	s29 =	ssub.s32 $0x2, s6;
	s6 =	sadd.s32 $0x2DE00, s1;
	s22 =	sor.u32 $0x1C03, s31  }
0xb: {  	s7 =	sshll.u32 s10, $0x7;
	[smem:$0x7FF] =	sst s4;
	s30 =	sshrl.u32 s29, $0x1  }
0xc: {  	s11 =	sshrl.u32 s11, $0x2;
	s7 =	sand.u32 $0x380, s7;
	_ =	strace $0x80000047  }
0xd: {  	s12 =	ssub.s32 s29, s30;
	s5 =	sor.u32 s5, s7;
	s7 =	sadd.s32 s28, s8  }
0xe: {  	s12 =	smax.u32 s12, $0x1;
	s9 =	sshrl.u32 s5, $0x3;
	s7 =	sshrl.u32 s7, $0x3  }
0xf: {  	s5 =	sadd.s32 $0x29EE00, s1;
	s9 =	sadd.s32 s9, s1;
	s1 =	sadd.s32 s7, s1  }
0x10: {  	v0 =	vimm.f32 $0.0e+00;
	vm0 =	vcmask $0x1310;
	s7 =	smul.u32 $0x1800, s10;
	s8 =	sadd.s32 $0x1C00, s9;
	s9 =	sadd.s32 s11, s3  }
0x11: {  	v1 =	vsel vm0, $0x3F800000, v0;
	s10 =	smul.u32 $0x14000, s10;
	s11 =	sadd.s32 $0x7DE00, s1;
	s23 =	sshrl.u32 s9, $0x3  }
.LBB2_1:
0x12: {  	[tilespmem:s4], [sflag:$0x3] =	stream.strided.gather [hbm4b:s8+s13], $0x1400, s14, s13, $0x38;
	[tilespmem:$0x1E500] =	vst v63  }
0x13: {  	_ =	swait.ge [sflag:s15], $0x1400  }
0x14: {  	[sflag:s15] =	ssyncset.done $0x0  }
0x15: {  	[sflag:s15] =	ssyncadd.s32 $0xFFFFEC00  }
0x16: {  	[tilespmem:$0x2500] =	vst v0  }
0x17: {  	[tilespmem:$0x2510] =	vst v0  }
0x18: {  	[tilespmem:$0x2520] =	vst v0  }
0x19: {  	[tilespmem:$0x2530] =	vst v0  }
0x1a: {  	[tilespmem:$0x2540] =	vst v0  }
0x1b: {  	[tilespmem:$0x2550] =	vst v0  }
0x1c: {  	[tilespmem:$0x2560] =	vst v0  }
0x1d: {  	[tilespmem:$0x2570] =	vst v0  }
0x1e: {  	[tilespmem:$0x2580] =	vst v0  }
0x1f: {  	[tilespmem:$0x2590] =	vst v0  }
0x20: {  	[tilespmem:$0x25A0] =	vst v0  }
0x21: {  	[tilespmem:$0x25B0] =	vst v0  }
0x22: {  	[tilespmem:$0x25C0] =	vst v0  }
0x23: {  	[tilespmem:$0x25D0] =	vst v0  }
0x24: {  	[tilespmem:$0x25E0] =	vst v0  }
0x25: {  	[tilespmem:$0x25F0] =	vst v0  }
0x26: {  	[tilespmem:$0x2600] =	vst v0  }
0x27: {  	[tilespmem:$0x2610] =	vst v0  }
0x28: {  	[tilespmem:$0x2620] =	vst v0  }
0x29: {  	[tilespmem:$0x2630] =	vst v0  }
0x2a: {  	[tilespmem:$0x2640] =	vst v0  }
0x2b: {  	[tilespmem:$0x2650] =	vst v0  }
0x2c: {  	[tilespmem:$0x2660] =	vst v0  }
0x2d: {  	[tilespmem:$0x2670] =	vst v0  }
0x2e: {  	[tilespmem:$0x2680] =	vst v0  }
0x2f: {  	[tilespmem:$0x2690] =	vst v0  }
0x30: {  	[tilespmem:$0x26A0] =	vst v0  }
0x31: {  	[tilespmem:$0x26B0] =	vst v0  }
0x32: {  	[tilespmem:$0x26C0] =	vst v0  }
0x33: {  	[tilespmem:$0x26D0] =	vst v0  }
0x34: {  	[tilespmem:$0x26E0] =	vst v0  }
0x35: {  	[tilespmem:$0x26F0] =	vst v0  }
0x36: {  	[tilespmem:$0x2700] =	vst v0  }
0x37: {  	[tilespmem:$0x2710] =	vst v0  }
0x38: {  	[tilespmem:$0x2720] =	vst v0  }
0x39: {  	[tilespmem:$0x2730] =	vst v0  }
0x3a: {  	[tilespmem:$0x2740] =	vst v0  }
0x3b: {  	[tilespmem:$0x2750] =	vst v0  }
0x3c: {  	[tilespmem:$0x2760] =	vst v0  }
0x3d: {  	[tilespmem:$0x2770] =	vst v0  }
0x3e: {  	[tilespmem:$0x2780] =	vst v0  }
0x3f: {  	[tilespmem:$0x2790] =	vst v0  }
0x40: {  	[tilespmem:$0x27A0] =	vst v0  }
0x41: {  	[tilespmem:$0x27B0] =	vst v0  }
0x42: {  	[tilespmem:$0x27C0] =	vst v0  }
0x43: {  	[tilespmem:$0x27D0] =	vst v0  }
0x44: {  	[tilespmem:$0x27E0] =	vst v0  }
0x45: {  	[tilespmem:$0x27F0] =	vst v0  }
0x46: {  	[tilespmem:$0x2800] =	vst v0  }
0x47: {  	[tilespmem:$0x2810] =	vst v0  }
0x48: {  	[tilespmem:$0x2820] =	vst v0  }
0x49: {  	[tilespmem:$0x2830] =	vst v0  }
0x4a: {  	[tilespmem:$0x2840] =	vst v0  }
0x4b: {  	[tilespmem:$0x2850] =	vst v0  }
0x4c: {  	[tilespmem:$0x2860] =	vst v0  }
0x4d: {  	[tilespmem:$0x2870] =	vst v0  }
0x4e: {  	[tilespmem:$0x2880] =	vst v0  }
0x4f: {  	[tilespmem:$0x2890] =	vst v0  }
0x50: {  	[tilespmem:$0x28A0] =	vst v0  }
0x51: {  	[tilespmem:$0x28B0] =	vst v0  }
0x52: {  	[tilespmem:$0x28C0] =	vst v0  }
0x53: {  	[tilespmem:$0x28D0] =	vst v0  }
0x54: {  	[tilespmem:$0x28E0] =	vst v0  }
0x55: {  	[tilespmem:$0x28F0] =	vst v0  }
0x56: {  	[tilespmem:$0x2900] =	vst v0  }
0x57: {  	[tilespmem:$0x2910] =	vst v0  }
0x58: {  	[tilespmem:$0x2920] =	vst v0  }
0x59: {  	[tilespmem:$0x2930] =	vst v0  }
0x5a: {  	[tilespmem:$0x2940] =	vst v0  }
0x5b: {  	[tilespmem:$0x2950] =	vst v0  }
0x5c: {  	[tilespmem:$0x2960] =	vst v0  }
0x5d: {  	[tilespmem:$0x2970] =	vst v0  }
0x5e: {  	[tilespmem:$0x2980] =	vst v0  }
0x5f: {  	[tilespmem:$0x2990] =	vst v0  }
0x60: {  	[tilespmem:$0x29A0] =	vst v0  }
0x61: {  	[tilespmem:$0x29B0] =	vst v0  }
0x62: {  	[tilespmem:$0x29C0] =	vst v0  }
0x63: {  	[tilespmem:$0x29D0] =	vst v0  }
0x64: {  	[tilespmem:$0x29E0] =	vst v0  }
0x65: {  	[tilespmem:$0x29F0] =	vst v0  }
0x66: {  	[tilespmem:$0x2A00] =	vst v0  }
0x67: {  	[tilespmem:$0x2A10] =	vst v0  }
0x68: {  	[tilespmem:$0x2A20] =	vst v0  }
0x69: {  	[tilespmem:$0x2A30] =	vst v0  }
0x6a: {  	[tilespmem:$0x2A40] =	vst v0  }
0x6b: {  	[tilespmem:$0x2A50] =	vst v0  }
0x6c: {  	[tilespmem:$0x2A60] =	vst v0  }
0x6d: {  	[tilespmem:$0x2A70] =	vst v0  }
0x6e: {  	[tilespmem:$0x2A80] =	vst v0  }
0x6f: {  	[tilespmem:$0x2A90] =	vst v0  }
0x70: {  	[tilespmem:$0x2AA0] =	vst v0  }
0x71: {  	[tilespmem:$0x2AB0] =	vst v0  }
0x72: {  	[tilespmem:$0x2AC0] =	vst v0  }
0x73: {  	[tilespmem:$0x2AD0] =	vst v0  }
0x74: {  	[tilespmem:$0x2AE0] =	vst v0  }
0x75: {  	[tilespmem:$0x2AF0] =	vst v0  }
0x76: {  	[tilespmem:$0x2B00] =	vst v0  }
0x77: {  	[tilespmem:$0x2B10] =	vst v0  }
0x78: {  	[tilespmem:$0x2B20] =	vst v0  }
0x79: {  	[tilespmem:$0x2B30] =	vst v0  }
0x7a: {  	[tilespmem:$0x2B40] =	vst v0  }
0x7b: {  	[tilespmem:$0x2B50] =	vst v0  }
0x7c: {  	[tilespmem:$0x2B60] =	vst v0  }
0x7d: {  	[tilespmem:$0x2B70] =	vst v0  }
0x7e: {  	[tilespmem:$0x2B80] =	vst v0  }
0x7f: {  	[tilespmem:$0x2B90] =	vst v0  }
0x80: {  	[tilespmem:$0x2BA0] =	vst v0  }
0x81: {  	[tilespmem:$0x2BB0] =	vst v0  }
0x82: {  	[tilespmem:$0x2BC0] =	vst v0  }
0x83: {  	[tilespmem:$0x2BD0] =	vst v0  }
0x84: {  	[tilespmem:$0x2BE0] =	vst v0  }
0x85: {  	[tilespmem:$0x2BF0] =	vst v0  }
0x86: {  	[tilespmem:$0x2C00] =	vst v0  }
0x87: {  	[tilespmem:$0x2C10] =	vst v0  }
0x88: {  	[tilespmem:$0x2C20] =	vst v0  }
0x89: {  	[tilespmem:$0x2C30] =	vst v0  }
0x8a: {  	[tilespmem:$0x2C40] =	vst v0  }
0x8b: {  	[tilespmem:$0x2C50] =	vst v0  }
0x8c: {  	[tilespmem:$0x2C60] =	vst v0  }
0x8d: {  	[tilespmem:$0x2C70] =	vst v0  }
0x8e: {  	[tilespmem:$0x2C80] =	vst v0  }
0x8f: {  	[tilespmem:$0x2C90] =	vst v0  }
0x90: {  	[tilespmem:$0x2CA0] =	vst v0  }
0x91: {  	[tilespmem:$0x2CB0] =	vst v0  }
0x92: {  	[tilespmem:$0x2CC0] =	vst v0  }
0x93: {  	[tilespmem:$0x2CD0] =	vst v0  }
0x94: {  	[tilespmem:$0x2CE0] =	vst v0  }
0x95: {  	s1 =	sadd.s32 $0x0, s9;
	[tilespmem:$0x2CF0] =	vst v0  }
0x96: {  	[spmem:s1] =	stream.linear.scatter [tilespmem:s16], [sflag:$0x3], $0x800, $0x38;
	[tilespmem:$0x1E500] =	vst v63  }
0x97: {  	s1 =	simm.s32 $0x2000;
	_ =	swait.ge [sflag:s15], $0x800  }
.LBB2_2:
0x98: {  	s25 =	sshra.s32 s1, $0x2;
	[sflag:s15] =	ssyncset.done $0x0;
	p0 =	sne.s32 s1, $0x4E000  }
.Ltmp0:
0x99: {  	s25 =	sadd.s32 s25, s9;
	[sflag:s15] =	ssyncadd.s32 $0xFFFFF800;
	(pc) =	sbr.rel @p0 .LBB2_2-.Ltmp0, $3  }
0x9a: {  	[spmem:s25] =	stream.linear.scatter [tilespmem:s16], [sflag:$0x3], $0x800, $0x38;
	[tilespmem:$0x1E500] =	vst v63  }
0x9b: {  	s1 =	sadd.s32 $0x2000, s1;
	_ =	sdelay $0x1  }
0x9c: {  	_ =	swait.ge [sflag:s15], $0x800  }
0x9d: {  	[sflag:s15] =	ssyncset.done $0x0  }
0x9e: {  	[sflag:s15] =	ssyncadd.s32 $0xFFFFF800  }
0x9f: {  	s25 =	simm.s32 $0x0;
	s26 =	simm.s32 $0x0;
	[bflag:$0x0] =	sbarrier.arrive $0xFFFF  }
.LBB2_4:
0xa0: {  	s1 =	sshll.u32 s26, $0x8  }
0xa1: {  	s28 =	sand.u32 $0x3FFFFF00, s1  }
0xa2: {  	[tilespmem:s16], [sflag:$0x1] =	stream.indirect.gather [hbm4b:s5+s17], $0x80, s28, s17, $0xb8;
	[tilespmem:$0x1E500] =	vst v63  }
0xa3: {  	s1 =	sand.u32 $0x1800, s1;
	s28 =	sshll.u32 s26, $0x7  }
0xa4: {  	s1 =	sadd.s32 s7, s1;
	s28 =	sand.u32 $0x380, s28  }
0xa5: {  	s1 =	sor.u32 s28, s1  }
0xa6: {  	s1 =	sshrl.u32 s1, $0x3  }
0xa7: {  	s1 =	sadd.s32 s2, s1  }
0xa8: {  	[tilespmem:s18], [sflag:$0x2] =	stream.strided.gather [hbm4b:s1+s13], $0x100, s14, s13, $0x38;
	[tilespmem:$0x1E500] =	vst v63  }
0xa9: {  	s1 =	sshll.u32 s26, $0xC  }
0xaa: {  	s1 =	sadd.s32 s10, s1  }
0xab: {  	s1 =	sshrl.u32 s1, $0x3  }
0xac: {  	s1 =	sadd.s32 s6, s1  }
0xad: {  	[tilespmem:s19], [sflag:$0x3] =	stream.linear.gather [hbm4b:s1+s25], $0x1000, $0x38;
	[tilespmem:$0x1E500] =	vst v63  }
0xae: {  	_ =	swait.ge [sflag:s15], $0x1000  }
0xaf: {  	[sflag:s15] =	ssyncset.done $0x0  }
0xb0: {  	[sflag:s15] =	ssyncadd.s32 $0xFFFFF000  }
0xb1: {  	_ =	swait.ge [sflag:s20], $0x8000  }
0xb2: {  	[sflag:s20] =	ssyncset.done $0x0  }
0xb3: {  	s29 =	simm.s32 $0x2700;
	[sflag:s20] =	ssyncadd.s32 $0xFFFF8000  }
0xb4: {  	v2 =	vld [tilespmem:s29+$0xFFFFFE20]  }
0xb5: {  	s28 =	simm.s32 $0x0;
	v3 =	vld [tilespmem:s29+$0xFFFFFE50]  }
0xb6: {  	v4 =	vld [tilespmem:s28+$0x1500]  }
0xb7: {  	v5 =	vld [tilespmem:s29+$0xFFFFFE10]  }
0xb8: {  	v6 =	vld [tilespmem:s29+$0xFFFFFE60]  }
0xb9: {  	v7 =	vld [tilespmem:s29+$0xFFFFFE70];
	_ =	sdelay $0x1  }
0xba: {  	v9 =	vld [tilespmem:s29+$0xFFFFFE00];
	v3 =	vmul.f32 v3, v4  }
0xbb: {  	v8 =	vld [tilespmem:s29+$0xFFFFFE40];
	v5 =	vmul.f32 v5, v4  }
0xbc: {  	v10 =	vld [tilespmem:s29+$0xFFFFFE30];
	v6 =	vmul.f32 v6, v4;
	v2 =	vmul.f32 v2, v4;
	[tilespmem:s29+$0xFFFFFE50] =	vst v3  }
0xbd: {  	[tilespmem:s29+$0xFFFFFE10] =	vst v5;
	v3 =	vmul.f32 v7, v4  }
0xbe: {  	v5 =	vadd.f32 v1, v6;
	[tilespmem:s29+$0xFFFFFE20] =	vst v2  }
0xbf: {  	v2 =	vmul.f32 v9, v4;
	[tilespmem:s29+$0xFFFFFE70] =	vst v3  }
0xc0: {  	v3 =	vmul.f32 v8, v4;
	[tilespmem:s29+$0xFFFFFE60] =	vst v5  }
0xc1: {  	v4 =	vmul.f32 v10, v4;
	[tilespmem:s29+$0xFFFFFE00] =	vst v2  }
0xc2: {  	v6 =	vld [tilespmem:s29+$0xFFFFFE80];
	[tilespmem:s29+$0xFFFFFE40] =	vst v3  }
0xc3: {  	[tilespmem:s29+$0xFFFFFE30] =	vst v4;
	v3 =	vld [tilespmem:s29+$0xFFFFFED0]  }
0xc4: {  	v4 =	vld [tilespmem:s28+$0x1510]  }
0xc5: {  	v2 =	vld [tilespmem:s29+$0xFFFFFEB0]  }
0xc6: {  	v5 =	vld [tilespmem:s29+$0xFFFFFEE0]  }
0xc7: {  	v7 =	vld [tilespmem:s29+$0xFFFFFEF0];
	_ =	sdelay $0x1  }
0xc8: {  	v9 =	vld [tilespmem:s29+$0xFFFFFE90];
	v3 =	vmul.f32 v3, v4  }
0xc9: {  	v10 =	vld [tilespmem:s29+$0xFFFFFEC0];
	v2 =	vmul.f32 v2, v4  }
0xca: {  	v8 =	vld [tilespmem:s29+$0xFFFFFEA0];
	v5 =	vmul.f32 v5, v4;
	v6 =	vmul.f32 v6, v4;
	[tilespmem:s29+$0xFFFFFED0] =	vst v3  }
0xcb: {  	[tilespmem:s29+$0xFFFFFEB0] =	vst v2;
	v2 =	vmul.f32 v7, v4  }
0xcc: {  	v3 =	vadd.f32 v1, v5;
	[tilespmem:s29+$0xFFFFFE80] =	vst v6  }
0xcd: {  	v5 =	vmul.f32 v9, v4;
	[tilespmem:s29+$0xFFFFFEF0] =	vst v2  }
0xce: {  	v2 =	vmul.f32 v10, v4;
	[tilespmem:s29+$0xFFFFFEE0] =	vst v3  }
0xcf: {  	v3 =	vmul.f32 v8, v4;
	[tilespmem:s29+$0xFFFFFE90] =	vst v5  }
0xd0: {  	[tilespmem:s29+$0xFFFFFEC0] =	vst v2;
	v2 =	vld [tilespmem:s29+$0xFFFFFF60]  }
0xd1: {  	[tilespmem:s29+$0xFFFFFEA0] =	vst v3;
	v3 =	vld [tilespmem:s29+$0xFFFFFF20]  }
0xd2: {  	v4 =	vld [tilespmem:s28+$0x1520]  }
0xd3: {  	v5 =	vld [tilespmem:s29+$0xFFFFFF40];
	_ =	sdelay $0x1  }
0xd4: {  	v6 =	vld [tilespmem:s29+$0xFFFFFF50]  }
0xd5: {  	v7 =	vld [tilespmem:s29+$0xFFFFFF30]  }
0xd6: {  	v8 =	vld [tilespmem:s29+$0xFFFFFF70];
	v3 =	vmul.f32 v3, v4;
	v2 =	vmul.f32 v2, v4  }
0xd7: {  	v9 =	vld [tilespmem:s29+$0xFFFFFF10];
	v5 =	vmul.f32 v5, v4  }
0xd8: {  	v10 =	vld [tilespmem:s29+$0xFFFFFF00];
	[tilespmem:s29+$0xFFFFFF20] =	vst v3;
	v2 =	vadd.f32 v1, v2  }
0xd9: {  	[tilespmem:s29+$0xFFFFFF40] =	vst v5;
	v3 =	vmul.f32 v6, v4  }
0xda: {  	v5 =	vmul.f32 v7, v4;
	[tilespmem:s29+$0xFFFFFF60] =	vst v2  }
0xdb: {  	v2 =	vmul.f32 v8, v4;
	[tilespmem:s29+$0xFFFFFF50] =	vst v3  }
0xdc: {  	v3 =	vmul.f32 v9, v4;
	[tilespmem:s29+$0xFFFFFF30] =	vst v5  }
0xdd: {  	v4 =	vmul.f32 v10, v4;
	[tilespmem:s29+$0xFFFFFF70] =	vst v2  }
0xde: {  	v6 =	vld [tilespmem:s29+$0xFFFFFF80];
	[tilespmem:s29+$0xFFFFFF10] =	vst v3  }
0xdf: {  	[tilespmem:s29+$0xFFFFFF00] =	vst v4;
	v3 =	vld [tilespmem:s29+$0xFFFFFFC0]  }
0xe0: {  	v4 =	vld [tilespmem:s28+$0x1530]  }
0xe1: {  	v2 =	vld [tilespmem:s29+$0xFFFFFFD0]  }
0xe2: {  	v5 =	vld [tilespmem:s29+$0xFFFFFFE0]  }
0xe3: {  	v7 =	vld [tilespmem:s29+$0xFFFFFFB0];
	_ =	sdelay $0x1  }
0xe4: {  	v8 =	vld [tilespmem:s29+$0xFFFFFF90];
	v3 =	vmul.f32 v3, v4  }
0xe5: {  	v9 =	vld [tilespmem:s29+$0xFFFFFFF0];
	v2 =	vmul.f32 v2, v4  }
0xe6: {  	v10 =	vld [tilespmem:s29+$0xFFFFFFA0];
	v5 =	vmul.f32 v5, v4;
	v6 =	vmul.f32 v6, v4;
	[tilespmem:s29+$0xFFFFFFC0] =	vst v3  }
0xe7: {  	v3 =	vmul.f32 v7, v4;
	[tilespmem:s29+$0xFFFFFFD0] =	vst v2  }
0xe8: {  	v2 =	vadd.f32 v1, v5;
	[tilespmem:s29+$0xFFFFFF80] =	vst v6  }
0xe9: {  	v5 =	vmul.f32 v8, v4;
	[tilespmem:s29+$0xFFFFFFB0] =	vst v3  }
0xea: {  	v6 =	vld [tilespmem:s29+$0x20];
	v3 =	vmul.f32 v9, v4;
	[tilespmem:s29+$0xFFFFFFE0] =	vst v2  }
0xeb: {  	v7 =	vld [tilespmem:s29+$0x70];
	v2 =	vmul.f32 v10, v4;
	[tilespmem:s29+$0xFFFFFF90] =	vst v5  }
0xec: {  	v4 =	vld [tilespmem:s29+$0x10];
	[tilespmem:s29+$0xFFFFFFF0] =	vst v3  }
0xed: {  	[tilespmem:s29+$0xFFFFFFA0] =	vst v2;
	v2 =	vld [tilespmem:s29+$0x30]  }
0xee: {  	v5 =	vld [tilespmem:s28+$0x1540]  }
0xef: {  	v3 =	vld [tilespmem:s29+$0x60]  }
0xf0: {  	v8 =	vld [tilespmem:s29+$0x40]  }
0xf1: {  	v9 =	vld [tilespmem:s29+$0x50]  }
0xf2: {  	v10 =	vld [tilespmem:s29+$0x0]  }
0xf3: {  	v2 =	vmul.f32 v2, v5  }
0xf4: {  	v3 =	vmul.f32 v3, v5;
	v4 =	vmul.f32 v4, v5  }
0xf5: {  	v6 =	vmul.f32 v6, v5;
	[tilespmem:s29+$0x30] =	vst v2  }
0xf6: {  	v2 =	vadd.f32 v1, v3;
	v3 =	vmul.f32 v7, v5;
	[tilespmem:s29+$0x10] =	vst v4;
	v4 =	vmul.f32 v9, v5  }
0xf7: {  	[tilespmem:s29+$0x20] =	vst v6;
	v6 =	vmul.f32 v8, v5;
	v7 =	vmul.f32 v10, v5;
	v5 =	vld [tilespmem:s29+$0xF0]  }
0xf8: {  	v8 =	vld [tilespmem:s29+$0x80];
	[tilespmem:s29+$0x60] =	vst v2  }
0xf9: {  	v9 =	vld [tilespmem:s29+$0xE0];
	[tilespmem:s29+$0x70] =	vst v3  }
0xfa: {  	v10 =	vld [tilespmem:s29+$0xC0];
	[tilespmem:s29+$0x50] =	vst v4  }
0xfb: {  	v2 =	vld [tilespmem:s29+$0xD0];
	[tilespmem:s29+$0x40] =	vst v6  }
0xfc: {  	v3 =	vld [tilespmem:s29+$0xB0];
	[tilespmem:s29+$0x0] =	vst v7  }
0xfd: {  	v4 =	vld [tilespmem:s28+$0x1550]  }
0xfe: {  	v7 =	vld [tilespmem:s29+$0x90]  }
0xff: {  	s31 =	simm.s32 $0x200;
	s30 =	simm.s32 $0x2700;
	v6 =	vld [tilespmem:s29+$0xA0]  }
.LBB2_5:
0x100: {  	p0 =	sne.s32 s31, $0x3E00  }
0x101: {  	s29 =	sadd.s32 $0x400, s29;
	s1 =	smov.u32 s31;
	s31 =	sadd.s32 $0x200, s31  }
0x102: {  	v8 =	vmul.f32 v8, v4;
	v9 =	vmul.f32 v9, v4  }
0x103: {  	v5 =	vmul.f32 v5, v4;
	v7 =	vmul.f32 v7, v4  }
0x104: {  	v3 =	vmul.f32 v3, v4;
	[tilespmem:s30+$0x80] =	vst v8;
	v6 =	vmul.f32 v6, v4;
	v8 =	vadd.f32 v1, v9  }
0x105: {  	v2 =	vmul.f32 v2, v4;
	v9 =	vmul.f32 v10, v4;
	[tilespmem:s30+$0xF0] =	vst v5  }
0x106: {  	[tilespmem:s30+$0xB0] =	vst v3  }
0x107: {  	[tilespmem:s30+$0xD0] =	vst v2;
	v2 =	vld [tilespmem:s30+$0x130]  }
0x108: {  	[tilespmem:s30+$0xC0] =	vst v9;
	v3 =	vld [tilespmem:s30+$0x110]  }
0x109: {  	[tilespmem:s30+$0xE0] =	vst v8;
	v4 =	vld [tilespmem:s30+$0x160]  }
0x10a: {  	[tilespmem:s30+$0x90] =	vst v7;
	v5 =	vld [tilespmem:s30+$0x150]  }
0x10b: {  	[tilespmem:s30+$0xA0] =	vst v6;
	v6 =	vld [tilespmem:s30+$0x140]  }
0x10c: {  	v7 =	vld [tilespmem:s28+$0x1560]  }
0x10d: {  	v8 =	vld [tilespmem:s30+$0x170]  }
0x10e: {  	v9 =	vld [tilespmem:s30+$0x100]  }
0x10f: {  	v10 =	vld [tilespmem:s30+$0x120];
	_ =	sdelay $0x1  }
0x110: {  	v6 =	vmul.f32 v6, v7;
	v4 =	vmul.f32 v4, v7  }
0x111: {  	v5 =	vmul.f32 v5, v7;
	v8 =	vmul.f32 v8, v7  }
0x112: {  	v3 =	vmul.f32 v3, v7;
	v9 =	vmul.f32 v9, v7;
	[tilespmem:s30+$0x140] =	vst v6;
	v4 =	vadd.f32 v1, v4  }
0x113: {  	v2 =	vmul.f32 v2, v7;
	v6 =	vmul.f32 v10, v7;
	[tilespmem:s30+$0x150] =	vst v5  }
0x114: {  	[tilespmem:s30+$0x160] =	vst v4  }
0x115: {  	[tilespmem:s30+$0x100] =	vst v9  }
0x116: {  	[tilespmem:s30+$0x110] =	vst v3  }
0x117: {  	[tilespmem:s30+$0x120] =	vst v6  }
0x118: {  	[tilespmem:s30+$0x130] =	vst v2;
	_ =	sdelay $0x3  }
0x119: {  	v2 =	vld [tilespmem:s30+$0x180]  }
0x11a: {  	v3 =	vld [tilespmem:s30+$0x1F0]  }
0x11b: {  	v4 =	vld [tilespmem:s30+$0x190]  }
0x11c: {  	v5 =	vld [tilespmem:s30+$0x1A0]  }
0x11d: {  	[tilespmem:s30+$0x170] =	vst v8;
	v6 =	vld [tilespmem:s30+$0x1E0]  }
0x11e: {  	v7 =	vld [tilespmem:s28+$0x1570]  }
0x11f: {  	v8 =	vld [tilespmem:s30+$0x1C0]  }
0x120: {  	v9 =	vld [tilespmem:s30+$0x1B0]  }
0x121: {  	v10 =	vld [tilespmem:s30+$0x1D0];
	_ =	sdelay $0x1  }
0x122: {  	v2 =	vmul.f32 v2, v7;
	v6 =	vmul.f32 v6, v7  }
0x123: {  	v4 =	vmul.f32 v4, v7;
	v5 =	vmul.f32 v5, v7  }
0x124: {  	v8 =	vmul.f32 v8, v7;
	[tilespmem:s30+$0x180] =	vst v2;
	v2 =	vmul.f32 v9, v7;
	v6 =	vadd.f32 v1, v6  }
0x125: {  	v3 =	vmul.f32 v3, v7;
	[tilespmem:s30+$0x190] =	vst v4;
	v4 =	vmul.f32 v10, v7  }
0x126: {  	[tilespmem:s30+$0x1A0] =	vst v5  }
0x127: {  	v5 =	vld [tilespmem:s29+$0xFFFFFE70];
	[tilespmem:s30+$0x1C0] =	vst v8  }
0x128: {  	v7 =	vld [tilespmem:s29+$0xFFFFFE40];
	[tilespmem:s30+$0x1F0] =	vst v3  }
0x129: {  	v3 =	vld [tilespmem:s29+$0xFFFFFE20];
	[tilespmem:s30+$0x1E0] =	vst v6  }
0x12a: {  	v6 =	vld [tilespmem:s29+$0xFFFFFE60];
	[tilespmem:s30+$0x1D0] =	vst v4  }
0x12b: {  	s28 =	sshra.s32 s1, $0x2;
	v4 =	vld [tilespmem:s29+$0xFFFFFE50];
	[tilespmem:s30+$0x1B0] =	vst v2;
	s30 =	smov.u32 s29  }
0x12c: {  	v2 =	vld [tilespmem:s28+$0x1500]  }
0x12d: {  	v8 =	vld [tilespmem:s29+$0xFFFFFE10]  }
0x12e: {  	v9 =	vld [tilespmem:s29+$0xFFFFFE30]  }
0x12f: {  	v10 =	vld [tilespmem:s29+$0xFFFFFE00];
	_ =	sdelay $0x1  }
0x130: {  	v4 =	vmul.f32 v4, v2;
	v6 =	vmul.f32 v6, v2  }
0x131: {  	v3 =	vmul.f32 v3, v2;
	v8 =	vmul.f32 v8, v2  }
0x132: {  	v7 =	vmul.f32 v7, v2;
	v9 =	vmul.f32 v9, v2;
	[tilespmem:s29+$0xFFFFFE50] =	vst v4;
	v4 =	vadd.f32 v1, v6  }
0x133: {  	v6 =	vmul.f32 v10, v2;
	[tilespmem:s29+$0xFFFFFE10] =	vst v8;
	v2 =	vmul.f32 v5, v2  }
0x134: {  	[tilespmem:s29+$0xFFFFFE20] =	vst v3  }
0x135: {  	[tilespmem:s29+$0xFFFFFE70] =	vst v2;
	v2 =	vld [tilespmem:s29+$0xFFFFFEF0]  }
0x136: {  	[tilespmem:s29+$0xFFFFFE60] =	vst v4;
	v3 =	vld [tilespmem:s29+$0xFFFFFEA0]  }
0x137: {  	[tilespmem:s29+$0xFFFFFE00] =	vst v6;
	v4 =	vld [tilespmem:s29+$0xFFFFFEB0]  }
0x138: {  	[tilespmem:s29+$0xFFFFFE40] =	vst v7;
	v5 =	vld [tilespmem:s29+$0xFFFFFEE0]  }
0x139: {  	[tilespmem:s29+$0xFFFFFE30] =	vst v9;
	v6 =	vld [tilespmem:s29+$0xFFFFFED0]  }
0x13a: {  	v7 =	vld [tilespmem:s28+$0x1510]  }
0x13b: {  	v8 =	vld [tilespmem:s29+$0xFFFFFE90]  }
0x13c: {  	v9 =	vld [tilespmem:s29+$0xFFFFFE80]  }
0x13d: {  	v10 =	vld [tilespmem:s29+$0xFFFFFEC0];
	_ =	sdelay $0x1  }
0x13e: {  	v6 =	vmul.f32 v6, v7;
	v5 =	vmul.f32 v5, v7  }
0x13f: {  	v4 =	vmul.f32 v4, v7;
	v8 =	vmul.f32 v8, v7  }
0x140: {  	v3 =	vmul.f32 v3, v7;
	v9 =	vmul.f32 v9, v7;
	[tilespmem:s29+$0xFFFFFED0] =	vst v6;
	v5 =	vadd.f32 v1, v5  }
0x141: {  	v2 =	vmul.f32 v2, v7;
	[tilespmem:s29+$0xFFFFFEB0] =	vst v4;
	v4 =	vmul.f32 v10, v7  }
0x142: {  	[tilespmem:s29+$0xFFFFFE80] =	vst v9  }
0x143: {  	[tilespmem:s29+$0xFFFFFEF0] =	vst v2;
	v2 =	vld [tilespmem:s29+$0xFFFFFF50]  }
0x144: {  	[tilespmem:s29+$0xFFFFFEE0] =	vst v5;
	v5 =	vld [tilespmem:s29+$0xFFFFFF30]  }
0x145: {  	[tilespmem:s29+$0xFFFFFE90] =	vst v8;
	v6 =	vld [tilespmem:s29+$0xFFFFFF70]  }
0x146: {  	[tilespmem:s29+$0xFFFFFEC0] =	vst v4;
	v4 =	vld [tilespmem:s29+$0xFFFFFF60]  }
0x147: {  	[tilespmem:s29+$0xFFFFFEA0] =	vst v3;
	v3 =	vld [tilespmem:s29+$0xFFFFFF20]  }
0x148: {  	v7 =	vld [tilespmem:s28+$0x1520]  }
0x149: {  	v8 =	vld [tilespmem:s29+$0xFFFFFF40]  }
0x14a: {  	v9 =	vld [tilespmem:s29+$0xFFFFFF10]  }
0x14b: {  	v10 =	vld [tilespmem:s29+$0xFFFFFF00];
	_ =	sdelay $0x1  }
0x14c: {  	v3 =	vmul.f32 v3, v7;
	v4 =	vmul.f32 v4, v7  }
0x14d: {  	v6 =	vmul.f32 v6, v7;
	v8 =	vmul.f32 v8, v7  }
0x14e: {  	v9 =	vmul.f32 v9, v7;
	[tilespmem:s29+$0xFFFFFF20] =	vst v3;
	v3 =	vmul.f32 v5, v7;
	v4 =	vadd.f32 v1, v4  }
0x14f: {  	v2 =	vmul.f32 v2, v7;
	v5 =	vmul.f32 v10, v7;
	[tilespmem:s29+$0xFFFFFF40] =	vst v8  }
0x150: {  	[tilespmem:s29+$0xFFFFFF60] =	vst v4  }
0x151: {  	[tilespmem:s29+$0xFFFFFF50] =	vst v2  }
0x152: {  	[tilespmem:s29+$0xFFFFFF30] =	vst v3;
	v2 =	vld [tilespmem:s29+$0xFFFFFFB0]  }
0x153: {  	[tilespmem:s29+$0xFFFFFF70] =	vst v6;
	v3 =	vld [tilespmem:s29+$0xFFFFFFD0]  }
0x154: {  	[tilespmem:s29+$0xFFFFFF10] =	vst v9;
	v4 =	vld [tilespmem:s29+$0xFFFFFFE0]  }
0x155: {  	[tilespmem:s29+$0xFFFFFF00] =	vst v5;
	v5 =	vld [tilespmem:s29+$0xFFFFFFC0]  }
0x156: {  	v6 =	vld [tilespmem:s28+$0x1530]  }
0x157: {  	v7 =	vld [tilespmem:s29+$0xFFFFFF80]  }
0x158: {  	v8 =	vld [tilespmem:s29+$0xFFFFFF90]  }
0x159: {  	v9 =	vld [tilespmem:s29+$0xFFFFFFF0];
	_ =	sdelay $0x1  }
0x15a: {  	v10 =	vld [tilespmem:s29+$0xFFFFFFA0];
	v5 =	vmul.f32 v5, v6;
	v4 =	vmul.f32 v4, v6  }
0x15b: {  	v3 =	vmul.f32 v3, v6;
	v7 =	vmul.f32 v7, v6  }
0x15c: {  	v2 =	vmul.f32 v2, v6;
	v8 =	vmul.f32 v8, v6;
	[tilespmem:s29+$0xFFFFFFC0] =	vst v5;
	v4 =	vadd.f32 v1, v4  }
0x15d: {  	[tilespmem:s29+$0xFFFFFFD0] =	vst v3;
	v3 =	vmul.f32 v9, v6  }
0x15e: {  	[tilespmem:s29+$0xFFFFFF80] =	vst v7  }
0x15f: {  	v5 =	vmul.f32 v10, v6;
	[tilespmem:s29+$0xFFFFFFB0] =	vst v2;
	v2 =	vld [tilespmem:s29+$0x70]  }
0x160: {  	[tilespmem:s29+$0xFFFFFFE0] =	vst v4;
	v4 =	vld [tilespmem:s29+$0x10]  }
0x161: {  	[tilespmem:s29+$0xFFFFFF90] =	vst v8;
	v6 =	vld [tilespmem:s29+$0x40]  }
0x162: {  	[tilespmem:s29+$0xFFFFFFF0] =	vst v3;
	v3 =	vld [tilespmem:s29+$0x60]  }
0x163: {  	[tilespmem:s29+$0xFFFFFFA0] =	vst v5;
	v5 =	vld [tilespmem:s29+$0x30]  }
0x164: {  	v7 =	vld [tilespmem:s28+$0x1540]  }
0x165: {  	v8 =	vld [tilespmem:s29+$0x20]  }
0x166: {  	v9 =	vld [tilespmem:s29+$0x0]  }
0x167: {  	v10 =	vld [tilespmem:s29+$0x50];
	_ =	sdelay $0x1  }
0x168: {  	v5 =	vmul.f32 v5, v7;
	v3 =	vmul.f32 v3, v7  }
0x169: {  	v6 =	vmul.f32 v6, v7;
	v8 =	vmul.f32 v8, v7  }
0x16a: {  	v4 =	vmul.f32 v4, v7;
	v9 =	vmul.f32 v9, v7;
	[tilespmem:s29+$0x30] =	vst v5;
	v3 =	vadd.f32 v1, v3  }
0x16b: {  	[tilespmem:s29+$0x20] =	vst v8;
	v5 =	vmul.f32 v10, v7;
	v7 =	vmul.f32 v2, v7  }
0x16c: {  	[tilespmem:s29+$0x10] =	vst v4  }
0x16d: {  	[tilespmem:s29+$0x60] =	vst v3;
	v2 =	vld [tilespmem:s29+$0xD0]  }
0x16e: {  	[tilespmem:s29+$0x70] =	vst v7;
	v3 =	vld [tilespmem:s29+$0xB0]  }
0x16f: {  	[tilespmem:s29+$0x50] =	vst v5;
	v5 =	vld [tilespmem:s29+$0xF0]  }
0x170: {  	[tilespmem:s29+$0x40] =	vst v6;
	v8 =	vld [tilespmem:s29+$0x80]  }
.Ltmp1:
0x171: {  	[tilespmem:s29+$0x0] =	vst v9;
	v9 =	vld [tilespmem:s29+$0xE0];
	(pc) =	sbr.rel @p0 .LBB2_5-.Ltmp1, $4  }
0x172: {  	v4 =	vld [tilespmem:s28+$0x1550]  }
0x173: {  	v7 =	vld [tilespmem:s29+$0x90]  }
0x174: {  	v6 =	vld [tilespmem:s29+$0xA0]  }
0x175: {  	v10 =	vld [tilespmem:s29+$0xC0]  }
0x176: {  	_ = 	snop  }
0x177: {  	v8 =	vmul.f32 v8, v4  }
0x178: {  	v5 =	vmul.f32 v5, v4  }
0x179: {  	v3 =	vmul.f32 v3, v4;
	v46 =	vmul.f32 v9, v4;
	[tilespmem:s30+$0x80] =	vst v8  }
0x17a: {  	v2 =	vmul.f32 v2, v4;
	[tilespmem:s30+$0xF0] =	vst v5  }
0x17b: {  	[tilespmem:s30+$0xB0] =	vst v3;
	v3 =	vadd.f32 v1, v46  }
0x17c: {  	[tilespmem:s30+$0xD0] =	vst v2;
	v2 =	vmul.f32 v7, v4  }
0x17d: {  	v49 =	vmul.f32 v6, v4;
	[tilespmem:s30+$0xE0] =	vst v3  }
0x17e: {  	v47 =	vmul.f32 v10, v4;
	[tilespmem:s30+$0x90] =	vst v2  }
0x17f: {  	v50 =	vld [tilespmem:s30+$0x150];
	[tilespmem:s30+$0xA0] =	vst v49  }
0x180: {  	v2 =	vld [tilespmem:s30+$0x140];
	[tilespmem:s30+$0xC0] =	vst v47  }
0x181: {  	v4 =	vld [tilespmem:s28+$0x1560]  }
0x182: {  	v3 =	vld [tilespmem:s30+$0x160]  }
0x183: {  	v48 =	vld [tilespmem:s30+$0x110];
	_ =	sdelay $0x1  }
0x184: {  	v51 =	vld [tilespmem:s30+$0x100]  }
0x185: {  	v53 =	vld [tilespmem:s30+$0x120];
	v2 =	vmul.f32 v2, v4  }
0x186: {  	v52 =	vld [tilespmem:s30+$0x130];
	v3 =	vmul.f32 v3, v4;
	v6 =	vmul.f32 v50, v4  }
0x187: {  	v54 =	vld [tilespmem:s30+$0x170];
	v5 =	vmul.f32 v48, v4;
	[tilespmem:s30+$0x140] =	vst v2  }
0x188: {  	v2 =	vadd.f32 v1, v3;
	[tilespmem:s30+$0x150] =	vst v6  }
0x189: {  	v3 =	vmul.f32 v51, v4;
	[tilespmem:s30+$0x110] =	vst v5  }
0x18a: {  	[tilespmem:s30+$0x160] =	vst v2;
	v2 =	vmul.f32 v53, v4  }
0x18b: {  	[tilespmem:s30+$0x100] =	vst v3;
	v3 =	vmul.f32 v52, v4  }
0x18c: {  	v4 =	vmul.f32 v54, v4;
	[tilespmem:s30+$0x120] =	vst v2  }
0x18d: {  	v55 =	vld [tilespmem:s30+$0x180];
	[tilespmem:s30+$0x130] =	vst v3  }
0x18e: {  	v56 =	vld [tilespmem:s30+$0x1E0];
	[tilespmem:s30+$0x170] =	vst v4  }
0x18f: {  	v4 =	vld [tilespmem:s28+$0x1570]  }
0x190: {  	v2 =	vld [tilespmem:s30+$0x190]  }
0x191: {  	v3 =	vld [tilespmem:s30+$0x1A0]  }
0x192: {  	v57 =	vld [tilespmem:s30+$0x1C0]  }
0x193: {  	v60 =	vld [tilespmem:s30+$0x1D0]  }
0x194: {  	v58 =	vld [tilespmem:s30+$0x1F0];
	v5 =	vmul.f32 v55, v4  }
0x195: {  	v2 =	vmul.f32 v2, v4  }
0x196: {  	v59 =	vld [tilespmem:s30+$0x1B0];
	v3 =	vmul.f32 v3, v4;
	[tilespmem:s30+$0x180] =	vst v5  }
0x197: {  	v62 =	vmul.f32 v57, v4;
	[tilespmem:s30+$0x190] =	vst v2  }
0x198: {  	v61 =	vmul.f32 v56, v4;
	v63 =	vmul.f32 v60, v4;
	[tilespmem:s30+$0x1A0] =	vst v3  }
0x199: {  	v2 =	vmul.f32 v58, v4;
	[tilespmem:s30+$0x1C0] =	vst v62  }
0x19a: {  	v3 =	vadd.f32 v1, v61;
	[tilespmem:s30+$0x1D0] =	vst v63  }
0x19b: {  	[tilespmem:s30+$0x1F0] =	vst v2;
	v2 =	vmul.f32 v59, v4  }
0x19c: {  	[tilespmem:s30+$0x1E0] =	vst v3  }
0x19d: {  	[tilespmem:s30+$0x1B0] =	vst v2  }
0x19e: {  	s26 =	sadd.s32 $0x1, s26;
	_ =	swait.ge [sflag:s21], $0x100  }
0x19f: {  	p0 =	sne.s32 s26, $0x14;
	[sflag:s21] =	ssyncset.done $0x0  }
.Ltmp2:
0x1a0: {  	[sflag:s21] =	ssyncadd.s32 $0xFFFFFF00;
	(pc) =	sbr.rel @p0 .LBB2_4-.Ltmp2, $4  }
0x1a1: {  	[spmem:s3] =	stream.indirect.scatter.add.f32 [tilespmem:s16], [sflag:$0x3], $0x80, s18, s17, $0xb8;
	[tilespmem:$0x1E500] =	vst v63  }
0x1a2: {  	_ =	swait.ge [sflag:s15], $0x8000  }
0x1a3: {  	[sflag:s15] =	ssyncset.done $0x0  }
0x1a4: {  	[sflag:s15] =	ssyncadd.s32 $0xFFFF8000  }
0x1a5: {  	s24 =	sadd.s32 $0x1, s24  }
0x1a6: {  	p0 =	sne.s32 s24, s12  }
.Ltmp3:
0x1a7: {  	[bflag:$0x0] =	sbarrier.arrive $0xFFFF;
	(pc) =	sbr.rel @p0 .LBB2_1-.Ltmp3, $4  }
0x1a8: {  	[hbm:s11], [sflag:s22] =	dma.local [spmem:s23], $0x2800  }
0x1a9: {  	_ =	swait.ge [sflag:s15], $0x2800  }
0x1aa: {  	[sflag:s15] =	ssyncset.done $0x0  }
0x1ab: {  	[sflag:s15] =	ssyncadd.s32 $0xFFFFD800  }
0x1ac: {  	_ =	sfence.sel $0x180000  }
0x1ad: {  	[bflag:$0x0] =	sbarrier.arrive $0xFFFF  }
0x1ae: {  	_ =	strace $0x90000047  }
0x1af: {  	[bflag:$0x2] =	sbarrier.arrive $0xFFFF  }
0x1b0: {  	p0 =	sne.s32 s0, $0x0;
	s0 =	rddreg [dreg:$0x3]  }
0x1b1: {  	s0 =	sadd.s32 @!p0 $0x100000, s0  }
0x1b2: {  	[sflag:s0] =	ssyncadd.tile.s32 @!p0 $0x1;
	_ =	shalt  }
.Lfunc_end2:
_tile_overlayer_lowered:
.L_overlay_start_2:
0x1b3: {  	(tag) =	ssettag $0x2  }
0x1b4: {  	s0 =	rddreg [dreg:$0x0];
	s2 =	stileid.u32  }
0x1b5: {  	s1 =	rddreg [dreg:$0x1];
	p0 =	sne.s32 s2, $0x0  }
0x1b6: {  	s3 =	rddreg [dreg:$0x2];
	[bflag:$0x3] =	sbarrier.arrive $0xFFFF;
	s2 =	simm.s32 @!p0 $0x1C03  }
0x1b7: {  	[timem:s3], [sflag:s2] =	dma.local @!p0 [hbm:s0], s1  }
0x1b8: {  	s0 =	simm.s32 @!p0 $0x3  }
0x1b9: {  	_ =	swait.ge @!p0 [sflag:s0], s1  }
0x1ba: {  	s1 =	ssub.s32 @!p0 $0x0, s1;
	[sflag:s0] =	ssyncset.done @!p0 $0x0  }
0x1bb: {  	[sflag:s0] =	ssyncadd.s32 @!p0 s1  }
0x1bc: {  	[bflag:$0x3] =	sbarrier.arrive $0xFFFF  }
0x1bd: {  	_ =	shalt  }

</sc_bundles>
